<compile_context>
chip_gen: v7x
topology: tpu7x:2x2x1
jax: 0.10.2.dev20260603
libtpu: 0.0.44.dev20260713+nightly
codegen_flags: <defaults>
</compile_context>

<pallas_src>
import functools

import jax
import jax.numpy as jnp
from jax import lax
from jax.experimental import pallas as pl
from jax.experimental.pallas import tpu as pltpu
from jax.experimental.pallas import tpu_sc as plsc

B = 4096
S = 50
D = 128
NUM_CORES = 2
NUM_SUBCORES = 16
NW = NUM_CORES * NUM_SUBCORES
BPW = B // NW
CHUNK = 64
HPS = BPW // CHUNK
NCHUNK = S * HPS
NBUF = 10
LOOKAHEAD = 7
NBLK = NCHUNK // NBUF


@functools.partial(
    pl.kernel,
    out_type=jax.ShapeDtypeStruct((S, B, D), jnp.float32),
    mesh=plsc.VectorSubcoreMesh(core_axis_name="c", subcore_axis_name="s"),
    scratch_types=[
        pltpu.VMEM((S, BPW), jnp.int32),
        pltpu.VMEM((NBUF, CHUNK, D), jnp.float32),
    ]
    + [pltpu.SemaphoreType.DMA] * (2 * NBUF),
)
def _embed_gather(xtw_hbm, table_hbm, out_hbm, idx_v, rows_v, *sems):
    gsems = sems[:NBUF]
    osems = sems[NBUF:]
    wid = lax.axis_index("s") * NUM_CORES + lax.axis_index("c")
    base = pl.multiple_of(wid * BPW, BPW)
    pltpu.sync_copy(xtw_hbm.at[wid], idx_v)

    def offs(j):
        s = j // HPS
        h = (j % HPS) * CHUNK
        if not isinstance(j, int):
            h = pl.multiple_of(h, CHUNK)
        return s, h

    def g_copy(j, slot):
        s, h = offs(j)
        return pltpu.make_async_copy(
            table_hbm.at[idx_v.at[s, pl.ds(h, CHUNK)]],
            rows_v.at[slot],
            gsems[slot],
        )

    def w_copy(j, slot):
        s, h = offs(j)
        off = h + base if isinstance(j, int) else pl.multiple_of(h + base, CHUNK)
        return pltpu.make_async_copy(
            rows_v.at[slot],
            out_hbm.at[s, pl.ds(off, CHUNK)],
            osems[slot],
        )

    for j in range(LOOKAHEAD):
        g_copy(j, j).start()

    for k in range(NBUF):
        j = k
        g_copy(j, k).wait()
        w_copy(j, k).start()
        jn = j + LOOKAHEAD
        if jn >= NBUF:
            w_copy(jn - NBUF, jn % NBUF).wait()
        g_copy(jn, jn % NBUF).start()

    def body(i, carry):
        for k in range(NBUF):
            j = i * NBUF + k
            slot_n = (k + LOOKAHEAD) % NBUF
            g_copy(j, k).wait()
            w_copy(j, k).start()
            jn = j + LOOKAHEAD
            w_copy(jn - NBUF, slot_n).wait()
            g_copy(jn, slot_n).start()
        return carry

    lax.fori_loop(1, NBLK - 1, body, 0)

    for k in range(NBUF):
        j = (NBLK - 1) * NBUF + k
        g_copy(j, k).wait()
        w_copy(j, k).start()
        jn = j + LOOKAHEAD
        if jn < NCHUNK:
            w_copy(jn - NBUF, jn % NBUF).wait()
            g_copy(jn, jn % NBUF).start()
    for k in range(NBUF):
        j = (NBLK - 1) * NBUF + k
        w_copy(j, k).wait()


def kernel(x, table):
    xtw = x.astype(jnp.int32).T.reshape(S, NW, BPW).transpose(1, 0, 2)
    out_sbd = _embed_gather(xtw, table)
    return out_sbd.transpose(1, 0, 2)

# --- scband reference (transcript-rebuilt; emitter-appended) ---
"""Pipeline reference for scband-word-embedding-87694642250367 (READ-ONLY COPY).

The authoritative reference and input builder live on the scoring server;
editing this copy changes nothing except your own understanding.
"""

import jax, jax.numpy as jnp
import numpy as np

VOCAB = 100000
EMBED_DIM = 128

def setup_inputs(seed: int = 0) -> dict:
    key = jax.random.key(seed)
    k_idx, k_w = jax.random.split(key)
    x = jax.random.randint(k_idx, (4096, 50), 0, VOCAB, dtype=jnp.int64 if jax.config.jax_enable_x64 else jnp.int32)
    # embedding table initialized uniform(-0.01, 0.01) to mirror the torch module
    table = jax.random.uniform(k_w, (VOCAB, EMBED_DIM), minval=-0.01, maxval=0.01, dtype=jnp.float32)
    return {"x": x, "table": table}

def reference(x, table):
    # nn.Embedding forward: row gather from the table
    return jnp.take(table, x, axis=0)

if __name__ == "__main__":
    import jax
    _d = setup_inputs()
    print(jax.jit(kernel)(*tuple(_d.values())))

</pallas_src>

<mosaic_0001>
#map = affine_map<(d0, d1) -> (0, 0, 0)>
#map1 = affine_map<(d0, d1) -> (0, 0)>
module attributes {stable_mosaic.version = 14 : i64} {
  func.func @_embed_gather(%arg0: i32, %arg1: i32, %arg2: memref<32x50x128xi32, #tpu.memory_space<hbm>>, %arg3: memref<100000x128xf32, #tpu.memory_space<hbm>>, %arg4: memref<50x4096x128xf32, #tpu.memory_space<hbm>>, %arg5: memref<50x128xi32, #tpu.memory_space<vmem>>, %arg6: memref<10x64x128xf32, #tpu.memory_space<vmem>>, %arg7: memref<!tpu.dma_semaphore, #tpu.memory_space<semaphore_mem>>, %arg8: memref<!tpu.dma_semaphore, #tpu.memory_space<semaphore_mem>>, %arg9: memref<!tpu.dma_semaphore, #tpu.memory_space<semaphore_mem>>, %arg10: memref<!tpu.dma_semaphore, #tpu.memory_space<semaphore_mem>>, %arg11: memref<!tpu.dma_semaphore, #tpu.memory_space<semaphore_mem>>, %arg12: memref<!tpu.dma_semaphore, #tpu.memory_space<semaphore_mem>>, %arg13: memref<!tpu.dma_semaphore, #tpu.memory_space<semaphore_mem>>, %arg14: memref<!tpu.dma_semaphore, #tpu.memory_space<semaphore_mem>>, %arg15: memref<!tpu.dma_semaphore, #tpu.memory_space<semaphore_mem>>, %arg16: memref<!tpu.dma_semaphore, #tpu.memory_space<semaphore_mem>>, %arg17: memref<!tpu.dma_semaphore, #tpu.memory_space<semaphore_mem>>, %arg18: memref<!tpu.dma_semaphore, #tpu.memory_space<semaphore_mem>>, %arg19: memref<!tpu.dma_semaphore, #tpu.memory_space<semaphore_mem>>, %arg20: memref<!tpu.dma_semaphore, #tpu.memory_space<semaphore_mem>>, %arg21: memref<!tpu.dma_semaphore, #tpu.memory_space<semaphore_mem>>, %arg22: memref<!tpu.dma_semaphore, #tpu.memory_space<semaphore_mem>>, %arg23: memref<!tpu.dma_semaphore, #tpu.memory_space<semaphore_mem>>, %arg24: memref<!tpu.dma_semaphore, #tpu.memory_space<semaphore_mem>>, %arg25: memref<!tpu.dma_semaphore, #tpu.memory_space<semaphore_mem>>, %arg26: memref<!tpu.dma_semaphore, #tpu.memory_space<semaphore_mem>>) attributes {dimension_semantics = [#tpu.dimension_semantics<core_parallel>, #tpu.dimension_semantics<subcore_parallel>], iteration_bounds = array<i64: 2, 16>, scalar_prefetch = 0 : i64, scratch_operands = 22 : i64, tpu.core_type = #tpu.core_type<sc_vector_subcore>, window_params = [{transform_indices = #map}, {transform_indices = #map1}, {transform_indices = #map}]} {
    %mul3A = arith.constant 2 : i32
    %mul3A_0 = arith.muli %arg1, %mul3A : i32
    %add3A = arith.addi %mul3A_0, %arg0 : i32
    %mul3A_1 = arith.constant 128 : i32
    %mul3A_2 = arith.muli %add3A, %mul3A_1 : i32
    %multiple_of3A = tpu.assume_multiple %mul3A_2, 128 : i32
    "tpu.region"() ({
      %run_scoped3A = tpu.sem_alloc : memref<!tpu.dma_semaphore, #tpu.memory_space<semaphore_mem>>
      %dma_start3A_1206 = arith.constant 0 : i32
      %dma_start3A_1207 = arith.constant 0 : i32
      %dma_start3A_1208 = tpu.memref_slice %arg2[%add3A, %dma_start3A_1206, %dma_start3A_1207] : memref<32x50x128xi32, #tpu.memory_space<hbm>> -> memref<1x50x128xi32, #tpu.memory_space<hbm>>
      %dma_start3A_1209 = tpu.memref_squeeze %dma_start3A_1208 : memref<1x50x128xi32, #tpu.memory_space<hbm>> -> memref<50x128xi32, #tpu.memory_space<hbm>>
      %dma_start3A_1210 = arith.constant 0 : i32
      %dma_start3A_1211 = arith.constant 0 : i32
      %dma_start3A_1212 = tpu.memref_slice %arg2[%add3A, %dma_start3A_1210, %dma_start3A_1211] : memref<32x50x128xi32, #tpu.memory_space<hbm>> -> memref<1x50x128xi32, #tpu.memory_space<hbm>>
      %dma_start3A_1213 = tpu.memref_squeeze %dma_start3A_1212 : memref<1x50x128xi32, #tpu.memory_space<hbm>> -> memref<50x128xi32, #tpu.memory_space<hbm>>
      tpu.enqueue_dma source(%dma_start3A_1213 : memref<50x128xi32, #tpu.memory_space<hbm>>) target(%arg5 : memref<50x128xi32, #tpu.memory_space<vmem>>) target_semaphore(%run_scoped3A : memref<!tpu.dma_semaphore, #tpu.memory_space<semaphore_mem>>)
      %dma_wait3A_1214 = arith.constant 0 : i32
      %dma_wait3A_1215 = arith.constant 0 : i32
      %dma_wait3A_1216 = tpu.memref_slice %arg2[%add3A, %dma_wait3A_1214, %dma_wait3A_1215] : memref<32x50x128xi32, #tpu.memory_space<hbm>> -> memref<1x50x128xi32, #tpu.memory_space<hbm>>
      %dma_wait3A_1217 = tpu.memref_squeeze %dma_wait3A_1216 : memref<1x50x128xi32, #tpu.memory_space<hbm>> -> memref<50x128xi32, #tpu.memory_space<hbm>>
      %dma_wait3A_1218 = arith.constant 0 : i32
      %dma_wait3A_1219 = arith.constant 0 : i32
      %dma_wait3A_1220 = tpu.memref_slice %arg2[%add3A, %dma_wait3A_1218, %dma_wait3A_1219] : memref<32x50x128xi32, #tpu.memory_space<hbm>> -> memref<1x50x128xi32, #tpu.memory_space<hbm>>
      %dma_wait3A_1221 = tpu.memref_squeeze %dma_wait3A_1220 : memref<1x50x128xi32, #tpu.memory_space<hbm>> -> memref<50x128xi32, #tpu.memory_space<hbm>>
      tpu.wait_dma2 semaphore(%run_scoped3A : memref<!tpu.dma_semaphore, #tpu.memory_space<semaphore_mem>>) src(%dma_wait3A_1221 : memref<50x128xi32, #tpu.memory_space<hbm>>) dst(%arg5 : memref<50x128xi32, #tpu.memory_space<vmem>>)
      tpu.yield
    }) : () -> ()
    %dma_start3A = arith.constant 0 : i32
    %dma_start3A_3 = arith.constant 0 : i32
    %dma_start3A_4 = arith.constant 0 : i32
    %dma_start3A_5 = arith.constant 0 : i32
    %dma_start3A_6 = tpu.memref_slice %arg6[%dma_start3A_3, %dma_start3A_4, %dma_start3A_5] : memref<10x64x128xf32, #tpu.memory_space<vmem>> -> memref<1x64x128xf32, #tpu.memory_space<vmem>>
    %dma_start3A_7 = tpu.memref_squeeze %dma_start3A_6 : memref<1x64x128xf32, #tpu.memory_space<vmem>> -> memref<64x128xf32, #tpu.memory_space<vmem>>
    %dma_start3A_8 = arith.constant 0 : i32
    %dma_start3A_9 = tpu.memref_slice %arg5[%dma_start3A, %dma_start3A_8] : memref<50x128xi32, #tpu.memory_space<vmem>> -> memref<1x64xi32, #tpu.memory_space<vmem>>
    %dma_start3A_10 = tpu.memref_squeeze %dma_start3A_9 : memref<1x64xi32, #tpu.memory_space<vmem>> -> memref<64xi32, #tpu.memory_space<vmem>>
    %dma_start3A_11 = arith.constant 0 : i32
    %dma_start3A_12 = arith.constant 0 : i32
    %dma_start3A_13 = tpu.memref_slice %arg3[%dma_start3A_11, %dma_start3A_12] : memref<100000x128xf32, #tpu.memory_space<hbm>> -> memref<100000x128xf32, #tpu.memory_space<hbm>>
    tpu.enqueue_indirect_dma source(%dma_start3A_13 : memref<100000x128xf32, #tpu.memory_space<hbm>>) target(%dma_start3A_7 : memref<64x128xf32, #tpu.memory_space<vmem>>) offsets(%dma_start3A_10 : memref<64xi32, #tpu.memory_space<vmem>>) semaphore(%arg7 : memref<!tpu.dma_semaphore, #tpu.memory_space<semaphore_mem>>)
    %dma_start3A_14 = arith.constant 0 : i32
    %dma_start3A_15 = arith.constant 1 : i32
    %dma_start3A_16 = arith.constant 0 : i32
    %dma_start3A_17 = arith.constant 0 : i32
    %dma_start3A_18 = tpu.memref_slice %arg6[%dma_start3A_15, %dma_start3A_16, %dma_start3A_17] : memref<10x64x128xf32, #tpu.memory_space<vmem>> -> memref<1x64x128xf32, #tpu.memory_space<vmem>>
    %dma_start3A_19 = tpu.memref_squeeze %dma_start3A_18 : memref<1x64x128xf32, #tpu.memory_space<vmem>> -> memref<64x128xf32, #tpu.memory_space<vmem>>
    %dma_start3A_20 = arith.constant 64 : i32
    %dma_start3A_21 = tpu.memref_slice %arg5[%dma_start3A_14, %dma_start3A_20] : memref<50x128xi32, #tpu.memory_space<vmem>> -> memref<1x64xi32, #tpu.memory_space<vmem>>
    %dma_start3A_22 = tpu.memref_squeeze %dma_start3A_21 : memref<1x64xi32, #tpu.memory_space<vmem>> -> memref<64xi32, #tpu.memory_space<vmem>>
    %dma_start3A_23 = arith.constant 0 : i32
    %dma_start3A_24 = arith.constant 0 : i32
    %dma_start3A_25 = tpu.memref_slice %arg3[%dma_start3A_23, %dma_start3A_24] : memref<100000x128xf32, #tpu.memory_space<hbm>> -> memref<100000x128xf32, #tpu.memory_space<hbm>>
    tpu.enqueue_indirect_dma source(%dma_start3A_25 : memref<100000x128xf32, #tpu.memory_space<hbm>>) target(%dma_start3A_19 : memref<64x128xf32, #tpu.memory_space<vmem>>) offsets(%dma_start3A_22 : memref<64xi32, #tpu.memory_space<vmem>>) semaphore(%arg8 : memref<!tpu.dma_semaphore, #tpu.memory_space<semaphore_mem>>)
    %dma_start3A_26 = arith.constant 1 : i32
    %dma_start3A_27 = arith.constant 2 : i32
    %dma_start3A_28 = arith.constant 0 : i32
    %dma_start3A_29 = arith.constant 0 : i32
    %dma_start3A_30 = tpu.memref_slice %arg6[%dma_start3A_27, %dma_start3A_28, %dma_start3A_29] : memref<10x64x128xf32, #tpu.memory_space<vmem>> -> memref<1x64x128xf32, #tpu.memory_space<vmem>>
    %dma_start3A_31 = tpu.memref_squeeze %dma_start3A_30 : memref<1x64x128xf32, #tpu.memory_space<vmem>> -> memref<64x128xf32, #tpu.memory_space<vmem>>
    %dma_start3A_32 = arith.constant 0 : i32
    %dma_start3A_33 = tpu.memref_slice %arg5[%dma_start3A_26, %dma_start3A_32] : memref<50x128xi32, #tpu.memory_space<vmem>> -> memref<1x64xi32, #tpu.memory_space<vmem>>
    %dma_start3A_34 = tpu.memref_squeeze %dma_start3A_33 : memref<1x64xi32, #tpu.memory_space<vmem>> -> memref<64xi32, #tpu.memory_space<vmem>>
    %dma_start3A_35 = arith.constant 0 : i32
    %dma_start3A_36 = arith.constant 0 : i32
    %dma_start3A_37 = tpu.memref_slice %arg3[%dma_start3A_35, %dma_start3A_36] : memref<100000x128xf32, #tpu.memory_space<hbm>> -> memref<100000x128xf32, #tpu.memory_space<hbm>>
    tpu.enqueue_indirect_dma source(%dma_start3A_37 : memref<100000x128xf32, #tpu.memory_space<hbm>>) target(%dma_start3A_31 : memref<64x128xf32, #tpu.memory_space<vmem>>) offsets(%dma_start3A_34 : memref<64xi32, #tpu.memory_space<vmem>>) semaphore(%arg9 : memref<!tpu.dma_semaphore, #tpu.memory_space<semaphore_mem>>)
    %dma_start3A_38 = arith.constant 1 : i32
    %dma_start3A_39 = arith.constant 3 : i32
    %dma_start3A_40 = arith.constant 0 : i32
    %dma_start3A_41 = arith.constant 0 : i32
    %dma_start3A_42 = tpu.memref_slice %arg6[%dma_start3A_39, %dma_start3A_40, %dma_start3A_41] : memref<10x64x128xf32, #tpu.memory_space<vmem>> -> memref<1x64x128xf32, #tpu.memory_space<vmem>>
    %dma_start3A_43 = tpu.memref_squeeze %dma_start3A_42 : memref<1x64x128xf32, #tpu.memory_space<vmem>> -> memref<64x128xf32, #tpu.memory_space<vmem>>
    %dma_start3A_44 = arith.constant 64 : i32
    %dma_start3A_45 = tpu.memref_slice %arg5[%dma_start3A_38, %dma_start3A_44] : memref<50x128xi32, #tpu.memory_space<vmem>> -> memref<1x64xi32, #tpu.memory_space<vmem>>
    %dma_start3A_46 = tpu.memref_squeeze %dma_start3A_45 : memref<1x64xi32, #tpu.memory_space<vmem>> -> memref<64xi32, #tpu.memory_space<vmem>>
    %dma_start3A_47 = arith.constant 0 : i32
    %dma_start3A_48 = arith.constant 0 : i32
    %dma_start3A_49 = tpu.memref_slice %arg3[%dma_start3A_47, %dma_start3A_48] : memref<100000x128xf32, #tpu.memory_space<hbm>> -> memref<100000x128xf32, #tpu.memory_space<hbm>>
    tpu.enqueue_indirect_dma source(%dma_start3A_49 : memref<100000x128xf32, #tpu.memory_space<hbm>>) target(%dma_start3A_43 : memref<64x128xf32, #tpu.memory_space<vmem>>) offsets(%dma_start3A_46 : memref<64xi32, #tpu.memory_space<vmem>>) semaphore(%arg10 : memref<!tpu.dma_semaphore, #tpu.memory_space<semaphore_mem>>)
    %dma_start3A_50 = arith.constant 2 : i32
    %dma_start3A_51 = arith.constant 4 : i32
    %dma_start3A_52 = arith.constant 0 : i32
    %dma_start3A_53 = arith.constant 0 : i32
    %dma_start3A_54 = tpu.memref_slice %arg6[%dma_start3A_51, %dma_start3A_52, %dma_start3A_53] : memref<10x64x128xf32, #tpu.memory_space<vmem>> -> memref<1x64x128xf32, #tpu.memory_space<vmem>>
    %dma_start3A_55 = tpu.memref_squeeze %dma_start3A_54 : memref<1x64x128xf32, #tpu.memory_space<vmem>> -> memref<64x128xf32, #tpu.memory_space<vmem>>
    %dma_start3A_56 = arith.constant 0 : i32
    %dma_start3A_57 = tpu.memref_slice %arg5[%dma_start3A_50, %dma_start3A_56] : memref<50x128xi32, #tpu.memory_space<vmem>> -> memref<1x64xi32, #tpu.memory_space<vmem>>
    %dma_start3A_58 = tpu.memref_squeeze %dma_start3A_57 : memref<1x64xi32, #tpu.memory_space<vmem>> -> memref<64xi32, #tpu.memory_space<vmem>>
    %dma_start3A_59 = arith.constant 0 : i32
    %dma_start3A_60 = arith.constant 0 : i32
    %dma_start3A_61 = tpu.memref_slice %arg3[%dma_start3A_59, %dma_start3A_60] : memref<100000x128xf32, #tpu.memory_space<hbm>> -> memref<100000x128xf32, #tpu.memory_space<hbm>>
    tpu.enqueue_indirect_dma source(%dma_start3A_61 : memref<100000x128xf32, #tpu.memory_space<hbm>>) target(%dma_start3A_55 : memref<64x128xf32, #tpu.memory_space<vmem>>) offsets(%dma_start3A_58 : memref<64xi32, #tpu.memory_space<vmem>>) semaphore(%arg11 : memref<!tpu.dma_semaphore, #tpu.memory_space<semaphore_mem>>)
    %dma_start3A_62 = arith.constant 2 : i32
    %dma_start3A_63 = arith.constant 5 : i32
    %dma_start3A_64 = arith.constant 0 : i32
    %dma_start3A_65 = arith.constant 0 : i32
    %dma_start3A_66 = tpu.memref_slice %arg6[%dma_start3A_63, %dma_start3A_64, %dma_start3A_65] : memref<10x64x128xf32, #tpu.memory_space<vmem>> -> memref<1x64x128xf32, #tpu.memory_space<vmem>>
    %dma_start3A_67 = tpu.memref_squeeze %dma_start3A_66 : memref<1x64x128xf32, #tpu.memory_space<vmem>> -> memref<64x128xf32, #tpu.memory_space<vmem>>
    %dma_start3A_68 = arith.constant 64 : i32
    %dma_start3A_69 = tpu.memref_slice %arg5[%dma_start3A_62, %dma_start3A_68] : memref<50x128xi32, #tpu.memory_space<vmem>> -> memref<1x64xi32, #tpu.memory_space<vmem>>
    %dma_start3A_70 = tpu.memref_squeeze %dma_start3A_69 : memref<1x64xi32, #tpu.memory_space<vmem>> -> memref<64xi32, #tpu.memory_space<vmem>>
    %dma_start3A_71 = arith.constant 0 : i32
    %dma_start3A_72 = arith.constant 0 : i32
    %dma_start3A_73 = tpu.memref_slice %arg3[%dma_start3A_71, %dma_start3A_72] : memref<100000x128xf32, #tpu.memory_space<hbm>> -> memref<100000x128xf32, #tpu.memory_space<hbm>>
    tpu.enqueue_indirect_dma source(%dma_start3A_73 : memref<100000x128xf32, #tpu.memory_space<hbm>>) target(%dma_start3A_67 : memref<64x128xf32, #tpu.memory_space<vmem>>) offsets(%dma_start3A_70 : memref<64xi32, #tpu.memory_space<vmem>>) semaphore(%arg12 : memref<!tpu.dma_semaphore, #tpu.memory_space<semaphore_mem>>)
    %dma_start3A_74 = arith.constant 3 : i32
    %dma_start3A_75 = arith.constant 6 : i32
    %dma_start3A_76 = arith.constant 0 : i32
    %dma_start3A_77 = arith.constant 0 : i32
    %dma_start3A_78 = tpu.memref_slice %arg6[%dma_start3A_75, %dma_start3A_76, %dma_start3A_77] : memref<10x64x128xf32, #tpu.memory_space<vmem>> -> memref<1x64x128xf32, #tpu.memory_space<vmem>>
    %dma_start3A_79 = tpu.memref_squeeze %dma_start3A_78 : memref<1x64x128xf32, #tpu.memory_space<vmem>> -> memref<64x128xf32, #tpu.memory_space<vmem>>
    %dma_start3A_80 = arith.constant 0 : i32
    %dma_start3A_81 = tpu.memref_slice %arg5[%dma_start3A_74, %dma_start3A_80] : memref<50x128xi32, #tpu.memory_space<vmem>> -> memref<1x64xi32, #tpu.memory_space<vmem>>
    %dma_start3A_82 = tpu.memref_squeeze %dma_start3A_81 : memref<1x64xi32, #tpu.memory_space<vmem>> -> memref<64xi32, #tpu.memory_space<vmem>>
    %dma_start3A_83 = arith.constant 0 : i32
    %dma_start3A_84 = arith.constant 0 : i32
    %dma_start3A_85 = tpu.memref_slice %arg3[%dma_start3A_83, %dma_start3A_84] : memref<100000x128xf32, #tpu.memory_space<hbm>> -> memref<100000x128xf32, #tpu.memory_space<hbm>>
    tpu.enqueue_indirect_dma source(%dma_start3A_85 : memref<100000x128xf32, #tpu.memory_space<hbm>>) target(%dma_start3A_79 : memref<64x128xf32, #tpu.memory_space<vmem>>) offsets(%dma_start3A_82 : memref<64xi32, #tpu.memory_space<vmem>>) semaphore(%arg13 : memref<!tpu.dma_semaphore, #tpu.memory_space<semaphore_mem>>)
    %dma_wait3A = arith.constant 0 : i32
    %dma_wait3A_86 = arith.constant 0 : i32
    %dma_wait3A_87 = arith.constant 0 : i32
    %dma_wait3A_88 = arith.constant 0 : i32
    %dma_wait3A_89 = tpu.memref_slice %arg6[%dma_wait3A_86, %dma_wait3A_87, %dma_wait3A_88] : memref<10x64x128xf32, #tpu.memory_space<vmem>> -> memref<1x64x128xf32, #tpu.memory_space<vmem>>
    %dma_wait3A_90 = tpu.memref_squeeze %dma_wait3A_89 : memref<1x64x128xf32, #tpu.memory_space<vmem>> -> memref<64x128xf32, #tpu.memory_space<vmem>>
    %dma_wait3A_91 = arith.constant 0 : i32
    %dma_wait3A_92 = tpu.memref_slice %arg5[%dma_wait3A, %dma_wait3A_91] : memref<50x128xi32, #tpu.memory_space<vmem>> -> memref<1x64xi32, #tpu.memory_space<vmem>>
    %dma_wait3A_93 = tpu.memref_squeeze %dma_wait3A_92 : memref<1x64xi32, #tpu.memory_space<vmem>> -> memref<64xi32, #tpu.memory_space<vmem>>
    %dma_wait3A_94 = arith.constant 0 : i32
    %dma_wait3A_95 = arith.constant 0 : i32
    %dma_wait3A_96 = tpu.memref_slice %arg3[%dma_wait3A_94, %dma_wait3A_95] : memref<100000x128xf32, #tpu.memory_space<hbm>> -> memref<100000x128xf32, #tpu.memory_space<hbm>>
    tpu.wait_indirect_dma semaphore(%arg7 : memref<!tpu.dma_semaphore, #tpu.memory_space<semaphore_mem>>) src(%dma_wait3A_96 : memref<100000x128xf32, #tpu.memory_space<hbm>>) dst(%dma_wait3A_90 : memref<64x128xf32, #tpu.memory_space<vmem>>)
    %add3A_97 = arith.constant 0 : i32
    %add3A_98 = arith.addi %add3A_97, %multiple_of3A : i32
    %dma_start3A_99 = arith.constant 0 : i32
    %dma_start3A_100 = arith.constant 0 : i32
    %dma_start3A_101 = arith.constant 0 : i32
    %dma_start3A_102 = arith.constant 0 : i32
    %dma_start3A_103 = tpu.memref_slice %arg6[%dma_start3A_99, %dma_start3A_101, %dma_start3A_102] : memref<10x64x128xf32, #tpu.memory_space<vmem>> -> memref<1x64x128xf32, #tpu.memory_space<vmem>>
    %dma_start3A_104 = tpu.memref_squeeze %dma_start3A_103 : memref<1x64x128xf32, #tpu.memory_space<vmem>> -> memref<64x128xf32, #tpu.memory_space<vmem>>
    %dma_start3A_105 = arith.constant 0 : i32
    %dma_start3A_106 = tpu.memref_slice %arg4[%dma_start3A_100, %add3A_98, %dma_start3A_105] : memref<50x4096x128xf32, #tpu.memory_space<hbm>> -> memref<1x64x128xf32, #tpu.memory_space<hbm>>
    %dma_start3A_107 = tpu.memref_squeeze %dma_start3A_106 : memref<1x64x128xf32, #tpu.memory_space<hbm>> -> memref<64x128xf32, #tpu.memory_space<hbm>>
    %dma_start3A_108 = arith.constant 0 : i32
    %dma_start3A_109 = tpu.memref_slice %arg4[%dma_start3A_100, %add3A_98, %dma_start3A_108] : memref<50x4096x128xf32, #tpu.memory_space<hbm>> -> memref<1x64x128xf32, #tpu.memory_space<hbm>>
    %dma_start3A_110 = tpu.memref_squeeze %dma_start3A_109 : memref<1x64x128xf32, #tpu.memory_space<hbm>> -> memref<64x128xf32, #tpu.memory_space<hbm>>
    %dma_start3A_111 = arith.constant 0 : i32
    %dma_start3A_112 = arith.constant 0 : i32
    %dma_start3A_113 = tpu.memref_slice %arg6[%dma_start3A_99, %dma_start3A_111, %dma_start3A_112] : memref<10x64x128xf32, #tpu.memory_space<vmem>> -> memref<1x64x128xf32, #tpu.memory_space<vmem>>
    %dma_start3A_114 = tpu.memref_squeeze %dma_start3A_113 : memref<1x64x128xf32, #tpu.memory_space<vmem>> -> memref<64x128xf32, #tpu.memory_space<vmem>>
    tpu.enqueue_dma source(%dma_start3A_114 : memref<64x128xf32, #tpu.memory_space<vmem>>) target(%dma_start3A_110 : memref<64x128xf32, #tpu.memory_space<hbm>>) target_semaphore(%arg17 : memref<!tpu.dma_semaphore, #tpu.memory_space<semaphore_mem>>)
    %dma_start3A_115 = arith.constant 3 : i32
    %dma_start3A_116 = arith.constant 7 : i32
    %dma_start3A_117 = arith.constant 0 : i32
    %dma_start3A_118 = arith.constant 0 : i32
    %dma_start3A_119 = tpu.memref_slice %arg6[%dma_start3A_116, %dma_start3A_117, %dma_start3A_118] : memref<10x64x128xf32, #tpu.memory_space<vmem>> -> memref<1x64x128xf32, #tpu.memory_space<vmem>>
    %dma_start3A_120 = tpu.memref_squeeze %dma_start3A_119 : memref<1x64x128xf32, #tpu.memory_space<vmem>> -> memref<64x128xf32, #tpu.memory_space<vmem>>
    %dma_start3A_121 = arith.constant 64 : i32
    %dma_start3A_122 = tpu.memref_slice %arg5[%dma_start3A_115, %dma_start3A_121] : memref<50x128xi32, #tpu.memory_space<vmem>> -> memref<1x64xi32, #tpu.memory_space<vmem>>
    %dma_start3A_123 = tpu.memref_squeeze %dma_start3A_122 : memref<1x64xi32, #tpu.memory_space<vmem>> -> memref<64xi32, #tpu.memory_space<vmem>>
    %dma_start3A_124 = arith.constant 0 : i32
    %dma_start3A_125 = arith.constant 0 : i32
    %dma_start3A_126 = tpu.memref_slice %arg3[%dma_start3A_124, %dma_start3A_125] : memref<100000x128xf32, #tpu.memory_space<hbm>> -> memref<100000x128xf32, #tpu.memory_space<hbm>>
    tpu.enqueue_indirect_dma source(%dma_start3A_126 : memref<100000x128xf32, #tpu.memory_space<hbm>>) target(%dma_start3A_120 : memref<64x128xf32, #tpu.memory_space<vmem>>) offsets(%dma_start3A_123 : memref<64xi32, #tpu.memory_space<vmem>>) semaphore(%arg14 : memref<!tpu.dma_semaphore, #tpu.memory_space<semaphore_mem>>)
    %dma_wait3A_127 = arith.constant 0 : i32
    %dma_wait3A_128 = arith.constant 1 : i32
    %dma_wait3A_129 = arith.constant 0 : i32
    %dma_wait3A_130 = arith.constant 0 : i32
    %dma_wait3A_131 = tpu.memref_slice %arg6[%dma_wait3A_128, %dma_wait3A_129, %dma_wait3A_130] : memref<10x64x128xf32, #tpu.memory_space<vmem>> -> memref<1x64x128xf32, #tpu.memory_space<vmem>>
    %dma_wait3A_132 = tpu.memref_squeeze %dma_wait3A_131 : memref<1x64x128xf32, #tpu.memory_space<vmem>> -> memref<64x128xf32, #tpu.memory_space<vmem>>
    %dma_wait3A_133 = arith.constant 64 : i32
    %dma_wait3A_134 = tpu.memref_slice %arg5[%dma_wait3A_127, %dma_wait3A_133] : memref<50x128xi32, #tpu.memory_space<vmem>> -> memref<1x64xi32, #tpu.memory_space<vmem>>
    %dma_wait3A_135 = tpu.memref_squeeze %dma_wait3A_134 : memref<1x64xi32, #tpu.memory_space<vmem>> -> memref<64xi32, #tpu.memory_space<vmem>>
    %dma_wait3A_136 = arith.constant 0 : i32
    %dma_wait3A_137 = arith.constant 0 : i32
    %dma_wait3A_138 = tpu.memref_slice %arg3[%dma_wait3A_136, %dma_wait3A_137] : memref<100000x128xf32, #tpu.memory_space<hbm>> -> memref<100000x128xf32, #tpu.memory_space<hbm>>
    tpu.wait_indirect_dma semaphore(%arg8 : memref<!tpu.dma_semaphore, #tpu.memory_space<semaphore_mem>>) src(%dma_wait3A_138 : memref<100000x128xf32, #tpu.memory_space<hbm>>) dst(%dma_wait3A_132 : memref<64x128xf32, #tpu.memory_space<vmem>>)
    %add3A_139 = arith.constant 64 : i32
    %add3A_140 = arith.addi %add3A_139, %multiple_of3A : i32
    %dma_start3A_141 = arith.constant 1 : i32
    %dma_start3A_142 = arith.constant 0 : i32
    %dma_start3A_143 = arith.constant 0 : i32
    %dma_start3A_144 = arith.constant 0 : i32
    %dma_start3A_145 = tpu.memref_slice %arg6[%dma_start3A_141, %dma_start3A_143, %dma_start3A_144] : memref<10x64x128xf32, #tpu.memory_space<vmem>> -> memref<1x64x128xf32, #tpu.memory_space<vmem>>
    %dma_start3A_146 = tpu.memref_squeeze %dma_start3A_145 : memref<1x64x128xf32, #tpu.memory_space<vmem>> -> memref<64x128xf32, #tpu.memory_space<vmem>>
    %dma_start3A_147 = arith.constant 0 : i32
    %dma_start3A_148 = tpu.memref_slice %arg4[%dma_start3A_142, %add3A_140, %dma_start3A_147] : memref<50x4096x128xf32, #tpu.memory_space<hbm>> -> memref<1x64x128xf32, #tpu.memory_space<hbm>>
    %dma_start3A_149 = tpu.memref_squeeze %dma_start3A_148 : memref<1x64x128xf32, #tpu.memory_space<hbm>> -> memref<64x128xf32, #tpu.memory_space<hbm>>
    %dma_start3A_150 = arith.constant 0 : i32
    %dma_start3A_151 = tpu.memref_slice %arg4[%dma_start3A_142, %add3A_140, %dma_start3A_150] : memref<50x4096x128xf32, #tpu.memory_space<hbm>> -> memref<1x64x128xf32, #tpu.memory_space<hbm>>
    %dma_start3A_152 = tpu.memref_squeeze %dma_start3A_151 : memref<1x64x128xf32, #tpu.memory_space<hbm>> -> memref<64x128xf32, #tpu.memory_space<hbm>>
    %dma_start3A_153 = arith.constant 0 : i32
    %dma_start3A_154 = arith.constant 0 : i32
    %dma_start3A_155 = tpu.memref_slice %arg6[%dma_start3A_141, %dma_start3A_153, %dma_start3A_154] : memref<10x64x128xf32, #tpu.memory_space<vmem>> -> memref<1x64x128xf32, #tpu.memory_space<vmem>>
    %dma_start3A_156 = tpu.memref_squeeze %dma_start3A_155 : memref<1x64x128xf32, #tpu.memory_space<vmem>> -> memref<64x128xf32, #tpu.memory_space<vmem>>
    tpu.enqueue_dma source(%dma_start3A_156 : memref<64x128xf32, #tpu.memory_space<vmem>>) target(%dma_start3A_152 : memref<64x128xf32, #tpu.memory_space<hbm>>) target_semaphore(%arg18 : memref<!tpu.dma_semaphore, #tpu.memory_space<semaphore_mem>>)
    %dma_start3A_157 = arith.constant 4 : i32
    %dma_start3A_158 = arith.constant 8 : i32
    %dma_start3A_159 = arith.constant 0 : i32
    %dma_start3A_160 = arith.constant 0 : i32
    %dma_start3A_161 = tpu.memref_slice %arg6[%dma_start3A_158, %dma_start3A_159, %dma_start3A_160] : memref<10x64x128xf32, #tpu.memory_space<vmem>> -> memref<1x64x128xf32, #tpu.memory_space<vmem>>
    %dma_start3A_162 = tpu.memref_squeeze %dma_start3A_161 : memref<1x64x128xf32, #tpu.memory_space<vmem>> -> memref<64x128xf32, #tpu.memory_space<vmem>>
    %dma_start3A_163 = arith.constant 0 : i32
    %dma_start3A_164 = tpu.memref_slice %arg5[%dma_start3A_157, %dma_start3A_163] : memref<50x128xi32, #tpu.memory_space<vmem>> -> memref<1x64xi32, #tpu.memory_space<vmem>>
    %dma_start3A_165 = tpu.memref_squeeze %dma_start3A_164 : memref<1x64xi32, #tpu.memory_space<vmem>> -> memref<64xi32, #tpu.memory_space<vmem>>
    %dma_start3A_166 = arith.constant 0 : i32
    %dma_start3A_167 = arith.constant 0 : i32
    %dma_start3A_168 = tpu.memref_slice %arg3[%dma_start3A_166, %dma_start3A_167] : memref<100000x128xf32, #tpu.memory_space<hbm>> -> memref<100000x128xf32, #tpu.memory_space<hbm>>
    tpu.enqueue_indirect_dma source(%dma_start3A_168 : memref<100000x128xf32, #tpu.memory_space<hbm>>) target(%dma_start3A_162 : memref<64x128xf32, #tpu.memory_space<vmem>>) offsets(%dma_start3A_165 : memref<64xi32, #tpu.memory_space<vmem>>) semaphore(%arg15 : memref<!tpu.dma_semaphore, #tpu.memory_space<semaphore_mem>>)
    %dma_wait3A_169 = arith.constant 1 : i32
    %dma_wait3A_170 = arith.constant 2 : i32
    %dma_wait3A_171 = arith.constant 0 : i32
    %dma_wait3A_172 = arith.constant 0 : i32
    %dma_wait3A_173 = tpu.memref_slice %arg6[%dma_wait3A_170, %dma_wait3A_171, %dma_wait3A_172] : memref<10x64x128xf32, #tpu.memory_space<vmem>> -> memref<1x64x128xf32, #tpu.memory_space<vmem>>
    %dma_wait3A_174 = tpu.memref_squeeze %dma_wait3A_173 : memref<1x64x128xf32, #tpu.memory_space<vmem>> -> memref<64x128xf32, #tpu.memory_space<vmem>>
    %dma_wait3A_175 = arith.constant 0 : i32
    %dma_wait3A_176 = tpu.memref_slice %arg5[%dma_wait3A_169, %dma_wait3A_175] : memref<50x128xi32, #tpu.memory_space<vmem>> -> memref<1x64xi32, #tpu.memory_space<vmem>>
    %dma_wait3A_177 = tpu.memref_squeeze %dma_wait3A_176 : memref<1x64xi32, #tpu.memory_space<vmem>> -> memref<64xi32, #tpu.memory_space<vmem>>
    %dma_wait3A_178 = arith.constant 0 : i32
    %dma_wait3A_179 = arith.constant 0 : i32
    %dma_wait3A_180 = tpu.memref_slice %arg3[%dma_wait3A_178, %dma_wait3A_179] : memref<100000x128xf32, #tpu.memory_space<hbm>> -> memref<100000x128xf32, #tpu.memory_space<hbm>>
    tpu.wait_indirect_dma semaphore(%arg9 : memref<!tpu.dma_semaphore, #tpu.memory_space<semaphore_mem>>) src(%dma_wait3A_180 : memref<100000x128xf32, #tpu.memory_space<hbm>>) dst(%dma_wait3A_174 : memref<64x128xf32, #tpu.memory_space<vmem>>)
    %add3A_181 = arith.constant 0 : i32
    %add3A_182 = arith.addi %add3A_181, %multiple_of3A : i32
    %dma_start3A_183 = arith.constant 2 : i32
    %dma_start3A_184 = arith.constant 1 : i32
    %dma_start3A_185 = arith.constant 0 : i32
    %dma_start3A_186 = arith.constant 0 : i32
    %dma_start3A_187 = tpu.memref_slice %arg6[%dma_start3A_183, %dma_start3A_185, %dma_start3A_186] : memref<10x64x128xf32, #tpu.memory_space<vmem>> -> memref<1x64x128xf32, #tpu.memory_space<vmem>>
    %dma_start3A_188 = tpu.memref_squeeze %dma_start3A_187 : memref<1x64x128xf32, #tpu.memory_space<vmem>> -> memref<64x128xf32, #tpu.memory_space<vmem>>
    %dma_start3A_189 = arith.constant 0 : i32
    %dma_start3A_190 = tpu.memref_slice %arg4[%dma_start3A_184, %add3A_182, %dma_start3A_189] : memref<50x4096x128xf32, #tpu.memory_space<hbm>> -> memref<1x64x128xf32, #tpu.memory_space<hbm>>
    %dma_start3A_191 = tpu.memref_squeeze %dma_start3A_190 : memref<1x64x128xf32, #tpu.memory_space<hbm>> -> memref<64x128xf32, #tpu.memory_space<hbm>>
    %dma_start3A_192 = arith.constant 0 : i32
    %dma_start3A_193 = tpu.memref_slice %arg4[%dma_start3A_184, %add3A_182, %dma_start3A_192] : memref<50x4096x128xf32, #tpu.memory_space<hbm>> -> memref<1x64x128xf32, #tpu.memory_space<hbm>>
    %dma_start3A_194 = tpu.memref_squeeze %dma_start3A_193 : memref<1x64x128xf32, #tpu.memory_space<hbm>> -> memref<64x128xf32, #tpu.memory_space<hbm>>
    %dma_start3A_195 = arith.constant 0 : i32
    %dma_start3A_196 = arith.constant 0 : i32
    %dma_start3A_197 = tpu.memref_slice %arg6[%dma_start3A_183, %dma_start3A_195, %dma_start3A_196] : memref<10x64x128xf32, #tpu.memory_space<vmem>> -> memref<1x64x128xf32, #tpu.memory_space<vmem>>
    %dma_start3A_198 = tpu.memref_squeeze %dma_start3A_197 : memref<1x64x128xf32, #tpu.memory_space<vmem>> -> memref<64x128xf32, #tpu.memory_space<vmem>>
    tpu.enqueue_dma source(%dma_start3A_198 : memref<64x128xf32, #tpu.memory_space<vmem>>) target(%dma_start3A_194 : memref<64x128xf32, #tpu.memory_space<hbm>>) target_semaphore(%arg19 : memref<!tpu.dma_semaphore, #tpu.memory_space<semaphore_mem>>)
    %dma_start3A_199 = arith.constant 4 : i32
    %dma_start3A_200 = arith.constant 9 : i32
    %dma_start3A_201 = arith.constant 0 : i32
    %dma_start3A_202 = arith.constant 0 : i32
    %dma_start3A_203 = tpu.memref_slice %arg6[%dma_start3A_200, %dma_start3A_201, %dma_start3A_202] : memref<10x64x128xf32, #tpu.memory_space<vmem>> -> memref<1x64x128xf32, #tpu.memory_space<vmem>>
    %dma_start3A_204 = tpu.memref_squeeze %dma_start3A_203 : memref<1x64x128xf32, #tpu.memory_space<vmem>> -> memref<64x128xf32, #tpu.memory_space<vmem>>
    %dma_start3A_205 = arith.constant 64 : i32
    %dma_start3A_206 = tpu.memref_slice %arg5[%dma_start3A_199, %dma_start3A_205] : memref<50x128xi32, #tpu.memory_space<vmem>> -> memref<1x64xi32, #tpu.memory_space<vmem>>
    %dma_start3A_207 = tpu.memref_squeeze %dma_start3A_206 : memref<1x64xi32, #tpu.memory_space<vmem>> -> memref<64xi32, #tpu.memory_space<vmem>>
    %dma_start3A_208 = arith.constant 0 : i32
    %dma_start3A_209 = arith.constant 0 : i32
    %dma_start3A_210 = tpu.memref_slice %arg3[%dma_start3A_208, %dma_start3A_209] : memref<100000x128xf32, #tpu.memory_space<hbm>> -> memref<100000x128xf32, #tpu.memory_space<hbm>>
    tpu.enqueue_indirect_dma source(%dma_start3A_210 : memref<100000x128xf32, #tpu.memory_space<hbm>>) target(%dma_start3A_204 : memref<64x128xf32, #tpu.memory_space<vmem>>) offsets(%dma_start3A_207 : memref<64xi32, #tpu.memory_space<vmem>>) semaphore(%arg16 : memref<!tpu.dma_semaphore, #tpu.memory_space<semaphore_mem>>)
    %dma_wait3A_211 = arith.constant 1 : i32
    %dma_wait3A_212 = arith.constant 3 : i32
    %dma_wait3A_213 = arith.constant 0 : i32
    %dma_wait3A_214 = arith.constant 0 : i32
    %dma_wait3A_215 = tpu.memref_slice %arg6[%dma_wait3A_212, %dma_wait3A_213, %dma_wait3A_214] : memref<10x64x128xf32, #tpu.memory_space<vmem>> -> memref<1x64x128xf32, #tpu.memory_space<vmem>>
    %dma_wait3A_216 = tpu.memref_squeeze %dma_wait3A_215 : memref<1x64x128xf32, #tpu.memory_space<vmem>> -> memref<64x128xf32, #tpu.memory_space<vmem>>
    %dma_wait3A_217 = arith.constant 64 : i32
    %dma_wait3A_218 = tpu.memref_slice %arg5[%dma_wait3A_211, %dma_wait3A_217] : memref<50x128xi32, #tpu.memory_space<vmem>> -> memref<1x64xi32, #tpu.memory_space<vmem>>
    %dma_wait3A_219 = tpu.memref_squeeze %dma_wait3A_218 : memref<1x64xi32, #tpu.memory_space<vmem>> -> memref<64xi32, #tpu.memory_space<vmem>>
    %dma_wait3A_220 = arith.constant 0 : i32
    %dma_wait3A_221 = arith.constant 0 : i32
    %dma_wait3A_222 = tpu.memref_slice %arg3[%dma_wait3A_220, %dma_wait3A_221] : memref<100000x128xf32, #tpu.memory_space<hbm>> -> memref<100000x128xf32, #tpu.memory_space<hbm>>
    tpu.wait_indirect_dma semaphore(%arg10 : memref<!tpu.dma_semaphore, #tpu.memory_space<semaphore_mem>>) src(%dma_wait3A_222 : memref<100000x128xf32, #tpu.memory_space<hbm>>) dst(%dma_wait3A_216 : memref<64x128xf32, #tpu.memory_space<vmem>>)
    %add3A_223 = arith.constant 64 : i32
    %add3A_224 = arith.addi %add3A_223, %multiple_of3A : i32
    %dma_start3A_225 = arith.constant 3 : i32
    %dma_start3A_226 = arith.constant 1 : i32
    %dma_start3A_227 = arith.constant 0 : i32
    %dma_start3A_228 = arith.constant 0 : i32
    %dma_start3A_229 = tpu.memref_slice %arg6[%dma_start3A_225, %dma_start3A_227, %dma_start3A_228] : memref<10x64x128xf32, #tpu.memory_space<vmem>> -> memref<1x64x128xf32, #tpu.memory_space<vmem>>
    %dma_start3A_230 = tpu.memref_squeeze %dma_start3A_229 : memref<1x64x128xf32, #tpu.memory_space<vmem>> -> memref<64x128xf32, #tpu.memory_space<vmem>>
    %dma_start3A_231 = arith.constant 0 : i32
    %dma_start3A_232 = tpu.memref_slice %arg4[%dma_start3A_226, %add3A_224, %dma_start3A_231] : memref<50x4096x128xf32, #tpu.memory_space<hbm>> -> memref<1x64x128xf32, #tpu.memory_space<hbm>>
    %dma_start3A_233 = tpu.memref_squeeze %dma_start3A_232 : memref<1x64x128xf32, #tpu.memory_space<hbm>> -> memref<64x128xf32, #tpu.memory_space<hbm>>
    %dma_start3A_234 = arith.constant 0 : i32
    %dma_start3A_235 = tpu.memref_slice %arg4[%dma_start3A_226, %add3A_224, %dma_start3A_234] : memref<50x4096x128xf32, #tpu.memory_space<hbm>> -> memref<1x64x128xf32, #tpu.memory_space<hbm>>
    %dma_start3A_236 = tpu.memref_squeeze %dma_start3A_235 : memref<1x64x128xf32, #tpu.memory_space<hbm>> -> memref<64x128xf32, #tpu.memory_space<hbm>>
    %dma_start3A_237 = arith.constant 0 : i32
    %dma_start3A_238 = arith.constant 0 : i32
    %dma_start3A_239 = tpu.memref_slice %arg6[%dma_start3A_225, %dma_start3A_237, %dma_start3A_238] : memref<10x64x128xf32, #tpu.memory_space<vmem>> -> memref<1x64x128xf32, #tpu.memory_space<vmem>>
    %dma_start3A_240 = tpu.memref_squeeze %dma_start3A_239 : memref<1x64x128xf32, #tpu.memory_space<vmem>> -> memref<64x128xf32, #tpu.memory_space<vmem>>
    tpu.enqueue_dma source(%dma_start3A_240 : memref<64x128xf32, #tpu.memory_space<vmem>>) target(%dma_start3A_236 : memref<64x128xf32, #tpu.memory_space<hbm>>) target_semaphore(%arg20 : memref<!tpu.dma_semaphore, #tpu.memory_space<semaphore_mem>>)
    %add3A_241 = arith.constant 0 : i32
    %add3A_242 = arith.addi %add3A_241, %multiple_of3A : i32
    %dma_wait3A_243 = arith.constant 0 : i32
    %dma_wait3A_244 = arith.constant 0 : i32
    %dma_wait3A_245 = arith.constant 0 : i32
    %dma_wait3A_246 = arith.constant 0 : i32
    %dma_wait3A_247 = tpu.memref_slice %arg6[%dma_wait3A_243, %dma_wait3A_245, %dma_wait3A_246] : memref<10x64x128xf32, #tpu.memory_space<vmem>> -> memref<1x64x128xf32, #tpu.memory_space<vmem>>
    %dma_wait3A_248 = tpu.memref_squeeze %dma_wait3A_247 : memref<1x64x128xf32, #tpu.memory_space<vmem>> -> memref<64x128xf32, #tpu.memory_space<vmem>>
    %dma_wait3A_249 = arith.constant 0 : i32
    %dma_wait3A_250 = tpu.memref_slice %arg4[%dma_wait3A_244, %add3A_242, %dma_wait3A_249] : memref<50x4096x128xf32, #tpu.memory_space<hbm>> -> memref<1x64x128xf32, #tpu.memory_space<hbm>>
    %dma_wait3A_251 = tpu.memref_squeeze %dma_wait3A_250 : memref<1x64x128xf32, #tpu.memory_space<hbm>> -> memref<64x128xf32, #tpu.memory_space<hbm>>
    %dma_wait3A_252 = arith.constant 0 : i32
    %dma_wait3A_253 = tpu.memref_slice %arg4[%dma_wait3A_244, %add3A_242, %dma_wait3A_252] : memref<50x4096x128xf32, #tpu.memory_space<hbm>> -> memref<1x64x128xf32, #tpu.memory_space<hbm>>
    %dma_wait3A_254 = tpu.memref_squeeze %dma_wait3A_253 : memref<1x64x128xf32, #tpu.memory_space<hbm>> -> memref<64x128xf32, #tpu.memory_space<hbm>>
    %dma_wait3A_255 = arith.constant 0 : i32
    %dma_wait3A_256 = arith.constant 0 : i32
    %dma_wait3A_257 = tpu.memref_slice %arg6[%dma_wait3A_243, %dma_wait3A_255, %dma_wait3A_256] : memref<10x64x128xf32, #tpu.memory_space<vmem>> -> memref<1x64x128xf32, #tpu.memory_space<vmem>>
    %dma_wait3A_258 = tpu.memref_squeeze %dma_wait3A_257 : memref<1x64x128xf32, #tpu.memory_space<vmem>> -> memref<64x128xf32, #tpu.memory_space<vmem>>
    tpu.wait_dma2 semaphore(%arg17 : memref<!tpu.dma_semaphore, #tpu.memory_space<semaphore_mem>>) src(%dma_wait3A_258 : memref<64x128xf32, #tpu.memory_space<vmem>>) dst(%dma_wait3A_254 : memref<64x128xf32, #tpu.memory_space<hbm>>)
    %dma_start3A_259 = arith.constant 5 : i32
    %dma_start3A_260 = arith.constant 0 : i32
    %dma_start3A_261 = arith.constant 0 : i32
    %dma_start3A_262 = arith.constant 0 : i32
    %dma_start3A_263 = tpu.memref_slice %arg6[%dma_start3A_260, %dma_start3A_261, %dma_start3A_262] : memref<10x64x128xf32, #tpu.memory_space<vmem>> -> memref<1x64x128xf32, #tpu.memory_space<vmem>>
    %dma_start3A_264 = tpu.memref_squeeze %dma_start3A_263 : memref<1x64x128xf32, #tpu.memory_space<vmem>> -> memref<64x128xf32, #tpu.memory_space<vmem>>
    %dma_start3A_265 = arith.constant 0 : i32
    %dma_start3A_266 = tpu.memref_slice %arg5[%dma_start3A_259, %dma_start3A_265] : memref<50x128xi32, #tpu.memory_space<vmem>> -> memref<1x64xi32, #tpu.memory_space<vmem>>
    %dma_start3A_267 = tpu.memref_squeeze %dma_start3A_266 : memref<1x64xi32, #tpu.memory_space<vmem>> -> memref<64xi32, #tpu.memory_space<vmem>>
    %dma_start3A_268 = arith.constant 0 : i32
    %dma_start3A_269 = arith.constant 0 : i32
    %dma_start3A_270 = tpu.memref_slice %arg3[%dma_start3A_268, %dma_start3A_269] : memref<100000x128xf32, #tpu.memory_space<hbm>> -> memref<100000x128xf32, #tpu.memory_space<hbm>>
    tpu.enqueue_indirect_dma source(%dma_start3A_270 : memref<100000x128xf32, #tpu.memory_space<hbm>>) target(%dma_start3A_264 : memref<64x128xf32, #tpu.memory_space<vmem>>) offsets(%dma_start3A_267 : memref<64xi32, #tpu.memory_space<vmem>>) semaphore(%arg7 : memref<!tpu.dma_semaphore, #tpu.memory_space<semaphore_mem>>)
    %dma_wait3A_271 = arith.constant 2 : i32
    %dma_wait3A_272 = arith.constant 4 : i32
    %dma_wait3A_273 = arith.constant 0 : i32
    %dma_wait3A_274 = arith.constant 0 : i32
    %dma_wait3A_275 = tpu.memref_slice %arg6[%dma_wait3A_272, %dma_wait3A_273, %dma_wait3A_274] : memref<10x64x128xf32, #tpu.memory_space<vmem>> -> memref<1x64x128xf32, #tpu.memory_space<vmem>>
    %dma_wait3A_276 = tpu.memref_squeeze %dma_wait3A_275 : memref<1x64x128xf32, #tpu.memory_space<vmem>> -> memref<64x128xf32, #tpu.memory_space<vmem>>
    %dma_wait3A_277 = arith.constant 0 : i32
    %dma_wait3A_278 = tpu.memref_slice %arg5[%dma_wait3A_271, %dma_wait3A_277] : memref<50x128xi32, #tpu.memory_space<vmem>> -> memref<1x64xi32, #tpu.memory_space<vmem>>
    %dma_wait3A_279 = tpu.memref_squeeze %dma_wait3A_278 : memref<1x64xi32, #tpu.memory_space<vmem>> -> memref<64xi32, #tpu.memory_space<vmem>>
    %dma_wait3A_280 = arith.constant 0 : i32
    %dma_wait3A_281 = arith.constant 0 : i32
    %dma_wait3A_282 = tpu.memref_slice %arg3[%dma_wait3A_280, %dma_wait3A_281] : memref<100000x128xf32, #tpu.memory_space<hbm>> -> memref<100000x128xf32, #tpu.memory_space<hbm>>
    tpu.wait_indirect_dma semaphore(%arg11 : memref<!tpu.dma_semaphore, #tpu.memory_space<semaphore_mem>>) src(%dma_wait3A_282 : memref<100000x128xf32, #tpu.memory_space<hbm>>) dst(%dma_wait3A_276 : memref<64x128xf32, #tpu.memory_space<vmem>>)
    %add3A_283 = arith.constant 0 : i32
    %add3A_284 = arith.addi %add3A_283, %multiple_of3A : i32
    %dma_start3A_285 = arith.constant 4 : i32
    %dma_start3A_286 = arith.constant 2 : i32
    %dma_start3A_287 = arith.constant 0 : i32
    %dma_start3A_288 = arith.constant 0 : i32
    %dma_start3A_289 = tpu.memref_slice %arg6[%dma_start3A_285, %dma_start3A_287, %dma_start3A_288] : memref<10x64x128xf32, #tpu.memory_space<vmem>> -> memref<1x64x128xf32, #tpu.memory_space<vmem>>
    %dma_start3A_290 = tpu.memref_squeeze %dma_start3A_289 : memref<1x64x128xf32, #tpu.memory_space<vmem>> -> memref<64x128xf32, #tpu.memory_space<vmem>>
    %dma_start3A_291 = arith.constant 0 : i32
    %dma_start3A_292 = tpu.memref_slice %arg4[%dma_start3A_286, %add3A_284, %dma_start3A_291] : memref<50x4096x128xf32, #tpu.memory_space<hbm>> -> memref<1x64x128xf32, #tpu.memory_space<hbm>>
    %dma_start3A_293 = tpu.memref_squeeze %dma_start3A_292 : memref<1x64x128xf32, #tpu.memory_space<hbm>> -> memref<64x128xf32, #tpu.memory_space<hbm>>
    %dma_start3A_294 = arith.constant 0 : i32
    %dma_start3A_295 = tpu.memref_slice %arg4[%dma_start3A_286, %add3A_284, %dma_start3A_294] : memref<50x4096x128xf32, #tpu.memory_space<hbm>> -> memref<1x64x128xf32, #tpu.memory_space<hbm>>
    %dma_start3A_296 = tpu.memref_squeeze %dma_start3A_295 : memref<1x64x128xf32, #tpu.memory_space<hbm>> -> memref<64x128xf32, #tpu.memory_space<hbm>>
    %dma_start3A_297 = arith.constant 0 : i32
    %dma_start3A_298 = arith.constant 0 : i32
    %dma_start3A_299 = tpu.memref_slice %arg6[%dma_start3A_285, %dma_start3A_297, %dma_start3A_298] : memref<10x64x128xf32, #tpu.memory_space<vmem>> -> memref<1x64x128xf32, #tpu.memory_space<vmem>>
    %dma_start3A_300 = tpu.memref_squeeze %dma_start3A_299 : memref<1x64x128xf32, #tpu.memory_space<vmem>> -> memref<64x128xf32, #tpu.memory_space<vmem>>
    tpu.enqueue_dma source(%dma_start3A_300 : memref<64x128xf32, #tpu.memory_space<vmem>>) target(%dma_start3A_296 : memref<64x128xf32, #tpu.memory_space<hbm>>) target_semaphore(%arg21 : memref<!tpu.dma_semaphore, #tpu.memory_space<semaphore_mem>>)
    %add3A_301 = arith.constant 64 : i32
    %add3A_302 = arith.addi %add3A_301, %multiple_of3A : i32
    %dma_wait3A_303 = arith.constant 1 : i32
    %dma_wait3A_304 = arith.constant 0 : i32
    %dma_wait3A_305 = arith.constant 0 : i32
    %dma_wait3A_306 = arith.constant 0 : i32
    %dma_wait3A_307 = tpu.memref_slice %arg6[%dma_wait3A_303, %dma_wait3A_305, %dma_wait3A_306] : memref<10x64x128xf32, #tpu.memory_space<vmem>> -> memref<1x64x128xf32, #tpu.memory_space<vmem>>
    %dma_wait3A_308 = tpu.memref_squeeze %dma_wait3A_307 : memref<1x64x128xf32, #tpu.memory_space<vmem>> -> memref<64x128xf32, #tpu.memory_space<vmem>>
    %dma_wait3A_309 = arith.constant 0 : i32
    %dma_wait3A_310 = tpu.memref_slice %arg4[%dma_wait3A_304, %add3A_302, %dma_wait3A_309] : memref<50x4096x128xf32, #tpu.memory_space<hbm>> -> memref<1x64x128xf32, #tpu.memory_space<hbm>>
    %dma_wait3A_311 = tpu.memref_squeeze %dma_wait3A_310 : memref<1x64x128xf32, #tpu.memory_space<hbm>> -> memref<64x128xf32, #tpu.memory_space<hbm>>
    %dma_wait3A_312 = arith.constant 0 : i32
    %dma_wait3A_313 = tpu.memref_slice %arg4[%dma_wait3A_304, %add3A_302, %dma_wait3A_312] : memref<50x4096x128xf32, #tpu.memory_space<hbm>> -> memref<1x64x128xf32, #tpu.memory_space<hbm>>
    %dma_wait3A_314 = tpu.memref_squeeze %dma_wait3A_313 : memref<1x64x128xf32, #tpu.memory_space<hbm>> -> memref<64x128xf32, #tpu.memory_space<hbm>>
    %dma_wait3A_315 = arith.constant 0 : i32
    %dma_wait3A_316 = arith.constant 0 : i32
    %dma_wait3A_317 = tpu.memref_slice %arg6[%dma_wait3A_303, %dma_wait3A_315, %dma_wait3A_316] : memref<10x64x128xf32, #tpu.memory_space<vmem>> -> memref<1x64x128xf32, #tpu.memory_space<vmem>>
    %dma_wait3A_318 = tpu.memref_squeeze %dma_wait3A_317 : memref<1x64x128xf32, #tpu.memory_space<vmem>> -> memref<64x128xf32, #tpu.memory_space<vmem>>
    tpu.wait_dma2 semaphore(%arg18 : memref<!tpu.dma_semaphore, #tpu.memory_space<semaphore_mem>>) src(%dma_wait3A_318 : memref<64x128xf32, #tpu.memory_space<vmem>>) dst(%dma_wait3A_314 : memref<64x128xf32, #tpu.memory_space<hbm>>)
    %dma_start3A_319 = arith.constant 5 : i32
    %dma_start3A_320 = arith.constant 1 : i32
    %dma_start3A_321 = arith.constant 0 : i32
    %dma_start3A_322 = arith.constant 0 : i32
    %dma_start3A_323 = tpu.memref_slice %arg6[%dma_start3A_320, %dma_start3A_321, %dma_start3A_322] : memref<10x64x128xf32, #tpu.memory_space<vmem>> -> memref<1x64x128xf32, #tpu.memory_space<vmem>>
    %dma_start3A_324 = tpu.memref_squeeze %dma_start3A_323 : memref<1x64x128xf32, #tpu.memory_space<vmem>> -> memref<64x128xf32, #tpu.memory_space<vmem>>
    %dma_start3A_325 = arith.constant 64 : i32
    %dma_start3A_326 = tpu.memref_slice %arg5[%dma_start3A_319, %dma_start3A_325] : memref<50x128xi32, #tpu.memory_space<vmem>> -> memref<1x64xi32, #tpu.memory_space<vmem>>
    %dma_start3A_327 = tpu.memref_squeeze %dma_start3A_326 : memref<1x64xi32, #tpu.memory_space<vmem>> -> memref<64xi32, #tpu.memory_space<vmem>>
    %dma_start3A_328 = arith.constant 0 : i32
    %dma_start3A_329 = arith.constant 0 : i32
    %dma_start3A_330 = tpu.memref_slice %arg3[%dma_start3A_328, %dma_start3A_329] : memref<100000x128xf32, #tpu.memory_space<hbm>> -> memref<100000x128xf32, #tpu.memory_space<hbm>>
    tpu.enqueue_indirect_dma source(%dma_start3A_330 : memref<100000x128xf32, #tpu.memory_space<hbm>>) target(%dma_start3A_324 : memref<64x128xf32, #tpu.memory_space<vmem>>) offsets(%dma_start3A_327 : memref<64xi32, #tpu.memory_space<vmem>>) semaphore(%arg8 : memref<!tpu.dma_semaphore, #tpu.memory_space<semaphore_mem>>)
    %dma_wait3A_331 = arith.constant 2 : i32
    %dma_wait3A_332 = arith.constant 5 : i32
    %dma_wait3A_333 = arith.constant 0 : i32
    %dma_wait3A_334 = arith.constant 0 : i32
    %dma_wait3A_335 = tpu.memref_slice %arg6[%dma_wait3A_332, %dma_wait3A_333, %dma_wait3A_334] : memref<10x64x128xf32, #tpu.memory_space<vmem>> -> memref<1x64x128xf32, #tpu.memory_space<vmem>>
    %dma_wait3A_336 = tpu.memref_squeeze %dma_wait3A_335 : memref<1x64x128xf32, #tpu.memory_space<vmem>> -> memref<64x128xf32, #tpu.memory_space<vmem>>
    %dma_wait3A_337 = arith.constant 64 : i32
    %dma_wait3A_338 = tpu.memref_slice %arg5[%dma_wait3A_331, %dma_wait3A_337] : memref<50x128xi32, #tpu.memory_space<vmem>> -> memref<1x64xi32, #tpu.memory_space<vmem>>
    %dma_wait3A_339 = tpu.memref_squeeze %dma_wait3A_338 : memref<1x64xi32, #tpu.memory_space<vmem>> -> memref<64xi32, #tpu.memory_space<vmem>>
    %dma_wait3A_340 = arith.constant 0 : i32
    %dma_wait3A_341 = arith.constant 0 : i32
    %dma_wait3A_342 = tpu.memref_slice %arg3[%dma_wait3A_340, %dma_wait3A_341] : memref<100000x128xf32, #tpu.memory_space<hbm>> -> memref<100000x128xf32, #tpu.memory_space<hbm>>
    tpu.wait_indirect_dma semaphore(%arg12 : memref<!tpu.dma_semaphore, #tpu.memory_space<semaphore_mem>>) src(%dma_wait3A_342 : memref<100000x128xf32, #tpu.memory_space<hbm>>) dst(%dma_wait3A_336 : memref<64x128xf32, #tpu.memory_space<vmem>>)
    %add3A_343 = arith.constant 64 : i32
    %add3A_344 = arith.addi %add3A_343, %multiple_of3A : i32
    %dma_start3A_345 = arith.constant 5 : i32
    %dma_start3A_346 = arith.constant 2 : i32
    %dma_start3A_347 = arith.constant 0 : i32
    %dma_start3A_348 = arith.constant 0 : i32
    %dma_start3A_349 = tpu.memref_slice %arg6[%dma_start3A_345, %dma_start3A_347, %dma_start3A_348] : memref<10x64x128xf32, #tpu.memory_space<vmem>> -> memref<1x64x128xf32, #tpu.memory_space<vmem>>
    %dma_start3A_350 = tpu.memref_squeeze %dma_start3A_349 : memref<1x64x128xf32, #tpu.memory_space<vmem>> -> memref<64x128xf32, #tpu.memory_space<vmem>>
    %dma_start3A_351 = arith.constant 0 : i32
    %dma_start3A_352 = tpu.memref_slice %arg4[%dma_start3A_346, %add3A_344, %dma_start3A_351] : memref<50x4096x128xf32, #tpu.memory_space<hbm>> -> memref<1x64x128xf32, #tpu.memory_space<hbm>>
    %dma_start3A_353 = tpu.memref_squeeze %dma_start3A_352 : memref<1x64x128xf32, #tpu.memory_space<hbm>> -> memref<64x128xf32, #tpu.memory_space<hbm>>
    %dma_start3A_354 = arith.constant 0 : i32
    %dma_start3A_355 = tpu.memref_slice %arg4[%dma_start3A_346, %add3A_344, %dma_start3A_354] : memref<50x4096x128xf32, #tpu.memory_space<hbm>> -> memref<1x64x128xf32, #tpu.memory_space<hbm>>
    %dma_start3A_356 = tpu.memref_squeeze %dma_start3A_355 : memref<1x64x128xf32, #tpu.memory_space<hbm>> -> memref<64x128xf32, #tpu.memory_space<hbm>>
    %dma_start3A_357 = arith.constant 0 : i32
    %dma_start3A_358 = arith.constant 0 : i32
    %dma_start3A_359 = tpu.memref_slice %arg6[%dma_start3A_345, %dma_start3A_357, %dma_start3A_358] : memref<10x64x128xf32, #tpu.memory_space<vmem>> -> memref<1x64x128xf32, #tpu.memory_space<vmem>>
    %dma_start3A_360 = tpu.memref_squeeze %dma_start3A_359 : memref<1x64x128xf32, #tpu.memory_space<vmem>> -> memref<64x128xf32, #tpu.memory_space<vmem>>
    tpu.enqueue_dma source(%dma_start3A_360 : memref<64x128xf32, #tpu.memory_space<vmem>>) target(%dma_start3A_356 : memref<64x128xf32, #tpu.memory_space<hbm>>) target_semaphore(%arg22 : memref<!tpu.dma_semaphore, #tpu.memory_space<semaphore_mem>>)
    %add3A_361 = arith.constant 0 : i32
    %add3A_362 = arith.addi %add3A_361, %multiple_of3A : i32
    %dma_wait3A_363 = arith.constant 2 : i32
    %dma_wait3A_364 = arith.constant 1 : i32
    %dma_wait3A_365 = arith.constant 0 : i32
    %dma_wait3A_366 = arith.constant 0 : i32
    %dma_wait3A_367 = tpu.memref_slice %arg6[%dma_wait3A_363, %dma_wait3A_365, %dma_wait3A_366] : memref<10x64x128xf32, #tpu.memory_space<vmem>> -> memref<1x64x128xf32, #tpu.memory_space<vmem>>
    %dma_wait3A_368 = tpu.memref_squeeze %dma_wait3A_367 : memref<1x64x128xf32, #tpu.memory_space<vmem>> -> memref<64x128xf32, #tpu.memory_space<vmem>>
    %dma_wait3A_369 = arith.constant 0 : i32
    %dma_wait3A_370 = tpu.memref_slice %arg4[%dma_wait3A_364, %add3A_362, %dma_wait3A_369] : memref<50x4096x128xf32, #tpu.memory_space<hbm>> -> memref<1x64x128xf32, #tpu.memory_space<hbm>>
    %dma_wait3A_371 = tpu.memref_squeeze %dma_wait3A_370 : memref<1x64x128xf32, #tpu.memory_space<hbm>> -> memref<64x128xf32, #tpu.memory_space<hbm>>
    %dma_wait3A_372 = arith.constant 0 : i32
    %dma_wait3A_373 = tpu.memref_slice %arg4[%dma_wait3A_364, %add3A_362, %dma_wait3A_372] : memref<50x4096x128xf32, #tpu.memory_space<hbm>> -> memref<1x64x128xf32, #tpu.memory_space<hbm>>
    %dma_wait3A_374 = tpu.memref_squeeze %dma_wait3A_373 : memref<1x64x128xf32, #tpu.memory_space<hbm>> -> memref<64x128xf32, #tpu.memory_space<hbm>>
    %dma_wait3A_375 = arith.constant 0 : i32
    %dma_wait3A_376 = arith.constant 0 : i32
    %dma_wait3A_377 = tpu.memref_slice %arg6[%dma_wait3A_363, %dma_wait3A_375, %dma_wait3A_376] : memref<10x64x128xf32, #tpu.memory_space<vmem>> -> memref<1x64x128xf32, #tpu.memory_space<vmem>>
    %dma_wait3A_378 = tpu.memref_squeeze %dma_wait3A_377 : memref<1x64x128xf32, #tpu.memory_space<vmem>> -> memref<64x128xf32, #tpu.memory_space<vmem>>
    tpu.wait_dma2 semaphore(%arg19 : memref<!tpu.dma_semaphore, #tpu.memory_space<semaphore_mem>>) src(%dma_wait3A_378 : memref<64x128xf32, #tpu.memory_space<vmem>>) dst(%dma_wait3A_374 : memref<64x128xf32, #tpu.memory_space<hbm>>)
    %dma_start3A_379 = arith.constant 6 : i32
    %dma_start3A_380 = arith.constant 2 : i32
    %dma_start3A_381 = arith.constant 0 : i32
    %dma_start3A_382 = arith.constant 0 : i32
    %dma_start3A_383 = tpu.memref_slice %arg6[%dma_start3A_380, %dma_start3A_381, %dma_start3A_382] : memref<10x64x128xf32, #tpu.memory_space<vmem>> -> memref<1x64x128xf32, #tpu.memory_space<vmem>>
    %dma_start3A_384 = tpu.memref_squeeze %dma_start3A_383 : memref<1x64x128xf32, #tpu.memory_space<vmem>> -> memref<64x128xf32, #tpu.memory_space<vmem>>
    %dma_start3A_385 = arith.constant 0 : i32
    %dma_start3A_386 = tpu.memref_slice %arg5[%dma_start3A_379, %dma_start3A_385] : memref<50x128xi32, #tpu.memory_space<vmem>> -> memref<1x64xi32, #tpu.memory_space<vmem>>
    %dma_start3A_387 = tpu.memref_squeeze %dma_start3A_386 : memref<1x64xi32, #tpu.memory_space<vmem>> -> memref<64xi32, #tpu.memory_space<vmem>>
    %dma_start3A_388 = arith.constant 0 : i32
    %dma_start3A_389 = arith.constant 0 : i32
    %dma_start3A_390 = tpu.memref_slice %arg3[%dma_start3A_388, %dma_start3A_389] : memref<100000x128xf32, #tpu.memory_space<hbm>> -> memref<100000x128xf32, #tpu.memory_space<hbm>>
    tpu.enqueue_indirect_dma source(%dma_start3A_390 : memref<100000x128xf32, #tpu.memory_space<hbm>>) target(%dma_start3A_384 : memref<64x128xf32, #tpu.memory_space<vmem>>) offsets(%dma_start3A_387 : memref<64xi32, #tpu.memory_space<vmem>>) semaphore(%arg9 : memref<!tpu.dma_semaphore, #tpu.memory_space<semaphore_mem>>)
    %dma_wait3A_391 = arith.constant 3 : i32
    %dma_wait3A_392 = arith.constant 6 : i32
    %dma_wait3A_393 = arith.constant 0 : i32
    %dma_wait3A_394 = arith.constant 0 : i32
    %dma_wait3A_395 = tpu.memref_slice %arg6[%dma_wait3A_392, %dma_wait3A_393, %dma_wait3A_394] : memref<10x64x128xf32, #tpu.memory_space<vmem>> -> memref<1x64x128xf32, #tpu.memory_space<vmem>>
    %dma_wait3A_396 = tpu.memref_squeeze %dma_wait3A_395 : memref<1x64x128xf32, #tpu.memory_space<vmem>> -> memref<64x128xf32, #tpu.memory_space<vmem>>
    %dma_wait3A_397 = arith.constant 0 : i32
    %dma_wait3A_398 = tpu.memref_slice %arg5[%dma_wait3A_391, %dma_wait3A_397] : memref<50x128xi32, #tpu.memory_space<vmem>> -> memref<1x64xi32, #tpu.memory_space<vmem>>
    %dma_wait3A_399 = tpu.memref_squeeze %dma_wait3A_398 : memref<1x64xi32, #tpu.memory_space<vmem>> -> memref<64xi32, #tpu.memory_space<vmem>>
    %dma_wait3A_400 = arith.constant 0 : i32
    %dma_wait3A_401 = arith.constant 0 : i32
    %dma_wait3A_402 = tpu.memref_slice %arg3[%dma_wait3A_400, %dma_wait3A_401] : memref<100000x128xf32, #tpu.memory_space<hbm>> -> memref<100000x128xf32, #tpu.memory_space<hbm>>
    tpu.wait_indirect_dma semaphore(%arg13 : memref<!tpu.dma_semaphore, #tpu.memory_space<semaphore_mem>>) src(%dma_wait3A_402 : memref<100000x128xf32, #tpu.memory_space<hbm>>) dst(%dma_wait3A_396 : memref<64x128xf32, #tpu.memory_space<vmem>>)
    %add3A_403 = arith.constant 0 : i32
    %add3A_404 = arith.addi %add3A_403, %multiple_of3A : i32
    %dma_start3A_405 = arith.constant 6 : i32
    %dma_start3A_406 = arith.constant 3 : i32
    %dma_start3A_407 = arith.constant 0 : i32
    %dma_start3A_408 = arith.constant 0 : i32
    %dma_start3A_409 = tpu.memref_slice %arg6[%dma_start3A_405, %dma_start3A_407, %dma_start3A_408] : memref<10x64x128xf32, #tpu.memory_space<vmem>> -> memref<1x64x128xf32, #tpu.memory_space<vmem>>
    %dma_start3A_410 = tpu.memref_squeeze %dma_start3A_409 : memref<1x64x128xf32, #tpu.memory_space<vmem>> -> memref<64x128xf32, #tpu.memory_space<vmem>>
    %dma_start3A_411 = arith.constant 0 : i32
    %dma_start3A_412 = tpu.memref_slice %arg4[%dma_start3A_406, %add3A_404, %dma_start3A_411] : memref<50x4096x128xf32, #tpu.memory_space<hbm>> -> memref<1x64x128xf32, #tpu.memory_space<hbm>>
    %dma_start3A_413 = tpu.memref_squeeze %dma_start3A_412 : memref<1x64x128xf32, #tpu.memory_space<hbm>> -> memref<64x128xf32, #tpu.memory_space<hbm>>
    %dma_start3A_414 = arith.constant 0 : i32
    %dma_start3A_415 = tpu.memref_slice %arg4[%dma_start3A_406, %add3A_404, %dma_start3A_414] : memref<50x4096x128xf32, #tpu.memory_space<hbm>> -> memref<1x64x128xf32, #tpu.memory_space<hbm>>
    %dma_start3A_416 = tpu.memref_squeeze %dma_start3A_415 : memref<1x64x128xf32, #tpu.memory_space<hbm>> -> memref<64x128xf32, #tpu.memory_space<hbm>>
    %dma_start3A_417 = arith.constant 0 : i32
    %dma_start3A_418 = arith.constant 0 : i32
    %dma_start3A_419 = tpu.memref_slice %arg6[%dma_start3A_405, %dma_start3A_417, %dma_start3A_418] : memref<10x64x128xf32, #tpu.memory_space<vmem>> -> memref<1x64x128xf32, #tpu.memory_space<vmem>>
    %dma_start3A_420 = tpu.memref_squeeze %dma_start3A_419 : memref<1x64x128xf32, #tpu.memory_space<vmem>> -> memref<64x128xf32, #tpu.memory_space<vmem>>
    tpu.enqueue_dma source(%dma_start3A_420 : memref<64x128xf32, #tpu.memory_space<vmem>>) target(%dma_start3A_416 : memref<64x128xf32, #tpu.memory_space<hbm>>) target_semaphore(%arg23 : memref<!tpu.dma_semaphore, #tpu.memory_space<semaphore_mem>>)
    %add3A_421 = arith.constant 64 : i32
    %add3A_422 = arith.addi %add3A_421, %multiple_of3A : i32
    %dma_wait3A_423 = arith.constant 3 : i32
    %dma_wait3A_424 = arith.constant 1 : i32
    %dma_wait3A_425 = arith.constant 0 : i32
    %dma_wait3A_426 = arith.constant 0 : i32
    %dma_wait3A_427 = tpu.memref_slice %arg6[%dma_wait3A_423, %dma_wait3A_425, %dma_wait3A_426] : memref<10x64x128xf32, #tpu.memory_space<vmem>> -> memref<1x64x128xf32, #tpu.memory_space<vmem>>
    %dma_wait3A_428 = tpu.memref_squeeze %dma_wait3A_427 : memref<1x64x128xf32, #tpu.memory_space<vmem>> -> memref<64x128xf32, #tpu.memory_space<vmem>>
    %dma_wait3A_429 = arith.constant 0 : i32
    %dma_wait3A_430 = tpu.memref_slice %arg4[%dma_wait3A_424, %add3A_422, %dma_wait3A_429] : memref<50x4096x128xf32, #tpu.memory_space<hbm>> -> memref<1x64x128xf32, #tpu.memory_space<hbm>>
    %dma_wait3A_431 = tpu.memref_squeeze %dma_wait3A_430 : memref<1x64x128xf32, #tpu.memory_space<hbm>> -> memref<64x128xf32, #tpu.memory_space<hbm>>
    %dma_wait3A_432 = arith.constant 0 : i32
    %dma_wait3A_433 = tpu.memref_slice %arg4[%dma_wait3A_424, %add3A_422, %dma_wait3A_432] : memref<50x4096x128xf32, #tpu.memory_space<hbm>> -> memref<1x64x128xf32, #tpu.memory_space<hbm>>
    %dma_wait3A_434 = tpu.memref_squeeze %dma_wait3A_433 : memref<1x64x128xf32, #tpu.memory_space<hbm>> -> memref<64x128xf32, #tpu.memory_space<hbm>>
    %dma_wait3A_435 = arith.constant 0 : i32
    %dma_wait3A_436 = arith.constant 0 : i32
    %dma_wait3A_437 = tpu.memref_slice %arg6[%dma_wait3A_423, %dma_wait3A_435, %dma_wait3A_436] : memref<10x64x128xf32, #tpu.memory_space<vmem>> -> memref<1x64x128xf32, #tpu.memory_space<vmem>>
    %dma_wait3A_438 = tpu.memref_squeeze %dma_wait3A_437 : memref<1x64x128xf32, #tpu.memory_space<vmem>> -> memref<64x128xf32, #tpu.memory_space<vmem>>
    tpu.wait_dma2 semaphore(%arg20 : memref<!tpu.dma_semaphore, #tpu.memory_space<semaphore_mem>>) src(%dma_wait3A_438 : memref<64x128xf32, #tpu.memory_space<vmem>>) dst(%dma_wait3A_434 : memref<64x128xf32, #tpu.memory_space<hbm>>)
    %dma_start3A_439 = arith.constant 6 : i32
    %dma_start3A_440 = arith.constant 3 : i32
    %dma_start3A_441 = arith.constant 0 : i32
    %dma_start3A_442 = arith.constant 0 : i32
    %dma_start3A_443 = tpu.memref_slice %arg6[%dma_start3A_440, %dma_start3A_441, %dma_start3A_442] : memref<10x64x128xf32, #tpu.memory_space<vmem>> -> memref<1x64x128xf32, #tpu.memory_space<vmem>>
    %dma_start3A_444 = tpu.memref_squeeze %dma_start3A_443 : memref<1x64x128xf32, #tpu.memory_space<vmem>> -> memref<64x128xf32, #tpu.memory_space<vmem>>
    %dma_start3A_445 = arith.constant 64 : i32
    %dma_start3A_446 = tpu.memref_slice %arg5[%dma_start3A_439, %dma_start3A_445] : memref<50x128xi32, #tpu.memory_space<vmem>> -> memref<1x64xi32, #tpu.memory_space<vmem>>
    %dma_start3A_447 = tpu.memref_squeeze %dma_start3A_446 : memref<1x64xi32, #tpu.memory_space<vmem>> -> memref<64xi32, #tpu.memory_space<vmem>>
    %dma_start3A_448 = arith.constant 0 : i32
    %dma_start3A_449 = arith.constant 0 : i32
    %dma_start3A_450 = tpu.memref_slice %arg3[%dma_start3A_448, %dma_start3A_449] : memref<100000x128xf32, #tpu.memory_space<hbm>> -> memref<100000x128xf32, #tpu.memory_space<hbm>>
    tpu.enqueue_indirect_dma source(%dma_start3A_450 : memref<100000x128xf32, #tpu.memory_space<hbm>>) target(%dma_start3A_444 : memref<64x128xf32, #tpu.memory_space<vmem>>) offsets(%dma_start3A_447 : memref<64xi32, #tpu.memory_space<vmem>>) semaphore(%arg10 : memref<!tpu.dma_semaphore, #tpu.memory_space<semaphore_mem>>)
    %dma_wait3A_451 = arith.constant 3 : i32
    %dma_wait3A_452 = arith.constant 7 : i32
    %dma_wait3A_453 = arith.constant 0 : i32
    %dma_wait3A_454 = arith.constant 0 : i32
    %dma_wait3A_455 = tpu.memref_slice %arg6[%dma_wait3A_452, %dma_wait3A_453, %dma_wait3A_454] : memref<10x64x128xf32, #tpu.memory_space<vmem>> -> memref<1x64x128xf32, #tpu.memory_space<vmem>>
    %dma_wait3A_456 = tpu.memref_squeeze %dma_wait3A_455 : memref<1x64x128xf32, #tpu.memory_space<vmem>> -> memref<64x128xf32, #tpu.memory_space<vmem>>
    %dma_wait3A_457 = arith.constant 64 : i32
    %dma_wait3A_458 = tpu.memref_slice %arg5[%dma_wait3A_451, %dma_wait3A_457] : memref<50x128xi32, #tpu.memory_space<vmem>> -> memref<1x64xi32, #tpu.memory_space<vmem>>
    %dma_wait3A_459 = tpu.memref_squeeze %dma_wait3A_458 : memref<1x64xi32, #tpu.memory_space<vmem>> -> memref<64xi32, #tpu.memory_space<vmem>>
    %dma_wait3A_460 = arith.constant 0 : i32
    %dma_wait3A_461 = arith.constant 0 : i32
    %dma_wait3A_462 = tpu.memref_slice %arg3[%dma_wait3A_460, %dma_wait3A_461] : memref<100000x128xf32, #tpu.memory_space<hbm>> -> memref<100000x128xf32, #tpu.memory_space<hbm>>
    tpu.wait_indirect_dma semaphore(%arg14 : memref<!tpu.dma_semaphore, #tpu.memory_space<semaphore_mem>>) src(%dma_wait3A_462 : memref<100000x128xf32, #tpu.memory_space<hbm>>) dst(%dma_wait3A_456 : memref<64x128xf32, #tpu.memory_space<vmem>>)
    %add3A_463 = arith.constant 64 : i32
    %add3A_464 = arith.addi %add3A_463, %multiple_of3A : i32
    %dma_start3A_465 = arith.constant 7 : i32
    %dma_start3A_466 = arith.constant 3 : i32
    %dma_start3A_467 = arith.constant 0 : i32
    %dma_start3A_468 = arith.constant 0 : i32
    %dma_start3A_469 = tpu.memref_slice %arg6[%dma_start3A_465, %dma_start3A_467, %dma_start3A_468] : memref<10x64x128xf32, #tpu.memory_space<vmem>> -> memref<1x64x128xf32, #tpu.memory_space<vmem>>
    %dma_start3A_470 = tpu.memref_squeeze %dma_start3A_469 : memref<1x64x128xf32, #tpu.memory_space<vmem>> -> memref<64x128xf32, #tpu.memory_space<vmem>>
    %dma_start3A_471 = arith.constant 0 : i32
    %dma_start3A_472 = tpu.memref_slice %arg4[%dma_start3A_466, %add3A_464, %dma_start3A_471] : memref<50x4096x128xf32, #tpu.memory_space<hbm>> -> memref<1x64x128xf32, #tpu.memory_space<hbm>>
    %dma_start3A_473 = tpu.memref_squeeze %dma_start3A_472 : memref<1x64x128xf32, #tpu.memory_space<hbm>> -> memref<64x128xf32, #tpu.memory_space<hbm>>
    %dma_start3A_474 = arith.constant 0 : i32
    %dma_start3A_475 = tpu.memref_slice %arg4[%dma_start3A_466, %add3A_464, %dma_start3A_474] : memref<50x4096x128xf32, #tpu.memory_space<hbm>> -> memref<1x64x128xf32, #tpu.memory_space<hbm>>
    %dma_start3A_476 = tpu.memref_squeeze %dma_start3A_475 : memref<1x64x128xf32, #tpu.memory_space<hbm>> -> memref<64x128xf32, #tpu.memory_space<hbm>>
    %dma_start3A_477 = arith.constant 0 : i32
    %dma_start3A_478 = arith.constant 0 : i32
    %dma_start3A_479 = tpu.memref_slice %arg6[%dma_start3A_465, %dma_start3A_477, %dma_start3A_478] : memref<10x64x128xf32, #tpu.memory_space<vmem>> -> memref<1x64x128xf32, #tpu.memory_space<vmem>>
    %dma_start3A_480 = tpu.memref_squeeze %dma_start3A_479 : memref<1x64x128xf32, #tpu.memory_space<vmem>> -> memref<64x128xf32, #tpu.memory_space<vmem>>
    tpu.enqueue_dma source(%dma_start3A_480 : memref<64x128xf32, #tpu.memory_space<vmem>>) target(%dma_start3A_476 : memref<64x128xf32, #tpu.memory_space<hbm>>) target_semaphore(%arg24 : memref<!tpu.dma_semaphore, #tpu.memory_space<semaphore_mem>>)
    %add3A_481 = arith.constant 0 : i32
    %add3A_482 = arith.addi %add3A_481, %multiple_of3A : i32
    %dma_wait3A_483 = arith.constant 4 : i32
    %dma_wait3A_484 = arith.constant 2 : i32
    %dma_wait3A_485 = arith.constant 0 : i32
    %dma_wait3A_486 = arith.constant 0 : i32
    %dma_wait3A_487 = tpu.memref_slice %arg6[%dma_wait3A_483, %dma_wait3A_485, %dma_wait3A_486] : memref<10x64x128xf32, #tpu.memory_space<vmem>> -> memref<1x64x128xf32, #tpu.memory_space<vmem>>
    %dma_wait3A_488 = tpu.memref_squeeze %dma_wait3A_487 : memref<1x64x128xf32, #tpu.memory_space<vmem>> -> memref<64x128xf32, #tpu.memory_space<vmem>>
    %dma_wait3A_489 = arith.constant 0 : i32
    %dma_wait3A_490 = tpu.memref_slice %arg4[%dma_wait3A_484, %add3A_482, %dma_wait3A_489] : memref<50x4096x128xf32, #tpu.memory_space<hbm>> -> memref<1x64x128xf32, #tpu.memory_space<hbm>>
    %dma_wait3A_491 = tpu.memref_squeeze %dma_wait3A_490 : memref<1x64x128xf32, #tpu.memory_space<hbm>> -> memref<64x128xf32, #tpu.memory_space<hbm>>
    %dma_wait3A_492 = arith.constant 0 : i32
    %dma_wait3A_493 = tpu.memref_slice %arg4[%dma_wait3A_484, %add3A_482, %dma_wait3A_492] : memref<50x4096x128xf32, #tpu.memory_space<hbm>> -> memref<1x64x128xf32, #tpu.memory_space<hbm>>
    %dma_wait3A_494 = tpu.memref_squeeze %dma_wait3A_493 : memref<1x64x128xf32, #tpu.memory_space<hbm>> -> memref<64x128xf32, #tpu.memory_space<hbm>>
    %dma_wait3A_495 = arith.constant 0 : i32
    %dma_wait3A_496 = arith.constant 0 : i32
    %dma_wait3A_497 = tpu.memref_slice %arg6[%dma_wait3A_483, %dma_wait3A_495, %dma_wait3A_496] : memref<10x64x128xf32, #tpu.memory_space<vmem>> -> memref<1x64x128xf32, #tpu.memory_space<vmem>>
    %dma_wait3A_498 = tpu.memref_squeeze %dma_wait3A_497 : memref<1x64x128xf32, #tpu.memory_space<vmem>> -> memref<64x128xf32, #tpu.memory_space<vmem>>
    tpu.wait_dma2 semaphore(%arg21 : memref<!tpu.dma_semaphore, #tpu.memory_space<semaphore_mem>>) src(%dma_wait3A_498 : memref<64x128xf32, #tpu.memory_space<vmem>>) dst(%dma_wait3A_494 : memref<64x128xf32, #tpu.memory_space<hbm>>)
    %dma_start3A_499 = arith.constant 7 : i32
    %dma_start3A_500 = arith.constant 4 : i32
    %dma_start3A_501 = arith.constant 0 : i32
    %dma_start3A_502 = arith.constant 0 : i32
    %dma_start3A_503 = tpu.memref_slice %arg6[%dma_start3A_500, %dma_start3A_501, %dma_start3A_502] : memref<10x64x128xf32, #tpu.memory_space<vmem>> -> memref<1x64x128xf32, #tpu.memory_space<vmem>>
    %dma_start3A_504 = tpu.memref_squeeze %dma_start3A_503 : memref<1x64x128xf32, #tpu.memory_space<vmem>> -> memref<64x128xf32, #tpu.memory_space<vmem>>
    %dma_start3A_505 = arith.constant 0 : i32
    %dma_start3A_506 = tpu.memref_slice %arg5[%dma_start3A_499, %dma_start3A_505] : memref<50x128xi32, #tpu.memory_space<vmem>> -> memref<1x64xi32, #tpu.memory_space<vmem>>
    %dma_start3A_507 = tpu.memref_squeeze %dma_start3A_506 : memref<1x64xi32, #tpu.memory_space<vmem>> -> memref<64xi32, #tpu.memory_space<vmem>>
    %dma_start3A_508 = arith.constant 0 : i32
    %dma_start3A_509 = arith.constant 0 : i32
    %dma_start3A_510 = tpu.memref_slice %arg3[%dma_start3A_508, %dma_start3A_509] : memref<100000x128xf32, #tpu.memory_space<hbm>> -> memref<100000x128xf32, #tpu.memory_space<hbm>>
    tpu.enqueue_indirect_dma source(%dma_start3A_510 : memref<100000x128xf32, #tpu.memory_space<hbm>>) target(%dma_start3A_504 : memref<64x128xf32, #tpu.memory_space<vmem>>) offsets(%dma_start3A_507 : memref<64xi32, #tpu.memory_space<vmem>>) semaphore(%arg11 : memref<!tpu.dma_semaphore, #tpu.memory_space<semaphore_mem>>)
    %dma_wait3A_511 = arith.constant 4 : i32
    %dma_wait3A_512 = arith.constant 8 : i32
    %dma_wait3A_513 = arith.constant 0 : i32
    %dma_wait3A_514 = arith.constant 0 : i32
    %dma_wait3A_515 = tpu.memref_slice %arg6[%dma_wait3A_512, %dma_wait3A_513, %dma_wait3A_514] : memref<10x64x128xf32, #tpu.memory_space<vmem>> -> memref<1x64x128xf32, #tpu.memory_space<vmem>>
    %dma_wait3A_516 = tpu.memref_squeeze %dma_wait3A_515 : memref<1x64x128xf32, #tpu.memory_space<vmem>> -> memref<64x128xf32, #tpu.memory_space<vmem>>
    %dma_wait3A_517 = arith.constant 0 : i32
    %dma_wait3A_518 = tpu.memref_slice %arg5[%dma_wait3A_511, %dma_wait3A_517] : memref<50x128xi32, #tpu.memory_space<vmem>> -> memref<1x64xi32, #tpu.memory_space<vmem>>
    %dma_wait3A_519 = tpu.memref_squeeze %dma_wait3A_518 : memref<1x64xi32, #tpu.memory_space<vmem>> -> memref<64xi32, #tpu.memory_space<vmem>>
    %dma_wait3A_520 = arith.constant 0 : i32
    %dma_wait3A_521 = arith.constant 0 : i32
    %dma_wait3A_522 = tpu.memref_slice %arg3[%dma_wait3A_520, %dma_wait3A_521] : memref<100000x128xf32, #tpu.memory_space<hbm>> -> memref<100000x128xf32, #tpu.memory_space<hbm>>
    tpu.wait_indirect_dma semaphore(%arg15 : memref<!tpu.dma_semaphore, #tpu.memory_space<semaphore_mem>>) src(%dma_wait3A_522 : memref<100000x128xf32, #tpu.memory_space<hbm>>) dst(%dma_wait3A_516 : memref<64x128xf32, #tpu.memory_space<vmem>>)
    %add3A_523 = arith.constant 0 : i32
    %add3A_524 = arith.addi %add3A_523, %multiple_of3A : i32
    %dma_start3A_525 = arith.constant 8 : i32
    %dma_start3A_526 = arith.constant 4 : i32
    %dma_start3A_527 = arith.constant 0 : i32
    %dma_start3A_528 = arith.constant 0 : i32
    %dma_start3A_529 = tpu.memref_slice %arg6[%dma_start3A_525, %dma_start3A_527, %dma_start3A_528] : memref<10x64x128xf32, #tpu.memory_space<vmem>> -> memref<1x64x128xf32, #tpu.memory_space<vmem>>
    %dma_start3A_530 = tpu.memref_squeeze %dma_start3A_529 : memref<1x64x128xf32, #tpu.memory_space<vmem>> -> memref<64x128xf32, #tpu.memory_space<vmem>>
    %dma_start3A_531 = arith.constant 0 : i32
    %dma_start3A_532 = tpu.memref_slice %arg4[%dma_start3A_526, %add3A_524, %dma_start3A_531] : memref<50x4096x128xf32, #tpu.memory_space<hbm>> -> memref<1x64x128xf32, #tpu.memory_space<hbm>>
    %dma_start3A_533 = tpu.memref_squeeze %dma_start3A_532 : memref<1x64x128xf32, #tpu.memory_space<hbm>> -> memref<64x128xf32, #tpu.memory_space<hbm>>
    %dma_start3A_534 = arith.constant 0 : i32
    %dma_start3A_535 = tpu.memref_slice %arg4[%dma_start3A_526, %add3A_524, %dma_start3A_534] : memref<50x4096x128xf32, #tpu.memory_space<hbm>> -> memref<1x64x128xf32, #tpu.memory_space<hbm>>
    %dma_start3A_536 = tpu.memref_squeeze %dma_start3A_535 : memref<1x64x128xf32, #tpu.memory_space<hbm>> -> memref<64x128xf32, #tpu.memory_space<hbm>>
    %dma_start3A_537 = arith.constant 0 : i32
    %dma_start3A_538 = arith.constant 0 : i32
    %dma_start3A_539 = tpu.memref_slice %arg6[%dma_start3A_525, %dma_start3A_537, %dma_start3A_538] : memref<10x64x128xf32, #tpu.memory_space<vmem>> -> memref<1x64x128xf32, #tpu.memory_space<vmem>>
    %dma_start3A_540 = tpu.memref_squeeze %dma_start3A_539 : memref<1x64x128xf32, #tpu.memory_space<vmem>> -> memref<64x128xf32, #tpu.memory_space<vmem>>
    tpu.enqueue_dma source(%dma_start3A_540 : memref<64x128xf32, #tpu.memory_space<vmem>>) target(%dma_start3A_536 : memref<64x128xf32, #tpu.memory_space<hbm>>) target_semaphore(%arg25 : memref<!tpu.dma_semaphore, #tpu.memory_space<semaphore_mem>>)
    %add3A_541 = arith.constant 64 : i32
    %add3A_542 = arith.addi %add3A_541, %multiple_of3A : i32
    %dma_wait3A_543 = arith.constant 5 : i32
    %dma_wait3A_544 = arith.constant 2 : i32
    %dma_wait3A_545 = arith.constant 0 : i32
    %dma_wait3A_546 = arith.constant 0 : i32
    %dma_wait3A_547 = tpu.memref_slice %arg6[%dma_wait3A_543, %dma_wait3A_545, %dma_wait3A_546] : memref<10x64x128xf32, #tpu.memory_space<vmem>> -> memref<1x64x128xf32, #tpu.memory_space<vmem>>
    %dma_wait3A_548 = tpu.memref_squeeze %dma_wait3A_547 : memref<1x64x128xf32, #tpu.memory_space<vmem>> -> memref<64x128xf32, #tpu.memory_space<vmem>>
    %dma_wait3A_549 = arith.constant 0 : i32
    %dma_wait3A_550 = tpu.memref_slice %arg4[%dma_wait3A_544, %add3A_542, %dma_wait3A_549] : memref<50x4096x128xf32, #tpu.memory_space<hbm>> -> memref<1x64x128xf32, #tpu.memory_space<hbm>>
    %dma_wait3A_551 = tpu.memref_squeeze %dma_wait3A_550 : memref<1x64x128xf32, #tpu.memory_space<hbm>> -> memref<64x128xf32, #tpu.memory_space<hbm>>
    %dma_wait3A_552 = arith.constant 0 : i32
    %dma_wait3A_553 = tpu.memref_slice %arg4[%dma_wait3A_544, %add3A_542, %dma_wait3A_552] : memref<50x4096x128xf32, #tpu.memory_space<hbm>> -> memref<1x64x128xf32, #tpu.memory_space<hbm>>
    %dma_wait3A_554 = tpu.memref_squeeze %dma_wait3A_553 : memref<1x64x128xf32, #tpu.memory_space<hbm>> -> memref<64x128xf32, #tpu.memory_space<hbm>>
    %dma_wait3A_555 = arith.constant 0 : i32
    %dma_wait3A_556 = arith.constant 0 : i32
    %dma_wait3A_557 = tpu.memref_slice %arg6[%dma_wait3A_543, %dma_wait3A_555, %dma_wait3A_556] : memref<10x64x128xf32, #tpu.memory_space<vmem>> -> memref<1x64x128xf32, #tpu.memory_space<vmem>>
    %dma_wait3A_558 = tpu.memref_squeeze %dma_wait3A_557 : memref<1x64x128xf32, #tpu.memory_space<vmem>> -> memref<64x128xf32, #tpu.memory_space<vmem>>
    tpu.wait_dma2 semaphore(%arg22 : memref<!tpu.dma_semaphore, #tpu.memory_space<semaphore_mem>>) src(%dma_wait3A_558 : memref<64x128xf32, #tpu.memory_space<vmem>>) dst(%dma_wait3A_554 : memref<64x128xf32, #tpu.memory_space<hbm>>)
    %dma_start3A_559 = arith.constant 7 : i32
    %dma_start3A_560 = arith.constant 5 : i32
    %dma_start3A_561 = arith.constant 0 : i32
    %dma_start3A_562 = arith.constant 0 : i32
    %dma_start3A_563 = tpu.memref_slice %arg6[%dma_start3A_560, %dma_start3A_561, %dma_start3A_562] : memref<10x64x128xf32, #tpu.memory_space<vmem>> -> memref<1x64x128xf32, #tpu.memory_space<vmem>>
    %dma_start3A_564 = tpu.memref_squeeze %dma_start3A_563 : memref<1x64x128xf32, #tpu.memory_space<vmem>> -> memref<64x128xf32, #tpu.memory_space<vmem>>
    %dma_start3A_565 = arith.constant 64 : i32
    %dma_start3A_566 = tpu.memref_slice %arg5[%dma_start3A_559, %dma_start3A_565] : memref<50x128xi32, #tpu.memory_space<vmem>> -> memref<1x64xi32, #tpu.memory_space<vmem>>
    %dma_start3A_567 = tpu.memref_squeeze %dma_start3A_566 : memref<1x64xi32, #tpu.memory_space<vmem>> -> memref<64xi32, #tpu.memory_space<vmem>>
    %dma_start3A_568 = arith.constant 0 : i32
    %dma_start3A_569 = arith.constant 0 : i32
    %dma_start3A_570 = tpu.memref_slice %arg3[%dma_start3A_568, %dma_start3A_569] : memref<100000x128xf32, #tpu.memory_space<hbm>> -> memref<100000x128xf32, #tpu.memory_space<hbm>>
    tpu.enqueue_indirect_dma source(%dma_start3A_570 : memref<100000x128xf32, #tpu.memory_space<hbm>>) target(%dma_start3A_564 : memref<64x128xf32, #tpu.memory_space<vmem>>) offsets(%dma_start3A_567 : memref<64xi32, #tpu.memory_space<vmem>>) semaphore(%arg12 : memref<!tpu.dma_semaphore, #tpu.memory_space<semaphore_mem>>)
    %dma_wait3A_571 = arith.constant 4 : i32
    %dma_wait3A_572 = arith.constant 9 : i32
    %dma_wait3A_573 = arith.constant 0 : i32
    %dma_wait3A_574 = arith.constant 0 : i32
    %dma_wait3A_575 = tpu.memref_slice %arg6[%dma_wait3A_572, %dma_wait3A_573, %dma_wait3A_574] : memref<10x64x128xf32, #tpu.memory_space<vmem>> -> memref<1x64x128xf32, #tpu.memory_space<vmem>>
    %dma_wait3A_576 = tpu.memref_squeeze %dma_wait3A_575 : memref<1x64x128xf32, #tpu.memory_space<vmem>> -> memref<64x128xf32, #tpu.memory_space<vmem>>
    %dma_wait3A_577 = arith.constant 64 : i32
    %dma_wait3A_578 = tpu.memref_slice %arg5[%dma_wait3A_571, %dma_wait3A_577] : memref<50x128xi32, #tpu.memory_space<vmem>> -> memref<1x64xi32, #tpu.memory_space<vmem>>
    %dma_wait3A_579 = tpu.memref_squeeze %dma_wait3A_578 : memref<1x64xi32, #tpu.memory_space<vmem>> -> memref<64xi32, #tpu.memory_space<vmem>>
    %dma_wait3A_580 = arith.constant 0 : i32
    %dma_wait3A_581 = arith.constant 0 : i32
    %dma_wait3A_582 = tpu.memref_slice %arg3[%dma_wait3A_580, %dma_wait3A_581] : memref<100000x128xf32, #tpu.memory_space<hbm>> -> memref<100000x128xf32, #tpu.memory_space<hbm>>
    tpu.wait_indirect_dma semaphore(%arg16 : memref<!tpu.dma_semaphore, #tpu.memory_space<semaphore_mem>>) src(%dma_wait3A_582 : memref<100000x128xf32, #tpu.memory_space<hbm>>) dst(%dma_wait3A_576 : memref<64x128xf32, #tpu.memory_space<vmem>>)
    %add3A_583 = arith.constant 64 : i32
    %add3A_584 = arith.addi %add3A_583, %multiple_of3A : i32
    %dma_start3A_585 = arith.constant 9 : i32
    %dma_start3A_586 = arith.constant 4 : i32
    %dma_start3A_587 = arith.constant 0 : i32
    %dma_start3A_588 = arith.constant 0 : i32
    %dma_start3A_589 = tpu.memref_slice %arg6[%dma_start3A_585, %dma_start3A_587, %dma_start3A_588] : memref<10x64x128xf32, #tpu.memory_space<vmem>> -> memref<1x64x128xf32, #tpu.memory_space<vmem>>
    %dma_start3A_590 = tpu.memref_squeeze %dma_start3A_589 : memref<1x64x128xf32, #tpu.memory_space<vmem>> -> memref<64x128xf32, #tpu.memory_space<vmem>>
    %dma_start3A_591 = arith.constant 0 : i32
    %dma_start3A_592 = tpu.memref_slice %arg4[%dma_start3A_586, %add3A_584, %dma_start3A_591] : memref<50x4096x128xf32, #tpu.memory_space<hbm>> -> memref<1x64x128xf32, #tpu.memory_space<hbm>>
    %dma_start3A_593 = tpu.memref_squeeze %dma_start3A_592 : memref<1x64x128xf32, #tpu.memory_space<hbm>> -> memref<64x128xf32, #tpu.memory_space<hbm>>
    %dma_start3A_594 = arith.constant 0 : i32
    %dma_start3A_595 = tpu.memref_slice %arg4[%dma_start3A_586, %add3A_584, %dma_start3A_594] : memref<50x4096x128xf32, #tpu.memory_space<hbm>> -> memref<1x64x128xf32, #tpu.memory_space<hbm>>
    %dma_start3A_596 = tpu.memref_squeeze %dma_start3A_595 : memref<1x64x128xf32, #tpu.memory_space<hbm>> -> memref<64x128xf32, #tpu.memory_space<hbm>>
    %dma_start3A_597 = arith.constant 0 : i32
    %dma_start3A_598 = arith.constant 0 : i32
    %dma_start3A_599 = tpu.memref_slice %arg6[%dma_start3A_585, %dma_start3A_597, %dma_start3A_598] : memref<10x64x128xf32, #tpu.memory_space<vmem>> -> memref<1x64x128xf32, #tpu.memory_space<vmem>>
    %dma_start3A_600 = tpu.memref_squeeze %dma_start3A_599 : memref<1x64x128xf32, #tpu.memory_space<vmem>> -> memref<64x128xf32, #tpu.memory_space<vmem>>
    tpu.enqueue_dma source(%dma_start3A_600 : memref<64x128xf32, #tpu.memory_space<vmem>>) target(%dma_start3A_596 : memref<64x128xf32, #tpu.memory_space<hbm>>) target_semaphore(%arg26 : memref<!tpu.dma_semaphore, #tpu.memory_space<semaphore_mem>>)
    %add3A_601 = arith.constant 0 : i32
    %add3A_602 = arith.addi %add3A_601, %multiple_of3A : i32
    %dma_wait3A_603 = arith.constant 6 : i32
    %dma_wait3A_604 = arith.constant 3 : i32
    %dma_wait3A_605 = arith.constant 0 : i32
    %dma_wait3A_606 = arith.constant 0 : i32
    %dma_wait3A_607 = tpu.memref_slice %arg6[%dma_wait3A_603, %dma_wait3A_605, %dma_wait3A_606] : memref<10x64x128xf32, #tpu.memory_space<vmem>> -> memref<1x64x128xf32, #tpu.memory_space<vmem>>
    %dma_wait3A_608 = tpu.memref_squeeze %dma_wait3A_607 : memref<1x64x128xf32, #tpu.memory_space<vmem>> -> memref<64x128xf32, #tpu.memory_space<vmem>>
    %dma_wait3A_609 = arith.constant 0 : i32
    %dma_wait3A_610 = tpu.memref_slice %arg4[%dma_wait3A_604, %add3A_602, %dma_wait3A_609] : memref<50x4096x128xf32, #tpu.memory_space<hbm>> -> memref<1x64x128xf32, #tpu.memory_space<hbm>>
    %dma_wait3A_611 = tpu.memref_squeeze %dma_wait3A_610 : memref<1x64x128xf32, #tpu.memory_space<hbm>> -> memref<64x128xf32, #tpu.memory_space<hbm>>
    %dma_wait3A_612 = arith.constant 0 : i32
    %dma_wait3A_613 = tpu.memref_slice %arg4[%dma_wait3A_604, %add3A_602, %dma_wait3A_612] : memref<50x4096x128xf32, #tpu.memory_space<hbm>> -> memref<1x64x128xf32, #tpu.memory_space<hbm>>
    %dma_wait3A_614 = tpu.memref_squeeze %dma_wait3A_613 : memref<1x64x128xf32, #tpu.memory_space<hbm>> -> memref<64x128xf32, #tpu.memory_space<hbm>>
    %dma_wait3A_615 = arith.constant 0 : i32
    %dma_wait3A_616 = arith.constant 0 : i32
    %dma_wait3A_617 = tpu.memref_slice %arg6[%dma_wait3A_603, %dma_wait3A_615, %dma_wait3A_616] : memref<10x64x128xf32, #tpu.memory_space<vmem>> -> memref<1x64x128xf32, #tpu.memory_space<vmem>>
    %dma_wait3A_618 = tpu.memref_squeeze %dma_wait3A_617 : memref<1x64x128xf32, #tpu.memory_space<vmem>> -> memref<64x128xf32, #tpu.memory_space<vmem>>
    tpu.wait_dma2 semaphore(%arg23 : memref<!tpu.dma_semaphore, #tpu.memory_space<semaphore_mem>>) src(%dma_wait3A_618 : memref<64x128xf32, #tpu.memory_space<vmem>>) dst(%dma_wait3A_614 : memref<64x128xf32, #tpu.memory_space<hbm>>)
    %dma_start3A_619 = arith.constant 8 : i32
    %dma_start3A_620 = arith.constant 6 : i32
    %dma_start3A_621 = arith.constant 0 : i32
    %dma_start3A_622 = arith.constant 0 : i32
    %dma_start3A_623 = tpu.memref_slice %arg6[%dma_start3A_620, %dma_start3A_621, %dma_start3A_622] : memref<10x64x128xf32, #tpu.memory_space<vmem>> -> memref<1x64x128xf32, #tpu.memory_space<vmem>>
    %dma_start3A_624 = tpu.memref_squeeze %dma_start3A_623 : memref<1x64x128xf32, #tpu.memory_space<vmem>> -> memref<64x128xf32, #tpu.memory_space<vmem>>
    %dma_start3A_625 = arith.constant 0 : i32
    %dma_start3A_626 = tpu.memref_slice %arg5[%dma_start3A_619, %dma_start3A_625] : memref<50x128xi32, #tpu.memory_space<vmem>> -> memref<1x64xi32, #tpu.memory_space<vmem>>
    %dma_start3A_627 = tpu.memref_squeeze %dma_start3A_626 : memref<1x64xi32, #tpu.memory_space<vmem>> -> memref<64xi32, #tpu.memory_space<vmem>>
    %dma_start3A_628 = arith.constant 0 : i32
    %dma_start3A_629 = arith.constant 0 : i32
    %dma_start3A_630 = tpu.memref_slice %arg3[%dma_start3A_628, %dma_start3A_629] : memref<100000x128xf32, #tpu.memory_space<hbm>> -> memref<100000x128xf32, #tpu.memory_space<hbm>>
    tpu.enqueue_indirect_dma source(%dma_start3A_630 : memref<100000x128xf32, #tpu.memory_space<hbm>>) target(%dma_start3A_624 : memref<64x128xf32, #tpu.memory_space<vmem>>) offsets(%dma_start3A_627 : memref<64xi32, #tpu.memory_space<vmem>>) semaphore(%arg13 : memref<!tpu.dma_semaphore, #tpu.memory_space<semaphore_mem>>)
    %scan3A = arith.constant 0 : i32
    %scan3A_631 = arith.constant 1 : i32
    %scan3A_632 = arith.constant 8 : i32
    %scan3A_633 = arith.addi %scan3A_631, %scan3A_632 : i32
    %scan3A_634 = arith.constant 1 : i32
    scf.for %scan3A_1206 = %scan3A_631 to %scan3A_633 step %scan3A_634  : i32 {
      %mul3A_1207 = arith.constant 10 : i32
      %mul3A_1208 = arith.muli %scan3A_1206, %mul3A_1207 : i32
      %add3A_1209 = arith.constant 0 : i32
      %add3A_1210 = arith.addi %mul3A_1208, %add3A_1209 : i32
      %jit3A = arith.constant 2 : i32
      %div3A = arith.divsi %add3A_1210, %jit3A : i32
      %sign3A = arith.constant 0 : i32
      %sign3A_1211 = arith.cmpi sgt, %add3A_1210, %sign3A : i32
      %sign3A_1212 = arith.extui %sign3A_1211 : i1 to i32
      %sign3A_1213 = arith.constant 0 : i32
      %sign3A_1214 = arith.cmpi slt, %add3A_1210, %sign3A_1213 : i32
      %sign3A_1215 = arith.extui %sign3A_1214 : i1 to i32
      %sign3A_1216 = arith.subi %sign3A_1212, %sign3A_1215 : i32
      %sign3A_1217 = arith.constant 0 : i32
      %sign3A_1218 = arith.cmpi sgt, %jit3A, %sign3A_1217 : i32
      %sign3A_1219 = arith.extui %sign3A_1218 : i1 to i32
      %sign3A_1220 = arith.constant 0 : i32
      %sign3A_1221 = arith.cmpi slt, %jit3A, %sign3A_1220 : i32
      %sign3A_1222 = arith.extui %sign3A_1221 : i1 to i32
      %sign3A_1223 = arith.subi %sign3A_1219, %sign3A_1222 : i32
      %ne3A = arith.cmpi ne, %sign3A_1216, %sign3A_1223 : i32
      %rem3A = arith.remsi %add3A_1210, %jit3A : i32
      %ne3A_1224 = arith.constant 0 : i32
      %ne3A_1225 = arith.cmpi ne, %rem3A, %ne3A_1224 : i32
      %and3A = arith.andi %ne3A, %ne3A_1225 : i1
      %sub3A = arith.constant 1 : i32
      %sub3A_1226 = arith.subi %div3A, %sub3A : i32
      %select_n3A = arith.select %and3A, %sub3A_1226, %div3A : i32
      %jit3A_1227 = arith.constant 2 : i32
      %eq3A = arith.constant 0 : i32
      %eq3A_1228 = arith.cmpi eq, %jit3A_1227, %eq3A : i32
      %jit3A_1229 = arith.constant 1 : i32
      %select_n3A_1230 = arith.select %eq3A_1228, %jit3A_1229, %jit3A_1227 : i32
      %rem3A_1231 = arith.remsi %add3A_1210, %select_n3A_1230 : i32
      %ne3A_1232 = arith.constant 0 : i32
      %ne3A_1233 = arith.cmpi ne, %rem3A_1231, %ne3A_1232 : i32
      %lt3A = arith.constant 0 : i32
      %lt3A_1234 = arith.cmpi slt, %rem3A_1231, %lt3A : i32
      %lt3A_1235 = arith.constant 0 : i32
      %lt3A_1236 = arith.cmpi slt, %select_n3A_1230, %lt3A_1235 : i32
      %ne3A_1237 = arith.xori %lt3A_1234, %lt3A_1236 : i1
      %and3A_1238 = arith.andi %ne3A_1237, %ne3A_1233 : i1
      %add3A_1239 = arith.addi %rem3A_1231, %select_n3A_1230 : i32
      %select_n3A_1240 = arith.select %and3A_1238, %add3A_1239, %rem3A_1231 : i32
      %mul3A_1241 = arith.constant 64 : i32
      %mul3A_1242 = arith.muli %select_n3A_1240, %mul3A_1241 : i32
      %multiple_of3A_1243 = tpu.assume_multiple %mul3A_1242, 64 : i32
      %dma_wait3A_1244 = arith.constant 0 : i32
      %dma_wait3A_1245 = arith.constant 0 : i32
      %dma_wait3A_1246 = arith.constant 0 : i32
      %dma_wait3A_1247 = tpu.memref_slice %arg6[%dma_wait3A_1244, %dma_wait3A_1245, %dma_wait3A_1246] : memref<10x64x128xf32, #tpu.memory_space<vmem>> -> memref<1x64x128xf32, #tpu.memory_space<vmem>>
      %dma_wait3A_1248 = tpu.memref_squeeze %dma_wait3A_1247 : memref<1x64x128xf32, #tpu.memory_space<vmem>> -> memref<64x128xf32, #tpu.memory_space<vmem>>
      %dma_wait3A_1249 = tpu.memref_slice %arg5[%select_n3A, %multiple_of3A_1243] : memref<50x128xi32, #tpu.memory_space<vmem>> -> memref<1x64xi32, #tpu.memory_space<vmem>>
      %dma_wait3A_1250 = tpu.memref_squeeze %dma_wait3A_1249 : memref<1x64xi32, #tpu.memory_space<vmem>> -> memref<64xi32, #tpu.memory_space<vmem>>
      %dma_wait3A_1251 = arith.constant 0 : i32
      %dma_wait3A_1252 = arith.constant 0 : i32
      %dma_wait3A_1253 = tpu.memref_slice %arg3[%dma_wait3A_1251, %dma_wait3A_1252] : memref<100000x128xf32, #tpu.memory_space<hbm>> -> memref<100000x128xf32, #tpu.memory_space<hbm>>
      tpu.wait_indirect_dma semaphore(%arg7 : memref<!tpu.dma_semaphore, #tpu.memory_space<semaphore_mem>>) src(%dma_wait3A_1253 : memref<100000x128xf32, #tpu.memory_space<hbm>>) dst(%dma_wait3A_1248 : memref<64x128xf32, #tpu.memory_space<vmem>>)
      %jit3A_1254 = arith.constant 2 : i32
      %div3A_1255 = arith.divsi %add3A_1210, %jit3A_1254 : i32
      %sign3A_1256 = arith.constant 0 : i32
      %sign3A_1257 = arith.cmpi sgt, %add3A_1210, %sign3A_1256 : i32
      %sign3A_1258 = arith.extui %sign3A_1257 : i1 to i32
      %sign3A_1259 = arith.constant 0 : i32
      %sign3A_1260 = arith.cmpi slt, %add3A_1210, %sign3A_1259 : i32
      %sign3A_1261 = arith.extui %sign3A_1260 : i1 to i32
      %sign3A_1262 = arith.subi %sign3A_1258, %sign3A_1261 : i32
      %sign3A_1263 = arith.constant 0 : i32
      %sign3A_1264 = arith.cmpi sgt, %jit3A_1254, %sign3A_1263 : i32
      %sign3A_1265 = arith.extui %sign3A_1264 : i1 to i32
      %sign3A_1266 = arith.constant 0 : i32
      %sign3A_1267 = arith.cmpi slt, %jit3A_1254, %sign3A_1266 : i32
      %sign3A_1268 = arith.extui %sign3A_1267 : i1 to i32
      %sign3A_1269 = arith.subi %sign3A_1265, %sign3A_1268 : i32
      %ne3A_1270 = arith.cmpi ne, %sign3A_1262, %sign3A_1269 : i32
      %rem3A_1271 = arith.remsi %add3A_1210, %jit3A_1254 : i32
      %ne3A_1272 = arith.constant 0 : i32
      %ne3A_1273 = arith.cmpi ne, %rem3A_1271, %ne3A_1272 : i32
      %and3A_1274 = arith.andi %ne3A_1270, %ne3A_1273 : i1
      %sub3A_1275 = arith.constant 1 : i32
      %sub3A_1276 = arith.subi %div3A_1255, %sub3A_1275 : i32
      %select_n3A_1277 = arith.select %and3A_1274, %sub3A_1276, %div3A_1255 : i32
      %jit3A_1278 = arith.constant 2 : i32
      %eq3A_1279 = arith.constant 0 : i32
      %eq3A_1280 = arith.cmpi eq, %jit3A_1278, %eq3A_1279 : i32
      %jit3A_1281 = arith.constant 1 : i32
      %select_n3A_1282 = arith.select %eq3A_1280, %jit3A_1281, %jit3A_1278 : i32
      %rem3A_1283 = arith.remsi %add3A_1210, %select_n3A_1282 : i32
      %ne3A_1284 = arith.constant 0 : i32
      %ne3A_1285 = arith.cmpi ne, %rem3A_1283, %ne3A_1284 : i32
      %lt3A_1286 = arith.constant 0 : i32
      %lt3A_1287 = arith.cmpi slt, %rem3A_1283, %lt3A_1286 : i32
      %lt3A_1288 = arith.constant 0 : i32
      %lt3A_1289 = arith.cmpi slt, %select_n3A_1282, %lt3A_1288 : i32
      %ne3A_1290 = arith.xori %lt3A_1287, %lt3A_1289 : i1
      %and3A_1291 = arith.andi %ne3A_1290, %ne3A_1285 : i1
      %add3A_1292 = arith.addi %rem3A_1283, %select_n3A_1282 : i32
      %select_n3A_1293 = arith.select %and3A_1291, %add3A_1292, %rem3A_1283 : i32
      %mul3A_1294 = arith.constant 64 : i32
      %mul3A_1295 = arith.muli %select_n3A_1293, %mul3A_1294 : i32
      %multiple_of3A_1296 = tpu.assume_multiple %mul3A_1295, 64 : i32
      %add3A_1297 = arith.addi %multiple_of3A_1296, %multiple_of3A : i32
      %multiple_of3A_1298 = tpu.assume_multiple %add3A_1297, 64 : i32
      %dma_start3A_1299 = arith.constant 0 : i32
      %dma_start3A_1300 = arith.constant 0 : i32
      %dma_start3A_1301 = arith.constant 0 : i32
      %dma_start3A_1302 = tpu.memref_slice %arg6[%dma_start3A_1299, %dma_start3A_1300, %dma_start3A_1301] : memref<10x64x128xf32, #tpu.memory_space<vmem>> -> memref<1x64x128xf32, #tpu.memory_space<vmem>>
      %dma_start3A_1303 = tpu.memref_squeeze %dma_start3A_1302 : memref<1x64x128xf32, #tpu.memory_space<vmem>> -> memref<64x128xf32, #tpu.memory_space<vmem>>
      %dma_start3A_1304 = arith.constant 0 : i32
      %dma_start3A_1305 = tpu.memref_slice %arg4[%select_n3A_1277, %multiple_of3A_1298, %dma_start3A_1304] : memref<50x4096x128xf32, #tpu.memory_space<hbm>> -> memref<1x64x128xf32, #tpu.memory_space<hbm>>
      %dma_start3A_1306 = tpu.memref_squeeze %dma_start3A_1305 : memref<1x64x128xf32, #tpu.memory_space<hbm>> -> memref<64x128xf32, #tpu.memory_space<hbm>>
      %dma_start3A_1307 = arith.constant 0 : i32
      %dma_start3A_1308 = tpu.memref_slice %arg4[%select_n3A_1277, %multiple_of3A_1298, %dma_start3A_1307] : memref<50x4096x128xf32, #tpu.memory_space<hbm>> -> memref<1x64x128xf32, #tpu.memory_space<hbm>>
      %dma_start3A_1309 = tpu.memref_squeeze %dma_start3A_1308 : memref<1x64x128xf32, #tpu.memory_space<hbm>> -> memref<64x128xf32, #tpu.memory_space<hbm>>
      %dma_start3A_1310 = arith.constant 0 : i32
      %dma_start3A_1311 = arith.constant 0 : i32
      %dma_start3A_1312 = tpu.memref_slice %arg6[%dma_start3A_1299, %dma_start3A_1310, %dma_start3A_1311] : memref<10x64x128xf32, #tpu.memory_space<vmem>> -> memref<1x64x128xf32, #tpu.memory_space<vmem>>
      %dma_start3A_1313 = tpu.memref_squeeze %dma_start3A_1312 : memref<1x64x128xf32, #tpu.memory_space<vmem>> -> memref<64x128xf32, #tpu.memory_space<vmem>>
      tpu.enqueue_dma source(%dma_start3A_1313 : memref<64x128xf32, #tpu.memory_space<vmem>>) target(%dma_start3A_1309 : memref<64x128xf32, #tpu.memory_space<hbm>>) target_semaphore(%arg17 : memref<!tpu.dma_semaphore, #tpu.memory_space<semaphore_mem>>)
      %add3A_1314 = arith.constant 7 : i32
      %add3A_1315 = arith.addi %add3A_1210, %add3A_1314 : i32
      %sub3A_1316 = arith.constant 10 : i32
      %sub3A_1317 = arith.subi %add3A_1315, %sub3A_1316 : i32
      %jit3A_1318 = arith.constant 2 : i32
      %div3A_1319 = arith.divsi %sub3A_1317, %jit3A_1318 : i32
      %sign3A_1320 = arith.constant 0 : i32
      %sign3A_1321 = arith.cmpi sgt, %sub3A_1317, %sign3A_1320 : i32
      %sign3A_1322 = arith.extui %sign3A_1321 : i1 to i32
      %sign3A_1323 = arith.constant 0 : i32
      %sign3A_1324 = arith.cmpi slt, %sub3A_1317, %sign3A_1323 : i32
      %sign3A_1325 = arith.extui %sign3A_1324 : i1 to i32
      %sign3A_1326 = arith.subi %sign3A_1322, %sign3A_1325 : i32
      %sign3A_1327 = arith.constant 0 : i32
      %sign3A_1328 = arith.cmpi sgt, %jit3A_1318, %sign3A_1327 : i32
      %sign3A_1329 = arith.extui %sign3A_1328 : i1 to i32
      %sign3A_1330 = arith.constant 0 : i32
      %sign3A_1331 = arith.cmpi slt, %jit3A_1318, %sign3A_1330 : i32
      %sign3A_1332 = arith.extui %sign3A_1331 : i1 to i32
      %sign3A_1333 = arith.subi %sign3A_1329, %sign3A_1332 : i32
      %ne3A_1334 = arith.cmpi ne, %sign3A_1326, %sign3A_1333 : i32
      %rem3A_1335 = arith.remsi %sub3A_1317, %jit3A_1318 : i32
      %ne3A_1336 = arith.constant 0 : i32
      %ne3A_1337 = arith.cmpi ne, %rem3A_1335, %ne3A_1336 : i32
      %and3A_1338 = arith.andi %ne3A_1334, %ne3A_1337 : i1
      %sub3A_1339 = arith.constant 1 : i32
      %sub3A_1340 = arith.subi %div3A_1319, %sub3A_1339 : i32
      %select_n3A_1341 = arith.select %and3A_1338, %sub3A_1340, %div3A_1319 : i32
      %jit3A_1342 = arith.constant 2 : i32
      %eq3A_1343 = arith.constant 0 : i32
      %eq3A_1344 = arith.cmpi eq, %jit3A_1342, %eq3A_1343 : i32
      %jit3A_1345 = arith.constant 1 : i32
      %select_n3A_1346 = arith.select %eq3A_1344, %jit3A_1345, %jit3A_1342 : i32
      %rem3A_1347 = arith.remsi %sub3A_1317, %select_n3A_1346 : i32
      %ne3A_1348 = arith.constant 0 : i32
      %ne3A_1349 = arith.cmpi ne, %rem3A_1347, %ne3A_1348 : i32
      %lt3A_1350 = arith.constant 0 : i32
      %lt3A_1351 = arith.cmpi slt, %rem3A_1347, %lt3A_1350 : i32
      %lt3A_1352 = arith.constant 0 : i32
      %lt3A_1353 = arith.cmpi slt, %select_n3A_1346, %lt3A_1352 : i32
      %ne3A_1354 = arith.xori %lt3A_1351, %lt3A_1353 : i1
      %and3A_1355 = arith.andi %ne3A_1354, %ne3A_1349 : i1
      %add3A_1356 = arith.addi %rem3A_1347, %select_n3A_1346 : i32
      %select_n3A_1357 = arith.select %and3A_1355, %add3A_1356, %rem3A_1347 : i32
      %mul3A_1358 = arith.constant 64 : i32
      %mul3A_1359 = arith.muli %select_n3A_1357, %mul3A_1358 : i32
      %multiple_of3A_1360 = tpu.assume_multiple %mul3A_1359, 64 : i32
      %add3A_1361 = arith.addi %multiple_of3A_1360, %multiple_of3A : i32
      %multiple_of3A_1362 = tpu.assume_multiple %add3A_1361, 64 : i32
      %dma_wait3A_1363 = arith.constant 7 : i32
      %dma_wait3A_1364 = arith.constant 0 : i32
      %dma_wait3A_1365 = arith.constant 0 : i32
      %dma_wait3A_1366 = tpu.memref_slice %arg6[%dma_wait3A_1363, %dma_wait3A_1364, %dma_wait3A_1365] : memref<10x64x128xf32, #tpu.memory_space<vmem>> -> memref<1x64x128xf32, #tpu.memory_space<vmem>>
      %dma_wait3A_1367 = tpu.memref_squeeze %dma_wait3A_1366 : memref<1x64x128xf32, #tpu.memory_space<vmem>> -> memref<64x128xf32, #tpu.memory_space<vmem>>
      %dma_wait3A_1368 = arith.constant 0 : i32
      %dma_wait3A_1369 = tpu.memref_slice %arg4[%select_n3A_1341, %multiple_of3A_1362, %dma_wait3A_1368] : memref<50x4096x128xf32, #tpu.memory_space<hbm>> -> memref<1x64x128xf32, #tpu.memory_space<hbm>>
      %dma_wait3A_1370 = tpu.memref_squeeze %dma_wait3A_1369 : memref<1x64x128xf32, #tpu.memory_space<hbm>> -> memref<64x128xf32, #tpu.memory_space<hbm>>
      %dma_wait3A_1371 = arith.constant 0 : i32
      %dma_wait3A_1372 = tpu.memref_slice %arg4[%select_n3A_1341, %multiple_of3A_1362, %dma_wait3A_1371] : memref<50x4096x128xf32, #tpu.memory_space<hbm>> -> memref<1x64x128xf32, #tpu.memory_space<hbm>>
      %dma_wait3A_1373 = tpu.memref_squeeze %dma_wait3A_1372 : memref<1x64x128xf32, #tpu.memory_space<hbm>> -> memref<64x128xf32, #tpu.memory_space<hbm>>
      %dma_wait3A_1374 = arith.constant 0 : i32
      %dma_wait3A_1375 = arith.constant 0 : i32
      %dma_wait3A_1376 = tpu.memref_slice %arg6[%dma_wait3A_1363, %dma_wait3A_1374, %dma_wait3A_1375] : memref<10x64x128xf32, #tpu.memory_space<vmem>> -> memref<1x64x128xf32, #tpu.memory_space<vmem>>
      %dma_wait3A_1377 = tpu.memref_squeeze %dma_wait3A_1376 : memref<1x64x128xf32, #tpu.memory_space<vmem>> -> memref<64x128xf32, #tpu.memory_space<vmem>>
      tpu.wait_dma2 semaphore(%arg24 : memref<!tpu.dma_semaphore, #tpu.memory_space<semaphore_mem>>) src(%dma_wait3A_1377 : memref<64x128xf32, #tpu.memory_space<vmem>>) dst(%dma_wait3A_1373 : memref<64x128xf32, #tpu.memory_space<hbm>>)
      %jit3A_1378 = arith.constant 2 : i32
      %div3A_1379 = arith.divsi %add3A_1315, %jit3A_1378 : i32
      %sign3A_1380 = arith.constant 0 : i32
      %sign3A_1381 = arith.cmpi sgt, %add3A_1315, %sign3A_1380 : i32
      %sign3A_1382 = arith.extui %sign3A_1381 : i1 to i32
      %sign3A_1383 = arith.constant 0 : i32
      %sign3A_1384 = arith.cmpi slt, %add3A_1315, %sign3A_1383 : i32
      %sign3A_1385 = arith.extui %sign3A_1384 : i1 to i32
      %sign3A_1386 = arith.subi %sign3A_1382, %sign3A_1385 : i32
      %sign3A_1387 = arith.constant 0 : i32
      %sign3A_1388 = arith.cmpi sgt, %jit3A_1378, %sign3A_1387 : i32
      %sign3A_1389 = arith.extui %sign3A_1388 : i1 to i32
      %sign3A_1390 = arith.constant 0 : i32
      %sign3A_1391 = arith.cmpi slt, %jit3A_1378, %sign3A_1390 : i32
      %sign3A_1392 = arith.extui %sign3A_1391 : i1 to i32
      %sign3A_1393 = arith.subi %sign3A_1389, %sign3A_1392 : i32
      %ne3A_1394 = arith.cmpi ne, %sign3A_1386, %sign3A_1393 : i32
      %rem3A_1395 = arith.remsi %add3A_1315, %jit3A_1378 : i32
      %ne3A_1396 = arith.constant 0 : i32
      %ne3A_1397 = arith.cmpi ne, %rem3A_1395, %ne3A_1396 : i32
      %and3A_1398 = arith.andi %ne3A_1394, %ne3A_1397 : i1
      %sub3A_1399 = arith.constant 1 : i32
      %sub3A_1400 = arith.subi %div3A_1379, %sub3A_1399 : i32
      %select_n3A_1401 = arith.select %and3A_1398, %sub3A_1400, %div3A_1379 : i32
      %jit3A_1402 = arith.constant 2 : i32
      %eq3A_1403 = arith.constant 0 : i32
      %eq3A_1404 = arith.cmpi eq, %jit3A_1402, %eq3A_1403 : i32
      %jit3A_1405 = arith.constant 1 : i32
      %select_n3A_1406 = arith.select %eq3A_1404, %jit3A_1405, %jit3A_1402 : i32
      %rem3A_1407 = arith.remsi %add3A_1315, %select_n3A_1406 : i32
      %ne3A_1408 = arith.constant 0 : i32
      %ne3A_1409 = arith.cmpi ne, %rem3A_1407, %ne3A_1408 : i32
      %lt3A_1410 = arith.constant 0 : i32
      %lt3A_1411 = arith.cmpi slt, %rem3A_1407, %lt3A_1410 : i32
      %lt3A_1412 = arith.constant 0 : i32
      %lt3A_1413 = arith.cmpi slt, %select_n3A_1406, %lt3A_1412 : i32
      %ne3A_1414 = arith.xori %lt3A_1411, %lt3A_1413 : i1
      %and3A_1415 = arith.andi %ne3A_1414, %ne3A_1409 : i1
      %add3A_1416 = arith.addi %rem3A_1407, %select_n3A_1406 : i32
      %select_n3A_1417 = arith.select %and3A_1415, %add3A_1416, %rem3A_1407 : i32
      %mul3A_1418 = arith.constant 64 : i32
      %mul3A_1419 = arith.muli %select_n3A_1417, %mul3A_1418 : i32
      %multiple_of3A_1420 = tpu.assume_multiple %mul3A_1419, 64 : i32
      %dma_start3A_1421 = arith.constant 7 : i32
      %dma_start3A_1422 = arith.constant 0 : i32
      %dma_start3A_1423 = arith.constant 0 : i32
      %dma_start3A_1424 = tpu.memref_slice %arg6[%dma_start3A_1421, %dma_start3A_1422, %dma_start3A_1423] : memref<10x64x128xf32, #tpu.memory_space<vmem>> -> memref<1x64x128xf32, #tpu.memory_space<vmem>>
      %dma_start3A_1425 = tpu.memref_squeeze %dma_start3A_1424 : memref<1x64x128xf32, #tpu.memory_space<vmem>> -> memref<64x128xf32, #tpu.memory_space<vmem>>
      %dma_start3A_1426 = tpu.memref_slice %arg5[%select_n3A_1401, %multiple_of3A_1420] : memref<50x128xi32, #tpu.memory_space<vmem>> -> memref<1x64xi32, #tpu.memory_space<vmem>>
      %dma_start3A_1427 = tpu.memref_squeeze %dma_start3A_1426 : memref<1x64xi32, #tpu.memory_space<vmem>> -> memref<64xi32, #tpu.memory_space<vmem>>
      %dma_start3A_1428 = arith.constant 0 : i32
      %dma_start3A_1429 = arith.constant 0 : i32
      %dma_start3A_1430 = tpu.memref_slice %arg3[%dma_start3A_1428, %dma_start3A_1429] : memref<100000x128xf32, #tpu.memory_space<hbm>> -> memref<100000x128xf32, #tpu.memory_space<hbm>>
      tpu.enqueue_indirect_dma source(%dma_start3A_1430 : memref<100000x128xf32, #tpu.memory_space<hbm>>) target(%dma_start3A_1425 : memref<64x128xf32, #tpu.memory_space<vmem>>) offsets(%dma_start3A_1427 : memref<64xi32, #tpu.memory_space<vmem>>) semaphore(%arg14 : memref<!tpu.dma_semaphore, #tpu.memory_space<semaphore_mem>>)
      %mul3A_1431 = arith.constant 10 : i32
      %mul3A_1432 = arith.muli %scan3A_1206, %mul3A_1431 : i32
      %add3A_1433 = arith.constant 1 : i32
      %add3A_1434 = arith.addi %mul3A_1432, %add3A_1433 : i32
      %jit3A_1435 = arith.constant 2 : i32
      %div3A_1436 = arith.divsi %add3A_1434, %jit3A_1435 : i32
      %sign3A_1437 = arith.constant 0 : i32
      %sign3A_1438 = arith.cmpi sgt, %add3A_1434, %sign3A_1437 : i32
      %sign3A_1439 = arith.extui %sign3A_1438 : i1 to i32
      %sign3A_1440 = arith.constant 0 : i32
      %sign3A_1441 = arith.cmpi slt, %add3A_1434, %sign3A_1440 : i32
      %sign3A_1442 = arith.extui %sign3A_1441 : i1 to i32
      %sign3A_1443 = arith.subi %sign3A_1439, %sign3A_1442 : i32
      %sign3A_1444 = arith.constant 0 : i32
      %sign3A_1445 = arith.cmpi sgt, %jit3A_1435, %sign3A_1444 : i32
      %sign3A_1446 = arith.extui %sign3A_1445 : i1 to i32
      %sign3A_1447 = arith.constant 0 : i32
      %sign3A_1448 = arith.cmpi slt, %jit3A_1435, %sign3A_1447 : i32
      %sign3A_1449 = arith.extui %sign3A_1448 : i1 to i32
      %sign3A_1450 = arith.subi %sign3A_1446, %sign3A_1449 : i32
      %ne3A_1451 = arith.cmpi ne, %sign3A_1443, %sign3A_1450 : i32
      %rem3A_1452 = arith.remsi %add3A_1434, %jit3A_1435 : i32
      %ne3A_1453 = arith.constant 0 : i32
      %ne3A_1454 = arith.cmpi ne, %rem3A_1452, %ne3A_1453 : i32
      %and3A_1455 = arith.andi %ne3A_1451, %ne3A_1454 : i1
      %sub3A_1456 = arith.constant 1 : i32
      %sub3A_1457 = arith.subi %div3A_1436, %sub3A_1456 : i32
      %select_n3A_1458 = arith.select %and3A_1455, %sub3A_1457, %div3A_1436 : i32
      %jit3A_1459 = arith.constant 2 : i32
      %eq3A_1460 = arith.constant 0 : i32
      %eq3A_1461 = arith.cmpi eq, %jit3A_1459, %eq3A_1460 : i32
      %jit3A_1462 = arith.constant 1 : i32
      %select_n3A_1463 = arith.select %eq3A_1461, %jit3A_1462, %jit3A_1459 : i32
      %rem3A_1464 = arith.remsi %add3A_1434, %select_n3A_1463 : i32
      %ne3A_1465 = arith.constant 0 : i32
      %ne3A_1466 = arith.cmpi ne, %rem3A_1464, %ne3A_1465 : i32
      %lt3A_1467 = arith.constant 0 : i32
      %lt3A_1468 = arith.cmpi slt, %rem3A_1464, %lt3A_1467 : i32
      %lt3A_1469 = arith.constant 0 : i32
      %lt3A_1470 = arith.cmpi slt, %select_n3A_1463, %lt3A_1469 : i32
      %ne3A_1471 = arith.xori %lt3A_1468, %lt3A_1470 : i1
      %and3A_1472 = arith.andi %ne3A_1471, %ne3A_1466 : i1
      %add3A_1473 = arith.addi %rem3A_1464, %select_n3A_1463 : i32
      %select_n3A_1474 = arith.select %and3A_1472, %add3A_1473, %rem3A_1464 : i32
      %mul3A_1475 = arith.constant 64 : i32
      %mul3A_1476 = arith.muli %select_n3A_1474, %mul3A_1475 : i32
      %multiple_of3A_1477 = tpu.assume_multiple %mul3A_1476, 64 : i32
      %dma_wait3A_1478 = arith.constant 1 : i32
      %dma_wait3A_1479 = arith.constant 0 : i32
      %dma_wait3A_1480 = arith.constant 0 : i32
      %dma_wait3A_1481 = tpu.memref_slice %arg6[%dma_wait3A_1478, %dma_wait3A_1479, %dma_wait3A_1480] : memref<10x64x128xf32, #tpu.memory_space<vmem>> -> memref<1x64x128xf32, #tpu.memory_space<vmem>>
      %dma_wait3A_1482 = tpu.memref_squeeze %dma_wait3A_1481 : memref<1x64x128xf32, #tpu.memory_space<vmem>> -> memref<64x128xf32, #tpu.memory_space<vmem>>
      %dma_wait3A_1483 = tpu.memref_slice %arg5[%select_n3A_1458, %multiple_of3A_1477] : memref<50x128xi32, #tpu.memory_space<vmem>> -> memref<1x64xi32, #tpu.memory_space<vmem>>
      %dma_wait3A_1484 = tpu.memref_squeeze %dma_wait3A_1483 : memref<1x64xi32, #tpu.memory_space<vmem>> -> memref<64xi32, #tpu.memory_space<vmem>>
      %dma_wait3A_1485 = arith.constant 0 : i32
      %dma_wait3A_1486 = arith.constant 0 : i32
      %dma_wait3A_1487 = tpu.memref_slice %arg3[%dma_wait3A_1485, %dma_wait3A_1486] : memref<100000x128xf32, #tpu.memory_space<hbm>> -> memref<100000x128xf32, #tpu.memory_space<hbm>>
      tpu.wait_indirect_dma semaphore(%arg8 : memref<!tpu.dma_semaphore, #tpu.memory_space<semaphore_mem>>) src(%dma_wait3A_1487 : memref<100000x128xf32, #tpu.memory_space<hbm>>) dst(%dma_wait3A_1482 : memref<64x128xf32, #tpu.memory_space<vmem>>)
      %jit3A_1488 = arith.constant 2 : i32
      %div3A_1489 = arith.divsi %add3A_1434, %jit3A_1488 : i32
      %sign3A_1490 = arith.constant 0 : i32
      %sign3A_1491 = arith.cmpi sgt, %add3A_1434, %sign3A_1490 : i32
      %sign3A_1492 = arith.extui %sign3A_1491 : i1 to i32
      %sign3A_1493 = arith.constant 0 : i32
      %sign3A_1494 = arith.cmpi slt, %add3A_1434, %sign3A_1493 : i32
      %sign3A_1495 = arith.extui %sign3A_1494 : i1 to i32
      %sign3A_1496 = arith.subi %sign3A_1492, %sign3A_1495 : i32
      %sign3A_1497 = arith.constant 0 : i32
      %sign3A_1498 = arith.cmpi sgt, %jit3A_1488, %sign3A_1497 : i32
      %sign3A_1499 = arith.extui %sign3A_1498 : i1 to i32
      %sign3A_1500 = arith.constant 0 : i32
      %sign3A_1501 = arith.cmpi slt, %jit3A_1488, %sign3A_1500 : i32
      %sign3A_1502 = arith.extui %sign3A_1501 : i1 to i32
      %sign3A_1503 = arith.subi %sign3A_1499, %sign3A_1502 : i32
      %ne3A_1504 = arith.cmpi ne, %sign3A_1496, %sign3A_1503 : i32
      %rem3A_1505 = arith.remsi %add3A_1434, %jit3A_1488 : i32
      %ne3A_1506 = arith.constant 0 : i32
      %ne3A_1507 = arith.cmpi ne, %rem3A_1505, %ne3A_1506 : i32
      %and3A_1508 = arith.andi %ne3A_1504, %ne3A_1507 : i1
      %sub3A_1509 = arith.constant 1 : i32
      %sub3A_1510 = arith.subi %div3A_1489, %sub3A_1509 : i32
      %select_n3A_1511 = arith.select %and3A_1508, %sub3A_1510, %div3A_1489 : i32
      %jit3A_1512 = arith.constant 2 : i32
      %eq3A_1513 = arith.constant 0 : i32
      %eq3A_1514 = arith.cmpi eq, %jit3A_1512, %eq3A_1513 : i32
      %jit3A_1515 = arith.constant 1 : i32
      %select_n3A_1516 = arith.select %eq3A_1514, %jit3A_1515, %jit3A_1512 : i32
      %rem3A_1517 = arith.remsi %add3A_1434, %select_n3A_1516 : i32
      %ne3A_1518 = arith.constant 0 : i32
      %ne3A_1519 = arith.cmpi ne, %rem3A_1517, %ne3A_1518 : i32
      %lt3A_1520 = arith.constant 0 : i32
      %lt3A_1521 = arith.cmpi slt, %rem3A_1517, %lt3A_1520 : i32
      %lt3A_1522 = arith.constant 0 : i32
      %lt3A_1523 = arith.cmpi slt, %select_n3A_1516, %lt3A_1522 : i32
      %ne3A_1524 = arith.xori %lt3A_1521, %lt3A_1523 : i1
      %and3A_1525 = arith.andi %ne3A_1524, %ne3A_1519 : i1
      %add3A_1526 = arith.addi %rem3A_1517, %select_n3A_1516 : i32
      %select_n3A_1527 = arith.select %and3A_1525, %add3A_1526, %rem3A_1517 : i32
      %mul3A_1528 = arith.constant 64 : i32
      %mul3A_1529 = arith.muli %select_n3A_1527, %mul3A_1528 : i32
      %multiple_of3A_1530 = tpu.assume_multiple %mul3A_1529, 64 : i32
      %add3A_1531 = arith.addi %multiple_of3A_1530, %multiple_of3A : i32
      %multiple_of3A_1532 = tpu.assume_multiple %add3A_1531, 64 : i32
      %dma_start3A_1533 = arith.constant 1 : i32
      %dma_start3A_1534 = arith.constant 0 : i32
      %dma_start3A_1535 = arith.constant 0 : i32
      %dma_start3A_1536 = tpu.memref_slice %arg6[%dma_start3A_1533, %dma_start3A_1534, %dma_start3A_1535] : memref<10x64x128xf32, #tpu.memory_space<vmem>> -> memref<1x64x128xf32, #tpu.memory_space<vmem>>
      %dma_start3A_1537 = tpu.memref_squeeze %dma_start3A_1536 : memref<1x64x128xf32, #tpu.memory_space<vmem>> -> memref<64x128xf32, #tpu.memory_space<vmem>>
      %dma_start3A_1538 = arith.constant 0 : i32
      %dma_start3A_1539 = tpu.memref_slice %arg4[%select_n3A_1511, %multiple_of3A_1532, %dma_start3A_1538] : memref<50x4096x128xf32, #tpu.memory_space<hbm>> -> memref<1x64x128xf32, #tpu.memory_space<hbm>>
      %dma_start3A_1540 = tpu.memref_squeeze %dma_start3A_1539 : memref<1x64x128xf32, #tpu.memory_space<hbm>> -> memref<64x128xf32, #tpu.memory_space<hbm>>
      %dma_start3A_1541 = arith.constant 0 : i32
      %dma_start3A_1542 = tpu.memref_slice %arg4[%select_n3A_1511, %multiple_of3A_1532, %dma_start3A_1541] : memref<50x4096x128xf32, #tpu.memory_space<hbm>> -> memref<1x64x128xf32, #tpu.memory_space<hbm>>
      %dma_start3A_1543 = tpu.memref_squeeze %dma_start3A_1542 : memref<1x64x128xf32, #tpu.memory_space<hbm>> -> memref<64x128xf32, #tpu.memory_space<hbm>>
      %dma_start3A_1544 = arith.constant 0 : i32
      %dma_start3A_1545 = arith.constant 0 : i32
      %dma_start3A_1546 = tpu.memref_slice %arg6[%dma_start3A_1533, %dma_start3A_1544, %dma_start3A_1545] : memref<10x64x128xf32, #tpu.memory_space<vmem>> -> memref<1x64x128xf32, #tpu.memory_space<vmem>>
      %dma_start3A_1547 = tpu.memref_squeeze %dma_start3A_1546 : memref<1x64x128xf32, #tpu.memory_space<vmem>> -> memref<64x128xf32, #tpu.memory_space<vmem>>
      tpu.enqueue_dma source(%dma_start3A_1547 : memref<64x128xf32, #tpu.memory_space<vmem>>) target(%dma_start3A_1543 : memref<64x128xf32, #tpu.memory_space<hbm>>) target_semaphore(%arg18 : memref<!tpu.dma_semaphore, #tpu.memory_space<semaphore_mem>>)
      %add3A_1548 = arith.constant 7 : i32
      %add3A_1549 = arith.addi %add3A_1434, %add3A_1548 : i32
      %sub3A_1550 = arith.constant 10 : i32
      %sub3A_1551 = arith.subi %add3A_1549, %sub3A_1550 : i32
      %jit3A_1552 = arith.constant 2 : i32
      %div3A_1553 = arith.divsi %sub3A_1551, %jit3A_1552 : i32
      %sign3A_1554 = arith.constant 0 : i32
      %sign3A_1555 = arith.cmpi sgt, %sub3A_1551, %sign3A_1554 : i32
      %sign3A_1556 = arith.extui %sign3A_1555 : i1 to i32
      %sign3A_1557 = arith.constant 0 : i32
      %sign3A_1558 = arith.cmpi slt, %sub3A_1551, %sign3A_1557 : i32
      %sign3A_1559 = arith.extui %sign3A_1558 : i1 to i32
      %sign3A_1560 = arith.subi %sign3A_1556, %sign3A_1559 : i32
      %sign3A_1561 = arith.constant 0 : i32
      %sign3A_1562 = arith.cmpi sgt, %jit3A_1552, %sign3A_1561 : i32
      %sign3A_1563 = arith.extui %sign3A_1562 : i1 to i32
      %sign3A_1564 = arith.constant 0 : i32
      %sign3A_1565 = arith.cmpi slt, %jit3A_1552, %sign3A_1564 : i32
      %sign3A_1566 = arith.extui %sign3A_1565 : i1 to i32
      %sign3A_1567 = arith.subi %sign3A_1563, %sign3A_1566 : i32
      %ne3A_1568 = arith.cmpi ne, %sign3A_1560, %sign3A_1567 : i32
      %rem3A_1569 = arith.remsi %sub3A_1551, %jit3A_1552 : i32
      %ne3A_1570 = arith.constant 0 : i32
      %ne3A_1571 = arith.cmpi ne, %rem3A_1569, %ne3A_1570 : i32
      %and3A_1572 = arith.andi %ne3A_1568, %ne3A_1571 : i1
      %sub3A_1573 = arith.constant 1 : i32
      %sub3A_1574 = arith.subi %div3A_1553, %sub3A_1573 : i32
      %select_n3A_1575 = arith.select %and3A_1572, %sub3A_1574, %div3A_1553 : i32
      %jit3A_1576 = arith.constant 2 : i32
      %eq3A_1577 = arith.constant 0 : i32
      %eq3A_1578 = arith.cmpi eq, %jit3A_1576, %eq3A_1577 : i32
      %jit3A_1579 = arith.constant 1 : i32
      %select_n3A_1580 = arith.select %eq3A_1578, %jit3A_1579, %jit3A_1576 : i32
      %rem3A_1581 = arith.remsi %sub3A_1551, %select_n3A_1580 : i32
      %ne3A_1582 = arith.constant 0 : i32
      %ne3A_1583 = arith.cmpi ne, %rem3A_1581, %ne3A_1582 : i32
      %lt3A_1584 = arith.constant 0 : i32
      %lt3A_1585 = arith.cmpi slt, %rem3A_1581, %lt3A_1584 : i32
      %lt3A_1586 = arith.constant 0 : i32
      %lt3A_1587 = arith.cmpi slt, %select_n3A_1580, %lt3A_1586 : i32
      %ne3A_1588 = arith.xori %lt3A_1585, %lt3A_1587 : i1
      %and3A_1589 = arith.andi %ne3A_1588, %ne3A_1583 : i1
      %add3A_1590 = arith.addi %rem3A_1581, %select_n3A_1580 : i32
      %select_n3A_1591 = arith.select %and3A_1589, %add3A_1590, %rem3A_1581 : i32
      %mul3A_1592 = arith.constant 64 : i32
      %mul3A_1593 = arith.muli %select_n3A_1591, %mul3A_1592 : i32
      %multiple_of3A_1594 = tpu.assume_multiple %mul3A_1593, 64 : i32
      %add3A_1595 = arith.addi %multiple_of3A_1594, %multiple_of3A : i32
      %multiple_of3A_1596 = tpu.assume_multiple %add3A_1595, 64 : i32
      %dma_wait3A_1597 = arith.constant 8 : i32
      %dma_wait3A_1598 = arith.constant 0 : i32
      %dma_wait3A_1599 = arith.constant 0 : i32
      %dma_wait3A_1600 = tpu.memref_slice %arg6[%dma_wait3A_1597, %dma_wait3A_1598, %dma_wait3A_1599] : memref<10x64x128xf32, #tpu.memory_space<vmem>> -> memref<1x64x128xf32, #tpu.memory_space<vmem>>
      %dma_wait3A_1601 = tpu.memref_squeeze %dma_wait3A_1600 : memref<1x64x128xf32, #tpu.memory_space<vmem>> -> memref<64x128xf32, #tpu.memory_space<vmem>>
      %dma_wait3A_1602 = arith.constant 0 : i32
      %dma_wait3A_1603 = tpu.memref_slice %arg4[%select_n3A_1575, %multiple_of3A_1596, %dma_wait3A_1602] : memref<50x4096x128xf32, #tpu.memory_space<hbm>> -> memref<1x64x128xf32, #tpu.memory_space<hbm>>
      %dma_wait3A_1604 = tpu.memref_squeeze %dma_wait3A_1603 : memref<1x64x128xf32, #tpu.memory_space<hbm>> -> memref<64x128xf32, #tpu.memory_space<hbm>>
      %dma_wait3A_1605 = arith.constant 0 : i32
      %dma_wait3A_1606 = tpu.memref_slice %arg4[%select_n3A_1575, %multiple_of3A_1596, %dma_wait3A_1605] : memref<50x4096x128xf32, #tpu.memory_space<hbm>> -> memref<1x64x128xf32, #tpu.memory_space<hbm>>
      %dma_wait3A_1607 = tpu.memref_squeeze %dma_wait3A_1606 : memref<1x64x128xf32, #tpu.memory_space<hbm>> -> memref<64x128xf32, #tpu.memory_space<hbm>>
      %dma_wait3A_1608 = arith.constant 0 : i32
      %dma_wait3A_1609 = arith.constant 0 : i32
      %dma_wait3A_1610 = tpu.memref_slice %arg6[%dma_wait3A_1597, %dma_wait3A_1608, %dma_wait3A_1609] : memref<10x64x128xf32, #tpu.memory_space<vmem>> -> memref<1x64x128xf32, #tpu.memory_space<vmem>>
      %dma_wait3A_1611 = tpu.memref_squeeze %dma_wait3A_1610 : memref<1x64x128xf32, #tpu.memory_space<vmem>> -> memref<64x128xf32, #tpu.memory_space<vmem>>
      tpu.wait_dma2 semaphore(%arg25 : memref<!tpu.dma_semaphore, #tpu.memory_space<semaphore_mem>>) src(%dma_wait3A_1611 : memref<64x128xf32, #tpu.memory_space<vmem>>) dst(%dma_wait3A_1607 : memref<64x128xf32, #tpu.memory_space<hbm>>)
      %jit3A_1612 = arith.constant 2 : i32
      %div3A_1613 = arith.divsi %add3A_1549, %jit3A_1612 : i32
      %sign3A_1614 = arith.constant 0 : i32
      %sign3A_1615 = arith.cmpi sgt, %add3A_1549, %sign3A_1614 : i32
      %sign3A_1616 = arith.extui %sign3A_1615 : i1 to i32
      %sign3A_1617 = arith.constant 0 : i32
      %sign3A_1618 = arith.cmpi slt, %add3A_1549, %sign3A_1617 : i32
      %sign3A_1619 = arith.extui %sign3A_1618 : i1 to i32
      %sign3A_1620 = arith.subi %sign3A_1616, %sign3A_1619 : i32
      %sign3A_1621 = arith.constant 0 : i32
      %sign3A_1622 = arith.cmpi sgt, %jit3A_1612, %sign3A_1621 : i32
      %sign3A_1623 = arith.extui %sign3A_1622 : i1 to i32
      %sign3A_1624 = arith.constant 0 : i32
      %sign3A_1625 = arith.cmpi slt, %jit3A_1612, %sign3A_1624 : i32
      %sign3A_1626 = arith.extui %sign3A_1625 : i1 to i32
      %sign3A_1627 = arith.subi %sign3A_1623, %sign3A_1626 : i32
      %ne3A_1628 = arith.cmpi ne, %sign3A_1620, %sign3A_1627 : i32
      %rem3A_1629 = arith.remsi %add3A_1549, %jit3A_1612 : i32
      %ne3A_1630 = arith.constant 0 : i32
      %ne3A_1631 = arith.cmpi ne, %rem3A_1629, %ne3A_1630 : i32
      %and3A_1632 = arith.andi %ne3A_1628, %ne3A_1631 : i1
      %sub3A_1633 = arith.constant 1 : i32
      %sub3A_1634 = arith.subi %div3A_1613, %sub3A_1633 : i32
      %select_n3A_1635 = arith.select %and3A_1632, %sub3A_1634, %div3A_1613 : i32
      %jit3A_1636 = arith.constant 2 : i32
      %eq3A_1637 = arith.constant 0 : i32
      %eq3A_1638 = arith.cmpi eq, %jit3A_1636, %eq3A_1637 : i32
      %jit3A_1639 = arith.constant 1 : i32
      %select_n3A_1640 = arith.select %eq3A_1638, %jit3A_1639, %jit3A_1636 : i32
      %rem3A_1641 = arith.remsi %add3A_1549, %select_n3A_1640 : i32
      %ne3A_1642 = arith.constant 0 : i32
      %ne3A_1643 = arith.cmpi ne, %rem3A_1641, %ne3A_1642 : i32
      %lt3A_1644 = arith.constant 0 : i32
      %lt3A_1645 = arith.cmpi slt, %rem3A_1641, %lt3A_1644 : i32
      %lt3A_1646 = arith.constant 0 : i32
      %lt3A_1647 = arith.cmpi slt, %select_n3A_1640, %lt3A_1646 : i32
      %ne3A_1648 = arith.xori %lt3A_1645, %lt3A_1647 : i1
      %and3A_1649 = arith.andi %ne3A_1648, %ne3A_1643 : i1
      %add3A_1650 = arith.addi %rem3A_1641, %select_n3A_1640 : i32
      %select_n3A_1651 = arith.select %and3A_1649, %add3A_1650, %rem3A_1641 : i32
      %mul3A_1652 = arith.constant 64 : i32
      %mul3A_1653 = arith.muli %select_n3A_1651, %mul3A_1652 : i32
      %multiple_of3A_1654 = tpu.assume_multiple %mul3A_1653, 64 : i32
      %dma_start3A_1655 = arith.constant 8 : i32
      %dma_start3A_1656 = arith.constant 0 : i32
      %dma_start3A_1657 = arith.constant 0 : i32
      %dma_start3A_1658 = tpu.memref_slice %arg6[%dma_start3A_1655, %dma_start3A_1656, %dma_start3A_1657] : memref<10x64x128xf32, #tpu.memory_space<vmem>> -> memref<1x64x128xf32, #tpu.memory_space<vmem>>
      %dma_start3A_1659 = tpu.memref_squeeze %dma_start3A_1658 : memref<1x64x128xf32, #tpu.memory_space<vmem>> -> memref<64x128xf32, #tpu.memory_space<vmem>>
      %dma_start3A_1660 = tpu.memref_slice %arg5[%select_n3A_1635, %multiple_of3A_1654] : memref<50x128xi32, #tpu.memory_space<vmem>> -> memref<1x64xi32, #tpu.memory_space<vmem>>
      %dma_start3A_1661 = tpu.memref_squeeze %dma_start3A_1660 : memref<1x64xi32, #tpu.memory_space<vmem>> -> memref<64xi32, #tpu.memory_space<vmem>>
      %dma_start3A_1662 = arith.constant 0 : i32
      %dma_start3A_1663 = arith.constant 0 : i32
      %dma_start3A_1664 = tpu.memref_slice %arg3[%dma_start3A_1662, %dma_start3A_1663] : memref<100000x128xf32, #tpu.memory_space<hbm>> -> memref<100000x128xf32, #tpu.memory_space<hbm>>
      tpu.enqueue_indirect_dma source(%dma_start3A_1664 : memref<100000x128xf32, #tpu.memory_space<hbm>>) target(%dma_start3A_1659 : memref<64x128xf32, #tpu.memory_space<vmem>>) offsets(%dma_start3A_1661 : memref<64xi32, #tpu.memory_space<vmem>>) semaphore(%arg15 : memref<!tpu.dma_semaphore, #tpu.memory_space<semaphore_mem>>)
      %mul3A_1665 = arith.constant 10 : i32
      %mul3A_1666 = arith.muli %scan3A_1206, %mul3A_1665 : i32
      %add3A_1667 = arith.constant 2 : i32
      %add3A_1668 = arith.addi %mul3A_1666, %add3A_1667 : i32
      %jit3A_1669 = arith.constant 2 : i32
      %div3A_1670 = arith.divsi %add3A_1668, %jit3A_1669 : i32
      %sign3A_1671 = arith.constant 0 : i32
      %sign3A_1672 = arith.cmpi sgt, %add3A_1668, %sign3A_1671 : i32
      %sign3A_1673 = arith.extui %sign3A_1672 : i1 to i32
      %sign3A_1674 = arith.constant 0 : i32
      %sign3A_1675 = arith.cmpi slt, %add3A_1668, %sign3A_1674 : i32
      %sign3A_1676 = arith.extui %sign3A_1675 : i1 to i32
      %sign3A_1677 = arith.subi %sign3A_1673, %sign3A_1676 : i32
      %sign3A_1678 = arith.constant 0 : i32
      %sign3A_1679 = arith.cmpi sgt, %jit3A_1669, %sign3A_1678 : i32
      %sign3A_1680 = arith.extui %sign3A_1679 : i1 to i32
      %sign3A_1681 = arith.constant 0 : i32
      %sign3A_1682 = arith.cmpi slt, %jit3A_1669, %sign3A_1681 : i32
      %sign3A_1683 = arith.extui %sign3A_1682 : i1 to i32
      %sign3A_1684 = arith.subi %sign3A_1680, %sign3A_1683 : i32
      %ne3A_1685 = arith.cmpi ne, %sign3A_1677, %sign3A_1684 : i32
      %rem3A_1686 = arith.remsi %add3A_1668, %jit3A_1669 : i32
      %ne3A_1687 = arith.constant 0 : i32
      %ne3A_1688 = arith.cmpi ne, %rem3A_1686, %ne3A_1687 : i32
      %and3A_1689 = arith.andi %ne3A_1685, %ne3A_1688 : i1
      %sub3A_1690 = arith.constant 1 : i32
      %sub3A_1691 = arith.subi %div3A_1670, %sub3A_1690 : i32
      %select_n3A_1692 = arith.select %and3A_1689, %sub3A_1691, %div3A_1670 : i32
      %jit3A_1693 = arith.constant 2 : i32
      %eq3A_1694 = arith.constant 0 : i32
      %eq3A_1695 = arith.cmpi eq, %jit3A_1693, %eq3A_1694 : i32
      %jit3A_1696 = arith.constant 1 : i32
      %select_n3A_1697 = arith.select %eq3A_1695, %jit3A_1696, %jit3A_1693 : i32
      %rem3A_1698 = arith.remsi %add3A_1668, %select_n3A_1697 : i32
      %ne3A_1699 = arith.constant 0 : i32
      %ne3A_1700 = arith.cmpi ne, %rem3A_1698, %ne3A_1699 : i32
      %lt3A_1701 = arith.constant 0 : i32
      %lt3A_1702 = arith.cmpi slt, %rem3A_1698, %lt3A_1701 : i32
      %lt3A_1703 = arith.constant 0 : i32
      %lt3A_1704 = arith.cmpi slt, %select_n3A_1697, %lt3A_1703 : i32
      %ne3A_1705 = arith.xori %lt3A_1702, %lt3A_1704 : i1
      %and3A_1706 = arith.andi %ne3A_1705, %ne3A_1700 : i1
      %add3A_1707 = arith.addi %rem3A_1698, %select_n3A_1697 : i32
      %select_n3A_1708 = arith.select %and3A_1706, %add3A_1707, %rem3A_1698 : i32
      %mul3A_1709 = arith.constant 64 : i32
      %mul3A_1710 = arith.muli %select_n3A_1708, %mul3A_1709 : i32
      %multiple_of3A_1711 = tpu.assume_multiple %mul3A_1710, 64 : i32
      %dma_wait3A_1712 = arith.constant 2 : i32
      %dma_wait3A_1713 = arith.constant 0 : i32
      %dma_wait3A_1714 = arith.constant 0 : i32
      %dma_wait3A_1715 = tpu.memref_slice %arg6[%dma_wait3A_1712, %dma_wait3A_1713, %dma_wait3A_1714] : memref<10x64x128xf32, #tpu.memory_space<vmem>> -> memref<1x64x128xf32, #tpu.memory_space<vmem>>
      %dma_wait3A_1716 = tpu.memref_squeeze %dma_wait3A_1715 : memref<1x64x128xf32, #tpu.memory_space<vmem>> -> memref<64x128xf32, #tpu.memory_space<vmem>>
      %dma_wait3A_1717 = tpu.memref_slice %arg5[%select_n3A_1692, %multiple_of3A_1711] : memref<50x128xi32, #tpu.memory_space<vmem>> -> memref<1x64xi32, #tpu.memory_space<vmem>>
      %dma_wait3A_1718 = tpu.memref_squeeze %dma_wait3A_1717 : memref<1x64xi32, #tpu.memory_space<vmem>> -> memref<64xi32, #tpu.memory_space<vmem>>
      %dma_wait3A_1719 = arith.constant 0 : i32
      %dma_wait3A_1720 = arith.constant 0 : i32
      %dma_wait3A_1721 = tpu.memref_slice %arg3[%dma_wait3A_1719, %dma_wait3A_1720] : memref<100000x128xf32, #tpu.memory_space<hbm>> -> memref<100000x128xf32, #tpu.memory_space<hbm>>
      tpu.wait_indirect_dma semaphore(%arg9 : memref<!tpu.dma_semaphore, #tpu.memory_space<semaphore_mem>>) src(%dma_wait3A_1721 : memref<100000x128xf32, #tpu.memory_space<hbm>>) dst(%dma_wait3A_1716 : memref<64x128xf32, #tpu.memory_space<vmem>>)
      %jit3A_1722 = arith.constant 2 : i32
      %div3A_1723 = arith.divsi %add3A_1668, %jit3A_1722 : i32
      %sign3A_1724 = arith.constant 0 : i32
      %sign3A_1725 = arith.cmpi sgt, %add3A_1668, %sign3A_1724 : i32
      %sign3A_1726 = arith.extui %sign3A_1725 : i1 to i32
      %sign3A_1727 = arith.constant 0 : i32
      %sign3A_1728 = arith.cmpi slt, %add3A_1668, %sign3A_1727 : i32
      %sign3A_1729 = arith.extui %sign3A_1728 : i1 to i32
      %sign3A_1730 = arith.subi %sign3A_1726, %sign3A_1729 : i32
      %sign3A_1731 = arith.constant 0 : i32
      %sign3A_1732 = arith.cmpi sgt, %jit3A_1722, %sign3A_1731 : i32
      %sign3A_1733 = arith.extui %sign3A_1732 : i1 to i32
      %sign3A_1734 = arith.constant 0 : i32
      %sign3A_1735 = arith.cmpi slt, %jit3A_1722, %sign3A_1734 : i32
      %sign3A_1736 = arith.extui %sign3A_1735 : i1 to i32
      %sign3A_1737 = arith.subi %sign3A_1733, %sign3A_1736 : i32
      %ne3A_1738 = arith.cmpi ne, %sign3A_1730, %sign3A_1737 : i32
      %rem3A_1739 = arith.remsi %add3A_1668, %jit3A_1722 : i32
      %ne3A_1740 = arith.constant 0 : i32
      %ne3A_1741 = arith.cmpi ne, %rem3A_1739, %ne3A_1740 : i32
      %and3A_1742 = arith.andi %ne3A_1738, %ne3A_1741 : i1
      %sub3A_1743 = arith.constant 1 : i32
      %sub3A_1744 = arith.subi %div3A_1723, %sub3A_1743 : i32
      %select_n3A_1745 = arith.select %and3A_1742, %sub3A_1744, %div3A_1723 : i32
      %jit3A_1746 = arith.constant 2 : i32
      %eq3A_1747 = arith.constant 0 : i32
      %eq3A_1748 = arith.cmpi eq, %jit3A_1746, %eq3A_1747 : i32
      %jit3A_1749 = arith.constant 1 : i32
      %select_n3A_1750 = arith.select %eq3A_1748, %jit3A_1749, %jit3A_1746 : i32
      %rem3A_1751 = arith.remsi %add3A_1668, %select_n3A_1750 : i32
      %ne3A_1752 = arith.constant 0 : i32
      %ne3A_1753 = arith.cmpi ne, %rem3A_1751, %ne3A_1752 : i32
      %lt3A_1754 = arith.constant 0 : i32
      %lt3A_1755 = arith.cmpi slt, %rem3A_1751, %lt3A_1754 : i32
      %lt3A_1756 = arith.constant 0 : i32
      %lt3A_1757 = arith.cmpi slt, %select_n3A_1750, %lt3A_1756 : i32
      %ne3A_1758 = arith.xori %lt3A_1755, %lt3A_1757 : i1
      %and3A_1759 = arith.andi %ne3A_1758, %ne3A_1753 : i1
      %add3A_1760 = arith.addi %rem3A_1751, %select_n3A_1750 : i32
      %select_n3A_1761 = arith.select %and3A_1759, %add3A_1760, %rem3A_1751 : i32
      %mul3A_1762 = arith.constant 64 : i32
      %mul3A_1763 = arith.muli %select_n3A_1761, %mul3A_1762 : i32
      %multiple_of3A_1764 = tpu.assume_multiple %mul3A_1763, 64 : i32
      %add3A_1765 = arith.addi %multiple_of3A_1764, %multiple_of3A : i32
      %multiple_of3A_1766 = tpu.assume_multiple %add3A_1765, 64 : i32
      %dma_start3A_1767 = arith.constant 2 : i32
      %dma_start3A_1768 = arith.constant 0 : i32
      %dma_start3A_1769 = arith.constant 0 : i32
      %dma_start3A_1770 = tpu.memref_slice %arg6[%dma_start3A_1767, %dma_start3A_1768, %dma_start3A_1769] : memref<10x64x128xf32, #tpu.memory_space<vmem>> -> memref<1x64x128xf32, #tpu.memory_space<vmem>>
      %dma_start3A_1771 = tpu.memref_squeeze %dma_start3A_1770 : memref<1x64x128xf32, #tpu.memory_space<vmem>> -> memref<64x128xf32, #tpu.memory_space<vmem>>
      %dma_start3A_1772 = arith.constant 0 : i32
      %dma_start3A_1773 = tpu.memref_slice %arg4[%select_n3A_1745, %multiple_of3A_1766, %dma_start3A_1772] : memref<50x4096x128xf32, #tpu.memory_space<hbm>> -> memref<1x64x128xf32, #tpu.memory_space<hbm>>
      %dma_start3A_1774 = tpu.memref_squeeze %dma_start3A_1773 : memref<1x64x128xf32, #tpu.memory_space<hbm>> -> memref<64x128xf32, #tpu.memory_space<hbm>>
      %dma_start3A_1775 = arith.constant 0 : i32
      %dma_start3A_1776 = tpu.memref_slice %arg4[%select_n3A_1745, %multiple_of3A_1766, %dma_start3A_1775] : memref<50x4096x128xf32, #tpu.memory_space<hbm>> -> memref<1x64x128xf32, #tpu.memory_space<hbm>>
      %dma_start3A_1777 = tpu.memref_squeeze %dma_start3A_1776 : memref<1x64x128xf32, #tpu.memory_space<hbm>> -> memref<64x128xf32, #tpu.memory_space<hbm>>
      %dma_start3A_1778 = arith.constant 0 : i32
      %dma_start3A_1779 = arith.constant 0 : i32
      %dma_start3A_1780 = tpu.memref_slice %arg6[%dma_start3A_1767, %dma_start3A_1778, %dma_start3A_1779] : memref<10x64x128xf32, #tpu.memory_space<vmem>> -> memref<1x64x128xf32, #tpu.memory_space<vmem>>
      %dma_start3A_1781 = tpu.memref_squeeze %dma_start3A_1780 : memref<1x64x128xf32, #tpu.memory_space<vmem>> -> memref<64x128xf32, #tpu.memory_space<vmem>>
      tpu.enqueue_dma source(%dma_start3A_1781 : memref<64x128xf32, #tpu.memory_space<vmem>>) target(%dma_start3A_1777 : memref<64x128xf32, #tpu.memory_space<hbm>>) target_semaphore(%arg19 : memref<!tpu.dma_semaphore, #tpu.memory_space<semaphore_mem>>)
      %add3A_1782 = arith.constant 7 : i32
      %add3A_1783 = arith.addi %add3A_1668, %add3A_1782 : i32
      %sub3A_1784 = arith.constant 10 : i32
      %sub3A_1785 = arith.subi %add3A_1783, %sub3A_1784 : i32
      %jit3A_1786 = arith.constant 2 : i32
      %div3A_1787 = arith.divsi %sub3A_1785, %jit3A_1786 : i32
      %sign3A_1788 = arith.constant 0 : i32
      %sign3A_1789 = arith.cmpi sgt, %sub3A_1785, %sign3A_1788 : i32
      %sign3A_1790 = arith.extui %sign3A_1789 : i1 to i32
      %sign3A_1791 = arith.constant 0 : i32
      %sign3A_1792 = arith.cmpi slt, %sub3A_1785, %sign3A_1791 : i32
      %sign3A_1793 = arith.extui %sign3A_1792 : i1 to i32
      %sign3A_1794 = arith.subi %sign3A_1790, %sign3A_1793 : i32
      %sign3A_1795 = arith.constant 0 : i32
      %sign3A_1796 = arith.cmpi sgt, %jit3A_1786, %sign3A_1795 : i32
      %sign3A_1797 = arith.extui %sign3A_1796 : i1 to i32
      %sign3A_1798 = arith.constant 0 : i32
      %sign3A_1799 = arith.cmpi slt, %jit3A_1786, %sign3A_1798 : i32
      %sign3A_1800 = arith.extui %sign3A_1799 : i1 to i32
      %sign3A_1801 = arith.subi %sign3A_1797, %sign3A_1800 : i32
      %ne3A_1802 = arith.cmpi ne, %sign3A_1794, %sign3A_1801 : i32
      %rem3A_1803 = arith.remsi %sub3A_1785, %jit3A_1786 : i32
      %ne3A_1804 = arith.constant 0 : i32
      %ne3A_1805 = arith.cmpi ne, %rem3A_1803, %ne3A_1804 : i32
      %and3A_1806 = arith.andi %ne3A_1802, %ne3A_1805 : i1
      %sub3A_1807 = arith.constant 1 : i32
      %sub3A_1808 = arith.subi %div3A_1787, %sub3A_1807 : i32
      %select_n3A_1809 = arith.select %and3A_1806, %sub3A_1808, %div3A_1787 : i32
      %jit3A_1810 = arith.constant 2 : i32
      %eq3A_1811 = arith.constant 0 : i32
      %eq3A_1812 = arith.cmpi eq, %jit3A_1810, %eq3A_1811 : i32
      %jit3A_1813 = arith.constant 1 : i32
      %select_n3A_1814 = arith.select %eq3A_1812, %jit3A_1813, %jit3A_1810 : i32
      %rem3A_1815 = arith.remsi %sub3A_1785, %select_n3A_1814 : i32
      %ne3A_1816 = arith.constant 0 : i32
      %ne3A_1817 = arith.cmpi ne, %rem3A_1815, %ne3A_1816 : i32
      %lt3A_1818 = arith.constant 0 : i32
      %lt3A_1819 = arith.cmpi slt, %rem3A_1815, %lt3A_1818 : i32
      %lt3A_1820 = arith.constant 0 : i32
      %lt3A_1821 = arith.cmpi slt, %select_n3A_1814, %lt3A_1820 : i32
      %ne3A_1822 = arith.xori %lt3A_1819, %lt3A_1821 : i1
      %and3A_1823 = arith.andi %ne3A_1822, %ne3A_1817 : i1
      %add3A_1824 = arith.addi %rem3A_1815, %select_n3A_1814 : i32
      %select_n3A_1825 = arith.select %and3A_1823, %add3A_1824, %rem3A_1815 : i32
      %mul3A_1826 = arith.constant 64 : i32
      %mul3A_1827 = arith.muli %select_n3A_1825, %mul3A_1826 : i32
      %multiple_of3A_1828 = tpu.assume_multiple %mul3A_1827, 64 : i32
      %add3A_1829 = arith.addi %multiple_of3A_1828, %multiple_of3A : i32
      %multiple_of3A_1830 = tpu.assume_multiple %add3A_1829, 64 : i32
      %dma_wait3A_1831 = arith.constant 9 : i32
      %dma_wait3A_1832 = arith.constant 0 : i32
      %dma_wait3A_1833 = arith.constant 0 : i32
      %dma_wait3A_1834 = tpu.memref_slice %arg6[%dma_wait3A_1831, %dma_wait3A_1832, %dma_wait3A_1833] : memref<10x64x128xf32, #tpu.memory_space<vmem>> -> memref<1x64x128xf32, #tpu.memory_space<vmem>>
      %dma_wait3A_1835 = tpu.memref_squeeze %dma_wait3A_1834 : memref<1x64x128xf32, #tpu.memory_space<vmem>> -> memref<64x128xf32, #tpu.memory_space<vmem>>
      %dma_wait3A_1836 = arith.constant 0 : i32
      %dma_wait3A_1837 = tpu.memref_slice %arg4[%select_n3A_1809, %multiple_of3A_1830, %dma_wait3A_1836] : memref<50x4096x128xf32, #tpu.memory_space<hbm>> -> memref<1x64x128xf32, #tpu.memory_space<hbm>>
      %dma_wait3A_1838 = tpu.memref_squeeze %dma_wait3A_1837 : memref<1x64x128xf32, #tpu.memory_space<hbm>> -> memref<64x128xf32, #tpu.memory_space<hbm>>
      %dma_wait3A_1839 = arith.constant 0 : i32
      %dma_wait3A_1840 = tpu.memref_slice %arg4[%select_n3A_1809, %multiple_of3A_1830, %dma_wait3A_1839] : memref<50x4096x128xf32, #tpu.memory_space<hbm>> -> memref<1x64x128xf32, #tpu.memory_space<hbm>>
      %dma_wait3A_1841 = tpu.memref_squeeze %dma_wait3A_1840 : memref<1x64x128xf32, #tpu.memory_space<hbm>> -> memref<64x128xf32, #tpu.memory_space<hbm>>
      %dma_wait3A_1842 = arith.constant 0 : i32
      %dma_wait3A_1843 = arith.constant 0 : i32
      %dma_wait3A_1844 = tpu.memref_slice %arg6[%dma_wait3A_1831, %dma_wait3A_1842, %dma_wait3A_1843] : memref<10x64x128xf32, #tpu.memory_space<vmem>> -> memref<1x64x128xf32, #tpu.memory_space<vmem>>
      %dma_wait3A_1845 = tpu.memref_squeeze %dma_wait3A_1844 : memref<1x64x128xf32, #tpu.memory_space<vmem>> -> memref<64x128xf32, #tpu.memory_space<vmem>>
      tpu.wait_dma2 semaphore(%arg26 : memref<!tpu.dma_semaphore, #tpu.memory_space<semaphore_mem>>) src(%dma_wait3A_1845 : memref<64x128xf32, #tpu.memory_space<vmem>>) dst(%dma_wait3A_1841 : memref<64x128xf32, #tpu.memory_space<hbm>>)
      %jit3A_1846 = arith.constant 2 : i32
      %div3A_1847 = arith.divsi %add3A_1783, %jit3A_1846 : i32
      %sign3A_1848 = arith.constant 0 : i32
      %sign3A_1849 = arith.cmpi sgt, %add3A_1783, %sign3A_1848 : i32
      %sign3A_1850 = arith.extui %sign3A_1849 : i1 to i32
      %sign3A_1851 = arith.constant 0 : i32
      %sign3A_1852 = arith.cmpi slt, %add3A_1783, %sign3A_1851 : i32
      %sign3A_1853 = arith.extui %sign3A_1852 : i1 to i32
      %sign3A_1854 = arith.subi %sign3A_1850, %sign3A_1853 : i32
      %sign3A_1855 = arith.constant 0 : i32
      %sign3A_1856 = arith.cmpi sgt, %jit3A_1846, %sign3A_1855 : i32
      %sign3A_1857 = arith.extui %sign3A_1856 : i1 to i32
      %sign3A_1858 = arith.constant 0 : i32
      %sign3A_1859 = arith.cmpi slt, %jit3A_1846, %sign3A_1858 : i32
      %sign3A_1860 = arith.extui %sign3A_1859 : i1 to i32
      %sign3A_1861 = arith.subi %sign3A_1857, %sign3A_1860 : i32
      %ne3A_1862 = arith.cmpi ne, %sign3A_1854, %sign3A_1861 : i32
      %rem3A_1863 = arith.remsi %add3A_1783, %jit3A_1846 : i32
      %ne3A_1864 = arith.constant 0 : i32
      %ne3A_1865 = arith.cmpi ne, %rem3A_1863, %ne3A_1864 : i32
      %and3A_1866 = arith.andi %ne3A_1862, %ne3A_1865 : i1
      %sub3A_1867 = arith.constant 1 : i32
      %sub3A_1868 = arith.subi %div3A_1847, %sub3A_1867 : i32
      %select_n3A_1869 = arith.select %and3A_1866, %sub3A_1868, %div3A_1847 : i32
      %jit3A_1870 = arith.constant 2 : i32
      %eq3A_1871 = arith.constant 0 : i32
      %eq3A_1872 = arith.cmpi eq, %jit3A_1870, %eq3A_1871 : i32
      %jit3A_1873 = arith.constant 1 : i32
      %select_n3A_1874 = arith.select %eq3A_1872, %jit3A_1873, %jit3A_1870 : i32
      %rem3A_1875 = arith.remsi %add3A_1783, %select_n3A_1874 : i32
      %ne3A_1876 = arith.constant 0 : i32
      %ne3A_1877 = arith.cmpi ne, %rem3A_1875, %ne3A_1876 : i32
      %lt3A_1878 = arith.constant 0 : i32
      %lt3A_1879 = arith.cmpi slt, %rem3A_1875, %lt3A_1878 : i32
      %lt3A_1880 = arith.constant 0 : i32
      %lt3A_1881 = arith.cmpi slt, %select_n3A_1874, %lt3A_1880 : i32
      %ne3A_1882 = arith.xori %lt3A_1879, %lt3A_1881 : i1
      %and3A_1883 = arith.andi %ne3A_1882, %ne3A_1877 : i1
      %add3A_1884 = arith.addi %rem3A_1875, %select_n3A_1874 : i32
      %select_n3A_1885 = arith.select %and3A_1883, %add3A_1884, %rem3A_1875 : i32
      %mul3A_1886 = arith.constant 64 : i32
      %mul3A_1887 = arith.muli %select_n3A_1885, %mul3A_1886 : i32
      %multiple_of3A_1888 = tpu.assume_multiple %mul3A_1887, 64 : i32
      %dma_start3A_1889 = arith.constant 9 : i32
      %dma_start3A_1890 = arith.constant 0 : i32
      %dma_start3A_1891 = arith.constant 0 : i32
      %dma_start3A_1892 = tpu.memref_slice %arg6[%dma_start3A_1889, %dma_start3A_1890, %dma_start3A_1891] : memref<10x64x128xf32, #tpu.memory_space<vmem>> -> memref<1x64x128xf32, #tpu.memory_space<vmem>>
      %dma_start3A_1893 = tpu.memref_squeeze %dma_start3A_1892 : memref<1x64x128xf32, #tpu.memory_space<vmem>> -> memref<64x128xf32, #tpu.memory_space<vmem>>
      %dma_start3A_1894 = tpu.memref_slice %arg5[%select_n3A_1869, %multiple_of3A_1888] : memref<50x128xi32, #tpu.memory_space<vmem>> -> memref<1x64xi32, #tpu.memory_space<vmem>>
      %dma_start3A_1895 = tpu.memref_squeeze %dma_start3A_1894 : memref<1x64xi32, #tpu.memory_space<vmem>> -> memref<64xi32, #tpu.memory_space<vmem>>
      %dma_start3A_1896 = arith.constant 0 : i32
      %dma_start3A_1897 = arith.constant 0 : i32
      %dma_start3A_1898 = tpu.memref_slice %arg3[%dma_start3A_1896, %dma_start3A_1897] : memref<100000x128xf32, #tpu.memory_space<hbm>> -> memref<100000x128xf32, #tpu.memory_space<hbm>>
      tpu.enqueue_indirect_dma source(%dma_start3A_1898 : memref<100000x128xf32, #tpu.memory_space<hbm>>) target(%dma_start3A_1893 : memref<64x128xf32, #tpu.memory_space<vmem>>) offsets(%dma_start3A_1895 : memref<64xi32, #tpu.memory_space<vmem>>) semaphore(%arg16 : memref<!tpu.dma_semaphore, #tpu.memory_space<semaphore_mem>>)
      %mul3A_1899 = arith.constant 10 : i32
      %mul3A_1900 = arith.muli %scan3A_1206, %mul3A_1899 : i32
      %add3A_1901 = arith.constant 3 : i32
      %add3A_1902 = arith.addi %mul3A_1900, %add3A_1901 : i32
      %jit3A_1903 = arith.constant 2 : i32
      %div3A_1904 = arith.divsi %add3A_1902, %jit3A_1903 : i32
      %sign3A_1905 = arith.constant 0 : i32
      %sign3A_1906 = arith.cmpi sgt, %add3A_1902, %sign3A_1905 : i32
      %sign3A_1907 = arith.extui %sign3A_1906 : i1 to i32
      %sign3A_1908 = arith.constant 0 : i32
      %sign3A_1909 = arith.cmpi slt, %add3A_1902, %sign3A_1908 : i32
      %sign3A_1910 = arith.extui %sign3A_1909 : i1 to i32
      %sign3A_1911 = arith.subi %sign3A_1907, %sign3A_1910 : i32
      %sign3A_1912 = arith.constant 0 : i32
      %sign3A_1913 = arith.cmpi sgt, %jit3A_1903, %sign3A_1912 : i32
      %sign3A_1914 = arith.extui %sign3A_1913 : i1 to i32
      %sign3A_1915 = arith.constant 0 : i32
      %sign3A_1916 = arith.cmpi slt, %jit3A_1903, %sign3A_1915 : i32
      %sign3A_1917 = arith.extui %sign3A_1916 : i1 to i32
      %sign3A_1918 = arith.subi %sign3A_1914, %sign3A_1917 : i32
      %ne3A_1919 = arith.cmpi ne, %sign3A_1911, %sign3A_1918 : i32
      %rem3A_1920 = arith.remsi %add3A_1902, %jit3A_1903 : i32
      %ne3A_1921 = arith.constant 0 : i32
      %ne3A_1922 = arith.cmpi ne, %rem3A_1920, %ne3A_1921 : i32
      %and3A_1923 = arith.andi %ne3A_1919, %ne3A_1922 : i1
      %sub3A_1924 = arith.constant 1 : i32
      %sub3A_1925 = arith.subi %div3A_1904, %sub3A_1924 : i32
      %select_n3A_1926 = arith.select %and3A_1923, %sub3A_1925, %div3A_1904 : i32
      %jit3A_1927 = arith.constant 2 : i32
      %eq3A_1928 = arith.constant 0 : i32
      %eq3A_1929 = arith.cmpi eq, %jit3A_1927, %eq3A_1928 : i32
      %jit3A_1930 = arith.constant 1 : i32
      %select_n3A_1931 = arith.select %eq3A_1929, %jit3A_1930, %jit3A_1927 : i32
      %rem3A_1932 = arith.remsi %add3A_1902, %select_n3A_1931 : i32
      %ne3A_1933 = arith.constant 0 : i32
      %ne3A_1934 = arith.cmpi ne, %rem3A_1932, %ne3A_1933 : i32
      %lt3A_1935 = arith.constant 0 : i32
      %lt3A_1936 = arith.cmpi slt, %rem3A_1932, %lt3A_1935 : i32
      %lt3A_1937 = arith.constant 0 : i32
      %lt3A_1938 = arith.cmpi slt, %select_n3A_1931, %lt3A_1937 : i32
      %ne3A_1939 = arith.xori %lt3A_1936, %lt3A_1938 : i1
      %and3A_1940 = arith.andi %ne3A_1939, %ne3A_1934 : i1
      %add3A_1941 = arith.addi %rem3A_1932, %select_n3A_1931 : i32
      %select_n3A_1942 = arith.select %and3A_1940, %add3A_1941, %rem3A_1932 : i32
      %mul3A_1943 = arith.constant 64 : i32
      %mul3A_1944 = arith.muli %select_n3A_1942, %mul3A_1943 : i32
      %multiple_of3A_1945 = tpu.assume_multiple %mul3A_1944, 64 : i32
      %dma_wait3A_1946 = arith.constant 3 : i32
      %dma_wait3A_1947 = arith.constant 0 : i32
      %dma_wait3A_1948 = arith.constant 0 : i32
      %dma_wait3A_1949 = tpu.memref_slice %arg6[%dma_wait3A_1946, %dma_wait3A_1947, %dma_wait3A_1948] : memref<10x64x128xf32, #tpu.memory_space<vmem>> -> memref<1x64x128xf32, #tpu.memory_space<vmem>>
      %dma_wait3A_1950 = tpu.memref_squeeze %dma_wait3A_1949 : memref<1x64x128xf32, #tpu.memory_space<vmem>> -> memref<64x128xf32, #tpu.memory_space<vmem>>
      %dma_wait3A_1951 = tpu.memref_slice %arg5[%select_n3A_1926, %multiple_of3A_1945] : memref<50x128xi32, #tpu.memory_space<vmem>> -> memref<1x64xi32, #tpu.memory_space<vmem>>
      %dma_wait3A_1952 = tpu.memref_squeeze %dma_wait3A_1951 : memref<1x64xi32, #tpu.memory_space<vmem>> -> memref<64xi32, #tpu.memory_space<vmem>>
      %dma_wait3A_1953 = arith.constant 0 : i32
      %dma_wait3A_1954 = arith.constant 0 : i32
      %dma_wait3A_1955 = tpu.memref_slice %arg3[%dma_wait3A_1953, %dma_wait3A_1954] : memref<100000x128xf32, #tpu.memory_space<hbm>> -> memref<100000x128xf32, #tpu.memory_space<hbm>>
      tpu.wait_indirect_dma semaphore(%arg10 : memref<!tpu.dma_semaphore, #tpu.memory_space<semaphore_mem>>) src(%dma_wait3A_1955 : memref<100000x128xf32, #tpu.memory_space<hbm>>) dst(%dma_wait3A_1950 : memref<64x128xf32, #tpu.memory_space<vmem>>)
      %jit3A_1956 = arith.constant 2 : i32
      %div3A_1957 = arith.divsi %add3A_1902, %jit3A_1956 : i32
      %sign3A_1958 = arith.constant 0 : i32
      %sign3A_1959 = arith.cmpi sgt, %add3A_1902, %sign3A_1958 : i32
      %sign3A_1960 = arith.extui %sign3A_1959 : i1 to i32
      %sign3A_1961 = arith.constant 0 : i32
      %sign3A_1962 = arith.cmpi slt, %add3A_1902, %sign3A_1961 : i32
      %sign3A_1963 = arith.extui %sign3A_1962 : i1 to i32
      %sign3A_1964 = arith.subi %sign3A_1960, %sign3A_1963 : i32
      %sign3A_1965 = arith.constant 0 : i32
      %sign3A_1966 = arith.cmpi sgt, %jit3A_1956, %sign3A_1965 : i32
      %sign3A_1967 = arith.extui %sign3A_1966 : i1 to i32
      %sign3A_1968 = arith.constant 0 : i32
      %sign3A_1969 = arith.cmpi slt, %jit3A_1956, %sign3A_1968 : i32
      %sign3A_1970 = arith.extui %sign3A_1969 : i1 to i32
      %sign3A_1971 = arith.subi %sign3A_1967, %sign3A_1970 : i32
      %ne3A_1972 = arith.cmpi ne, %sign3A_1964, %sign3A_1971 : i32
      %rem3A_1973 = arith.remsi %add3A_1902, %jit3A_1956 : i32
      %ne3A_1974 = arith.constant 0 : i32
      %ne3A_1975 = arith.cmpi ne, %rem3A_1973, %ne3A_1974 : i32
      %and3A_1976 = arith.andi %ne3A_1972, %ne3A_1975 : i1
      %sub3A_1977 = arith.constant 1 : i32
      %sub3A_1978 = arith.subi %div3A_1957, %sub3A_1977 : i32
      %select_n3A_1979 = arith.select %and3A_1976, %sub3A_1978, %div3A_1957 : i32
      %jit3A_1980 = arith.constant 2 : i32
      %eq3A_1981 = arith.constant 0 : i32
      %eq3A_1982 = arith.cmpi eq, %jit3A_1980, %eq3A_1981 : i32
      %jit3A_1983 = arith.constant 1 : i32
      %select_n3A_1984 = arith.select %eq3A_1982, %jit3A_1983, %jit3A_1980 : i32
      %rem3A_1985 = arith.remsi %add3A_1902, %select_n3A_1984 : i32
      %ne3A_1986 = arith.constant 0 : i32
      %ne3A_1987 = arith.cmpi ne, %rem3A_1985, %ne3A_1986 : i32
      %lt3A_1988 = arith.constant 0 : i32
      %lt3A_1989 = arith.cmpi slt, %rem3A_1985, %lt3A_1988 : i32
      %lt3A_1990 = arith.constant 0 : i32
      %lt3A_1991 = arith.cmpi slt, %select_n3A_1984, %lt3A_1990 : i32
      %ne3A_1992 = arith.xori %lt3A_1989, %lt3A_1991 : i1
      %and3A_1993 = arith.andi %ne3A_1992, %ne3A_1987 : i1
      %add3A_1994 = arith.addi %rem3A_1985, %select_n3A_1984 : i32
      %select_n3A_1995 = arith.select %and3A_1993, %add3A_1994, %rem3A_1985 : i32
      %mul3A_1996 = arith.constant 64 : i32
      %mul3A_1997 = arith.muli %select_n3A_1995, %mul3A_1996 : i32
      %multiple_of3A_1998 = tpu.assume_multiple %mul3A_1997, 64 : i32
      %add3A_1999 = arith.addi %multiple_of3A_1998, %multiple_of3A : i32
      %multiple_of3A_2000 = tpu.assume_multiple %add3A_1999, 64 : i32
      %dma_start3A_2001 = arith.constant 3 : i32
      %dma_start3A_2002 = arith.constant 0 : i32
      %dma_start3A_2003 = arith.constant 0 : i32
      %dma_start3A_2004 = tpu.memref_slice %arg6[%dma_start3A_2001, %dma_start3A_2002, %dma_start3A_2003] : memref<10x64x128xf32, #tpu.memory_space<vmem>> -> memref<1x64x128xf32, #tpu.memory_space<vmem>>
      %dma_start3A_2005 = tpu.memref_squeeze %dma_start3A_2004 : memref<1x64x128xf32, #tpu.memory_space<vmem>> -> memref<64x128xf32, #tpu.memory_space<vmem>>
      %dma_start3A_2006 = arith.constant 0 : i32
      %dma_start3A_2007 = tpu.memref_slice %arg4[%select_n3A_1979, %multiple_of3A_2000, %dma_start3A_2006] : memref<50x4096x128xf32, #tpu.memory_space<hbm>> -> memref<1x64x128xf32, #tpu.memory_space<hbm>>
      %dma_start3A_2008 = tpu.memref_squeeze %dma_start3A_2007 : memref<1x64x128xf32, #tpu.memory_space<hbm>> -> memref<64x128xf32, #tpu.memory_space<hbm>>
      %dma_start3A_2009 = arith.constant 0 : i32
      %dma_start3A_2010 = tpu.memref_slice %arg4[%select_n3A_1979, %multiple_of3A_2000, %dma_start3A_2009] : memref<50x4096x128xf32, #tpu.memory_space<hbm>> -> memref<1x64x128xf32, #tpu.memory_space<hbm>>
      %dma_start3A_2011 = tpu.memref_squeeze %dma_start3A_2010 : memref<1x64x128xf32, #tpu.memory_space<hbm>> -> memref<64x128xf32, #tpu.memory_space<hbm>>
      %dma_start3A_2012 = arith.constant 0 : i32
      %dma_start3A_2013 = arith.constant 0 : i32
      %dma_start3A_2014 = tpu.memref_slice %arg6[%dma_start3A_2001, %dma_start3A_2012, %dma_start3A_2013] : memref<10x64x128xf32, #tpu.memory_space<vmem>> -> memref<1x64x128xf32, #tpu.memory_space<vmem>>
      %dma_start3A_2015 = tpu.memref_squeeze %dma_start3A_2014 : memref<1x64x128xf32, #tpu.memory_space<vmem>> -> memref<64x128xf32, #tpu.memory_space<vmem>>
      tpu.enqueue_dma source(%dma_start3A_2015 : memref<64x128xf32, #tpu.memory_space<vmem>>) target(%dma_start3A_2011 : memref<64x128xf32, #tpu.memory_space<hbm>>) target_semaphore(%arg20 : memref<!tpu.dma_semaphore, #tpu.memory_space<semaphore_mem>>)
      %add3A_2016 = arith.constant 7 : i32
      %add3A_2017 = arith.addi %add3A_1902, %add3A_2016 : i32
      %sub3A_2018 = arith.constant 10 : i32
      %sub3A_2019 = arith.subi %add3A_2017, %sub3A_2018 : i32
      %jit3A_2020 = arith.constant 2 : i32
      %div3A_2021 = arith.divsi %sub3A_2019, %jit3A_2020 : i32
      %sign3A_2022 = arith.constant 0 : i32
      %sign3A_2023 = arith.cmpi sgt, %sub3A_2019, %sign3A_2022 : i32
      %sign3A_2024 = arith.extui %sign3A_2023 : i1 to i32
      %sign3A_2025 = arith.constant 0 : i32
      %sign3A_2026 = arith.cmpi slt, %sub3A_2019, %sign3A_2025 : i32
      %sign3A_2027 = arith.extui %sign3A_2026 : i1 to i32
      %sign3A_2028 = arith.subi %sign3A_2024, %sign3A_2027 : i32
      %sign3A_2029 = arith.constant 0 : i32
      %sign3A_2030 = arith.cmpi sgt, %jit3A_2020, %sign3A_2029 : i32
      %sign3A_2031 = arith.extui %sign3A_2030 : i1 to i32
      %sign3A_2032 = arith.constant 0 : i32
      %sign3A_2033 = arith.cmpi slt, %jit3A_2020, %sign3A_2032 : i32
      %sign3A_2034 = arith.extui %sign3A_2033 : i1 to i32
      %sign3A_2035 = arith.subi %sign3A_2031, %sign3A_2034 : i32
      %ne3A_2036 = arith.cmpi ne, %sign3A_2028, %sign3A_2035 : i32
      %rem3A_2037 = arith.remsi %sub3A_2019, %jit3A_2020 : i32
      %ne3A_2038 = arith.constant 0 : i32
      %ne3A_2039 = arith.cmpi ne, %rem3A_2037, %ne3A_2038 : i32
      %and3A_2040 = arith.andi %ne3A_2036, %ne3A_2039 : i1
      %sub3A_2041 = arith.constant 1 : i32
      %sub3A_2042 = arith.subi %div3A_2021, %sub3A_2041 : i32
      %select_n3A_2043 = arith.select %and3A_2040, %sub3A_2042, %div3A_2021 : i32
      %jit3A_2044 = arith.constant 2 : i32
      %eq3A_2045 = arith.constant 0 : i32
      %eq3A_2046 = arith.cmpi eq, %jit3A_2044, %eq3A_2045 : i32
      %jit3A_2047 = arith.constant 1 : i32
      %select_n3A_2048 = arith.select %eq3A_2046, %jit3A_2047, %jit3A_2044 : i32
      %rem3A_2049 = arith.remsi %sub3A_2019, %select_n3A_2048 : i32
      %ne3A_2050 = arith.constant 0 : i32
      %ne3A_2051 = arith.cmpi ne, %rem3A_2049, %ne3A_2050 : i32
      %lt3A_2052 = arith.constant 0 : i32
      %lt3A_2053 = arith.cmpi slt, %rem3A_2049, %lt3A_2052 : i32
      %lt3A_2054 = arith.constant 0 : i32
      %lt3A_2055 = arith.cmpi slt, %select_n3A_2048, %lt3A_2054 : i32
      %ne3A_2056 = arith.xori %lt3A_2053, %lt3A_2055 : i1
      %and3A_2057 = arith.andi %ne3A_2056, %ne3A_2051 : i1
      %add3A_2058 = arith.addi %rem3A_2049, %select_n3A_2048 : i32
      %select_n3A_2059 = arith.select %and3A_2057, %add3A_2058, %rem3A_2049 : i32
      %mul3A_2060 = arith.constant 64 : i32
      %mul3A_2061 = arith.muli %select_n3A_2059, %mul3A_2060 : i32
      %multiple_of3A_2062 = tpu.assume_multiple %mul3A_2061, 64 : i32
      %add3A_2063 = arith.addi %multiple_of3A_2062, %multiple_of3A : i32
      %multiple_of3A_2064 = tpu.assume_multiple %add3A_2063, 64 : i32
      %dma_wait3A_2065 = arith.constant 0 : i32
      %dma_wait3A_2066 = arith.constant 0 : i32
      %dma_wait3A_2067 = arith.constant 0 : i32
      %dma_wait3A_2068 = tpu.memref_slice %arg6[%dma_wait3A_2065, %dma_wait3A_2066, %dma_wait3A_2067] : memref<10x64x128xf32, #tpu.memory_space<vmem>> -> memref<1x64x128xf32, #tpu.memory_space<vmem>>
      %dma_wait3A_2069 = tpu.memref_squeeze %dma_wait3A_2068 : memref<1x64x128xf32, #tpu.memory_space<vmem>> -> memref<64x128xf32, #tpu.memory_space<vmem>>
      %dma_wait3A_2070 = arith.constant 0 : i32
      %dma_wait3A_2071 = tpu.memref_slice %arg4[%select_n3A_2043, %multiple_of3A_2064, %dma_wait3A_2070] : memref<50x4096x128xf32, #tpu.memory_space<hbm>> -> memref<1x64x128xf32, #tpu.memory_space<hbm>>
      %dma_wait3A_2072 = tpu.memref_squeeze %dma_wait3A_2071 : memref<1x64x128xf32, #tpu.memory_space<hbm>> -> memref<64x128xf32, #tpu.memory_space<hbm>>
      %dma_wait3A_2073 = arith.constant 0 : i32
      %dma_wait3A_2074 = tpu.memref_slice %arg4[%select_n3A_2043, %multiple_of3A_2064, %dma_wait3A_2073] : memref<50x4096x128xf32, #tpu.memory_space<hbm>> -> memref<1x64x128xf32, #tpu.memory_space<hbm>>
      %dma_wait3A_2075 = tpu.memref_squeeze %dma_wait3A_2074 : memref<1x64x128xf32, #tpu.memory_space<hbm>> -> memref<64x128xf32, #tpu.memory_space<hbm>>
      %dma_wait3A_2076 = arith.constant 0 : i32
      %dma_wait3A_2077 = arith.constant 0 : i32
      %dma_wait3A_2078 = tpu.memref_slice %arg6[%dma_wait3A_2065, %dma_wait3A_2076, %dma_wait3A_2077] : memref<10x64x128xf32, #tpu.memory_space<vmem>> -> memref<1x64x128xf32, #tpu.memory_space<vmem>>
      %dma_wait3A_2079 = tpu.memref_squeeze %dma_wait3A_2078 : memref<1x64x128xf32, #tpu.memory_space<vmem>> -> memref<64x128xf32, #tpu.memory_space<vmem>>
      tpu.wait_dma2 semaphore(%arg17 : memref<!tpu.dma_semaphore, #tpu.memory_space<semaphore_mem>>) src(%dma_wait3A_2079 : memref<64x128xf32, #tpu.memory_space<vmem>>) dst(%dma_wait3A_2075 : memref<64x128xf32, #tpu.memory_space<hbm>>)
      %jit3A_2080 = arith.constant 2 : i32
      %div3A_2081 = arith.divsi %add3A_2017, %jit3A_2080 : i32
      %sign3A_2082 = arith.constant 0 : i32
      %sign3A_2083 = arith.cmpi sgt, %add3A_2017, %sign3A_2082 : i32
      %sign3A_2084 = arith.extui %sign3A_2083 : i1 to i32
      %sign3A_2085 = arith.constant 0 : i32
      %sign3A_2086 = arith.cmpi slt, %add3A_2017, %sign3A_2085 : i32
      %sign3A_2087 = arith.extui %sign3A_2086 : i1 to i32
      %sign3A_2088 = arith.subi %sign3A_2084, %sign3A_2087 : i32
      %sign3A_2089 = arith.constant 0 : i32
      %sign3A_2090 = arith.cmpi sgt, %jit3A_2080, %sign3A_2089 : i32
      %sign3A_2091 = arith.extui %sign3A_2090 : i1 to i32
      %sign3A_2092 = arith.constant 0 : i32
      %sign3A_2093 = arith.cmpi slt, %jit3A_2080, %sign3A_2092 : i32
      %sign3A_2094 = arith.extui %sign3A_2093 : i1 to i32
      %sign3A_2095 = arith.subi %sign3A_2091, %sign3A_2094 : i32
      %ne3A_2096 = arith.cmpi ne, %sign3A_2088, %sign3A_2095 : i32
      %rem3A_2097 = arith.remsi %add3A_2017, %jit3A_2080 : i32
      %ne3A_2098 = arith.constant 0 : i32
      %ne3A_2099 = arith.cmpi ne, %rem3A_2097, %ne3A_2098 : i32
      %and3A_2100 = arith.andi %ne3A_2096, %ne3A_2099 : i1
      %sub3A_2101 = arith.constant 1 : i32
      %sub3A_2102 = arith.subi %div3A_2081, %sub3A_2101 : i32
      %select_n3A_2103 = arith.select %and3A_2100, %sub3A_2102, %div3A_2081 : i32
      %jit3A_2104 = arith.constant 2 : i32
      %eq3A_2105 = arith.constant 0 : i32
      %eq3A_2106 = arith.cmpi eq, %jit3A_2104, %eq3A_2105 : i32
      %jit3A_2107 = arith.constant 1 : i32
      %select_n3A_2108 = arith.select %eq3A_2106, %jit3A_2107, %jit3A_2104 : i32
      %rem3A_2109 = arith.remsi %add3A_2017, %select_n3A_2108 : i32
      %ne3A_2110 = arith.constant 0 : i32
      %ne3A_2111 = arith.cmpi ne, %rem3A_2109, %ne3A_2110 : i32
      %lt3A_2112 = arith.constant 0 : i32
      %lt3A_2113 = arith.cmpi slt, %rem3A_2109, %lt3A_2112 : i32
      %lt3A_2114 = arith.constant 0 : i32
      %lt3A_2115 = arith.cmpi slt, %select_n3A_2108, %lt3A_2114 : i32
      %ne3A_2116 = arith.xori %lt3A_2113, %lt3A_2115 : i1
      %and3A_2117 = arith.andi %ne3A_2116, %ne3A_2111 : i1
      %add3A_2118 = arith.addi %rem3A_2109, %select_n3A_2108 : i32
      %select_n3A_2119 = arith.select %and3A_2117, %add3A_2118, %rem3A_2109 : i32
      %mul3A_2120 = arith.constant 64 : i32
      %mul3A_2121 = arith.muli %select_n3A_2119, %mul3A_2120 : i32
      %multiple_of3A_2122 = tpu.assume_multiple %mul3A_2121, 64 : i32
      %dma_start3A_2123 = arith.constant 0 : i32
      %dma_start3A_2124 = arith.constant 0 : i32
      %dma_start3A_2125 = arith.constant 0 : i32
      %dma_start3A_2126 = tpu.memref_slice %arg6[%dma_start3A_2123, %dma_start3A_2124, %dma_start3A_2125] : memref<10x64x128xf32, #tpu.memory_space<vmem>> -> memref<1x64x128xf32, #tpu.memory_space<vmem>>
      %dma_start3A_2127 = tpu.memref_squeeze %dma_start3A_2126 : memref<1x64x128xf32, #tpu.memory_space<vmem>> -> memref<64x128xf32, #tpu.memory_space<vmem>>
      %dma_start3A_2128 = tpu.memref_slice %arg5[%select_n3A_2103, %multiple_of3A_2122] : memref<50x128xi32, #tpu.memory_space<vmem>> -> memref<1x64xi32, #tpu.memory_space<vmem>>
      %dma_start3A_2129 = tpu.memref_squeeze %dma_start3A_2128 : memref<1x64xi32, #tpu.memory_space<vmem>> -> memref<64xi32, #tpu.memory_space<vmem>>
      %dma_start3A_2130 = arith.constant 0 : i32
      %dma_start3A_2131 = arith.constant 0 : i32
      %dma_start3A_2132 = tpu.memref_slice %arg3[%dma_start3A_2130, %dma_start3A_2131] : memref<100000x128xf32, #tpu.memory_space<hbm>> -> memref<100000x128xf32, #tpu.memory_space<hbm>>
      tpu.enqueue_indirect_dma source(%dma_start3A_2132 : memref<100000x128xf32, #tpu.memory_space<hbm>>) target(%dma_start3A_2127 : memref<64x128xf32, #tpu.memory_space<vmem>>) offsets(%dma_start3A_2129 : memref<64xi32, #tpu.memory_space<vmem>>) semaphore(%arg7 : memref<!tpu.dma_semaphore, #tpu.memory_space<semaphore_mem>>)
      %mul3A_2133 = arith.constant 10 : i32
      %mul3A_2134 = arith.muli %scan3A_1206, %mul3A_2133 : i32
      %add3A_2135 = arith.constant 4 : i32
      %add3A_2136 = arith.addi %mul3A_2134, %add3A_2135 : i32
      %jit3A_2137 = arith.constant 2 : i32
      %div3A_2138 = arith.divsi %add3A_2136, %jit3A_2137 : i32
      %sign3A_2139 = arith.constant 0 : i32
      %sign3A_2140 = arith.cmpi sgt, %add3A_2136, %sign3A_2139 : i32
      %sign3A_2141 = arith.extui %sign3A_2140 : i1 to i32
      %sign3A_2142 = arith.constant 0 : i32
      %sign3A_2143 = arith.cmpi slt, %add3A_2136, %sign3A_2142 : i32
      %sign3A_2144 = arith.extui %sign3A_2143 : i1 to i32
      %sign3A_2145 = arith.subi %sign3A_2141, %sign3A_2144 : i32
      %sign3A_2146 = arith.constant 0 : i32
      %sign3A_2147 = arith.cmpi sgt, %jit3A_2137, %sign3A_2146 : i32
      %sign3A_2148 = arith.extui %sign3A_2147 : i1 to i32
      %sign3A_2149 = arith.constant 0 : i32
      %sign3A_2150 = arith.cmpi slt, %jit3A_2137, %sign3A_2149 : i32
      %sign3A_2151 = arith.extui %sign3A_2150 : i1 to i32
      %sign3A_2152 = arith.subi %sign3A_2148, %sign3A_2151 : i32
      %ne3A_2153 = arith.cmpi ne, %sign3A_2145, %sign3A_2152 : i32
      %rem3A_2154 = arith.remsi %add3A_2136, %jit3A_2137 : i32
      %ne3A_2155 = arith.constant 0 : i32
      %ne3A_2156 = arith.cmpi ne, %rem3A_2154, %ne3A_2155 : i32
      %and3A_2157 = arith.andi %ne3A_2153, %ne3A_2156 : i1
      %sub3A_2158 = arith.constant 1 : i32
      %sub3A_2159 = arith.subi %div3A_2138, %sub3A_2158 : i32
      %select_n3A_2160 = arith.select %and3A_2157, %sub3A_2159, %div3A_2138 : i32
      %jit3A_2161 = arith.constant 2 : i32
      %eq3A_2162 = arith.constant 0 : i32
      %eq3A_2163 = arith.cmpi eq, %jit3A_2161, %eq3A_2162 : i32
      %jit3A_2164 = arith.constant 1 : i32
      %select_n3A_2165 = arith.select %eq3A_2163, %jit3A_2164, %jit3A_2161 : i32
      %rem3A_2166 = arith.remsi %add3A_2136, %select_n3A_2165 : i32
      %ne3A_2167 = arith.constant 0 : i32
      %ne3A_2168 = arith.cmpi ne, %rem3A_2166, %ne3A_2167 : i32
      %lt3A_2169 = arith.constant 0 : i32
      %lt3A_2170 = arith.cmpi slt, %rem3A_2166, %lt3A_2169 : i32
      %lt3A_2171 = arith.constant 0 : i32
      %lt3A_2172 = arith.cmpi slt, %select_n3A_2165, %lt3A_2171 : i32
      %ne3A_2173 = arith.xori %lt3A_2170, %lt3A_2172 : i1
      %and3A_2174 = arith.andi %ne3A_2173, %ne3A_2168 : i1
      %add3A_2175 = arith.addi %rem3A_2166, %select_n3A_2165 : i32
      %select_n3A_2176 = arith.select %and3A_2174, %add3A_2175, %rem3A_2166 : i32
      %mul3A_2177 = arith.constant 64 : i32
      %mul3A_2178 = arith.muli %select_n3A_2176, %mul3A_2177 : i32
      %multiple_of3A_2179 = tpu.assume_multiple %mul3A_2178, 64 : i32
      %dma_wait3A_2180 = arith.constant 4 : i32
      %dma_wait3A_2181 = arith.constant 0 : i32
      %dma_wait3A_2182 = arith.constant 0 : i32
      %dma_wait3A_2183 = tpu.memref_slice %arg6[%dma_wait3A_2180, %dma_wait3A_2181, %dma_wait3A_2182] : memref<10x64x128xf32, #tpu.memory_space<vmem>> -> memref<1x64x128xf32, #tpu.memory_space<vmem>>
      %dma_wait3A_2184 = tpu.memref_squeeze %dma_wait3A_2183 : memref<1x64x128xf32, #tpu.memory_space<vmem>> -> memref<64x128xf32, #tpu.memory_space<vmem>>
      %dma_wait3A_2185 = tpu.memref_slice %arg5[%select_n3A_2160, %multiple_of3A_2179] : memref<50x128xi32, #tpu.memory_space<vmem>> -> memref<1x64xi32, #tpu.memory_space<vmem>>
      %dma_wait3A_2186 = tpu.memref_squeeze %dma_wait3A_2185 : memref<1x64xi32, #tpu.memory_space<vmem>> -> memref<64xi32, #tpu.memory_space<vmem>>
      %dma_wait3A_2187 = arith.constant 0 : i32
      %dma_wait3A_2188 = arith.constant 0 : i32
      %dma_wait3A_2189 = tpu.memref_slice %arg3[%dma_wait3A_2187, %dma_wait3A_2188] : memref<100000x128xf32, #tpu.memory_space<hbm>> -> memref<100000x128xf32, #tpu.memory_space<hbm>>
      tpu.wait_indirect_dma semaphore(%arg11 : memref<!tpu.dma_semaphore, #tpu.memory_space<semaphore_mem>>) src(%dma_wait3A_2189 : memref<100000x128xf32, #tpu.memory_space<hbm>>) dst(%dma_wait3A_2184 : memref<64x128xf32, #tpu.memory_space<vmem>>)
      %jit3A_2190 = arith.constant 2 : i32
      %div3A_2191 = arith.divsi %add3A_2136, %jit3A_2190 : i32
      %sign3A_2192 = arith.constant 0 : i32
      %sign3A_2193 = arith.cmpi sgt, %add3A_2136, %sign3A_2192 : i32
      %sign3A_2194 = arith.extui %sign3A_2193 : i1 to i32
      %sign3A_2195 = arith.constant 0 : i32
      %sign3A_2196 = arith.cmpi slt, %add3A_2136, %sign3A_2195 : i32
      %sign3A_2197 = arith.extui %sign3A_2196 : i1 to i32
      %sign3A_2198 = arith.subi %sign3A_2194, %sign3A_2197 : i32
      %sign3A_2199 = arith.constant 0 : i32
      %sign3A_2200 = arith.cmpi sgt, %jit3A_2190, %sign3A_2199 : i32
      %sign3A_2201 = arith.extui %sign3A_2200 : i1 to i32
      %sign3A_2202 = arith.constant 0 : i32
      %sign3A_2203 = arith.cmpi slt, %jit3A_2190, %sign3A_2202 : i32
      %sign3A_2204 = arith.extui %sign3A_2203 : i1 to i32
      %sign3A_2205 = arith.subi %sign3A_2201, %sign3A_2204 : i32
      %ne3A_2206 = arith.cmpi ne, %sign3A_2198, %sign3A_2205 : i32
      %rem3A_2207 = arith.remsi %add3A_2136, %jit3A_2190 : i32
      %ne3A_2208 = arith.constant 0 : i32
      %ne3A_2209 = arith.cmpi ne, %rem3A_2207, %ne3A_2208 : i32
      %and3A_2210 = arith.andi %ne3A_2206, %ne3A_2209 : i1
      %sub3A_2211 = arith.constant 1 : i32
      %sub3A_2212 = arith.subi %div3A_2191, %sub3A_2211 : i32
      %select_n3A_2213 = arith.select %and3A_2210, %sub3A_2212, %div3A_2191 : i32
      %jit3A_2214 = arith.constant 2 : i32
      %eq3A_2215 = arith.constant 0 : i32
      %eq3A_2216 = arith.cmpi eq, %jit3A_2214, %eq3A_2215 : i32
      %jit3A_2217 = arith.constant 1 : i32
      %select_n3A_2218 = arith.select %eq3A_2216, %jit3A_2217, %jit3A_2214 : i32
      %rem3A_2219 = arith.remsi %add3A_2136, %select_n3A_2218 : i32
      %ne3A_2220 = arith.constant 0 : i32
      %ne3A_2221 = arith.cmpi ne, %rem3A_2219, %ne3A_2220 : i32
      %lt3A_2222 = arith.constant 0 : i32
      %lt3A_2223 = arith.cmpi slt, %rem3A_2219, %lt3A_2222 : i32
      %lt3A_2224 = arith.constant 0 : i32
      %lt3A_2225 = arith.cmpi slt, %select_n3A_2218, %lt3A_2224 : i32
      %ne3A_2226 = arith.xori %lt3A_2223, %lt3A_2225 : i1
      %and3A_2227 = arith.andi %ne3A_2226, %ne3A_2221 : i1
      %add3A_2228 = arith.addi %rem3A_2219, %select_n3A_2218 : i32
      %select_n3A_2229 = arith.select %and3A_2227, %add3A_2228, %rem3A_2219 : i32
      %mul3A_2230 = arith.constant 64 : i32
      %mul3A_2231 = arith.muli %select_n3A_2229, %mul3A_2230 : i32
      %multiple_of3A_2232 = tpu.assume_multiple %mul3A_2231, 64 : i32
      %add3A_2233 = arith.addi %multiple_of3A_2232, %multiple_of3A : i32
      %multiple_of3A_2234 = tpu.assume_multiple %add3A_2233, 64 : i32
      %dma_start3A_2235 = arith.constant 4 : i32
      %dma_start3A_2236 = arith.constant 0 : i32
      %dma_start3A_2237 = arith.constant 0 : i32
      %dma_start3A_2238 = tpu.memref_slice %arg6[%dma_start3A_2235, %dma_start3A_2236, %dma_start3A_2237] : memref<10x64x128xf32, #tpu.memory_space<vmem>> -> memref<1x64x128xf32, #tpu.memory_space<vmem>>
      %dma_start3A_2239 = tpu.memref_squeeze %dma_start3A_2238 : memref<1x64x128xf32, #tpu.memory_space<vmem>> -> memref<64x128xf32, #tpu.memory_space<vmem>>
      %dma_start3A_2240 = arith.constant 0 : i32
      %dma_start3A_2241 = tpu.memref_slice %arg4[%select_n3A_2213, %multiple_of3A_2234, %dma_start3A_2240] : memref<50x4096x128xf32, #tpu.memory_space<hbm>> -> memref<1x64x128xf32, #tpu.memory_space<hbm>>
      %dma_start3A_2242 = tpu.memref_squeeze %dma_start3A_2241 : memref<1x64x128xf32, #tpu.memory_space<hbm>> -> memref<64x128xf32, #tpu.memory_space<hbm>>
      %dma_start3A_2243 = arith.constant 0 : i32
      %dma_start3A_2244 = tpu.memref_slice %arg4[%select_n3A_2213, %multiple_of3A_2234, %dma_start3A_2243] : memref<50x4096x128xf32, #tpu.memory_space<hbm>> -> memref<1x64x128xf32, #tpu.memory_space<hbm>>
      %dma_start3A_2245 = tpu.memref_squeeze %dma_start3A_2244 : memref<1x64x128xf32, #tpu.memory_space<hbm>> -> memref<64x128xf32, #tpu.memory_space<hbm>>
      %dma_start3A_2246 = arith.constant 0 : i32
      %dma_start3A_2247 = arith.constant 0 : i32
      %dma_start3A_2248 = tpu.memref_slice %arg6[%dma_start3A_2235, %dma_start3A_2246, %dma_start3A_2247] : memref<10x64x128xf32, #tpu.memory_space<vmem>> -> memref<1x64x128xf32, #tpu.memory_space<vmem>>
      %dma_start3A_2249 = tpu.memref_squeeze %dma_start3A_2248 : memref<1x64x128xf32, #tpu.memory_space<vmem>> -> memref<64x128xf32, #tpu.memory_space<vmem>>
      tpu.enqueue_dma source(%dma_start3A_2249 : memref<64x128xf32, #tpu.memory_space<vmem>>) target(%dma_start3A_2245 : memref<64x128xf32, #tpu.memory_space<hbm>>) target_semaphore(%arg21 : memref<!tpu.dma_semaphore, #tpu.memory_space<semaphore_mem>>)
      %add3A_2250 = arith.constant 7 : i32
      %add3A_2251 = arith.addi %add3A_2136, %add3A_2250 : i32
      %sub3A_2252 = arith.constant 10 : i32
      %sub3A_2253 = arith.subi %add3A_2251, %sub3A_2252 : i32
      %jit3A_2254 = arith.constant 2 : i32
      %div3A_2255 = arith.divsi %sub3A_2253, %jit3A_2254 : i32
      %sign3A_2256 = arith.constant 0 : i32
      %sign3A_2257 = arith.cmpi sgt, %sub3A_2253, %sign3A_2256 : i32
      %sign3A_2258 = arith.extui %sign3A_2257 : i1 to i32
      %sign3A_2259 = arith.constant 0 : i32
      %sign3A_2260 = arith.cmpi slt, %sub3A_2253, %sign3A_2259 : i32
      %sign3A_2261 = arith.extui %sign3A_2260 : i1 to i32
      %sign3A_2262 = arith.subi %sign3A_2258, %sign3A_2261 : i32
      %sign3A_2263 = arith.constant 0 : i32
      %sign3A_2264 = arith.cmpi sgt, %jit3A_2254, %sign3A_2263 : i32
      %sign3A_2265 = arith.extui %sign3A_2264 : i1 to i32
      %sign3A_2266 = arith.constant 0 : i32
      %sign3A_2267 = arith.cmpi slt, %jit3A_2254, %sign3A_2266 : i32
      %sign3A_2268 = arith.extui %sign3A_2267 : i1 to i32
      %sign3A_2269 = arith.subi %sign3A_2265, %sign3A_2268 : i32
      %ne3A_2270 = arith.cmpi ne, %sign3A_2262, %sign3A_2269 : i32
      %rem3A_2271 = arith.remsi %sub3A_2253, %jit3A_2254 : i32
      %ne3A_2272 = arith.constant 0 : i32
      %ne3A_2273 = arith.cmpi ne, %rem3A_2271, %ne3A_2272 : i32
      %and3A_2274 = arith.andi %ne3A_2270, %ne3A_2273 : i1
      %sub3A_2275 = arith.constant 1 : i32
      %sub3A_2276 = arith.subi %div3A_2255, %sub3A_2275 : i32
      %select_n3A_2277 = arith.select %and3A_2274, %sub3A_2276, %div3A_2255 : i32
      %jit3A_2278 = arith.constant 2 : i32
      %eq3A_2279 = arith.constant 0 : i32
      %eq3A_2280 = arith.cmpi eq, %jit3A_2278, %eq3A_2279 : i32
      %jit3A_2281 = arith.constant 1 : i32
      %select_n3A_2282 = arith.select %eq3A_2280, %jit3A_2281, %jit3A_2278 : i32
      %rem3A_2283 = arith.remsi %sub3A_2253, %select_n3A_2282 : i32
      %ne3A_2284 = arith.constant 0 : i32
      %ne3A_2285 = arith.cmpi ne, %rem3A_2283, %ne3A_2284 : i32
      %lt3A_2286 = arith.constant 0 : i32
      %lt3A_2287 = arith.cmpi slt, %rem3A_2283, %lt3A_2286 : i32
      %lt3A_2288 = arith.constant 0 : i32
      %lt3A_2289 = arith.cmpi slt, %select_n3A_2282, %lt3A_2288 : i32
      %ne3A_2290 = arith.xori %lt3A_2287, %lt3A_2289 : i1
      %and3A_2291 = arith.andi %ne3A_2290, %ne3A_2285 : i1
      %add3A_2292 = arith.addi %rem3A_2283, %select_n3A_2282 : i32
      %select_n3A_2293 = arith.select %and3A_2291, %add3A_2292, %rem3A_2283 : i32
      %mul3A_2294 = arith.constant 64 : i32
      %mul3A_2295 = arith.muli %select_n3A_2293, %mul3A_2294 : i32
      %multiple_of3A_2296 = tpu.assume_multiple %mul3A_2295, 64 : i32
      %add3A_2297 = arith.addi %multiple_of3A_2296, %multiple_of3A : i32
      %multiple_of3A_2298 = tpu.assume_multiple %add3A_2297, 64 : i32
      %dma_wait3A_2299 = arith.constant 1 : i32
      %dma_wait3A_2300 = arith.constant 0 : i32
      %dma_wait3A_2301 = arith.constant 0 : i32
      %dma_wait3A_2302 = tpu.memref_slice %arg6[%dma_wait3A_2299, %dma_wait3A_2300, %dma_wait3A_2301] : memref<10x64x128xf32, #tpu.memory_space<vmem>> -> memref<1x64x128xf32, #tpu.memory_space<vmem>>
      %dma_wait3A_2303 = tpu.memref_squeeze %dma_wait3A_2302 : memref<1x64x128xf32, #tpu.memory_space<vmem>> -> memref<64x128xf32, #tpu.memory_space<vmem>>
      %dma_wait3A_2304 = arith.constant 0 : i32
      %dma_wait3A_2305 = tpu.memref_slice %arg4[%select_n3A_2277, %multiple_of3A_2298, %dma_wait3A_2304] : memref<50x4096x128xf32, #tpu.memory_space<hbm>> -> memref<1x64x128xf32, #tpu.memory_space<hbm>>
      %dma_wait3A_2306 = tpu.memref_squeeze %dma_wait3A_2305 : memref<1x64x128xf32, #tpu.memory_space<hbm>> -> memref<64x128xf32, #tpu.memory_space<hbm>>
      %dma_wait3A_2307 = arith.constant 0 : i32
      %dma_wait3A_2308 = tpu.memref_slice %arg4[%select_n3A_2277, %multiple_of3A_2298, %dma_wait3A_2307] : memref<50x4096x128xf32, #tpu.memory_space<hbm>> -> memref<1x64x128xf32, #tpu.memory_space<hbm>>
      %dma_wait3A_2309 = tpu.memref_squeeze %dma_wait3A_2308 : memref<1x64x128xf32, #tpu.memory_space<hbm>> -> memref<64x128xf32, #tpu.memory_space<hbm>>
      %dma_wait3A_2310 = arith.constant 0 : i32
      %dma_wait3A_2311 = arith.constant 0 : i32
      %dma_wait3A_2312 = tpu.memref_slice %arg6[%dma_wait3A_2299, %dma_wait3A_2310, %dma_wait3A_2311] : memref<10x64x128xf32, #tpu.memory_space<vmem>> -> memref<1x64x128xf32, #tpu.memory_space<vmem>>
      %dma_wait3A_2313 = tpu.memref_squeeze %dma_wait3A_2312 : memref<1x64x128xf32, #tpu.memory_space<vmem>> -> memref<64x128xf32, #tpu.memory_space<vmem>>
      tpu.wait_dma2 semaphore(%arg18 : memref<!tpu.dma_semaphore, #tpu.memory_space<semaphore_mem>>) src(%dma_wait3A_2313 : memref<64x128xf32, #tpu.memory_space<vmem>>) dst(%dma_wait3A_2309 : memref<64x128xf32, #tpu.memory_space<hbm>>)
      %jit3A_2314 = arith.constant 2 : i32
      %div3A_2315 = arith.divsi %add3A_2251, %jit3A_2314 : i32
      %sign3A_2316 = arith.constant 0 : i32
      %sign3A_2317 = arith.cmpi sgt, %add3A_2251, %sign3A_2316 : i32
      %sign3A_2318 = arith.extui %sign3A_2317 : i1 to i32
      %sign3A_2319 = arith.constant 0 : i32
      %sign3A_2320 = arith.cmpi slt, %add3A_2251, %sign3A_2319 : i32
      %sign3A_2321 = arith.extui %sign3A_2320 : i1 to i32
      %sign3A_2322 = arith.subi %sign3A_2318, %sign3A_2321 : i32
      %sign3A_2323 = arith.constant 0 : i32
      %sign3A_2324 = arith.cmpi sgt, %jit3A_2314, %sign3A_2323 : i32
      %sign3A_2325 = arith.extui %sign3A_2324 : i1 to i32
      %sign3A_2326 = arith.constant 0 : i32
      %sign3A_2327 = arith.cmpi slt, %jit3A_2314, %sign3A_2326 : i32
      %sign3A_2328 = arith.extui %sign3A_2327 : i1 to i32
      %sign3A_2329 = arith.subi %sign3A_2325, %sign3A_2328 : i32
      %ne3A_2330 = arith.cmpi ne, %sign3A_2322, %sign3A_2329 : i32
      %rem3A_2331 = arith.remsi %add3A_2251, %jit3A_2314 : i32
      %ne3A_2332 = arith.constant 0 : i32
      %ne3A_2333 = arith.cmpi ne, %rem3A_2331, %ne3A_2332 : i32
      %and3A_2334 = arith.andi %ne3A_2330, %ne3A_2333 : i1
      %sub3A_2335 = arith.constant 1 : i32
      %sub3A_2336 = arith.subi %div3A_2315, %sub3A_2335 : i32
      %select_n3A_2337 = arith.select %and3A_2334, %sub3A_2336, %div3A_2315 : i32
      %jit3A_2338 = arith.constant 2 : i32
      %eq3A_2339 = arith.constant 0 : i32
      %eq3A_2340 = arith.cmpi eq, %jit3A_2338, %eq3A_2339 : i32
      %jit3A_2341 = arith.constant 1 : i32
      %select_n3A_2342 = arith.select %eq3A_2340, %jit3A_2341, %jit3A_2338 : i32
      %rem3A_2343 = arith.remsi %add3A_2251, %select_n3A_2342 : i32
      %ne3A_2344 = arith.constant 0 : i32
      %ne3A_2345 = arith.cmpi ne, %rem3A_2343, %ne3A_2344 : i32
      %lt3A_2346 = arith.constant 0 : i32
      %lt3A_2347 = arith.cmpi slt, %rem3A_2343, %lt3A_2346 : i32
      %lt3A_2348 = arith.constant 0 : i32
      %lt3A_2349 = arith.cmpi slt, %select_n3A_2342, %lt3A_2348 : i32
      %ne3A_2350 = arith.xori %lt3A_2347, %lt3A_2349 : i1
      %and3A_2351 = arith.andi %ne3A_2350, %ne3A_2345 : i1
      %add3A_2352 = arith.addi %rem3A_2343, %select_n3A_2342 : i32
      %select_n3A_2353 = arith.select %and3A_2351, %add3A_2352, %rem3A_2343 : i32
      %mul3A_2354 = arith.constant 64 : i32
      %mul3A_2355 = arith.muli %select_n3A_2353, %mul3A_2354 : i32
      %multiple_of3A_2356 = tpu.assume_multiple %mul3A_2355, 64 : i32
      %dma_start3A_2357 = arith.constant 1 : i32
      %dma_start3A_2358 = arith.constant 0 : i32
      %dma_start3A_2359 = arith.constant 0 : i32
      %dma_start3A_2360 = tpu.memref_slice %arg6[%dma_start3A_2357, %dma_start3A_2358, %dma_start3A_2359] : memref<10x64x128xf32, #tpu.memory_space<vmem>> -> memref<1x64x128xf32, #tpu.memory_space<vmem>>
      %dma_start3A_2361 = tpu.memref_squeeze %dma_start3A_2360 : memref<1x64x128xf32, #tpu.memory_space<vmem>> -> memref<64x128xf32, #tpu.memory_space<vmem>>
      %dma_start3A_2362 = tpu.memref_slice %arg5[%select_n3A_2337, %multiple_of3A_2356] : memref<50x128xi32, #tpu.memory_space<vmem>> -> memref<1x64xi32, #tpu.memory_space<vmem>>
      %dma_start3A_2363 = tpu.memref_squeeze %dma_start3A_2362 : memref<1x64xi32, #tpu.memory_space<vmem>> -> memref<64xi32, #tpu.memory_space<vmem>>
      %dma_start3A_2364 = arith.constant 0 : i32
      %dma_start3A_2365 = arith.constant 0 : i32
      %dma_start3A_2366 = tpu.memref_slice %arg3[%dma_start3A_2364, %dma_start3A_2365] : memref<100000x128xf32, #tpu.memory_space<hbm>> -> memref<100000x128xf32, #tpu.memory_space<hbm>>
      tpu.enqueue_indirect_dma source(%dma_start3A_2366 : memref<100000x128xf32, #tpu.memory_space<hbm>>) target(%dma_start3A_2361 : memref<64x128xf32, #tpu.memory_space<vmem>>) offsets(%dma_start3A_2363 : memref<64xi32, #tpu.memory_space<vmem>>) semaphore(%arg8 : memref<!tpu.dma_semaphore, #tpu.memory_space<semaphore_mem>>)
      %mul3A_2367 = arith.constant 10 : i32
      %mul3A_2368 = arith.muli %scan3A_1206, %mul3A_2367 : i32
      %add3A_2369 = arith.constant 5 : i32
      %add3A_2370 = arith.addi %mul3A_2368, %add3A_2369 : i32
      %jit3A_2371 = arith.constant 2 : i32
      %div3A_2372 = arith.divsi %add3A_2370, %jit3A_2371 : i32
      %sign3A_2373 = arith.constant 0 : i32
      %sign3A_2374 = arith.cmpi sgt, %add3A_2370, %sign3A_2373 : i32
      %sign3A_2375 = arith.extui %sign3A_2374 : i1 to i32
      %sign3A_2376 = arith.constant 0 : i32
      %sign3A_2377 = arith.cmpi slt, %add3A_2370, %sign3A_2376 : i32
      %sign3A_2378 = arith.extui %sign3A_2377 : i1 to i32
      %sign3A_2379 = arith.subi %sign3A_2375, %sign3A_2378 : i32
      %sign3A_2380 = arith.constant 0 : i32
      %sign3A_2381 = arith.cmpi sgt, %jit3A_2371, %sign3A_2380 : i32
      %sign3A_2382 = arith.extui %sign3A_2381 : i1 to i32
      %sign3A_2383 = arith.constant 0 : i32
      %sign3A_2384 = arith.cmpi slt, %jit3A_2371, %sign3A_2383 : i32
      %sign3A_2385 = arith.extui %sign3A_2384 : i1 to i32
      %sign3A_2386 = arith.subi %sign3A_2382, %sign3A_2385 : i32
      %ne3A_2387 = arith.cmpi ne, %sign3A_2379, %sign3A_2386 : i32
      %rem3A_2388 = arith.remsi %add3A_2370, %jit3A_2371 : i32
      %ne3A_2389 = arith.constant 0 : i32
      %ne3A_2390 = arith.cmpi ne, %rem3A_2388, %ne3A_2389 : i32
      %and3A_2391 = arith.andi %ne3A_2387, %ne3A_2390 : i1
      %sub3A_2392 = arith.constant 1 : i32
      %sub3A_2393 = arith.subi %div3A_2372, %sub3A_2392 : i32
      %select_n3A_2394 = arith.select %and3A_2391, %sub3A_2393, %div3A_2372 : i32
      %jit3A_2395 = arith.constant 2 : i32
      %eq3A_2396 = arith.constant 0 : i32
      %eq3A_2397 = arith.cmpi eq, %jit3A_2395, %eq3A_2396 : i32
      %jit3A_2398 = arith.constant 1 : i32
      %select_n3A_2399 = arith.select %eq3A_2397, %jit3A_2398, %jit3A_2395 : i32
      %rem3A_2400 = arith.remsi %add3A_2370, %select_n3A_2399 : i32
      %ne3A_2401 = arith.constant 0 : i32
      %ne3A_2402 = arith.cmpi ne, %rem3A_2400, %ne3A_2401 : i32
      %lt3A_2403 = arith.constant 0 : i32
      %lt3A_2404 = arith.cmpi slt, %rem3A_2400, %lt3A_2403 : i32
      %lt3A_2405 = arith.constant 0 : i32
      %lt3A_2406 = arith.cmpi slt, %select_n3A_2399, %lt3A_2405 : i32
      %ne3A_2407 = arith.xori %lt3A_2404, %lt3A_2406 : i1
      %and3A_2408 = arith.andi %ne3A_2407, %ne3A_2402 : i1
      %add3A_2409 = arith.addi %rem3A_2400, %select_n3A_2399 : i32
      %select_n3A_2410 = arith.select %and3A_2408, %add3A_2409, %rem3A_2400 : i32
      %mul3A_2411 = arith.constant 64 : i32
      %mul3A_2412 = arith.muli %select_n3A_2410, %mul3A_2411 : i32
      %multiple_of3A_2413 = tpu.assume_multiple %mul3A_2412, 64 : i32
      %dma_wait3A_2414 = arith.constant 5 : i32
      %dma_wait3A_2415 = arith.constant 0 : i32
      %dma_wait3A_2416 = arith.constant 0 : i32
      %dma_wait3A_2417 = tpu.memref_slice %arg6[%dma_wait3A_2414, %dma_wait3A_2415, %dma_wait3A_2416] : memref<10x64x128xf32, #tpu.memory_space<vmem>> -> memref<1x64x128xf32, #tpu.memory_space<vmem>>
      %dma_wait3A_2418 = tpu.memref_squeeze %dma_wait3A_2417 : memref<1x64x128xf32, #tpu.memory_space<vmem>> -> memref<64x128xf32, #tpu.memory_space<vmem>>
      %dma_wait3A_2419 = tpu.memref_slice %arg5[%select_n3A_2394, %multiple_of3A_2413] : memref<50x128xi32, #tpu.memory_space<vmem>> -> memref<1x64xi32, #tpu.memory_space<vmem>>
      %dma_wait3A_2420 = tpu.memref_squeeze %dma_wait3A_2419 : memref<1x64xi32, #tpu.memory_space<vmem>> -> memref<64xi32, #tpu.memory_space<vmem>>
      %dma_wait3A_2421 = arith.constant 0 : i32
      %dma_wait3A_2422 = arith.constant 0 : i32
      %dma_wait3A_2423 = tpu.memref_slice %arg3[%dma_wait3A_2421, %dma_wait3A_2422] : memref<100000x128xf32, #tpu.memory_space<hbm>> -> memref<100000x128xf32, #tpu.memory_space<hbm>>
      tpu.wait_indirect_dma semaphore(%arg12 : memref<!tpu.dma_semaphore, #tpu.memory_space<semaphore_mem>>) src(%dma_wait3A_2423 : memref<100000x128xf32, #tpu.memory_space<hbm>>) dst(%dma_wait3A_2418 : memref<64x128xf32, #tpu.memory_space<vmem>>)
      %jit3A_2424 = arith.constant 2 : i32
      %div3A_2425 = arith.divsi %add3A_2370, %jit3A_2424 : i32
      %sign3A_2426 = arith.constant 0 : i32
      %sign3A_2427 = arith.cmpi sgt, %add3A_2370, %sign3A_2426 : i32
      %sign3A_2428 = arith.extui %sign3A_2427 : i1 to i32
      %sign3A_2429 = arith.constant 0 : i32
      %sign3A_2430 = arith.cmpi slt, %add3A_2370, %sign3A_2429 : i32
      %sign3A_2431 = arith.extui %sign3A_2430 : i1 to i32
      %sign3A_2432 = arith.subi %sign3A_2428, %sign3A_2431 : i32
      %sign3A_2433 = arith.constant 0 : i32
      %sign3A_2434 = arith.cmpi sgt, %jit3A_2424, %sign3A_2433 : i32
      %sign3A_2435 = arith.extui %sign3A_2434 : i1 to i32
      %sign3A_2436 = arith.constant 0 : i32
      %sign3A_2437 = arith.cmpi slt, %jit3A_2424, %sign3A_2436 : i32
      %sign3A_2438 = arith.extui %sign3A_2437 : i1 to i32
      %sign3A_2439 = arith.subi %sign3A_2435, %sign3A_2438 : i32
      %ne3A_2440 = arith.cmpi ne, %sign3A_2432, %sign3A_2439 : i32
      %rem3A_2441 = arith.remsi %add3A_2370, %jit3A_2424 : i32
      %ne3A_2442 = arith.constant 0 : i32
      %ne3A_2443 = arith.cmpi ne, %rem3A_2441, %ne3A_2442 : i32
      %and3A_2444 = arith.andi %ne3A_2440, %ne3A_2443 : i1
      %sub3A_2445 = arith.constant 1 : i32
      %sub3A_2446 = arith.subi %div3A_2425, %sub3A_2445 : i32
      %select_n3A_2447 = arith.select %and3A_2444, %sub3A_2446, %div3A_2425 : i32
      %jit3A_2448 = arith.constant 2 : i32
      %eq3A_2449 = arith.constant 0 : i32
      %eq3A_2450 = arith.cmpi eq, %jit3A_2448, %eq3A_2449 : i32
      %jit3A_2451 = arith.constant 1 : i32
      %select_n3A_2452 = arith.select %eq3A_2450, %jit3A_2451, %jit3A_2448 : i32
      %rem3A_2453 = arith.remsi %add3A_2370, %select_n3A_2452 : i32
      %ne3A_2454 = arith.constant 0 : i32
      %ne3A_2455 = arith.cmpi ne, %rem3A_2453, %ne3A_2454 : i32
      %lt3A_2456 = arith.constant 0 : i32
      %lt3A_2457 = arith.cmpi slt, %rem3A_2453, %lt3A_2456 : i32
      %lt3A_2458 = arith.constant 0 : i32
      %lt3A_2459 = arith.cmpi slt, %select_n3A_2452, %lt3A_2458 : i32
      %ne3A_2460 = arith.xori %lt3A_2457, %lt3A_2459 : i1
      %and3A_2461 = arith.andi %ne3A_2460, %ne3A_2455 : i1
      %add3A_2462 = arith.addi %rem3A_2453, %select_n3A_2452 : i32
      %select_n3A_2463 = arith.select %and3A_2461, %add3A_2462, %rem3A_2453 : i32
      %mul3A_2464 = arith.constant 64 : i32
      %mul3A_2465 = arith.muli %select_n3A_2463, %mul3A_2464 : i32
      %multiple_of3A_2466 = tpu.assume_multiple %mul3A_2465, 64 : i32
      %add3A_2467 = arith.addi %multiple_of3A_2466, %multiple_of3A : i32
      %multiple_of3A_2468 = tpu.assume_multiple %add3A_2467, 64 : i32
      %dma_start3A_2469 = arith.constant 5 : i32
      %dma_start3A_2470 = arith.constant 0 : i32
      %dma_start3A_2471 = arith.constant 0 : i32
      %dma_start3A_2472 = tpu.memref_slice %arg6[%dma_start3A_2469, %dma_start3A_2470, %dma_start3A_2471] : memref<10x64x128xf32, #tpu.memory_space<vmem>> -> memref<1x64x128xf32, #tpu.memory_space<vmem>>
      %dma_start3A_2473 = tpu.memref_squeeze %dma_start3A_2472 : memref<1x64x128xf32, #tpu.memory_space<vmem>> -> memref<64x128xf32, #tpu.memory_space<vmem>>
      %dma_start3A_2474 = arith.constant 0 : i32
      %dma_start3A_2475 = tpu.memref_slice %arg4[%select_n3A_2447, %multiple_of3A_2468, %dma_start3A_2474] : memref<50x4096x128xf32, #tpu.memory_space<hbm>> -> memref<1x64x128xf32, #tpu.memory_space<hbm>>
      %dma_start3A_2476 = tpu.memref_squeeze %dma_start3A_2475 : memref<1x64x128xf32, #tpu.memory_space<hbm>> -> memref<64x128xf32, #tpu.memory_space<hbm>>
      %dma_start3A_2477 = arith.constant 0 : i32
      %dma_start3A_2478 = tpu.memref_slice %arg4[%select_n3A_2447, %multiple_of3A_2468, %dma_start3A_2477] : memref<50x4096x128xf32, #tpu.memory_space<hbm>> -> memref<1x64x128xf32, #tpu.memory_space<hbm>>
      %dma_start3A_2479 = tpu.memref_squeeze %dma_start3A_2478 : memref<1x64x128xf32, #tpu.memory_space<hbm>> -> memref<64x128xf32, #tpu.memory_space<hbm>>
      %dma_start3A_2480 = arith.constant 0 : i32
      %dma_start3A_2481 = arith.constant 0 : i32
      %dma_start3A_2482 = tpu.memref_slice %arg6[%dma_start3A_2469, %dma_start3A_2480, %dma_start3A_2481] : memref<10x64x128xf32, #tpu.memory_space<vmem>> -> memref<1x64x128xf32, #tpu.memory_space<vmem>>
      %dma_start3A_2483 = tpu.memref_squeeze %dma_start3A_2482 : memref<1x64x128xf32, #tpu.memory_space<vmem>> -> memref<64x128xf32, #tpu.memory_space<vmem>>
      tpu.enqueue_dma source(%dma_start3A_2483 : memref<64x128xf32, #tpu.memory_space<vmem>>) target(%dma_start3A_2479 : memref<64x128xf32, #tpu.memory_space<hbm>>) target_semaphore(%arg22 : memref<!tpu.dma_semaphore, #tpu.memory_space<semaphore_mem>>)
      %add3A_2484 = arith.constant 7 : i32
      %add3A_2485 = arith.addi %add3A_2370, %add3A_2484 : i32
      %sub3A_2486 = arith.constant 10 : i32
      %sub3A_2487 = arith.subi %add3A_2485, %sub3A_2486 : i32
      %jit3A_2488 = arith.constant 2 : i32
      %div3A_2489 = arith.divsi %sub3A_2487, %jit3A_2488 : i32
      %sign3A_2490 = arith.constant 0 : i32
      %sign3A_2491 = arith.cmpi sgt, %sub3A_2487, %sign3A_2490 : i32
      %sign3A_2492 = arith.extui %sign3A_2491 : i1 to i32
      %sign3A_2493 = arith.constant 0 : i32
      %sign3A_2494 = arith.cmpi slt, %sub3A_2487, %sign3A_2493 : i32
      %sign3A_2495 = arith.extui %sign3A_2494 : i1 to i32
      %sign3A_2496 = arith.subi %sign3A_2492, %sign3A_2495 : i32
      %sign3A_2497 = arith.constant 0 : i32
      %sign3A_2498 = arith.cmpi sgt, %jit3A_2488, %sign3A_2497 : i32
      %sign3A_2499 = arith.extui %sign3A_2498 : i1 to i32
      %sign3A_2500 = arith.constant 0 : i32
      %sign3A_2501 = arith.cmpi slt, %jit3A_2488, %sign3A_2500 : i32
      %sign3A_2502 = arith.extui %sign3A_2501 : i1 to i32
      %sign3A_2503 = arith.subi %sign3A_2499, %sign3A_2502 : i32
      %ne3A_2504 = arith.cmpi ne, %sign3A_2496, %sign3A_2503 : i32
      %rem3A_2505 = arith.remsi %sub3A_2487, %jit3A_2488 : i32
      %ne3A_2506 = arith.constant 0 : i32
      %ne3A_2507 = arith.cmpi ne, %rem3A_2505, %ne3A_2506 : i32
      %and3A_2508 = arith.andi %ne3A_2504, %ne3A_2507 : i1
      %sub3A_2509 = arith.constant 1 : i32
      %sub3A_2510 = arith.subi %div3A_2489, %sub3A_2509 : i32
      %select_n3A_2511 = arith.select %and3A_2508, %sub3A_2510, %div3A_2489 : i32
      %jit3A_2512 = arith.constant 2 : i32
      %eq3A_2513 = arith.constant 0 : i32
      %eq3A_2514 = arith.cmpi eq, %jit3A_2512, %eq3A_2513 : i32
      %jit3A_2515 = arith.constant 1 : i32
      %select_n3A_2516 = arith.select %eq3A_2514, %jit3A_2515, %jit3A_2512 : i32
      %rem3A_2517 = arith.remsi %sub3A_2487, %select_n3A_2516 : i32
      %ne3A_2518 = arith.constant 0 : i32
      %ne3A_2519 = arith.cmpi ne, %rem3A_2517, %ne3A_2518 : i32
      %lt3A_2520 = arith.constant 0 : i32
      %lt3A_2521 = arith.cmpi slt, %rem3A_2517, %lt3A_2520 : i32
      %lt3A_2522 = arith.constant 0 : i32
      %lt3A_2523 = arith.cmpi slt, %select_n3A_2516, %lt3A_2522 : i32
      %ne3A_2524 = arith.xori %lt3A_2521, %lt3A_2523 : i1
      %and3A_2525 = arith.andi %ne3A_2524, %ne3A_2519 : i1
      %add3A_2526 = arith.addi %rem3A_2517, %select_n3A_2516 : i32
      %select_n3A_2527 = arith.select %and3A_2525, %add3A_2526, %rem3A_2517 : i32
      %mul3A_2528 = arith.constant 64 : i32
      %mul3A_2529 = arith.muli %select_n3A_2527, %mul3A_2528 : i32
      %multiple_of3A_2530 = tpu.assume_multiple %mul3A_2529, 64 : i32
      %add3A_2531 = arith.addi %multiple_of3A_2530, %multiple_of3A : i32
      %multiple_of3A_2532 = tpu.assume_multiple %add3A_2531, 64 : i32
      %dma_wait3A_2533 = arith.constant 2 : i32
      %dma_wait3A_2534 = arith.constant 0 : i32
      %dma_wait3A_2535 = arith.constant 0 : i32
      %dma_wait3A_2536 = tpu.memref_slice %arg6[%dma_wait3A_2533, %dma_wait3A_2534, %dma_wait3A_2535] : memref<10x64x128xf32, #tpu.memory_space<vmem>> -> memref<1x64x128xf32, #tpu.memory_space<vmem>>
      %dma_wait3A_2537 = tpu.memref_squeeze %dma_wait3A_2536 : memref<1x64x128xf32, #tpu.memory_space<vmem>> -> memref<64x128xf32, #tpu.memory_space<vmem>>
      %dma_wait3A_2538 = arith.constant 0 : i32
      %dma_wait3A_2539 = tpu.memref_slice %arg4[%select_n3A_2511, %multiple_of3A_2532, %dma_wait3A_2538] : memref<50x4096x128xf32, #tpu.memory_space<hbm>> -> memref<1x64x128xf32, #tpu.memory_space<hbm>>
      %dma_wait3A_2540 = tpu.memref_squeeze %dma_wait3A_2539 : memref<1x64x128xf32, #tpu.memory_space<hbm>> -> memref<64x128xf32, #tpu.memory_space<hbm>>
      %dma_wait3A_2541 = arith.constant 0 : i32
      %dma_wait3A_2542 = tpu.memref_slice %arg4[%select_n3A_2511, %multiple_of3A_2532, %dma_wait3A_2541] : memref<50x4096x128xf32, #tpu.memory_space<hbm>> -> memref<1x64x128xf32, #tpu.memory_space<hbm>>
      %dma_wait3A_2543 = tpu.memref_squeeze %dma_wait3A_2542 : memref<1x64x128xf32, #tpu.memory_space<hbm>> -> memref<64x128xf32, #tpu.memory_space<hbm>>
      %dma_wait3A_2544 = arith.constant 0 : i32
      %dma_wait3A_2545 = arith.constant 0 : i32
      %dma_wait3A_2546 = tpu.memref_slice %arg6[%dma_wait3A_2533, %dma_wait3A_2544, %dma_wait3A_2545] : memref<10x64x128xf32, #tpu.memory_space<vmem>> -> memref<1x64x128xf32, #tpu.memory_space<vmem>>
      %dma_wait3A_2547 = tpu.memref_squeeze %dma_wait3A_2546 : memref<1x64x128xf32, #tpu.memory_space<vmem>> -> memref<64x128xf32, #tpu.memory_space<vmem>>
      tpu.wait_dma2 semaphore(%arg19 : memref<!tpu.dma_semaphore, #tpu.memory_space<semaphore_mem>>) src(%dma_wait3A_2547 : memref<64x128xf32, #tpu.memory_space<vmem>>) dst(%dma_wait3A_2543 : memref<64x128xf32, #tpu.memory_space<hbm>>)
      %jit3A_2548 = arith.constant 2 : i32
      %div3A_2549 = arith.divsi %add3A_2485, %jit3A_2548 : i32
      %sign3A_2550 = arith.constant 0 : i32
      %sign3A_2551 = arith.cmpi sgt, %add3A_2485, %sign3A_2550 : i32
      %sign3A_2552 = arith.extui %sign3A_2551 : i1 to i32
      %sign3A_2553 = arith.constant 0 : i32
      %sign3A_2554 = arith.cmpi slt, %add3A_2485, %sign3A_2553 : i32
      %sign3A_2555 = arith.extui %sign3A_2554 : i1 to i32
      %sign3A_2556 = arith.subi %sign3A_2552, %sign3A_2555 : i32
      %sign3A_2557 = arith.constant 0 : i32
      %sign3A_2558 = arith.cmpi sgt, %jit3A_2548, %sign3A_2557 : i32
      %sign3A_2559 = arith.extui %sign3A_2558 : i1 to i32
      %sign3A_2560 = arith.constant 0 : i32
      %sign3A_2561 = arith.cmpi slt, %jit3A_2548, %sign3A_2560 : i32
      %sign3A_2562 = arith.extui %sign3A_2561 : i1 to i32
      %sign3A_2563 = arith.subi %sign3A_2559, %sign3A_2562 : i32
      %ne3A_2564 = arith.cmpi ne, %sign3A_2556, %sign3A_2563 : i32
      %rem3A_2565 = arith.remsi %add3A_2485, %jit3A_2548 : i32
      %ne3A_2566 = arith.constant 0 : i32
      %ne3A_2567 = arith.cmpi ne, %rem3A_2565, %ne3A_2566 : i32
      %and3A_2568 = arith.andi %ne3A_2564, %ne3A_2567 : i1
      %sub3A_2569 = arith.constant 1 : i32
      %sub3A_2570 = arith.subi %div3A_2549, %sub3A_2569 : i32
      %select_n3A_2571 = arith.select %and3A_2568, %sub3A_2570, %div3A_2549 : i32
      %jit3A_2572 = arith.constant 2 : i32
      %eq3A_2573 = arith.constant 0 : i32
      %eq3A_2574 = arith.cmpi eq, %jit3A_2572, %eq3A_2573 : i32
      %jit3A_2575 = arith.constant 1 : i32
      %select_n3A_2576 = arith.select %eq3A_2574, %jit3A_2575, %jit3A_2572 : i32
      %rem3A_2577 = arith.remsi %add3A_2485, %select_n3A_2576 : i32
      %ne3A_2578 = arith.constant 0 : i32
      %ne3A_2579 = arith.cmpi ne, %rem3A_2577, %ne3A_2578 : i32
      %lt3A_2580 = arith.constant 0 : i32
      %lt3A_2581 = arith.cmpi slt, %rem3A_2577, %lt3A_2580 : i32
      %lt3A_2582 = arith.constant 0 : i32
      %lt3A_2583 = arith.cmpi slt, %select_n3A_2576, %lt3A_2582 : i32
      %ne3A_2584 = arith.xori %lt3A_2581, %lt3A_2583 : i1
      %and3A_2585 = arith.andi %ne3A_2584, %ne3A_2579 : i1
      %add3A_2586 = arith.addi %rem3A_2577, %select_n3A_2576 : i32
      %select_n3A_2587 = arith.select %and3A_2585, %add3A_2586, %rem3A_2577 : i32
      %mul3A_2588 = arith.constant 64 : i32
      %mul3A_2589 = arith.muli %select_n3A_2587, %mul3A_2588 : i32
      %multiple_of3A_2590 = tpu.assume_multiple %mul3A_2589, 64 : i32
      %dma_start3A_2591 = arith.constant 2 : i32
      %dma_start3A_2592 = arith.constant 0 : i32
      %dma_start3A_2593 = arith.constant 0 : i32
      %dma_start3A_2594 = tpu.memref_slice %arg6[%dma_start3A_2591, %dma_start3A_2592, %dma_start3A_2593] : memref<10x64x128xf32, #tpu.memory_space<vmem>> -> memref<1x64x128xf32, #tpu.memory_space<vmem>>
      %dma_start3A_2595 = tpu.memref_squeeze %dma_start3A_2594 : memref<1x64x128xf32, #tpu.memory_space<vmem>> -> memref<64x128xf32, #tpu.memory_space<vmem>>
      %dma_start3A_2596 = tpu.memref_slice %arg5[%select_n3A_2571, %multiple_of3A_2590] : memref<50x128xi32, #tpu.memory_space<vmem>> -> memref<1x64xi32, #tpu.memory_space<vmem>>
      %dma_start3A_2597 = tpu.memref_squeeze %dma_start3A_2596 : memref<1x64xi32, #tpu.memory_space<vmem>> -> memref<64xi32, #tpu.memory_space<vmem>>
      %dma_start3A_2598 = arith.constant 0 : i32
      %dma_start3A_2599 = arith.constant 0 : i32
      %dma_start3A_2600 = tpu.memref_slice %arg3[%dma_start3A_2598, %dma_start3A_2599] : memref<100000x128xf32, #tpu.memory_space<hbm>> -> memref<100000x128xf32, #tpu.memory_space<hbm>>
      tpu.enqueue_indirect_dma source(%dma_start3A_2600 : memref<100000x128xf32, #tpu.memory_space<hbm>>) target(%dma_start3A_2595 : memref<64x128xf32, #tpu.memory_space<vmem>>) offsets(%dma_start3A_2597 : memref<64xi32, #tpu.memory_space<vmem>>) semaphore(%arg9 : memref<!tpu.dma_semaphore, #tpu.memory_space<semaphore_mem>>)
      %mul3A_2601 = arith.constant 10 : i32
      %mul3A_2602 = arith.muli %scan3A_1206, %mul3A_2601 : i32
      %add3A_2603 = arith.constant 6 : i32
      %add3A_2604 = arith.addi %mul3A_2602, %add3A_2603 : i32
      %jit3A_2605 = arith.constant 2 : i32
      %div3A_2606 = arith.divsi %add3A_2604, %jit3A_2605 : i32
      %sign3A_2607 = arith.constant 0 : i32
      %sign3A_2608 = arith.cmpi sgt, %add3A_2604, %sign3A_2607 : i32
      %sign3A_2609 = arith.extui %sign3A_2608 : i1 to i32
      %sign3A_2610 = arith.constant 0 : i32
      %sign3A_2611 = arith.cmpi slt, %add3A_2604, %sign3A_2610 : i32
      %sign3A_2612 = arith.extui %sign3A_2611 : i1 to i32
      %sign3A_2613 = arith.subi %sign3A_2609, %sign3A_2612 : i32
      %sign3A_2614 = arith.constant 0 : i32
      %sign3A_2615 = arith.cmpi sgt, %jit3A_2605, %sign3A_2614 : i32
      %sign3A_2616 = arith.extui %sign3A_2615 : i1 to i32
      %sign3A_2617 = arith.constant 0 : i32
      %sign3A_2618 = arith.cmpi slt, %jit3A_2605, %sign3A_2617 : i32
      %sign3A_2619 = arith.extui %sign3A_2618 : i1 to i32
      %sign3A_2620 = arith.subi %sign3A_2616, %sign3A_2619 : i32
      %ne3A_2621 = arith.cmpi ne, %sign3A_2613, %sign3A_2620 : i32
      %rem3A_2622 = arith.remsi %add3A_2604, %jit3A_2605 : i32
      %ne3A_2623 = arith.constant 0 : i32
      %ne3A_2624 = arith.cmpi ne, %rem3A_2622, %ne3A_2623 : i32
      %and3A_2625 = arith.andi %ne3A_2621, %ne3A_2624 : i1
      %sub3A_2626 = arith.constant 1 : i32
      %sub3A_2627 = arith.subi %div3A_2606, %sub3A_2626 : i32
      %select_n3A_2628 = arith.select %and3A_2625, %sub3A_2627, %div3A_2606 : i32
      %jit3A_2629 = arith.constant 2 : i32
      %eq3A_2630 = arith.constant 0 : i32
      %eq3A_2631 = arith.cmpi eq, %jit3A_2629, %eq3A_2630 : i32
      %jit3A_2632 = arith.constant 1 : i32
      %select_n3A_2633 = arith.select %eq3A_2631, %jit3A_2632, %jit3A_2629 : i32
      %rem3A_2634 = arith.remsi %add3A_2604, %select_n3A_2633 : i32
      %ne3A_2635 = arith.constant 0 : i32
      %ne3A_2636 = arith.cmpi ne, %rem3A_2634, %ne3A_2635 : i32
      %lt3A_2637 = arith.constant 0 : i32
      %lt3A_2638 = arith.cmpi slt, %rem3A_2634, %lt3A_2637 : i32
      %lt3A_2639 = arith.constant 0 : i32
      %lt3A_2640 = arith.cmpi slt, %select_n3A_2633, %lt3A_2639 : i32
      %ne3A_2641 = arith.xori %lt3A_2638, %lt3A_2640 : i1
      %and3A_2642 = arith.andi %ne3A_2641, %ne3A_2636 : i1
      %add3A_2643 = arith.addi %rem3A_2634, %select_n3A_2633 : i32
      %select_n3A_2644 = arith.select %and3A_2642, %add3A_2643, %rem3A_2634 : i32
      %mul3A_2645 = arith.constant 64 : i32
      %mul3A_2646 = arith.muli %select_n3A_2644, %mul3A_2645 : i32
      %multiple_of3A_2647 = tpu.assume_multiple %mul3A_2646, 64 : i32
      %dma_wait3A_2648 = arith.constant 6 : i32
      %dma_wait3A_2649 = arith.constant 0 : i32
      %dma_wait3A_2650 = arith.constant 0 : i32
      %dma_wait3A_2651 = tpu.memref_slice %arg6[%dma_wait3A_2648, %dma_wait3A_2649, %dma_wait3A_2650] : memref<10x64x128xf32, #tpu.memory_space<vmem>> -> memref<1x64x128xf32, #tpu.memory_space<vmem>>
      %dma_wait3A_2652 = tpu.memref_squeeze %dma_wait3A_2651 : memref<1x64x128xf32, #tpu.memory_space<vmem>> -> memref<64x128xf32, #tpu.memory_space<vmem>>
      %dma_wait3A_2653 = tpu.memref_slice %arg5[%select_n3A_2628, %multiple_of3A_2647] : memref<50x128xi32, #tpu.memory_space<vmem>> -> memref<1x64xi32, #tpu.memory_space<vmem>>
      %dma_wait3A_2654 = tpu.memref_squeeze %dma_wait3A_2653 : memref<1x64xi32, #tpu.memory_space<vmem>> -> memref<64xi32, #tpu.memory_space<vmem>>
      %dma_wait3A_2655 = arith.constant 0 : i32
      %dma_wait3A_2656 = arith.constant 0 : i32
      %dma_wait3A_2657 = tpu.memref_slice %arg3[%dma_wait3A_2655, %dma_wait3A_2656] : memref<100000x128xf32, #tpu.memory_space<hbm>> -> memref<100000x128xf32, #tpu.memory_space<hbm>>
      tpu.wait_indirect_dma semaphore(%arg13 : memref<!tpu.dma_semaphore, #tpu.memory_space<semaphore_mem>>) src(%dma_wait3A_2657 : memref<100000x128xf32, #tpu.memory_space<hbm>>) dst(%dma_wait3A_2652 : memref<64x128xf32, #tpu.memory_space<vmem>>)
      %jit3A_2658 = arith.constant 2 : i32
      %div3A_2659 = arith.divsi %add3A_2604, %jit3A_2658 : i32
      %sign3A_2660 = arith.constant 0 : i32
      %sign3A_2661 = arith.cmpi sgt, %add3A_2604, %sign3A_2660 : i32
      %sign3A_2662 = arith.extui %sign3A_2661 : i1 to i32
      %sign3A_2663 = arith.constant 0 : i32
      %sign3A_2664 = arith.cmpi slt, %add3A_2604, %sign3A_2663 : i32
      %sign3A_2665 = arith.extui %sign3A_2664 : i1 to i32
      %sign3A_2666 = arith.subi %sign3A_2662, %sign3A_2665 : i32
      %sign3A_2667 = arith.constant 0 : i32
      %sign3A_2668 = arith.cmpi sgt, %jit3A_2658, %sign3A_2667 : i32
      %sign3A_2669 = arith.extui %sign3A_2668 : i1 to i32
      %sign3A_2670 = arith.constant 0 : i32
      %sign3A_2671 = arith.cmpi slt, %jit3A_2658, %sign3A_2670 : i32
      %sign3A_2672 = arith.extui %sign3A_2671 : i1 to i32
      %sign3A_2673 = arith.subi %sign3A_2669, %sign3A_2672 : i32
      %ne3A_2674 = arith.cmpi ne, %sign3A_2666, %sign3A_2673 : i32
      %rem3A_2675 = arith.remsi %add3A_2604, %jit3A_2658 : i32
      %ne3A_2676 = arith.constant 0 : i32
      %ne3A_2677 = arith.cmpi ne, %rem3A_2675, %ne3A_2676 : i32
      %and3A_2678 = arith.andi %ne3A_2674, %ne3A_2677 : i1
      %sub3A_2679 = arith.constant 1 : i32
      %sub3A_2680 = arith.subi %div3A_2659, %sub3A_2679 : i32
      %select_n3A_2681 = arith.select %and3A_2678, %sub3A_2680, %div3A_2659 : i32
      %jit3A_2682 = arith.constant 2 : i32
      %eq3A_2683 = arith.constant 0 : i32
      %eq3A_2684 = arith.cmpi eq, %jit3A_2682, %eq3A_2683 : i32
      %jit3A_2685 = arith.constant 1 : i32
      %select_n3A_2686 = arith.select %eq3A_2684, %jit3A_2685, %jit3A_2682 : i32
      %rem3A_2687 = arith.remsi %add3A_2604, %select_n3A_2686 : i32
      %ne3A_2688 = arith.constant 0 : i32
      %ne3A_2689 = arith.cmpi ne, %rem3A_2687, %ne3A_2688 : i32
      %lt3A_2690 = arith.constant 0 : i32
      %lt3A_2691 = arith.cmpi slt, %rem3A_2687, %lt3A_2690 : i32
      %lt3A_2692 = arith.constant 0 : i32
      %lt3A_2693 = arith.cmpi slt, %select_n3A_2686, %lt3A_2692 : i32
      %ne3A_2694 = arith.xori %lt3A_2691, %lt3A_2693 : i1
      %and3A_2695 = arith.andi %ne3A_2694, %ne3A_2689 : i1
      %add3A_2696 = arith.addi %rem3A_2687, %select_n3A_2686 : i32
      %select_n3A_2697 = arith.select %and3A_2695, %add3A_2696, %rem3A_2687 : i32
      %mul3A_2698 = arith.constant 64 : i32
      %mul3A_2699 = arith.muli %select_n3A_2697, %mul3A_2698 : i32
      %multiple_of3A_2700 = tpu.assume_multiple %mul3A_2699, 64 : i32
      %add3A_2701 = arith.addi %multiple_of3A_2700, %multiple_of3A : i32
      %multiple_of3A_2702 = tpu.assume_multiple %add3A_2701, 64 : i32
      %dma_start3A_2703 = arith.constant 6 : i32
      %dma_start3A_2704 = arith.constant 0 : i32
      %dma_start3A_2705 = arith.constant 0 : i32
      %dma_start3A_2706 = tpu.memref_slice %arg6[%dma_start3A_2703, %dma_start3A_2704, %dma_start3A_2705] : memref<10x64x128xf32, #tpu.memory_space<vmem>> -> memref<1x64x128xf32, #tpu.memory_space<vmem>>
      %dma_start3A_2707 = tpu.memref_squeeze %dma_start3A_2706 : memref<1x64x128xf32, #tpu.memory_space<vmem>> -> memref<64x128xf32, #tpu.memory_space<vmem>>
      %dma_start3A_2708 = arith.constant 0 : i32
      %dma_start3A_2709 = tpu.memref_slice %arg4[%select_n3A_2681, %multiple_of3A_2702, %dma_start3A_2708] : memref<50x4096x128xf32, #tpu.memory_space<hbm>> -> memref<1x64x128xf32, #tpu.memory_space<hbm>>
      %dma_start3A_2710 = tpu.memref_squeeze %dma_start3A_2709 : memref<1x64x128xf32, #tpu.memory_space<hbm>> -> memref<64x128xf32, #tpu.memory_space<hbm>>
      %dma_start3A_2711 = arith.constant 0 : i32
      %dma_start3A_2712 = tpu.memref_slice %arg4[%select_n3A_2681, %multiple_of3A_2702, %dma_start3A_2711] : memref<50x4096x128xf32, #tpu.memory_space<hbm>> -> memref<1x64x128xf32, #tpu.memory_space<hbm>>
      %dma_start3A_2713 = tpu.memref_squeeze %dma_start3A_2712 : memref<1x64x128xf32, #tpu.memory_space<hbm>> -> memref<64x128xf32, #tpu.memory_space<hbm>>
      %dma_start3A_2714 = arith.constant 0 : i32
      %dma_start3A_2715 = arith.constant 0 : i32
      %dma_start3A_2716 = tpu.memref_slice %arg6[%dma_start3A_2703, %dma_start3A_2714, %dma_start3A_2715] : memref<10x64x128xf32, #tpu.memory_space<vmem>> -> memref<1x64x128xf32, #tpu.memory_space<vmem>>
      %dma_start3A_2717 = tpu.memref_squeeze %dma_start3A_2716 : memref<1x64x128xf32, #tpu.memory_space<vmem>> -> memref<64x128xf32, #tpu.memory_space<vmem>>
      tpu.enqueue_dma source(%dma_start3A_2717 : memref<64x128xf32, #tpu.memory_space<vmem>>) target(%dma_start3A_2713 : memref<64x128xf32, #tpu.memory_space<hbm>>) target_semaphore(%arg23 : memref<!tpu.dma_semaphore, #tpu.memory_space<semaphore_mem>>)
      %add3A_2718 = arith.constant 7 : i32
      %add3A_2719 = arith.addi %add3A_2604, %add3A_2718 : i32
      %sub3A_2720 = arith.constant 10 : i32
      %sub3A_2721 = arith.subi %add3A_2719, %sub3A_2720 : i32
      %jit3A_2722 = arith.constant 2 : i32
      %div3A_2723 = arith.divsi %sub3A_2721, %jit3A_2722 : i32
      %sign3A_2724 = arith.constant 0 : i32
      %sign3A_2725 = arith.cmpi sgt, %sub3A_2721, %sign3A_2724 : i32
      %sign3A_2726 = arith.extui %sign3A_2725 : i1 to i32
      %sign3A_2727 = arith.constant 0 : i32
      %sign3A_2728 = arith.cmpi slt, %sub3A_2721, %sign3A_2727 : i32
      %sign3A_2729 = arith.extui %sign3A_2728 : i1 to i32
      %sign3A_2730 = arith.subi %sign3A_2726, %sign3A_2729 : i32
      %sign3A_2731 = arith.constant 0 : i32
      %sign3A_2732 = arith.cmpi sgt, %jit3A_2722, %sign3A_2731 : i32
      %sign3A_2733 = arith.extui %sign3A_2732 : i1 to i32
      %sign3A_2734 = arith.constant 0 : i32
      %sign3A_2735 = arith.cmpi slt, %jit3A_2722, %sign3A_2734 : i32
      %sign3A_2736 = arith.extui %sign3A_2735 : i1 to i32
      %sign3A_2737 = arith.subi %sign3A_2733, %sign3A_2736 : i32
      %ne3A_2738 = arith.cmpi ne, %sign3A_2730, %sign3A_2737 : i32
      %rem3A_2739 = arith.remsi %sub3A_2721, %jit3A_2722 : i32
      %ne3A_2740 = arith.constant 0 : i32
      %ne3A_2741 = arith.cmpi ne, %rem3A_2739, %ne3A_2740 : i32
      %and3A_2742 = arith.andi %ne3A_2738, %ne3A_2741 : i1
      %sub3A_2743 = arith.constant 1 : i32
      %sub3A_2744 = arith.subi %div3A_2723, %sub3A_2743 : i32
      %select_n3A_2745 = arith.select %and3A_2742, %sub3A_2744, %div3A_2723 : i32
      %jit3A_2746 = arith.constant 2 : i32
      %eq3A_2747 = arith.constant 0 : i32
      %eq3A_2748 = arith.cmpi eq, %jit3A_2746, %eq3A_2747 : i32
      %jit3A_2749 = arith.constant 1 : i32
      %select_n3A_2750 = arith.select %eq3A_2748, %jit3A_2749, %jit3A_2746 : i32
      %rem3A_2751 = arith.remsi %sub3A_2721, %select_n3A_2750 : i32
      %ne3A_2752 = arith.constant 0 : i32
      %ne3A_2753 = arith.cmpi ne, %rem3A_2751, %ne3A_2752 : i32
      %lt3A_2754 = arith.constant 0 : i32
      %lt3A_2755 = arith.cmpi slt, %rem3A_2751, %lt3A_2754 : i32
      %lt3A_2756 = arith.constant 0 : i32
      %lt3A_2757 = arith.cmpi slt, %select_n3A_2750, %lt3A_2756 : i32
      %ne3A_2758 = arith.xori %lt3A_2755, %lt3A_2757 : i1
      %and3A_2759 = arith.andi %ne3A_2758, %ne3A_2753 : i1
      %add3A_2760 = arith.addi %rem3A_2751, %select_n3A_2750 : i32
      %select_n3A_2761 = arith.select %and3A_2759, %add3A_2760, %rem3A_2751 : i32
      %mul3A_2762 = arith.constant 64 : i32
      %mul3A_2763 = arith.muli %select_n3A_2761, %mul3A_2762 : i32
      %multiple_of3A_2764 = tpu.assume_multiple %mul3A_2763, 64 : i32
      %add3A_2765 = arith.addi %multiple_of3A_2764, %multiple_of3A : i32
      %multiple_of3A_2766 = tpu.assume_multiple %add3A_2765, 64 : i32
      %dma_wait3A_2767 = arith.constant 3 : i32
      %dma_wait3A_2768 = arith.constant 0 : i32
      %dma_wait3A_2769 = arith.constant 0 : i32
      %dma_wait3A_2770 = tpu.memref_slice %arg6[%dma_wait3A_2767, %dma_wait3A_2768, %dma_wait3A_2769] : memref<10x64x128xf32, #tpu.memory_space<vmem>> -> memref<1x64x128xf32, #tpu.memory_space<vmem>>
      %dma_wait3A_2771 = tpu.memref_squeeze %dma_wait3A_2770 : memref<1x64x128xf32, #tpu.memory_space<vmem>> -> memref<64x128xf32, #tpu.memory_space<vmem>>
      %dma_wait3A_2772 = arith.constant 0 : i32
      %dma_wait3A_2773 = tpu.memref_slice %arg4[%select_n3A_2745, %multiple_of3A_2766, %dma_wait3A_2772] : memref<50x4096x128xf32, #tpu.memory_space<hbm>> -> memref<1x64x128xf32, #tpu.memory_space<hbm>>
      %dma_wait3A_2774 = tpu.memref_squeeze %dma_wait3A_2773 : memref<1x64x128xf32, #tpu.memory_space<hbm>> -> memref<64x128xf32, #tpu.memory_space<hbm>>
      %dma_wait3A_2775 = arith.constant 0 : i32
      %dma_wait3A_2776 = tpu.memref_slice %arg4[%select_n3A_2745, %multiple_of3A_2766, %dma_wait3A_2775] : memref<50x4096x128xf32, #tpu.memory_space<hbm>> -> memref<1x64x128xf32, #tpu.memory_space<hbm>>
      %dma_wait3A_2777 = tpu.memref_squeeze %dma_wait3A_2776 : memref<1x64x128xf32, #tpu.memory_space<hbm>> -> memref<64x128xf32, #tpu.memory_space<hbm>>
      %dma_wait3A_2778 = arith.constant 0 : i32
      %dma_wait3A_2779 = arith.constant 0 : i32
      %dma_wait3A_2780 = tpu.memref_slice %arg6[%dma_wait3A_2767, %dma_wait3A_2778, %dma_wait3A_2779] : memref<10x64x128xf32, #tpu.memory_space<vmem>> -> memref<1x64x128xf32, #tpu.memory_space<vmem>>
      %dma_wait3A_2781 = tpu.memref_squeeze %dma_wait3A_2780 : memref<1x64x128xf32, #tpu.memory_space<vmem>> -> memref<64x128xf32, #tpu.memory_space<vmem>>
      tpu.wait_dma2 semaphore(%arg20 : memref<!tpu.dma_semaphore, #tpu.memory_space<semaphore_mem>>) src(%dma_wait3A_2781 : memref<64x128xf32, #tpu.memory_space<vmem>>) dst(%dma_wait3A_2777 : memref<64x128xf32, #tpu.memory_space<hbm>>)
      %jit3A_2782 = arith.constant 2 : i32
      %div3A_2783 = arith.divsi %add3A_2719, %jit3A_2782 : i32
      %sign3A_2784 = arith.constant 0 : i32
      %sign3A_2785 = arith.cmpi sgt, %add3A_2719, %sign3A_2784 : i32
      %sign3A_2786 = arith.extui %sign3A_2785 : i1 to i32
      %sign3A_2787 = arith.constant 0 : i32
      %sign3A_2788 = arith.cmpi slt, %add3A_2719, %sign3A_2787 : i32
      %sign3A_2789 = arith.extui %sign3A_2788 : i1 to i32
      %sign3A_2790 = arith.subi %sign3A_2786, %sign3A_2789 : i32
      %sign3A_2791 = arith.constant 0 : i32
      %sign3A_2792 = arith.cmpi sgt, %jit3A_2782, %sign3A_2791 : i32
      %sign3A_2793 = arith.extui %sign3A_2792 : i1 to i32
      %sign3A_2794 = arith.constant 0 : i32
      %sign3A_2795 = arith.cmpi slt, %jit3A_2782, %sign3A_2794 : i32
      %sign3A_2796 = arith.extui %sign3A_2795 : i1 to i32
      %sign3A_2797 = arith.subi %sign3A_2793, %sign3A_2796 : i32
      %ne3A_2798 = arith.cmpi ne, %sign3A_2790, %sign3A_2797 : i32
      %rem3A_2799 = arith.remsi %add3A_2719, %jit3A_2782 : i32
      %ne3A_2800 = arith.constant 0 : i32
      %ne3A_2801 = arith.cmpi ne, %rem3A_2799, %ne3A_2800 : i32
      %and3A_2802 = arith.andi %ne3A_2798, %ne3A_2801 : i1
      %sub3A_2803 = arith.constant 1 : i32
      %sub3A_2804 = arith.subi %div3A_2783, %sub3A_2803 : i32
      %select_n3A_2805 = arith.select %and3A_2802, %sub3A_2804, %div3A_2783 : i32
      %jit3A_2806 = arith.constant 2 : i32
      %eq3A_2807 = arith.constant 0 : i32
      %eq3A_2808 = arith.cmpi eq, %jit3A_2806, %eq3A_2807 : i32
      %jit3A_2809 = arith.constant 1 : i32
      %select_n3A_2810 = arith.select %eq3A_2808, %jit3A_2809, %jit3A_2806 : i32
      %rem3A_2811 = arith.remsi %add3A_2719, %select_n3A_2810 : i32
      %ne3A_2812 = arith.constant 0 : i32
      %ne3A_2813 = arith.cmpi ne, %rem3A_2811, %ne3A_2812 : i32
      %lt3A_2814 = arith.constant 0 : i32
      %lt3A_2815 = arith.cmpi slt, %rem3A_2811, %lt3A_2814 : i32
      %lt3A_2816 = arith.constant 0 : i32
      %lt3A_2817 = arith.cmpi slt, %select_n3A_2810, %lt3A_2816 : i32
      %ne3A_2818 = arith.xori %lt3A_2815, %lt3A_2817 : i1
      %and3A_2819 = arith.andi %ne3A_2818, %ne3A_2813 : i1
      %add3A_2820 = arith.addi %rem3A_2811, %select_n3A_2810 : i32
      %select_n3A_2821 = arith.select %and3A_2819, %add3A_2820, %rem3A_2811 : i32
      %mul3A_2822 = arith.constant 64 : i32
      %mul3A_2823 = arith.muli %select_n3A_2821, %mul3A_2822 : i32
      %multiple_of3A_2824 = tpu.assume_multiple %mul3A_2823, 64 : i32
      %dma_start3A_2825 = arith.constant 3 : i32
      %dma_start3A_2826 = arith.constant 0 : i32
      %dma_start3A_2827 = arith.constant 0 : i32
      %dma_start3A_2828 = tpu.memref_slice %arg6[%dma_start3A_2825, %dma_start3A_2826, %dma_start3A_2827] : memref<10x64x128xf32, #tpu.memory_space<vmem>> -> memref<1x64x128xf32, #tpu.memory_space<vmem>>
      %dma_start3A_2829 = tpu.memref_squeeze %dma_start3A_2828 : memref<1x64x128xf32, #tpu.memory_space<vmem>> -> memref<64x128xf32, #tpu.memory_space<vmem>>
      %dma_start3A_2830 = tpu.memref_slice %arg5[%select_n3A_2805, %multiple_of3A_2824] : memref<50x128xi32, #tpu.memory_space<vmem>> -> memref<1x64xi32, #tpu.memory_space<vmem>>
      %dma_start3A_2831 = tpu.memref_squeeze %dma_start3A_2830 : memref<1x64xi32, #tpu.memory_space<vmem>> -> memref<64xi32, #tpu.memory_space<vmem>>
      %dma_start3A_2832 = arith.constant 0 : i32
      %dma_start3A_2833 = arith.constant 0 : i32
      %dma_start3A_2834 = tpu.memref_slice %arg3[%dma_start3A_2832, %dma_start3A_2833] : memref<100000x128xf32, #tpu.memory_space<hbm>> -> memref<100000x128xf32, #tpu.memory_space<hbm>>
      tpu.enqueue_indirect_dma source(%dma_start3A_2834 : memref<100000x128xf32, #tpu.memory_space<hbm>>) target(%dma_start3A_2829 : memref<64x128xf32, #tpu.memory_space<vmem>>) offsets(%dma_start3A_2831 : memref<64xi32, #tpu.memory_space<vmem>>) semaphore(%arg10 : memref<!tpu.dma_semaphore, #tpu.memory_space<semaphore_mem>>)
      %mul3A_2835 = arith.constant 10 : i32
      %mul3A_2836 = arith.muli %scan3A_1206, %mul3A_2835 : i32
      %add3A_2837 = arith.constant 7 : i32
      %add3A_2838 = arith.addi %mul3A_2836, %add3A_2837 : i32
      %jit3A_2839 = arith.constant 2 : i32
      %div3A_2840 = arith.divsi %add3A_2838, %jit3A_2839 : i32
      %sign3A_2841 = arith.constant 0 : i32
      %sign3A_2842 = arith.cmpi sgt, %add3A_2838, %sign3A_2841 : i32
      %sign3A_2843 = arith.extui %sign3A_2842 : i1 to i32
      %sign3A_2844 = arith.constant 0 : i32
      %sign3A_2845 = arith.cmpi slt, %add3A_2838, %sign3A_2844 : i32
      %sign3A_2846 = arith.extui %sign3A_2845 : i1 to i32
      %sign3A_2847 = arith.subi %sign3A_2843, %sign3A_2846 : i32
      %sign3A_2848 = arith.constant 0 : i32
      %sign3A_2849 = arith.cmpi sgt, %jit3A_2839, %sign3A_2848 : i32
      %sign3A_2850 = arith.extui %sign3A_2849 : i1 to i32
      %sign3A_2851 = arith.constant 0 : i32
      %sign3A_2852 = arith.cmpi slt, %jit3A_2839, %sign3A_2851 : i32
      %sign3A_2853 = arith.extui %sign3A_2852 : i1 to i32
      %sign3A_2854 = arith.subi %sign3A_2850, %sign3A_2853 : i32
      %ne3A_2855 = arith.cmpi ne, %sign3A_2847, %sign3A_2854 : i32
      %rem3A_2856 = arith.remsi %add3A_2838, %jit3A_2839 : i32
      %ne3A_2857 = arith.constant 0 : i32
      %ne3A_2858 = arith.cmpi ne, %rem3A_2856, %ne3A_2857 : i32
      %and3A_2859 = arith.andi %ne3A_2855, %ne3A_2858 : i1
      %sub3A_2860 = arith.constant 1 : i32
      %sub3A_2861 = arith.subi %div3A_2840, %sub3A_2860 : i32
      %select_n3A_2862 = arith.select %and3A_2859, %sub3A_2861, %div3A_2840 : i32
      %jit3A_2863 = arith.constant 2 : i32
      %eq3A_2864 = arith.constant 0 : i32
      %eq3A_2865 = arith.cmpi eq, %jit3A_2863, %eq3A_2864 : i32
      %jit3A_2866 = arith.constant 1 : i32
      %select_n3A_2867 = arith.select %eq3A_2865, %jit3A_2866, %jit3A_2863 : i32
      %rem3A_2868 = arith.remsi %add3A_2838, %select_n3A_2867 : i32
      %ne3A_2869 = arith.constant 0 : i32
      %ne3A_2870 = arith.cmpi ne, %rem3A_2868, %ne3A_2869 : i32
      %lt3A_2871 = arith.constant 0 : i32
      %lt3A_2872 = arith.cmpi slt, %rem3A_2868, %lt3A_2871 : i32
      %lt3A_2873 = arith.constant 0 : i32
      %lt3A_2874 = arith.cmpi slt, %select_n3A_2867, %lt3A_2873 : i32
      %ne3A_2875 = arith.xori %lt3A_2872, %lt3A_2874 : i1
      %and3A_2876 = arith.andi %ne3A_2875, %ne3A_2870 : i1
      %add3A_2877 = arith.addi %rem3A_2868, %select_n3A_2867 : i32
      %select_n3A_2878 = arith.select %and3A_2876, %add3A_2877, %rem3A_2868 : i32
      %mul3A_2879 = arith.constant 64 : i32
      %mul3A_2880 = arith.muli %select_n3A_2878, %mul3A_2879 : i32
      %multiple_of3A_2881 = tpu.assume_multiple %mul3A_2880, 64 : i32
      %dma_wait3A_2882 = arith.constant 7 : i32
      %dma_wait3A_2883 = arith.constant 0 : i32
      %dma_wait3A_2884 = arith.constant 0 : i32
      %dma_wait3A_2885 = tpu.memref_slice %arg6[%dma_wait3A_2882, %dma_wait3A_2883, %dma_wait3A_2884] : memref<10x64x128xf32, #tpu.memory_space<vmem>> -> memref<1x64x128xf32, #tpu.memory_space<vmem>>
      %dma_wait3A_2886 = tpu.memref_squeeze %dma_wait3A_2885 : memref<1x64x128xf32, #tpu.memory_space<vmem>> -> memref<64x128xf32, #tpu.memory_space<vmem>>
      %dma_wait3A_2887 = tpu.memref_slice %arg5[%select_n3A_2862, %multiple_of3A_2881] : memref<50x128xi32, #tpu.memory_space<vmem>> -> memref<1x64xi32, #tpu.memory_space<vmem>>
      %dma_wait3A_2888 = tpu.memref_squeeze %dma_wait3A_2887 : memref<1x64xi32, #tpu.memory_space<vmem>> -> memref<64xi32, #tpu.memory_space<vmem>>
      %dma_wait3A_2889 = arith.constant 0 : i32
      %dma_wait3A_2890 = arith.constant 0 : i32
      %dma_wait3A_2891 = tpu.memref_slice %arg3[%dma_wait3A_2889, %dma_wait3A_2890] : memref<100000x128xf32, #tpu.memory_space<hbm>> -> memref<100000x128xf32, #tpu.memory_space<hbm>>
      tpu.wait_indirect_dma semaphore(%arg14 : memref<!tpu.dma_semaphore, #tpu.memory_space<semaphore_mem>>) src(%dma_wait3A_2891 : memref<100000x128xf32, #tpu.memory_space<hbm>>) dst(%dma_wait3A_2886 : memref<64x128xf32, #tpu.memory_space<vmem>>)
      %jit3A_2892 = arith.constant 2 : i32
      %div3A_2893 = arith.divsi %add3A_2838, %jit3A_2892 : i32
      %sign3A_2894 = arith.constant 0 : i32
      %sign3A_2895 = arith.cmpi sgt, %add3A_2838, %sign3A_2894 : i32
      %sign3A_2896 = arith.extui %sign3A_2895 : i1 to i32
      %sign3A_2897 = arith.constant 0 : i32
      %sign3A_2898 = arith.cmpi slt, %add3A_2838, %sign3A_2897 : i32
      %sign3A_2899 = arith.extui %sign3A_2898 : i1 to i32
      %sign3A_2900 = arith.subi %sign3A_2896, %sign3A_2899 : i32
      %sign3A_2901 = arith.constant 0 : i32
      %sign3A_2902 = arith.cmpi sgt, %jit3A_2892, %sign3A_2901 : i32
      %sign3A_2903 = arith.extui %sign3A_2902 : i1 to i32
      %sign3A_2904 = arith.constant 0 : i32
      %sign3A_2905 = arith.cmpi slt, %jit3A_2892, %sign3A_2904 : i32
      %sign3A_2906 = arith.extui %sign3A_2905 : i1 to i32
      %sign3A_2907 = arith.subi %sign3A_2903, %sign3A_2906 : i32
      %ne3A_2908 = arith.cmpi ne, %sign3A_2900, %sign3A_2907 : i32
      %rem3A_2909 = arith.remsi %add3A_2838, %jit3A_2892 : i32
      %ne3A_2910 = arith.constant 0 : i32
      %ne3A_2911 = arith.cmpi ne, %rem3A_2909, %ne3A_2910 : i32
      %and3A_2912 = arith.andi %ne3A_2908, %ne3A_2911 : i1
      %sub3A_2913 = arith.constant 1 : i32
      %sub3A_2914 = arith.subi %div3A_2893, %sub3A_2913 : i32
      %select_n3A_2915 = arith.select %and3A_2912, %sub3A_2914, %div3A_2893 : i32
      %jit3A_2916 = arith.constant 2 : i32
      %eq3A_2917 = arith.constant 0 : i32
      %eq3A_2918 = arith.cmpi eq, %jit3A_2916, %eq3A_2917 : i32
      %jit3A_2919 = arith.constant 1 : i32
      %select_n3A_2920 = arith.select %eq3A_2918, %jit3A_2919, %jit3A_2916 : i32
      %rem3A_2921 = arith.remsi %add3A_2838, %select_n3A_2920 : i32
      %ne3A_2922 = arith.constant 0 : i32
      %ne3A_2923 = arith.cmpi ne, %rem3A_2921, %ne3A_2922 : i32
      %lt3A_2924 = arith.constant 0 : i32
      %lt3A_2925 = arith.cmpi slt, %rem3A_2921, %lt3A_2924 : i32
      %lt3A_2926 = arith.constant 0 : i32
      %lt3A_2927 = arith.cmpi slt, %select_n3A_2920, %lt3A_2926 : i32
      %ne3A_2928 = arith.xori %lt3A_2925, %lt3A_2927 : i1
      %and3A_2929 = arith.andi %ne3A_2928, %ne3A_2923 : i1
      %add3A_2930 = arith.addi %rem3A_2921, %select_n3A_2920 : i32
      %select_n3A_2931 = arith.select %and3A_2929, %add3A_2930, %rem3A_2921 : i32
      %mul3A_2932 = arith.constant 64 : i32
      %mul3A_2933 = arith.muli %select_n3A_2931, %mul3A_2932 : i32
      %multiple_of3A_2934 = tpu.assume_multiple %mul3A_2933, 64 : i32
      %add3A_2935 = arith.addi %multiple_of3A_2934, %multiple_of3A : i32
      %multiple_of3A_2936 = tpu.assume_multiple %add3A_2935, 64 : i32
      %dma_start3A_2937 = arith.constant 7 : i32
      %dma_start3A_2938 = arith.constant 0 : i32
      %dma_start3A_2939 = arith.constant 0 : i32
      %dma_start3A_2940 = tpu.memref_slice %arg6[%dma_start3A_2937, %dma_start3A_2938, %dma_start3A_2939] : memref<10x64x128xf32, #tpu.memory_space<vmem>> -> memref<1x64x128xf32, #tpu.memory_space<vmem>>
      %dma_start3A_2941 = tpu.memref_squeeze %dma_start3A_2940 : memref<1x64x128xf32, #tpu.memory_space<vmem>> -> memref<64x128xf32, #tpu.memory_space<vmem>>
      %dma_start3A_2942 = arith.constant 0 : i32
      %dma_start3A_2943 = tpu.memref_slice %arg4[%select_n3A_2915, %multiple_of3A_2936, %dma_start3A_2942] : memref<50x4096x128xf32, #tpu.memory_space<hbm>> -> memref<1x64x128xf32, #tpu.memory_space<hbm>>
      %dma_start3A_2944 = tpu.memref_squeeze %dma_start3A_2943 : memref<1x64x128xf32, #tpu.memory_space<hbm>> -> memref<64x128xf32, #tpu.memory_space<hbm>>
      %dma_start3A_2945 = arith.constant 0 : i32
      %dma_start3A_2946 = tpu.memref_slice %arg4[%select_n3A_2915, %multiple_of3A_2936, %dma_start3A_2945] : memref<50x4096x128xf32, #tpu.memory_space<hbm>> -> memref<1x64x128xf32, #tpu.memory_space<hbm>>
      %dma_start3A_2947 = tpu.memref_squeeze %dma_start3A_2946 : memref<1x64x128xf32, #tpu.memory_space<hbm>> -> memref<64x128xf32, #tpu.memory_space<hbm>>
      %dma_start3A_2948 = arith.constant 0 : i32
      %dma_start3A_2949 = arith.constant 0 : i32
      %dma_start3A_2950 = tpu.memref_slice %arg6[%dma_start3A_2937, %dma_start3A_2948, %dma_start3A_2949] : memref<10x64x128xf32, #tpu.memory_space<vmem>> -> memref<1x64x128xf32, #tpu.memory_space<vmem>>
      %dma_start3A_2951 = tpu.memref_squeeze %dma_start3A_2950 : memref<1x64x128xf32, #tpu.memory_space<vmem>> -> memref<64x128xf32, #tpu.memory_space<vmem>>
      tpu.enqueue_dma source(%dma_start3A_2951 : memref<64x128xf32, #tpu.memory_space<vmem>>) target(%dma_start3A_2947 : memref<64x128xf32, #tpu.memory_space<hbm>>) target_semaphore(%arg24 : memref<!tpu.dma_semaphore, #tpu.memory_space<semaphore_mem>>)
      %add3A_2952 = arith.constant 7 : i32
      %add3A_2953 = arith.addi %add3A_2838, %add3A_2952 : i32
      %sub3A_2954 = arith.constant 10 : i32
      %sub3A_2955 = arith.subi %add3A_2953, %sub3A_2954 : i32
      %jit3A_2956 = arith.constant 2 : i32
      %div3A_2957 = arith.divsi %sub3A_2955, %jit3A_2956 : i32
      %sign3A_2958 = arith.constant 0 : i32
      %sign3A_2959 = arith.cmpi sgt, %sub3A_2955, %sign3A_2958 : i32
      %sign3A_2960 = arith.extui %sign3A_2959 : i1 to i32
      %sign3A_2961 = arith.constant 0 : i32
      %sign3A_2962 = arith.cmpi slt, %sub3A_2955, %sign3A_2961 : i32
      %sign3A_2963 = arith.extui %sign3A_2962 : i1 to i32
      %sign3A_2964 = arith.subi %sign3A_2960, %sign3A_2963 : i32
      %sign3A_2965 = arith.constant 0 : i32
      %sign3A_2966 = arith.cmpi sgt, %jit3A_2956, %sign3A_2965 : i32
      %sign3A_2967 = arith.extui %sign3A_2966 : i1 to i32
      %sign3A_2968 = arith.constant 0 : i32
      %sign3A_2969 = arith.cmpi slt, %jit3A_2956, %sign3A_2968 : i32
      %sign3A_2970 = arith.extui %sign3A_2969 : i1 to i32
      %sign3A_2971 = arith.subi %sign3A_2967, %sign3A_2970 : i32
      %ne3A_2972 = arith.cmpi ne, %sign3A_2964, %sign3A_2971 : i32
      %rem3A_2973 = arith.remsi %sub3A_2955, %jit3A_2956 : i32
      %ne3A_2974 = arith.constant 0 : i32
      %ne3A_2975 = arith.cmpi ne, %rem3A_2973, %ne3A_2974 : i32
      %and3A_2976 = arith.andi %ne3A_2972, %ne3A_2975 : i1
      %sub3A_2977 = arith.constant 1 : i32
      %sub3A_2978 = arith.subi %div3A_2957, %sub3A_2977 : i32
      %select_n3A_2979 = arith.select %and3A_2976, %sub3A_2978, %div3A_2957 : i32
      %jit3A_2980 = arith.constant 2 : i32
      %eq3A_2981 = arith.constant 0 : i32
      %eq3A_2982 = arith.cmpi eq, %jit3A_2980, %eq3A_2981 : i32
      %jit3A_2983 = arith.constant 1 : i32
      %select_n3A_2984 = arith.select %eq3A_2982, %jit3A_2983, %jit3A_2980 : i32
      %rem3A_2985 = arith.remsi %sub3A_2955, %select_n3A_2984 : i32
      %ne3A_2986 = arith.constant 0 : i32
      %ne3A_2987 = arith.cmpi ne, %rem3A_2985, %ne3A_2986 : i32
      %lt3A_2988 = arith.constant 0 : i32
      %lt3A_2989 = arith.cmpi slt, %rem3A_2985, %lt3A_2988 : i32
      %lt3A_2990 = arith.constant 0 : i32
      %lt3A_2991 = arith.cmpi slt, %select_n3A_2984, %lt3A_2990 : i32
      %ne3A_2992 = arith.xori %lt3A_2989, %lt3A_2991 : i1
      %and3A_2993 = arith.andi %ne3A_2992, %ne3A_2987 : i1
      %add3A_2994 = arith.addi %rem3A_2985, %select_n3A_2984 : i32
      %select_n3A_2995 = arith.select %and3A_2993, %add3A_2994, %rem3A_2985 : i32
      %mul3A_2996 = arith.constant 64 : i32
      %mul3A_2997 = arith.muli %select_n3A_2995, %mul3A_2996 : i32
      %multiple_of3A_2998 = tpu.assume_multiple %mul3A_2997, 64 : i32
      %add3A_2999 = arith.addi %multiple_of3A_2998, %multiple_of3A : i32
      %multiple_of3A_3000 = tpu.assume_multiple %add3A_2999, 64 : i32
      %dma_wait3A_3001 = arith.constant 4 : i32
      %dma_wait3A_3002 = arith.constant 0 : i32
      %dma_wait3A_3003 = arith.constant 0 : i32
      %dma_wait3A_3004 = tpu.memref_slice %arg6[%dma_wait3A_3001, %dma_wait3A_3002, %dma_wait3A_3003] : memref<10x64x128xf32, #tpu.memory_space<vmem>> -> memref<1x64x128xf32, #tpu.memory_space<vmem>>
      %dma_wait3A_3005 = tpu.memref_squeeze %dma_wait3A_3004 : memref<1x64x128xf32, #tpu.memory_space<vmem>> -> memref<64x128xf32, #tpu.memory_space<vmem>>
      %dma_wait3A_3006 = arith.constant 0 : i32
      %dma_wait3A_3007 = tpu.memref_slice %arg4[%select_n3A_2979, %multiple_of3A_3000, %dma_wait3A_3006] : memref<50x4096x128xf32, #tpu.memory_space<hbm>> -> memref<1x64x128xf32, #tpu.memory_space<hbm>>
      %dma_wait3A_3008 = tpu.memref_squeeze %dma_wait3A_3007 : memref<1x64x128xf32, #tpu.memory_space<hbm>> -> memref<64x128xf32, #tpu.memory_space<hbm>>
      %dma_wait3A_3009 = arith.constant 0 : i32
      %dma_wait3A_3010 = tpu.memref_slice %arg4[%select_n3A_2979, %multiple_of3A_3000, %dma_wait3A_3009] : memref<50x4096x128xf32, #tpu.memory_space<hbm>> -> memref<1x64x128xf32, #tpu.memory_space<hbm>>
      %dma_wait3A_3011 = tpu.memref_squeeze %dma_wait3A_3010 : memref<1x64x128xf32, #tpu.memory_space<hbm>> -> memref<64x128xf32, #tpu.memory_space<hbm>>
      %dma_wait3A_3012 = arith.constant 0 : i32
      %dma_wait3A_3013 = arith.constant 0 : i32
      %dma_wait3A_3014 = tpu.memref_slice %arg6[%dma_wait3A_3001, %dma_wait3A_3012, %dma_wait3A_3013] : memref<10x64x128xf32, #tpu.memory_space<vmem>> -> memref<1x64x128xf32, #tpu.memory_space<vmem>>
      %dma_wait3A_3015 = tpu.memref_squeeze %dma_wait3A_3014 : memref<1x64x128xf32, #tpu.memory_space<vmem>> -> memref<64x128xf32, #tpu.memory_space<vmem>>
      tpu.wait_dma2 semaphore(%arg21 : memref<!tpu.dma_semaphore, #tpu.memory_space<semaphore_mem>>) src(%dma_wait3A_3015 : memref<64x128xf32, #tpu.memory_space<vmem>>) dst(%dma_wait3A_3011 : memref<64x128xf32, #tpu.memory_space<hbm>>)
      %jit3A_3016 = arith.constant 2 : i32
      %div3A_3017 = arith.divsi %add3A_2953, %jit3A_3016 : i32
      %sign3A_3018 = arith.constant 0 : i32
      %sign3A_3019 = arith.cmpi sgt, %add3A_2953, %sign3A_3018 : i32
      %sign3A_3020 = arith.extui %sign3A_3019 : i1 to i32
      %sign3A_3021 = arith.constant 0 : i32
      %sign3A_3022 = arith.cmpi slt, %add3A_2953, %sign3A_3021 : i32
      %sign3A_3023 = arith.extui %sign3A_3022 : i1 to i32
      %sign3A_3024 = arith.subi %sign3A_3020, %sign3A_3023 : i32
      %sign3A_3025 = arith.constant 0 : i32
      %sign3A_3026 = arith.cmpi sgt, %jit3A_3016, %sign3A_3025 : i32
      %sign3A_3027 = arith.extui %sign3A_3026 : i1 to i32
      %sign3A_3028 = arith.constant 0 : i32
      %sign3A_3029 = arith.cmpi slt, %jit3A_3016, %sign3A_3028 : i32
      %sign3A_3030 = arith.extui %sign3A_3029 : i1 to i32
      %sign3A_3031 = arith.subi %sign3A_3027, %sign3A_3030 : i32
      %ne3A_3032 = arith.cmpi ne, %sign3A_3024, %sign3A_3031 : i32
      %rem3A_3033 = arith.remsi %add3A_2953, %jit3A_3016 : i32
      %ne3A_3034 = arith.constant 0 : i32
      %ne3A_3035 = arith.cmpi ne, %rem3A_3033, %ne3A_3034 : i32
      %and3A_3036 = arith.andi %ne3A_3032, %ne3A_3035 : i1
      %sub3A_3037 = arith.constant 1 : i32
      %sub3A_3038 = arith.subi %div3A_3017, %sub3A_3037 : i32
      %select_n3A_3039 = arith.select %and3A_3036, %sub3A_3038, %div3A_3017 : i32
      %jit3A_3040 = arith.constant 2 : i32
      %eq3A_3041 = arith.constant 0 : i32
      %eq3A_3042 = arith.cmpi eq, %jit3A_3040, %eq3A_3041 : i32
      %jit3A_3043 = arith.constant 1 : i32
      %select_n3A_3044 = arith.select %eq3A_3042, %jit3A_3043, %jit3A_3040 : i32
      %rem3A_3045 = arith.remsi %add3A_2953, %select_n3A_3044 : i32
      %ne3A_3046 = arith.constant 0 : i32
      %ne3A_3047 = arith.cmpi ne, %rem3A_3045, %ne3A_3046 : i32
      %lt3A_3048 = arith.constant 0 : i32
      %lt3A_3049 = arith.cmpi slt, %rem3A_3045, %lt3A_3048 : i32
      %lt3A_3050 = arith.constant 0 : i32
      %lt3A_3051 = arith.cmpi slt, %select_n3A_3044, %lt3A_3050 : i32
      %ne3A_3052 = arith.xori %lt3A_3049, %lt3A_3051 : i1
      %and3A_3053 = arith.andi %ne3A_3052, %ne3A_3047 : i1
      %add3A_3054 = arith.addi %rem3A_3045, %select_n3A_3044 : i32
      %select_n3A_3055 = arith.select %and3A_3053, %add3A_3054, %rem3A_3045 : i32
      %mul3A_3056 = arith.constant 64 : i32
      %mul3A_3057 = arith.muli %select_n3A_3055, %mul3A_3056 : i32
      %multiple_of3A_3058 = tpu.assume_multiple %mul3A_3057, 64 : i32
      %dma_start3A_3059 = arith.constant 4 : i32
      %dma_start3A_3060 = arith.constant 0 : i32
      %dma_start3A_3061 = arith.constant 0 : i32
      %dma_start3A_3062 = tpu.memref_slice %arg6[%dma_start3A_3059, %dma_start3A_3060, %dma_start3A_3061] : memref<10x64x128xf32, #tpu.memory_space<vmem>> -> memref<1x64x128xf32, #tpu.memory_space<vmem>>
      %dma_start3A_3063 = tpu.memref_squeeze %dma_start3A_3062 : memref<1x64x128xf32, #tpu.memory_space<vmem>> -> memref<64x128xf32, #tpu.memory_space<vmem>>
      %dma_start3A_3064 = tpu.memref_slice %arg5[%select_n3A_3039, %multiple_of3A_3058] : memref<50x128xi32, #tpu.memory_space<vmem>> -> memref<1x64xi32, #tpu.memory_space<vmem>>
      %dma_start3A_3065 = tpu.memref_squeeze %dma_start3A_3064 : memref<1x64xi32, #tpu.memory_space<vmem>> -> memref<64xi32, #tpu.memory_space<vmem>>
      %dma_start3A_3066 = arith.constant 0 : i32
      %dma_start3A_3067 = arith.constant 0 : i32
      %dma_start3A_3068 = tpu.memref_slice %arg3[%dma_start3A_3066, %dma_start3A_3067] : memref<100000x128xf32, #tpu.memory_space<hbm>> -> memref<100000x128xf32, #tpu.memory_space<hbm>>
      tpu.enqueue_indirect_dma source(%dma_start3A_3068 : memref<100000x128xf32, #tpu.memory_space<hbm>>) target(%dma_start3A_3063 : memref<64x128xf32, #tpu.memory_space<vmem>>) offsets(%dma_start3A_3065 : memref<64xi32, #tpu.memory_space<vmem>>) semaphore(%arg11 : memref<!tpu.dma_semaphore, #tpu.memory_space<semaphore_mem>>)
      %mul3A_3069 = arith.constant 10 : i32
      %mul3A_3070 = arith.muli %scan3A_1206, %mul3A_3069 : i32
      %add3A_3071 = arith.constant 8 : i32
      %add3A_3072 = arith.addi %mul3A_3070, %add3A_3071 : i32
      %jit3A_3073 = arith.constant 2 : i32
      %div3A_3074 = arith.divsi %add3A_3072, %jit3A_3073 : i32
      %sign3A_3075 = arith.constant 0 : i32
      %sign3A_3076 = arith.cmpi sgt, %add3A_3072, %sign3A_3075 : i32
      %sign3A_3077 = arith.extui %sign3A_3076 : i1 to i32
      %sign3A_3078 = arith.constant 0 : i32
      %sign3A_3079 = arith.cmpi slt, %add3A_3072, %sign3A_3078 : i32
      %sign3A_3080 = arith.extui %sign3A_3079 : i1 to i32
      %sign3A_3081 = arith.subi %sign3A_3077, %sign3A_3080 : i32
      %sign3A_3082 = arith.constant 0 : i32
      %sign3A_3083 = arith.cmpi sgt, %jit3A_3073, %sign3A_3082 : i32
      %sign3A_3084 = arith.extui %sign3A_3083 : i1 to i32
      %sign3A_3085 = arith.constant 0 : i32
      %sign3A_3086 = arith.cmpi slt, %jit3A_3073, %sign3A_3085 : i32
      %sign3A_3087 = arith.extui %sign3A_3086 : i1 to i32
      %sign3A_3088 = arith.subi %sign3A_3084, %sign3A_3087 : i32
      %ne3A_3089 = arith.cmpi ne, %sign3A_3081, %sign3A_3088 : i32
      %rem3A_3090 = arith.remsi %add3A_3072, %jit3A_3073 : i32
      %ne3A_3091 = arith.constant 0 : i32
      %ne3A_3092 = arith.cmpi ne, %rem3A_3090, %ne3A_3091 : i32
      %and3A_3093 = arith.andi %ne3A_3089, %ne3A_3092 : i1
      %sub3A_3094 = arith.constant 1 : i32
      %sub3A_3095 = arith.subi %div3A_3074, %sub3A_3094 : i32
      %select_n3A_3096 = arith.select %and3A_3093, %sub3A_3095, %div3A_3074 : i32
      %jit3A_3097 = arith.constant 2 : i32
      %eq3A_3098 = arith.constant 0 : i32
      %eq3A_3099 = arith.cmpi eq, %jit3A_3097, %eq3A_3098 : i32
      %jit3A_3100 = arith.constant 1 : i32
      %select_n3A_3101 = arith.select %eq3A_3099, %jit3A_3100, %jit3A_3097 : i32
      %rem3A_3102 = arith.remsi %add3A_3072, %select_n3A_3101 : i32
      %ne3A_3103 = arith.constant 0 : i32
      %ne3A_3104 = arith.cmpi ne, %rem3A_3102, %ne3A_3103 : i32
      %lt3A_3105 = arith.constant 0 : i32
      %lt3A_3106 = arith.cmpi slt, %rem3A_3102, %lt3A_3105 : i32
      %lt3A_3107 = arith.constant 0 : i32
      %lt3A_3108 = arith.cmpi slt, %select_n3A_3101, %lt3A_3107 : i32
      %ne3A_3109 = arith.xori %lt3A_3106, %lt3A_3108 : i1
      %and3A_3110 = arith.andi %ne3A_3109, %ne3A_3104 : i1
      %add3A_3111 = arith.addi %rem3A_3102, %select_n3A_3101 : i32
      %select_n3A_3112 = arith.select %and3A_3110, %add3A_3111, %rem3A_3102 : i32
      %mul3A_3113 = arith.constant 64 : i32
      %mul3A_3114 = arith.muli %select_n3A_3112, %mul3A_3113 : i32
      %multiple_of3A_3115 = tpu.assume_multiple %mul3A_3114, 64 : i32
      %dma_wait3A_3116 = arith.constant 8 : i32
      %dma_wait3A_3117 = arith.constant 0 : i32
      %dma_wait3A_3118 = arith.constant 0 : i32
      %dma_wait3A_3119 = tpu.memref_slice %arg6[%dma_wait3A_3116, %dma_wait3A_3117, %dma_wait3A_3118] : memref<10x64x128xf32, #tpu.memory_space<vmem>> -> memref<1x64x128xf32, #tpu.memory_space<vmem>>
      %dma_wait3A_3120 = tpu.memref_squeeze %dma_wait3A_3119 : memref<1x64x128xf32, #tpu.memory_space<vmem>> -> memref<64x128xf32, #tpu.memory_space<vmem>>
      %dma_wait3A_3121 = tpu.memref_slice %arg5[%select_n3A_3096, %multiple_of3A_3115] : memref<50x128xi32, #tpu.memory_space<vmem>> -> memref<1x64xi32, #tpu.memory_space<vmem>>
      %dma_wait3A_3122 = tpu.memref_squeeze %dma_wait3A_3121 : memref<1x64xi32, #tpu.memory_space<vmem>> -> memref<64xi32, #tpu.memory_space<vmem>>
      %dma_wait3A_3123 = arith.constant 0 : i32
      %dma_wait3A_3124 = arith.constant 0 : i32
      %dma_wait3A_3125 = tpu.memref_slice %arg3[%dma_wait3A_3123, %dma_wait3A_3124] : memref<100000x128xf32, #tpu.memory_space<hbm>> -> memref<100000x128xf32, #tpu.memory_space<hbm>>
      tpu.wait_indirect_dma semaphore(%arg15 : memref<!tpu.dma_semaphore, #tpu.memory_space<semaphore_mem>>) src(%dma_wait3A_3125 : memref<100000x128xf32, #tpu.memory_space<hbm>>) dst(%dma_wait3A_3120 : memref<64x128xf32, #tpu.memory_space<vmem>>)
      %jit3A_3126 = arith.constant 2 : i32
      %div3A_3127 = arith.divsi %add3A_3072, %jit3A_3126 : i32
      %sign3A_3128 = arith.constant 0 : i32
      %sign3A_3129 = arith.cmpi sgt, %add3A_3072, %sign3A_3128 : i32
      %sign3A_3130 = arith.extui %sign3A_3129 : i1 to i32
      %sign3A_3131 = arith.constant 0 : i32
      %sign3A_3132 = arith.cmpi slt, %add3A_3072, %sign3A_3131 : i32
      %sign3A_3133 = arith.extui %sign3A_3132 : i1 to i32
      %sign3A_3134 = arith.subi %sign3A_3130, %sign3A_3133 : i32
      %sign3A_3135 = arith.constant 0 : i32
      %sign3A_3136 = arith.cmpi sgt, %jit3A_3126, %sign3A_3135 : i32
      %sign3A_3137 = arith.extui %sign3A_3136 : i1 to i32
      %sign3A_3138 = arith.constant 0 : i32
      %sign3A_3139 = arith.cmpi slt, %jit3A_3126, %sign3A_3138 : i32
      %sign3A_3140 = arith.extui %sign3A_3139 : i1 to i32
      %sign3A_3141 = arith.subi %sign3A_3137, %sign3A_3140 : i32
      %ne3A_3142 = arith.cmpi ne, %sign3A_3134, %sign3A_3141 : i32
      %rem3A_3143 = arith.remsi %add3A_3072, %jit3A_3126 : i32
      %ne3A_3144 = arith.constant 0 : i32
      %ne3A_3145 = arith.cmpi ne, %rem3A_3143, %ne3A_3144 : i32
      %and3A_3146 = arith.andi %ne3A_3142, %ne3A_3145 : i1
      %sub3A_3147 = arith.constant 1 : i32
      %sub3A_3148 = arith.subi %div3A_3127, %sub3A_3147 : i32
      %select_n3A_3149 = arith.select %and3A_3146, %sub3A_3148, %div3A_3127 : i32
      %jit3A_3150 = arith.constant 2 : i32
      %eq3A_3151 = arith.constant 0 : i32
      %eq3A_3152 = arith.cmpi eq, %jit3A_3150, %eq3A_3151 : i32
      %jit3A_3153 = arith.constant 1 : i32
      %select_n3A_3154 = arith.select %eq3A_3152, %jit3A_3153, %jit3A_3150 : i32
      %rem3A_3155 = arith.remsi %add3A_3072, %select_n3A_3154 : i32
      %ne3A_3156 = arith.constant 0 : i32
      %ne3A_3157 = arith.cmpi ne, %rem3A_3155, %ne3A_3156 : i32
      %lt3A_3158 = arith.constant 0 : i32
      %lt3A_3159 = arith.cmpi slt, %rem3A_3155, %lt3A_3158 : i32
      %lt3A_3160 = arith.constant 0 : i32
      %lt3A_3161 = arith.cmpi slt, %select_n3A_3154, %lt3A_3160 : i32
      %ne3A_3162 = arith.xori %lt3A_3159, %lt3A_3161 : i1
      %and3A_3163 = arith.andi %ne3A_3162, %ne3A_3157 : i1
      %add3A_3164 = arith.addi %rem3A_3155, %select_n3A_3154 : i32
      %select_n3A_3165 = arith.select %and3A_3163, %add3A_3164, %rem3A_3155 : i32
      %mul3A_3166 = arith.constant 64 : i32
      %mul3A_3167 = arith.muli %select_n3A_3165, %mul3A_3166 : i32
      %multiple_of3A_3168 = tpu.assume_multiple %mul3A_3167, 64 : i32
      %add3A_3169 = arith.addi %multiple_of3A_3168, %multiple_of3A : i32
      %multiple_of3A_3170 = tpu.assume_multiple %add3A_3169, 64 : i32
      %dma_start3A_3171 = arith.constant 8 : i32
      %dma_start3A_3172 = arith.constant 0 : i32
      %dma_start3A_3173 = arith.constant 0 : i32
      %dma_start3A_3174 = tpu.memref_slice %arg6[%dma_start3A_3171, %dma_start3A_3172, %dma_start3A_3173] : memref<10x64x128xf32, #tpu.memory_space<vmem>> -> memref<1x64x128xf32, #tpu.memory_space<vmem>>
      %dma_start3A_3175 = tpu.memref_squeeze %dma_start3A_3174 : memref<1x64x128xf32, #tpu.memory_space<vmem>> -> memref<64x128xf32, #tpu.memory_space<vmem>>
      %dma_start3A_3176 = arith.constant 0 : i32
      %dma_start3A_3177 = tpu.memref_slice %arg4[%select_n3A_3149, %multiple_of3A_3170, %dma_start3A_3176] : memref<50x4096x128xf32, #tpu.memory_space<hbm>> -> memref<1x64x128xf32, #tpu.memory_space<hbm>>
      %dma_start3A_3178 = tpu.memref_squeeze %dma_start3A_3177 : memref<1x64x128xf32, #tpu.memory_space<hbm>> -> memref<64x128xf32, #tpu.memory_space<hbm>>
      %dma_start3A_3179 = arith.constant 0 : i32
      %dma_start3A_3180 = tpu.memref_slice %arg4[%select_n3A_3149, %multiple_of3A_3170, %dma_start3A_3179] : memref<50x4096x128xf32, #tpu.memory_space<hbm>> -> memref<1x64x128xf32, #tpu.memory_space<hbm>>
      %dma_start3A_3181 = tpu.memref_squeeze %dma_start3A_3180 : memref<1x64x128xf32, #tpu.memory_space<hbm>> -> memref<64x128xf32, #tpu.memory_space<hbm>>
      %dma_start3A_3182 = arith.constant 0 : i32
      %dma_start3A_3183 = arith.constant 0 : i32
      %dma_start3A_3184 = tpu.memref_slice %arg6[%dma_start3A_3171, %dma_start3A_3182, %dma_start3A_3183] : memref<10x64x128xf32, #tpu.memory_space<vmem>> -> memref<1x64x128xf32, #tpu.memory_space<vmem>>
      %dma_start3A_3185 = tpu.memref_squeeze %dma_start3A_3184 : memref<1x64x128xf32, #tpu.memory_space<vmem>> -> memref<64x128xf32, #tpu.memory_space<vmem>>
      tpu.enqueue_dma source(%dma_start3A_3185 : memref<64x128xf32, #tpu.memory_space<vmem>>) target(%dma_start3A_3181 : memref<64x128xf32, #tpu.memory_space<hbm>>) target_semaphore(%arg25 : memref<!tpu.dma_semaphore, #tpu.memory_space<semaphore_mem>>)
      %add3A_3186 = arith.constant 7 : i32
      %add3A_3187 = arith.addi %add3A_3072, %add3A_3186 : i32
      %sub3A_3188 = arith.constant 10 : i32
      %sub3A_3189 = arith.subi %add3A_3187, %sub3A_3188 : i32
      %jit3A_3190 = arith.constant 2 : i32
      %div3A_3191 = arith.divsi %sub3A_3189, %jit3A_3190 : i32
      %sign3A_3192 = arith.constant 0 : i32
      %sign3A_3193 = arith.cmpi sgt, %sub3A_3189, %sign3A_3192 : i32
      %sign3A_3194 = arith.extui %sign3A_3193 : i1 to i32
      %sign3A_3195 = arith.constant 0 : i32
      %sign3A_3196 = arith.cmpi slt, %sub3A_3189, %sign3A_3195 : i32
      %sign3A_3197 = arith.extui %sign3A_3196 : i1 to i32
      %sign3A_3198 = arith.subi %sign3A_3194, %sign3A_3197 : i32
      %sign3A_3199 = arith.constant 0 : i32
      %sign3A_3200 = arith.cmpi sgt, %jit3A_3190, %sign3A_3199 : i32
      %sign3A_3201 = arith.extui %sign3A_3200 : i1 to i32
      %sign3A_3202 = arith.constant 0 : i32
      %sign3A_3203 = arith.cmpi slt, %jit3A_3190, %sign3A_3202 : i32
      %sign3A_3204 = arith.extui %sign3A_3203 : i1 to i32
      %sign3A_3205 = arith.subi %sign3A_3201, %sign3A_3204 : i32
      %ne3A_3206 = arith.cmpi ne, %sign3A_3198, %sign3A_3205 : i32
      %rem3A_3207 = arith.remsi %sub3A_3189, %jit3A_3190 : i32
      %ne3A_3208 = arith.constant 0 : i32
      %ne3A_3209 = arith.cmpi ne, %rem3A_3207, %ne3A_3208 : i32
      %and3A_3210 = arith.andi %ne3A_3206, %ne3A_3209 : i1
      %sub3A_3211 = arith.constant 1 : i32
      %sub3A_3212 = arith.subi %div3A_3191, %sub3A_3211 : i32
      %select_n3A_3213 = arith.select %and3A_3210, %sub3A_3212, %div3A_3191 : i32
      %jit3A_3214 = arith.constant 2 : i32
      %eq3A_3215 = arith.constant 0 : i32
      %eq3A_3216 = arith.cmpi eq, %jit3A_3214, %eq3A_3215 : i32
      %jit3A_3217 = arith.constant 1 : i32
      %select_n3A_3218 = arith.select %eq3A_3216, %jit3A_3217, %jit3A_3214 : i32
      %rem3A_3219 = arith.remsi %sub3A_3189, %select_n3A_3218 : i32
      %ne3A_3220 = arith.constant 0 : i32
      %ne3A_3221 = arith.cmpi ne, %rem3A_3219, %ne3A_3220 : i32
      %lt3A_3222 = arith.constant 0 : i32
      %lt3A_3223 = arith.cmpi slt, %rem3A_3219, %lt3A_3222 : i32
      %lt3A_3224 = arith.constant 0 : i32
      %lt3A_3225 = arith.cmpi slt, %select_n3A_3218, %lt3A_3224 : i32
      %ne3A_3226 = arith.xori %lt3A_3223, %lt3A_3225 : i1
      %and3A_3227 = arith.andi %ne3A_3226, %ne3A_3221 : i1
      %add3A_3228 = arith.addi %rem3A_3219, %select_n3A_3218 : i32
      %select_n3A_3229 = arith.select %and3A_3227, %add3A_3228, %rem3A_3219 : i32
      %mul3A_3230 = arith.constant 64 : i32
      %mul3A_3231 = arith.muli %select_n3A_3229, %mul3A_3230 : i32
      %multiple_of3A_3232 = tpu.assume_multiple %mul3A_3231, 64 : i32
      %add3A_3233 = arith.addi %multiple_of3A_3232, %multiple_of3A : i32
      %multiple_of3A_3234 = tpu.assume_multiple %add3A_3233, 64 : i32
      %dma_wait3A_3235 = arith.constant 5 : i32
      %dma_wait3A_3236 = arith.constant 0 : i32
      %dma_wait3A_3237 = arith.constant 0 : i32
      %dma_wait3A_3238 = tpu.memref_slice %arg6[%dma_wait3A_3235, %dma_wait3A_3236, %dma_wait3A_3237] : memref<10x64x128xf32, #tpu.memory_space<vmem>> -> memref<1x64x128xf32, #tpu.memory_space<vmem>>
      %dma_wait3A_3239 = tpu.memref_squeeze %dma_wait3A_3238 : memref<1x64x128xf32, #tpu.memory_space<vmem>> -> memref<64x128xf32, #tpu.memory_space<vmem>>
      %dma_wait3A_3240 = arith.constant 0 : i32
      %dma_wait3A_3241 = tpu.memref_slice %arg4[%select_n3A_3213, %multiple_of3A_3234, %dma_wait3A_3240] : memref<50x4096x128xf32, #tpu.memory_space<hbm>> -> memref<1x64x128xf32, #tpu.memory_space<hbm>>
      %dma_wait3A_3242 = tpu.memref_squeeze %dma_wait3A_3241 : memref<1x64x128xf32, #tpu.memory_space<hbm>> -> memref<64x128xf32, #tpu.memory_space<hbm>>
      %dma_wait3A_3243 = arith.constant 0 : i32
      %dma_wait3A_3244 = tpu.memref_slice %arg4[%select_n3A_3213, %multiple_of3A_3234, %dma_wait3A_3243] : memref<50x4096x128xf32, #tpu.memory_space<hbm>> -> memref<1x64x128xf32, #tpu.memory_space<hbm>>
      %dma_wait3A_3245 = tpu.memref_squeeze %dma_wait3A_3244 : memref<1x64x128xf32, #tpu.memory_space<hbm>> -> memref<64x128xf32, #tpu.memory_space<hbm>>
      %dma_wait3A_3246 = arith.constant 0 : i32
      %dma_wait3A_3247 = arith.constant 0 : i32
      %dma_wait3A_3248 = tpu.memref_slice %arg6[%dma_wait3A_3235, %dma_wait3A_3246, %dma_wait3A_3247] : memref<10x64x128xf32, #tpu.memory_space<vmem>> -> memref<1x64x128xf32, #tpu.memory_space<vmem>>
      %dma_wait3A_3249 = tpu.memref_squeeze %dma_wait3A_3248 : memref<1x64x128xf32, #tpu.memory_space<vmem>> -> memref<64x128xf32, #tpu.memory_space<vmem>>
      tpu.wait_dma2 semaphore(%arg22 : memref<!tpu.dma_semaphore, #tpu.memory_space<semaphore_mem>>) src(%dma_wait3A_3249 : memref<64x128xf32, #tpu.memory_space<vmem>>) dst(%dma_wait3A_3245 : memref<64x128xf32, #tpu.memory_space<hbm>>)
      %jit3A_3250 = arith.constant 2 : i32
      %div3A_3251 = arith.divsi %add3A_3187, %jit3A_3250 : i32
      %sign3A_3252 = arith.constant 0 : i32
      %sign3A_3253 = arith.cmpi sgt, %add3A_3187, %sign3A_3252 : i32
      %sign3A_3254 = arith.extui %sign3A_3253 : i1 to i32
      %sign3A_3255 = arith.constant 0 : i32
      %sign3A_3256 = arith.cmpi slt, %add3A_3187, %sign3A_3255 : i32
      %sign3A_3257 = arith.extui %sign3A_3256 : i1 to i32
      %sign3A_3258 = arith.subi %sign3A_3254, %sign3A_3257 : i32
      %sign3A_3259 = arith.constant 0 : i32
      %sign3A_3260 = arith.cmpi sgt, %jit3A_3250, %sign3A_3259 : i32
      %sign3A_3261 = arith.extui %sign3A_3260 : i1 to i32
      %sign3A_3262 = arith.constant 0 : i32
      %sign3A_3263 = arith.cmpi slt, %jit3A_3250, %sign3A_3262 : i32
      %sign3A_3264 = arith.extui %sign3A_3263 : i1 to i32
      %sign3A_3265 = arith.subi %sign3A_3261, %sign3A_3264 : i32
      %ne3A_3266 = arith.cmpi ne, %sign3A_3258, %sign3A_3265 : i32
      %rem3A_3267 = arith.remsi %add3A_3187, %jit3A_3250 : i32
      %ne3A_3268 = arith.constant 0 : i32
      %ne3A_3269 = arith.cmpi ne, %rem3A_3267, %ne3A_3268 : i32
      %and3A_3270 = arith.andi %ne3A_3266, %ne3A_3269 : i1
      %sub3A_3271 = arith.constant 1 : i32
      %sub3A_3272 = arith.subi %div3A_3251, %sub3A_3271 : i32
      %select_n3A_3273 = arith.select %and3A_3270, %sub3A_3272, %div3A_3251 : i32
      %jit3A_3274 = arith.constant 2 : i32
      %eq3A_3275 = arith.constant 0 : i32
      %eq3A_3276 = arith.cmpi eq, %jit3A_3274, %eq3A_3275 : i32
      %jit3A_3277 = arith.constant 1 : i32
      %select_n3A_3278 = arith.select %eq3A_3276, %jit3A_3277, %jit3A_3274 : i32
      %rem3A_3279 = arith.remsi %add3A_3187, %select_n3A_3278 : i32
      %ne3A_3280 = arith.constant 0 : i32
      %ne3A_3281 = arith.cmpi ne, %rem3A_3279, %ne3A_3280 : i32
      %lt3A_3282 = arith.constant 0 : i32
      %lt3A_3283 = arith.cmpi slt, %rem3A_3279, %lt3A_3282 : i32
      %lt3A_3284 = arith.constant 0 : i32
      %lt3A_3285 = arith.cmpi slt, %select_n3A_3278, %lt3A_3284 : i32
      %ne3A_3286 = arith.xori %lt3A_3283, %lt3A_3285 : i1
      %and3A_3287 = arith.andi %ne3A_3286, %ne3A_3281 : i1
      %add3A_3288 = arith.addi %rem3A_3279, %select_n3A_3278 : i32
      %select_n3A_3289 = arith.select %and3A_3287, %add3A_3288, %rem3A_3279 : i32
      %mul3A_3290 = arith.constant 64 : i32
      %mul3A_3291 = arith.muli %select_n3A_3289, %mul3A_3290 : i32
      %multiple_of3A_3292 = tpu.assume_multiple %mul3A_3291, 64 : i32
      %dma_start3A_3293 = arith.constant 5 : i32
      %dma_start3A_3294 = arith.constant 0 : i32
      %dma_start3A_3295 = arith.constant 0 : i32
      %dma_start3A_3296 = tpu.memref_slice %arg6[%dma_start3A_3293, %dma_start3A_3294, %dma_start3A_3295] : memref<10x64x128xf32, #tpu.memory_space<vmem>> -> memref<1x64x128xf32, #tpu.memory_space<vmem>>
      %dma_start3A_3297 = tpu.memref_squeeze %dma_start3A_3296 : memref<1x64x128xf32, #tpu.memory_space<vmem>> -> memref<64x128xf32, #tpu.memory_space<vmem>>
      %dma_start3A_3298 = tpu.memref_slice %arg5[%select_n3A_3273, %multiple_of3A_3292] : memref<50x128xi32, #tpu.memory_space<vmem>> -> memref<1x64xi32, #tpu.memory_space<vmem>>
      %dma_start3A_3299 = tpu.memref_squeeze %dma_start3A_3298 : memref<1x64xi32, #tpu.memory_space<vmem>> -> memref<64xi32, #tpu.memory_space<vmem>>
      %dma_start3A_3300 = arith.constant 0 : i32
      %dma_start3A_3301 = arith.constant 0 : i32
      %dma_start3A_3302 = tpu.memref_slice %arg3[%dma_start3A_3300, %dma_start3A_3301] : memref<100000x128xf32, #tpu.memory_space<hbm>> -> memref<100000x128xf32, #tpu.memory_space<hbm>>
      tpu.enqueue_indirect_dma source(%dma_start3A_3302 : memref<100000x128xf32, #tpu.memory_space<hbm>>) target(%dma_start3A_3297 : memref<64x128xf32, #tpu.memory_space<vmem>>) offsets(%dma_start3A_3299 : memref<64xi32, #tpu.memory_space<vmem>>) semaphore(%arg12 : memref<!tpu.dma_semaphore, #tpu.memory_space<semaphore_mem>>)
      %mul3A_3303 = arith.constant 10 : i32
      %mul3A_3304 = arith.muli %scan3A_1206, %mul3A_3303 : i32
      %add3A_3305 = arith.constant 9 : i32
      %add3A_3306 = arith.addi %mul3A_3304, %add3A_3305 : i32
      %jit3A_3307 = arith.constant 2 : i32
      %div3A_3308 = arith.divsi %add3A_3306, %jit3A_3307 : i32
      %sign3A_3309 = arith.constant 0 : i32
      %sign3A_3310 = arith.cmpi sgt, %add3A_3306, %sign3A_3309 : i32
      %sign3A_3311 = arith.extui %sign3A_3310 : i1 to i32
      %sign3A_3312 = arith.constant 0 : i32
      %sign3A_3313 = arith.cmpi slt, %add3A_3306, %sign3A_3312 : i32
      %sign3A_3314 = arith.extui %sign3A_3313 : i1 to i32
      %sign3A_3315 = arith.subi %sign3A_3311, %sign3A_3314 : i32
      %sign3A_3316 = arith.constant 0 : i32
      %sign3A_3317 = arith.cmpi sgt, %jit3A_3307, %sign3A_3316 : i32
      %sign3A_3318 = arith.extui %sign3A_3317 : i1 to i32
      %sign3A_3319 = arith.constant 0 : i32
      %sign3A_3320 = arith.cmpi slt, %jit3A_3307, %sign3A_3319 : i32
      %sign3A_3321 = arith.extui %sign3A_3320 : i1 to i32
      %sign3A_3322 = arith.subi %sign3A_3318, %sign3A_3321 : i32
      %ne3A_3323 = arith.cmpi ne, %sign3A_3315, %sign3A_3322 : i32
      %rem3A_3324 = arith.remsi %add3A_3306, %jit3A_3307 : i32
      %ne3A_3325 = arith.constant 0 : i32
      %ne3A_3326 = arith.cmpi ne, %rem3A_3324, %ne3A_3325 : i32
      %and3A_3327 = arith.andi %ne3A_3323, %ne3A_3326 : i1
      %sub3A_3328 = arith.constant 1 : i32
      %sub3A_3329 = arith.subi %div3A_3308, %sub3A_3328 : i32
      %select_n3A_3330 = arith.select %and3A_3327, %sub3A_3329, %div3A_3308 : i32
      %jit3A_3331 = arith.constant 2 : i32
      %eq3A_3332 = arith.constant 0 : i32
      %eq3A_3333 = arith.cmpi eq, %jit3A_3331, %eq3A_3332 : i32
      %jit3A_3334 = arith.constant 1 : i32
      %select_n3A_3335 = arith.select %eq3A_3333, %jit3A_3334, %jit3A_3331 : i32
      %rem3A_3336 = arith.remsi %add3A_3306, %select_n3A_3335 : i32
      %ne3A_3337 = arith.constant 0 : i32
      %ne3A_3338 = arith.cmpi ne, %rem3A_3336, %ne3A_3337 : i32
      %lt3A_3339 = arith.constant 0 : i32
      %lt3A_3340 = arith.cmpi slt, %rem3A_3336, %lt3A_3339 : i32
      %lt3A_3341 = arith.constant 0 : i32
      %lt3A_3342 = arith.cmpi slt, %select_n3A_3335, %lt3A_3341 : i32
      %ne3A_3343 = arith.xori %lt3A_3340, %lt3A_3342 : i1
      %and3A_3344 = arith.andi %ne3A_3343, %ne3A_3338 : i1
      %add3A_3345 = arith.addi %rem3A_3336, %select_n3A_3335 : i32
      %select_n3A_3346 = arith.select %and3A_3344, %add3A_3345, %rem3A_3336 : i32
      %mul3A_3347 = arith.constant 64 : i32
      %mul3A_3348 = arith.muli %select_n3A_3346, %mul3A_3347 : i32
      %multiple_of3A_3349 = tpu.assume_multiple %mul3A_3348, 64 : i32
      %dma_wait3A_3350 = arith.constant 9 : i32
      %dma_wait3A_3351 = arith.constant 0 : i32
      %dma_wait3A_3352 = arith.constant 0 : i32
      %dma_wait3A_3353 = tpu.memref_slice %arg6[%dma_wait3A_3350, %dma_wait3A_3351, %dma_wait3A_3352] : memref<10x64x128xf32, #tpu.memory_space<vmem>> -> memref<1x64x128xf32, #tpu.memory_space<vmem>>
      %dma_wait3A_3354 = tpu.memref_squeeze %dma_wait3A_3353 : memref<1x64x128xf32, #tpu.memory_space<vmem>> -> memref<64x128xf32, #tpu.memory_space<vmem>>
      %dma_wait3A_3355 = tpu.memref_slice %arg5[%select_n3A_3330, %multiple_of3A_3349] : memref<50x128xi32, #tpu.memory_space<vmem>> -> memref<1x64xi32, #tpu.memory_space<vmem>>
      %dma_wait3A_3356 = tpu.memref_squeeze %dma_wait3A_3355 : memref<1x64xi32, #tpu.memory_space<vmem>> -> memref<64xi32, #tpu.memory_space<vmem>>
      %dma_wait3A_3357 = arith.constant 0 : i32
      %dma_wait3A_3358 = arith.constant 0 : i32
      %dma_wait3A_3359 = tpu.memref_slice %arg3[%dma_wait3A_3357, %dma_wait3A_3358] : memref<100000x128xf32, #tpu.memory_space<hbm>> -> memref<100000x128xf32, #tpu.memory_space<hbm>>
      tpu.wait_indirect_dma semaphore(%arg16 : memref<!tpu.dma_semaphore, #tpu.memory_space<semaphore_mem>>) src(%dma_wait3A_3359 : memref<100000x128xf32, #tpu.memory_space<hbm>>) dst(%dma_wait3A_3354 : memref<64x128xf32, #tpu.memory_space<vmem>>)
      %jit3A_3360 = arith.constant 2 : i32
      %div3A_3361 = arith.divsi %add3A_3306, %jit3A_3360 : i32
      %sign3A_3362 = arith.constant 0 : i32
      %sign3A_3363 = arith.cmpi sgt, %add3A_3306, %sign3A_3362 : i32
      %sign3A_3364 = arith.extui %sign3A_3363 : i1 to i32
      %sign3A_3365 = arith.constant 0 : i32
      %sign3A_3366 = arith.cmpi slt, %add3A_3306, %sign3A_3365 : i32
      %sign3A_3367 = arith.extui %sign3A_3366 : i1 to i32
      %sign3A_3368 = arith.subi %sign3A_3364, %sign3A_3367 : i32
      %sign3A_3369 = arith.constant 0 : i32
      %sign3A_3370 = arith.cmpi sgt, %jit3A_3360, %sign3A_3369 : i32
      %sign3A_3371 = arith.extui %sign3A_3370 : i1 to i32
      %sign3A_3372 = arith.constant 0 : i32
      %sign3A_3373 = arith.cmpi slt, %jit3A_3360, %sign3A_3372 : i32
      %sign3A_3374 = arith.extui %sign3A_3373 : i1 to i32
      %sign3A_3375 = arith.subi %sign3A_3371, %sign3A_3374 : i32
      %ne3A_3376 = arith.cmpi ne, %sign3A_3368, %sign3A_3375 : i32
      %rem3A_3377 = arith.remsi %add3A_3306, %jit3A_3360 : i32
      %ne3A_3378 = arith.constant 0 : i32
      %ne3A_3379 = arith.cmpi ne, %rem3A_3377, %ne3A_3378 : i32
      %and3A_3380 = arith.andi %ne3A_3376, %ne3A_3379 : i1
      %sub3A_3381 = arith.constant 1 : i32
      %sub3A_3382 = arith.subi %div3A_3361, %sub3A_3381 : i32
      %select_n3A_3383 = arith.select %and3A_3380, %sub3A_3382, %div3A_3361 : i32
      %jit3A_3384 = arith.constant 2 : i32
      %eq3A_3385 = arith.constant 0 : i32
      %eq3A_3386 = arith.cmpi eq, %jit3A_3384, %eq3A_3385 : i32
      %jit3A_3387 = arith.constant 1 : i32
      %select_n3A_3388 = arith.select %eq3A_3386, %jit3A_3387, %jit3A_3384 : i32
      %rem3A_3389 = arith.remsi %add3A_3306, %select_n3A_3388 : i32
      %ne3A_3390 = arith.constant 0 : i32
      %ne3A_3391 = arith.cmpi ne, %rem3A_3389, %ne3A_3390 : i32
      %lt3A_3392 = arith.constant 0 : i32
      %lt3A_3393 = arith.cmpi slt, %rem3A_3389, %lt3A_3392 : i32
      %lt3A_3394 = arith.constant 0 : i32
      %lt3A_3395 = arith.cmpi slt, %select_n3A_3388, %lt3A_3394 : i32
      %ne3A_3396 = arith.xori %lt3A_3393, %lt3A_3395 : i1
      %and3A_3397 = arith.andi %ne3A_3396, %ne3A_3391 : i1
      %add3A_3398 = arith.addi %rem3A_3389, %select_n3A_3388 : i32
      %select_n3A_3399 = arith.select %and3A_3397, %add3A_3398, %rem3A_3389 : i32
      %mul3A_3400 = arith.constant 64 : i32
      %mul3A_3401 = arith.muli %select_n3A_3399, %mul3A_3400 : i32
      %multiple_of3A_3402 = tpu.assume_multiple %mul3A_3401, 64 : i32
      %add3A_3403 = arith.addi %multiple_of3A_3402, %multiple_of3A : i32
      %multiple_of3A_3404 = tpu.assume_multiple %add3A_3403, 64 : i32
      %dma_start3A_3405 = arith.constant 9 : i32
      %dma_start3A_3406 = arith.constant 0 : i32
      %dma_start3A_3407 = arith.constant 0 : i32
      %dma_start3A_3408 = tpu.memref_slice %arg6[%dma_start3A_3405, %dma_start3A_3406, %dma_start3A_3407] : memref<10x64x128xf32, #tpu.memory_space<vmem>> -> memref<1x64x128xf32, #tpu.memory_space<vmem>>
      %dma_start3A_3409 = tpu.memref_squeeze %dma_start3A_3408 : memref<1x64x128xf32, #tpu.memory_space<vmem>> -> memref<64x128xf32, #tpu.memory_space<vmem>>
      %dma_start3A_3410 = arith.constant 0 : i32
      %dma_start3A_3411 = tpu.memref_slice %arg4[%select_n3A_3383, %multiple_of3A_3404, %dma_start3A_3410] : memref<50x4096x128xf32, #tpu.memory_space<hbm>> -> memref<1x64x128xf32, #tpu.memory_space<hbm>>
      %dma_start3A_3412 = tpu.memref_squeeze %dma_start3A_3411 : memref<1x64x128xf32, #tpu.memory_space<hbm>> -> memref<64x128xf32, #tpu.memory_space<hbm>>
      %dma_start3A_3413 = arith.constant 0 : i32
      %dma_start3A_3414 = tpu.memref_slice %arg4[%select_n3A_3383, %multiple_of3A_3404, %dma_start3A_3413] : memref<50x4096x128xf32, #tpu.memory_space<hbm>> -> memref<1x64x128xf32, #tpu.memory_space<hbm>>
      %dma_start3A_3415 = tpu.memref_squeeze %dma_start3A_3414 : memref<1x64x128xf32, #tpu.memory_space<hbm>> -> memref<64x128xf32, #tpu.memory_space<hbm>>
      %dma_start3A_3416 = arith.constant 0 : i32
      %dma_start3A_3417 = arith.constant 0 : i32
      %dma_start3A_3418 = tpu.memref_slice %arg6[%dma_start3A_3405, %dma_start3A_3416, %dma_start3A_3417] : memref<10x64x128xf32, #tpu.memory_space<vmem>> -> memref<1x64x128xf32, #tpu.memory_space<vmem>>
      %dma_start3A_3419 = tpu.memref_squeeze %dma_start3A_3418 : memref<1x64x128xf32, #tpu.memory_space<vmem>> -> memref<64x128xf32, #tpu.memory_space<vmem>>
      tpu.enqueue_dma source(%dma_start3A_3419 : memref<64x128xf32, #tpu.memory_space<vmem>>) target(%dma_start3A_3415 : memref<64x128xf32, #tpu.memory_space<hbm>>) target_semaphore(%arg26 : memref<!tpu.dma_semaphore, #tpu.memory_space<semaphore_mem>>)
      %add3A_3420 = arith.constant 7 : i32
      %add3A_3421 = arith.addi %add3A_3306, %add3A_3420 : i32
      %sub3A_3422 = arith.constant 10 : i32
      %sub3A_3423 = arith.subi %add3A_3421, %sub3A_3422 : i32
      %jit3A_3424 = arith.constant 2 : i32
      %div3A_3425 = arith.divsi %sub3A_3423, %jit3A_3424 : i32
      %sign3A_3426 = arith.constant 0 : i32
      %sign3A_3427 = arith.cmpi sgt, %sub3A_3423, %sign3A_3426 : i32
      %sign3A_3428 = arith.extui %sign3A_3427 : i1 to i32
      %sign3A_3429 = arith.constant 0 : i32
      %sign3A_3430 = arith.cmpi slt, %sub3A_3423, %sign3A_3429 : i32
      %sign3A_3431 = arith.extui %sign3A_3430 : i1 to i32
      %sign3A_3432 = arith.subi %sign3A_3428, %sign3A_3431 : i32
      %sign3A_3433 = arith.constant 0 : i32
      %sign3A_3434 = arith.cmpi sgt, %jit3A_3424, %sign3A_3433 : i32
      %sign3A_3435 = arith.extui %sign3A_3434 : i1 to i32
      %sign3A_3436 = arith.constant 0 : i32
      %sign3A_3437 = arith.cmpi slt, %jit3A_3424, %sign3A_3436 : i32
      %sign3A_3438 = arith.extui %sign3A_3437 : i1 to i32
      %sign3A_3439 = arith.subi %sign3A_3435, %sign3A_3438 : i32
      %ne3A_3440 = arith.cmpi ne, %sign3A_3432, %sign3A_3439 : i32
      %rem3A_3441 = arith.remsi %sub3A_3423, %jit3A_3424 : i32
      %ne3A_3442 = arith.constant 0 : i32
      %ne3A_3443 = arith.cmpi ne, %rem3A_3441, %ne3A_3442 : i32
      %and3A_3444 = arith.andi %ne3A_3440, %ne3A_3443 : i1
      %sub3A_3445 = arith.constant 1 : i32
      %sub3A_3446 = arith.subi %div3A_3425, %sub3A_3445 : i32
      %select_n3A_3447 = arith.select %and3A_3444, %sub3A_3446, %div3A_3425 : i32
      %jit3A_3448 = arith.constant 2 : i32
      %eq3A_3449 = arith.constant 0 : i32
      %eq3A_3450 = arith.cmpi eq, %jit3A_3448, %eq3A_3449 : i32
      %jit3A_3451 = arith.constant 1 : i32
      %select_n3A_3452 = arith.select %eq3A_3450, %jit3A_3451, %jit3A_3448 : i32
      %rem3A_3453 = arith.remsi %sub3A_3423, %select_n3A_3452 : i32
      %ne3A_3454 = arith.constant 0 : i32
      %ne3A_3455 = arith.cmpi ne, %rem3A_3453, %ne3A_3454 : i32
      %lt3A_3456 = arith.constant 0 : i32
      %lt3A_3457 = arith.cmpi slt, %rem3A_3453, %lt3A_3456 : i32
      %lt3A_3458 = arith.constant 0 : i32
      %lt3A_3459 = arith.cmpi slt, %select_n3A_3452, %lt3A_3458 : i32
      %ne3A_3460 = arith.xori %lt3A_3457, %lt3A_3459 : i1
      %and3A_3461 = arith.andi %ne3A_3460, %ne3A_3455 : i1
      %add3A_3462 = arith.addi %rem3A_3453, %select_n3A_3452 : i32
      %select_n3A_3463 = arith.select %and3A_3461, %add3A_3462, %rem3A_3453 : i32
      %mul3A_3464 = arith.constant 64 : i32
      %mul3A_3465 = arith.muli %select_n3A_3463, %mul3A_3464 : i32
      %multiple_of3A_3466 = tpu.assume_multiple %mul3A_3465, 64 : i32
      %add3A_3467 = arith.addi %multiple_of3A_3466, %multiple_of3A : i32
      %multiple_of3A_3468 = tpu.assume_multiple %add3A_3467, 64 : i32
      %dma_wait3A_3469 = arith.constant 6 : i32
      %dma_wait3A_3470 = arith.constant 0 : i32
      %dma_wait3A_3471 = arith.constant 0 : i32
      %dma_wait3A_3472 = tpu.memref_slice %arg6[%dma_wait3A_3469, %dma_wait3A_3470, %dma_wait3A_3471] : memref<10x64x128xf32, #tpu.memory_space<vmem>> -> memref<1x64x128xf32, #tpu.memory_space<vmem>>
      %dma_wait3A_3473 = tpu.memref_squeeze %dma_wait3A_3472 : memref<1x64x128xf32, #tpu.memory_space<vmem>> -> memref<64x128xf32, #tpu.memory_space<vmem>>
      %dma_wait3A_3474 = arith.constant 0 : i32
      %dma_wait3A_3475 = tpu.memref_slice %arg4[%select_n3A_3447, %multiple_of3A_3468, %dma_wait3A_3474] : memref<50x4096x128xf32, #tpu.memory_space<hbm>> -> memref<1x64x128xf32, #tpu.memory_space<hbm>>
      %dma_wait3A_3476 = tpu.memref_squeeze %dma_wait3A_3475 : memref<1x64x128xf32, #tpu.memory_space<hbm>> -> memref<64x128xf32, #tpu.memory_space<hbm>>
      %dma_wait3A_3477 = arith.constant 0 : i32
      %dma_wait3A_3478 = tpu.memref_slice %arg4[%select_n3A_3447, %multiple_of3A_3468, %dma_wait3A_3477] : memref<50x4096x128xf32, #tpu.memory_space<hbm>> -> memref<1x64x128xf32, #tpu.memory_space<hbm>>
      %dma_wait3A_3479 = tpu.memref_squeeze %dma_wait3A_3478 : memref<1x64x128xf32, #tpu.memory_space<hbm>> -> memref<64x128xf32, #tpu.memory_space<hbm>>
      %dma_wait3A_3480 = arith.constant 0 : i32
      %dma_wait3A_3481 = arith.constant 0 : i32
      %dma_wait3A_3482 = tpu.memref_slice %arg6[%dma_wait3A_3469, %dma_wait3A_3480, %dma_wait3A_3481] : memref<10x64x128xf32, #tpu.memory_space<vmem>> -> memref<1x64x128xf32, #tpu.memory_space<vmem>>
      %dma_wait3A_3483 = tpu.memref_squeeze %dma_wait3A_3482 : memref<1x64x128xf32, #tpu.memory_space<vmem>> -> memref<64x128xf32, #tpu.memory_space<vmem>>
      tpu.wait_dma2 semaphore(%arg23 : memref<!tpu.dma_semaphore, #tpu.memory_space<semaphore_mem>>) src(%dma_wait3A_3483 : memref<64x128xf32, #tpu.memory_space<vmem>>) dst(%dma_wait3A_3479 : memref<64x128xf32, #tpu.memory_space<hbm>>)
      %jit3A_3484 = arith.constant 2 : i32
      %div3A_3485 = arith.divsi %add3A_3421, %jit3A_3484 : i32
      %sign3A_3486 = arith.constant 0 : i32
      %sign3A_3487 = arith.cmpi sgt, %add3A_3421, %sign3A_3486 : i32
      %sign3A_3488 = arith.extui %sign3A_3487 : i1 to i32
      %sign3A_3489 = arith.constant 0 : i32
      %sign3A_3490 = arith.cmpi slt, %add3A_3421, %sign3A_3489 : i32
      %sign3A_3491 = arith.extui %sign3A_3490 : i1 to i32
      %sign3A_3492 = arith.subi %sign3A_3488, %sign3A_3491 : i32
      %sign3A_3493 = arith.constant 0 : i32
      %sign3A_3494 = arith.cmpi sgt, %jit3A_3484, %sign3A_3493 : i32
      %sign3A_3495 = arith.extui %sign3A_3494 : i1 to i32
      %sign3A_3496 = arith.constant 0 : i32
      %sign3A_3497 = arith.cmpi slt, %jit3A_3484, %sign3A_3496 : i32
      %sign3A_3498 = arith.extui %sign3A_3497 : i1 to i32
      %sign3A_3499 = arith.subi %sign3A_3495, %sign3A_3498 : i32
      %ne3A_3500 = arith.cmpi ne, %sign3A_3492, %sign3A_3499 : i32
      %rem3A_3501 = arith.remsi %add3A_3421, %jit3A_3484 : i32
      %ne3A_3502 = arith.constant 0 : i32
      %ne3A_3503 = arith.cmpi ne, %rem3A_3501, %ne3A_3502 : i32
      %and3A_3504 = arith.andi %ne3A_3500, %ne3A_3503 : i1
      %sub3A_3505 = arith.constant 1 : i32
      %sub3A_3506 = arith.subi %div3A_3485, %sub3A_3505 : i32
      %select_n3A_3507 = arith.select %and3A_3504, %sub3A_3506, %div3A_3485 : i32
      %jit3A_3508 = arith.constant 2 : i32
      %eq3A_3509 = arith.constant 0 : i32
      %eq3A_3510 = arith.cmpi eq, %jit3A_3508, %eq3A_3509 : i32
      %jit3A_3511 = arith.constant 1 : i32
      %select_n3A_3512 = arith.select %eq3A_3510, %jit3A_3511, %jit3A_3508 : i32
      %rem3A_3513 = arith.remsi %add3A_3421, %select_n3A_3512 : i32
      %ne3A_3514 = arith.constant 0 : i32
      %ne3A_3515 = arith.cmpi ne, %rem3A_3513, %ne3A_3514 : i32
      %lt3A_3516 = arith.constant 0 : i32
      %lt3A_3517 = arith.cmpi slt, %rem3A_3513, %lt3A_3516 : i32
      %lt3A_3518 = arith.constant 0 : i32
      %lt3A_3519 = arith.cmpi slt, %select_n3A_3512, %lt3A_3518 : i32
      %ne3A_3520 = arith.xori %lt3A_3517, %lt3A_3519 : i1
      %and3A_3521 = arith.andi %ne3A_3520, %ne3A_3515 : i1
      %add3A_3522 = arith.addi %rem3A_3513, %select_n3A_3512 : i32
      %select_n3A_3523 = arith.select %and3A_3521, %add3A_3522, %rem3A_3513 : i32
      %mul3A_3524 = arith.constant 64 : i32
      %mul3A_3525 = arith.muli %select_n3A_3523, %mul3A_3524 : i32
      %multiple_of3A_3526 = tpu.assume_multiple %mul3A_3525, 64 : i32
      %dma_start3A_3527 = arith.constant 6 : i32
      %dma_start3A_3528 = arith.constant 0 : i32
      %dma_start3A_3529 = arith.constant 0 : i32
      %dma_start3A_3530 = tpu.memref_slice %arg6[%dma_start3A_3527, %dma_start3A_3528, %dma_start3A_3529] : memref<10x64x128xf32, #tpu.memory_space<vmem>> -> memref<1x64x128xf32, #tpu.memory_space<vmem>>
      %dma_start3A_3531 = tpu.memref_squeeze %dma_start3A_3530 : memref<1x64x128xf32, #tpu.memory_space<vmem>> -> memref<64x128xf32, #tpu.memory_space<vmem>>
      %dma_start3A_3532 = tpu.memref_slice %arg5[%select_n3A_3507, %multiple_of3A_3526] : memref<50x128xi32, #tpu.memory_space<vmem>> -> memref<1x64xi32, #tpu.memory_space<vmem>>
      %dma_start3A_3533 = tpu.memref_squeeze %dma_start3A_3532 : memref<1x64xi32, #tpu.memory_space<vmem>> -> memref<64xi32, #tpu.memory_space<vmem>>
      %dma_start3A_3534 = arith.constant 0 : i32
      %dma_start3A_3535 = arith.constant 0 : i32
      %dma_start3A_3536 = tpu.memref_slice %arg3[%dma_start3A_3534, %dma_start3A_3535] : memref<100000x128xf32, #tpu.memory_space<hbm>> -> memref<100000x128xf32, #tpu.memory_space<hbm>>
      tpu.enqueue_indirect_dma source(%dma_start3A_3536 : memref<100000x128xf32, #tpu.memory_space<hbm>>) target(%dma_start3A_3531 : memref<64x128xf32, #tpu.memory_space<vmem>>) offsets(%dma_start3A_3533 : memref<64xi32, #tpu.memory_space<vmem>>) semaphore(%arg13 : memref<!tpu.dma_semaphore, #tpu.memory_space<semaphore_mem>>)
    }
    %scan3A_635 = arith.constant 8 : i32
    %dma_wait3A_636 = arith.constant 45 : i32
    %dma_wait3A_637 = arith.constant 0 : i32
    %dma_wait3A_638 = arith.constant 0 : i32
    %dma_wait3A_639 = arith.constant 0 : i32
    %dma_wait3A_640 = tpu.memref_slice %arg6[%dma_wait3A_637, %dma_wait3A_638, %dma_wait3A_639] : memref<10x64x128xf32, #tpu.memory_space<vmem>> -> memref<1x64x128xf32, #tpu.memory_space<vmem>>
    %dma_wait3A_641 = tpu.memref_squeeze %dma_wait3A_640 : memref<1x64x128xf32, #tpu.memory_space<vmem>> -> memref<64x128xf32, #tpu.memory_space<vmem>>
    %dma_wait3A_642 = arith.constant 0 : i32
    %dma_wait3A_643 = tpu.memref_slice %arg5[%dma_wait3A_636, %dma_wait3A_642] : memref<50x128xi32, #tpu.memory_space<vmem>> -> memref<1x64xi32, #tpu.memory_space<vmem>>
    %dma_wait3A_644 = tpu.memref_squeeze %dma_wait3A_643 : memref<1x64xi32, #tpu.memory_space<vmem>> -> memref<64xi32, #tpu.memory_space<vmem>>
    %dma_wait3A_645 = arith.constant 0 : i32
    %dma_wait3A_646 = arith.constant 0 : i32
    %dma_wait3A_647 = tpu.memref_slice %arg3[%dma_wait3A_645, %dma_wait3A_646] : memref<100000x128xf32, #tpu.memory_space<hbm>> -> memref<100000x128xf32, #tpu.memory_space<hbm>>
    tpu.wait_indirect_dma semaphore(%arg7 : memref<!tpu.dma_semaphore, #tpu.memory_space<semaphore_mem>>) src(%dma_wait3A_647 : memref<100000x128xf32, #tpu.memory_space<hbm>>) dst(%dma_wait3A_641 : memref<64x128xf32, #tpu.memory_space<vmem>>)
    %add3A_648 = arith.constant 0 : i32
    %add3A_649 = arith.addi %add3A_648, %multiple_of3A : i32
    %dma_start3A_650 = arith.constant 0 : i32
    %dma_start3A_651 = arith.constant 45 : i32
    %dma_start3A_652 = arith.constant 0 : i32
    %dma_start3A_653 = arith.constant 0 : i32
    %dma_start3A_654 = tpu.memref_slice %arg6[%dma_start3A_650, %dma_start3A_652, %dma_start3A_653] : memref<10x64x128xf32, #tpu.memory_space<vmem>> -> memref<1x64x128xf32, #tpu.memory_space<vmem>>
    %dma_start3A_655 = tpu.memref_squeeze %dma_start3A_654 : memref<1x64x128xf32, #tpu.memory_space<vmem>> -> memref<64x128xf32, #tpu.memory_space<vmem>>
    %dma_start3A_656 = arith.constant 0 : i32
    %dma_start3A_657 = tpu.memref_slice %arg4[%dma_start3A_651, %add3A_649, %dma_start3A_656] : memref<50x4096x128xf32, #tpu.memory_space<hbm>> -> memref<1x64x128xf32, #tpu.memory_space<hbm>>
    %dma_start3A_658 = tpu.memref_squeeze %dma_start3A_657 : memref<1x64x128xf32, #tpu.memory_space<hbm>> -> memref<64x128xf32, #tpu.memory_space<hbm>>
    %dma_start3A_659 = arith.constant 0 : i32
    %dma_start3A_660 = tpu.memref_slice %arg4[%dma_start3A_651, %add3A_649, %dma_start3A_659] : memref<50x4096x128xf32, #tpu.memory_space<hbm>> -> memref<1x64x128xf32, #tpu.memory_space<hbm>>
    %dma_start3A_661 = tpu.memref_squeeze %dma_start3A_660 : memref<1x64x128xf32, #tpu.memory_space<hbm>> -> memref<64x128xf32, #tpu.memory_space<hbm>>
    %dma_start3A_662 = arith.constant 0 : i32
    %dma_start3A_663 = arith.constant 0 : i32
    %dma_start3A_664 = tpu.memref_slice %arg6[%dma_start3A_650, %dma_start3A_662, %dma_start3A_663] : memref<10x64x128xf32, #tpu.memory_space<vmem>> -> memref<1x64x128xf32, #tpu.memory_space<vmem>>
    %dma_start3A_665 = tpu.memref_squeeze %dma_start3A_664 : memref<1x64x128xf32, #tpu.memory_space<vmem>> -> memref<64x128xf32, #tpu.memory_space<vmem>>
    tpu.enqueue_dma source(%dma_start3A_665 : memref<64x128xf32, #tpu.memory_space<vmem>>) target(%dma_start3A_661 : memref<64x128xf32, #tpu.memory_space<hbm>>) target_semaphore(%arg17 : memref<!tpu.dma_semaphore, #tpu.memory_space<semaphore_mem>>)
    %add3A_666 = arith.constant 64 : i32
    %add3A_667 = arith.addi %add3A_666, %multiple_of3A : i32
    %dma_wait3A_668 = arith.constant 7 : i32
    %dma_wait3A_669 = arith.constant 43 : i32
    %dma_wait3A_670 = arith.constant 0 : i32
    %dma_wait3A_671 = arith.constant 0 : i32
    %dma_wait3A_672 = tpu.memref_slice %arg6[%dma_wait3A_668, %dma_wait3A_670, %dma_wait3A_671] : memref<10x64x128xf32, #tpu.memory_space<vmem>> -> memref<1x64x128xf32, #tpu.memory_space<vmem>>
    %dma_wait3A_673 = tpu.memref_squeeze %dma_wait3A_672 : memref<1x64x128xf32, #tpu.memory_space<vmem>> -> memref<64x128xf32, #tpu.memory_space<vmem>>
    %dma_wait3A_674 = arith.constant 0 : i32
    %dma_wait3A_675 = tpu.memref_slice %arg4[%dma_wait3A_669, %add3A_667, %dma_wait3A_674] : memref<50x4096x128xf32, #tpu.memory_space<hbm>> -> memref<1x64x128xf32, #tpu.memory_space<hbm>>
    %dma_wait3A_676 = tpu.memref_squeeze %dma_wait3A_675 : memref<1x64x128xf32, #tpu.memory_space<hbm>> -> memref<64x128xf32, #tpu.memory_space<hbm>>
    %dma_wait3A_677 = arith.constant 0 : i32
    %dma_wait3A_678 = tpu.memref_slice %arg4[%dma_wait3A_669, %add3A_667, %dma_wait3A_677] : memref<50x4096x128xf32, #tpu.memory_space<hbm>> -> memref<1x64x128xf32, #tpu.memory_space<hbm>>
    %dma_wait3A_679 = tpu.memref_squeeze %dma_wait3A_678 : memref<1x64x128xf32, #tpu.memory_space<hbm>> -> memref<64x128xf32, #tpu.memory_space<hbm>>
    %dma_wait3A_680 = arith.constant 0 : i32
    %dma_wait3A_681 = arith.constant 0 : i32
    %dma_wait3A_682 = tpu.memref_slice %arg6[%dma_wait3A_668, %dma_wait3A_680, %dma_wait3A_681] : memref<10x64x128xf32, #tpu.memory_space<vmem>> -> memref<1x64x128xf32, #tpu.memory_space<vmem>>
    %dma_wait3A_683 = tpu.memref_squeeze %dma_wait3A_682 : memref<1x64x128xf32, #tpu.memory_space<vmem>> -> memref<64x128xf32, #tpu.memory_space<vmem>>
    tpu.wait_dma2 semaphore(%arg24 : memref<!tpu.dma_semaphore, #tpu.memory_space<semaphore_mem>>) src(%dma_wait3A_683 : memref<64x128xf32, #tpu.memory_space<vmem>>) dst(%dma_wait3A_679 : memref<64x128xf32, #tpu.memory_space<hbm>>)
    %dma_start3A_684 = arith.constant 48 : i32
    %dma_start3A_685 = arith.constant 7 : i32
    %dma_start3A_686 = arith.constant 0 : i32
    %dma_start3A_687 = arith.constant 0 : i32
    %dma_start3A_688 = tpu.memref_slice %arg6[%dma_start3A_685, %dma_start3A_686, %dma_start3A_687] : memref<10x64x128xf32, #tpu.memory_space<vmem>> -> memref<1x64x128xf32, #tpu.memory_space<vmem>>
    %dma_start3A_689 = tpu.memref_squeeze %dma_start3A_688 : memref<1x64x128xf32, #tpu.memory_space<vmem>> -> memref<64x128xf32, #tpu.memory_space<vmem>>
    %dma_start3A_690 = arith.constant 64 : i32
    %dma_start3A_691 = tpu.memref_slice %arg5[%dma_start3A_684, %dma_start3A_690] : memref<50x128xi32, #tpu.memory_space<vmem>> -> memref<1x64xi32, #tpu.memory_space<vmem>>
    %dma_start3A_692 = tpu.memref_squeeze %dma_start3A_691 : memref<1x64xi32, #tpu.memory_space<vmem>> -> memref<64xi32, #tpu.memory_space<vmem>>
    %dma_start3A_693 = arith.constant 0 : i32
    %dma_start3A_694 = arith.constant 0 : i32
    %dma_start3A_695 = tpu.memref_slice %arg3[%dma_start3A_693, %dma_start3A_694] : memref<100000x128xf32, #tpu.memory_space<hbm>> -> memref<100000x128xf32, #tpu.memory_space<hbm>>
    tpu.enqueue_indirect_dma source(%dma_start3A_695 : memref<100000x128xf32, #tpu.memory_space<hbm>>) target(%dma_start3A_689 : memref<64x128xf32, #tpu.memory_space<vmem>>) offsets(%dma_start3A_692 : memref<64xi32, #tpu.memory_space<vmem>>) semaphore(%arg14 : memref<!tpu.dma_semaphore, #tpu.memory_space<semaphore_mem>>)
    %dma_wait3A_696 = arith.constant 45 : i32
    %dma_wait3A_697 = arith.constant 1 : i32
    %dma_wait3A_698 = arith.constant 0 : i32
    %dma_wait3A_699 = arith.constant 0 : i32
    %dma_wait3A_700 = tpu.memref_slice %arg6[%dma_wait3A_697, %dma_wait3A_698, %dma_wait3A_699] : memref<10x64x128xf32, #tpu.memory_space<vmem>> -> memref<1x64x128xf32, #tpu.memory_space<vmem>>
    %dma_wait3A_701 = tpu.memref_squeeze %dma_wait3A_700 : memref<1x64x128xf32, #tpu.memory_space<vmem>> -> memref<64x128xf32, #tpu.memory_space<vmem>>
    %dma_wait3A_702 = arith.constant 64 : i32
    %dma_wait3A_703 = tpu.memref_slice %arg5[%dma_wait3A_696, %dma_wait3A_702] : memref<50x128xi32, #tpu.memory_space<vmem>> -> memref<1x64xi32, #tpu.memory_space<vmem>>
    %dma_wait3A_704 = tpu.memref_squeeze %dma_wait3A_703 : memref<1x64xi32, #tpu.memory_space<vmem>> -> memref<64xi32, #tpu.memory_space<vmem>>
    %dma_wait3A_705 = arith.constant 0 : i32
    %dma_wait3A_706 = arith.constant 0 : i32
    %dma_wait3A_707 = tpu.memref_slice %arg3[%dma_wait3A_705, %dma_wait3A_706] : memref<100000x128xf32, #tpu.memory_space<hbm>> -> memref<100000x128xf32, #tpu.memory_space<hbm>>
    tpu.wait_indirect_dma semaphore(%arg8 : memref<!tpu.dma_semaphore, #tpu.memory_space<semaphore_mem>>) src(%dma_wait3A_707 : memref<100000x128xf32, #tpu.memory_space<hbm>>) dst(%dma_wait3A_701 : memref<64x128xf32, #tpu.memory_space<vmem>>)
    %add3A_708 = arith.constant 64 : i32
    %add3A_709 = arith.addi %add3A_708, %multiple_of3A : i32
    %dma_start3A_710 = arith.constant 1 : i32
    %dma_start3A_711 = arith.constant 45 : i32
    %dma_start3A_712 = arith.constant 0 : i32
    %dma_start3A_713 = arith.constant 0 : i32
    %dma_start3A_714 = tpu.memref_slice %arg6[%dma_start3A_710, %dma_start3A_712, %dma_start3A_713] : memref<10x64x128xf32, #tpu.memory_space<vmem>> -> memref<1x64x128xf32, #tpu.memory_space<vmem>>
    %dma_start3A_715 = tpu.memref_squeeze %dma_start3A_714 : memref<1x64x128xf32, #tpu.memory_space<vmem>> -> memref<64x128xf32, #tpu.memory_space<vmem>>
    %dma_start3A_716 = arith.constant 0 : i32
    %dma_start3A_717 = tpu.memref_slice %arg4[%dma_start3A_711, %add3A_709, %dma_start3A_716] : memref<50x4096x128xf32, #tpu.memory_space<hbm>> -> memref<1x64x128xf32, #tpu.memory_space<hbm>>
    %dma_start3A_718 = tpu.memref_squeeze %dma_start3A_717 : memref<1x64x128xf32, #tpu.memory_space<hbm>> -> memref<64x128xf32, #tpu.memory_space<hbm>>
    %dma_start3A_719 = arith.constant 0 : i32
    %dma_start3A_720 = tpu.memref_slice %arg4[%dma_start3A_711, %add3A_709, %dma_start3A_719] : memref<50x4096x128xf32, #tpu.memory_space<hbm>> -> memref<1x64x128xf32, #tpu.memory_space<hbm>>
    %dma_start3A_721 = tpu.memref_squeeze %dma_start3A_720 : memref<1x64x128xf32, #tpu.memory_space<hbm>> -> memref<64x128xf32, #tpu.memory_space<hbm>>
    %dma_start3A_722 = arith.constant 0 : i32
    %dma_start3A_723 = arith.constant 0 : i32
    %dma_start3A_724 = tpu.memref_slice %arg6[%dma_start3A_710, %dma_start3A_722, %dma_start3A_723] : memref<10x64x128xf32, #tpu.memory_space<vmem>> -> memref<1x64x128xf32, #tpu.memory_space<vmem>>
    %dma_start3A_725 = tpu.memref_squeeze %dma_start3A_724 : memref<1x64x128xf32, #tpu.memory_space<vmem>> -> memref<64x128xf32, #tpu.memory_space<vmem>>
    tpu.enqueue_dma source(%dma_start3A_725 : memref<64x128xf32, #tpu.memory_space<vmem>>) target(%dma_start3A_721 : memref<64x128xf32, #tpu.memory_space<hbm>>) target_semaphore(%arg18 : memref<!tpu.dma_semaphore, #tpu.memory_space<semaphore_mem>>)
    %add3A_726 = arith.constant 0 : i32
    %add3A_727 = arith.addi %add3A_726, %multiple_of3A : i32
    %dma_wait3A_728 = arith.constant 8 : i32
    %dma_wait3A_729 = arith.constant 44 : i32
    %dma_wait3A_730 = arith.constant 0 : i32
    %dma_wait3A_731 = arith.constant 0 : i32
    %dma_wait3A_732 = tpu.memref_slice %arg6[%dma_wait3A_728, %dma_wait3A_730, %dma_wait3A_731] : memref<10x64x128xf32, #tpu.memory_space<vmem>> -> memref<1x64x128xf32, #tpu.memory_space<vmem>>
    %dma_wait3A_733 = tpu.memref_squeeze %dma_wait3A_732 : memref<1x64x128xf32, #tpu.memory_space<vmem>> -> memref<64x128xf32, #tpu.memory_space<vmem>>
    %dma_wait3A_734 = arith.constant 0 : i32
    %dma_wait3A_735 = tpu.memref_slice %arg4[%dma_wait3A_729, %add3A_727, %dma_wait3A_734] : memref<50x4096x128xf32, #tpu.memory_space<hbm>> -> memref<1x64x128xf32, #tpu.memory_space<hbm>>
    %dma_wait3A_736 = tpu.memref_squeeze %dma_wait3A_735 : memref<1x64x128xf32, #tpu.memory_space<hbm>> -> memref<64x128xf32, #tpu.memory_space<hbm>>
    %dma_wait3A_737 = arith.constant 0 : i32
    %dma_wait3A_738 = tpu.memref_slice %arg4[%dma_wait3A_729, %add3A_727, %dma_wait3A_737] : memref<50x4096x128xf32, #tpu.memory_space<hbm>> -> memref<1x64x128xf32, #tpu.memory_space<hbm>>
    %dma_wait3A_739 = tpu.memref_squeeze %dma_wait3A_738 : memref<1x64x128xf32, #tpu.memory_space<hbm>> -> memref<64x128xf32, #tpu.memory_space<hbm>>
    %dma_wait3A_740 = arith.constant 0 : i32
    %dma_wait3A_741 = arith.constant 0 : i32
    %dma_wait3A_742 = tpu.memref_slice %arg6[%dma_wait3A_728, %dma_wait3A_740, %dma_wait3A_741] : memref<10x64x128xf32, #tpu.memory_space<vmem>> -> memref<1x64x128xf32, #tpu.memory_space<vmem>>
    %dma_wait3A_743 = tpu.memref_squeeze %dma_wait3A_742 : memref<1x64x128xf32, #tpu.memory_space<vmem>> -> memref<64x128xf32, #tpu.memory_space<vmem>>
    tpu.wait_dma2 semaphore(%arg25 : memref<!tpu.dma_semaphore, #tpu.memory_space<semaphore_mem>>) src(%dma_wait3A_743 : memref<64x128xf32, #tpu.memory_space<vmem>>) dst(%dma_wait3A_739 : memref<64x128xf32, #tpu.memory_space<hbm>>)
    %dma_start3A_744 = arith.constant 49 : i32
    %dma_start3A_745 = arith.constant 8 : i32
    %dma_start3A_746 = arith.constant 0 : i32
    %dma_start3A_747 = arith.constant 0 : i32
    %dma_start3A_748 = tpu.memref_slice %arg6[%dma_start3A_745, %dma_start3A_746, %dma_start3A_747] : memref<10x64x128xf32, #tpu.memory_space<vmem>> -> memref<1x64x128xf32, #tpu.memory_space<vmem>>
    %dma_start3A_749 = tpu.memref_squeeze %dma_start3A_748 : memref<1x64x128xf32, #tpu.memory_space<vmem>> -> memref<64x128xf32, #tpu.memory_space<vmem>>
    %dma_start3A_750 = arith.constant 0 : i32
    %dma_start3A_751 = tpu.memref_slice %arg5[%dma_start3A_744, %dma_start3A_750] : memref<50x128xi32, #tpu.memory_space<vmem>> -> memref<1x64xi32, #tpu.memory_space<vmem>>
    %dma_start3A_752 = tpu.memref_squeeze %dma_start3A_751 : memref<1x64xi32, #tpu.memory_space<vmem>> -> memref<64xi32, #tpu.memory_space<vmem>>
    %dma_start3A_753 = arith.constant 0 : i32
    %dma_start3A_754 = arith.constant 0 : i32
    %dma_start3A_755 = tpu.memref_slice %arg3[%dma_start3A_753, %dma_start3A_754] : memref<100000x128xf32, #tpu.memory_space<hbm>> -> memref<100000x128xf32, #tpu.memory_space<hbm>>
    tpu.enqueue_indirect_dma source(%dma_start3A_755 : memref<100000x128xf32, #tpu.memory_space<hbm>>) target(%dma_start3A_749 : memref<64x128xf32, #tpu.memory_space<vmem>>) offsets(%dma_start3A_752 : memref<64xi32, #tpu.memory_space<vmem>>) semaphore(%arg15 : memref<!tpu.dma_semaphore, #tpu.memory_space<semaphore_mem>>)
    %dma_wait3A_756 = arith.constant 46 : i32
    %dma_wait3A_757 = arith.constant 2 : i32
    %dma_wait3A_758 = arith.constant 0 : i32
    %dma_wait3A_759 = arith.constant 0 : i32
    %dma_wait3A_760 = tpu.memref_slice %arg6[%dma_wait3A_757, %dma_wait3A_758, %dma_wait3A_759] : memref<10x64x128xf32, #tpu.memory_space<vmem>> -> memref<1x64x128xf32, #tpu.memory_space<vmem>>
    %dma_wait3A_761 = tpu.memref_squeeze %dma_wait3A_760 : memref<1x64x128xf32, #tpu.memory_space<vmem>> -> memref<64x128xf32, #tpu.memory_space<vmem>>
    %dma_wait3A_762 = arith.constant 0 : i32
    %dma_wait3A_763 = tpu.memref_slice %arg5[%dma_wait3A_756, %dma_wait3A_762] : memref<50x128xi32, #tpu.memory_space<vmem>> -> memref<1x64xi32, #tpu.memory_space<vmem>>
    %dma_wait3A_764 = tpu.memref_squeeze %dma_wait3A_763 : memref<1x64xi32, #tpu.memory_space<vmem>> -> memref<64xi32, #tpu.memory_space<vmem>>
    %dma_wait3A_765 = arith.constant 0 : i32
    %dma_wait3A_766 = arith.constant 0 : i32
    %dma_wait3A_767 = tpu.memref_slice %arg3[%dma_wait3A_765, %dma_wait3A_766] : memref<100000x128xf32, #tpu.memory_space<hbm>> -> memref<100000x128xf32, #tpu.memory_space<hbm>>
    tpu.wait_indirect_dma semaphore(%arg9 : memref<!tpu.dma_semaphore, #tpu.memory_space<semaphore_mem>>) src(%dma_wait3A_767 : memref<100000x128xf32, #tpu.memory_space<hbm>>) dst(%dma_wait3A_761 : memref<64x128xf32, #tpu.memory_space<vmem>>)
    %add3A_768 = arith.constant 0 : i32
    %add3A_769 = arith.addi %add3A_768, %multiple_of3A : i32
    %dma_start3A_770 = arith.constant 2 : i32
    %dma_start3A_771 = arith.constant 46 : i32
    %dma_start3A_772 = arith.constant 0 : i32
    %dma_start3A_773 = arith.constant 0 : i32
    %dma_start3A_774 = tpu.memref_slice %arg6[%dma_start3A_770, %dma_start3A_772, %dma_start3A_773] : memref<10x64x128xf32, #tpu.memory_space<vmem>> -> memref<1x64x128xf32, #tpu.memory_space<vmem>>
    %dma_start3A_775 = tpu.memref_squeeze %dma_start3A_774 : memref<1x64x128xf32, #tpu.memory_space<vmem>> -> memref<64x128xf32, #tpu.memory_space<vmem>>
    %dma_start3A_776 = arith.constant 0 : i32
    %dma_start3A_777 = tpu.memref_slice %arg4[%dma_start3A_771, %add3A_769, %dma_start3A_776] : memref<50x4096x128xf32, #tpu.memory_space<hbm>> -> memref<1x64x128xf32, #tpu.memory_space<hbm>>
    %dma_start3A_778 = tpu.memref_squeeze %dma_start3A_777 : memref<1x64x128xf32, #tpu.memory_space<hbm>> -> memref<64x128xf32, #tpu.memory_space<hbm>>
    %dma_start3A_779 = arith.constant 0 : i32
    %dma_start3A_780 = tpu.memref_slice %arg4[%dma_start3A_771, %add3A_769, %dma_start3A_779] : memref<50x4096x128xf32, #tpu.memory_space<hbm>> -> memref<1x64x128xf32, #tpu.memory_space<hbm>>
    %dma_start3A_781 = tpu.memref_squeeze %dma_start3A_780 : memref<1x64x128xf32, #tpu.memory_space<hbm>> -> memref<64x128xf32, #tpu.memory_space<hbm>>
    %dma_start3A_782 = arith.constant 0 : i32
    %dma_start3A_783 = arith.constant 0 : i32
    %dma_start3A_784 = tpu.memref_slice %arg6[%dma_start3A_770, %dma_start3A_782, %dma_start3A_783] : memref<10x64x128xf32, #tpu.memory_space<vmem>> -> memref<1x64x128xf32, #tpu.memory_space<vmem>>
    %dma_start3A_785 = tpu.memref_squeeze %dma_start3A_784 : memref<1x64x128xf32, #tpu.memory_space<vmem>> -> memref<64x128xf32, #tpu.memory_space<vmem>>
    tpu.enqueue_dma source(%dma_start3A_785 : memref<64x128xf32, #tpu.memory_space<vmem>>) target(%dma_start3A_781 : memref<64x128xf32, #tpu.memory_space<hbm>>) target_semaphore(%arg19 : memref<!tpu.dma_semaphore, #tpu.memory_space<semaphore_mem>>)
    %add3A_786 = arith.constant 64 : i32
    %add3A_787 = arith.addi %add3A_786, %multiple_of3A : i32
    %dma_wait3A_788 = arith.constant 9 : i32
    %dma_wait3A_789 = arith.constant 44 : i32
    %dma_wait3A_790 = arith.constant 0 : i32
    %dma_wait3A_791 = arith.constant 0 : i32
    %dma_wait3A_792 = tpu.memref_slice %arg6[%dma_wait3A_788, %dma_wait3A_790, %dma_wait3A_791] : memref<10x64x128xf32, #tpu.memory_space<vmem>> -> memref<1x64x128xf32, #tpu.memory_space<vmem>>
    %dma_wait3A_793 = tpu.memref_squeeze %dma_wait3A_792 : memref<1x64x128xf32, #tpu.memory_space<vmem>> -> memref<64x128xf32, #tpu.memory_space<vmem>>
    %dma_wait3A_794 = arith.constant 0 : i32
    %dma_wait3A_795 = tpu.memref_slice %arg4[%dma_wait3A_789, %add3A_787, %dma_wait3A_794] : memref<50x4096x128xf32, #tpu.memory_space<hbm>> -> memref<1x64x128xf32, #tpu.memory_space<hbm>>
    %dma_wait3A_796 = tpu.memref_squeeze %dma_wait3A_795 : memref<1x64x128xf32, #tpu.memory_space<hbm>> -> memref<64x128xf32, #tpu.memory_space<hbm>>
    %dma_wait3A_797 = arith.constant 0 : i32
    %dma_wait3A_798 = tpu.memref_slice %arg4[%dma_wait3A_789, %add3A_787, %dma_wait3A_797] : memref<50x4096x128xf32, #tpu.memory_space<hbm>> -> memref<1x64x128xf32, #tpu.memory_space<hbm>>
    %dma_wait3A_799 = tpu.memref_squeeze %dma_wait3A_798 : memref<1x64x128xf32, #tpu.memory_space<hbm>> -> memref<64x128xf32, #tpu.memory_space<hbm>>
    %dma_wait3A_800 = arith.constant 0 : i32
    %dma_wait3A_801 = arith.constant 0 : i32
    %dma_wait3A_802 = tpu.memref_slice %arg6[%dma_wait3A_788, %dma_wait3A_800, %dma_wait3A_801] : memref<10x64x128xf32, #tpu.memory_space<vmem>> -> memref<1x64x128xf32, #tpu.memory_space<vmem>>
    %dma_wait3A_803 = tpu.memref_squeeze %dma_wait3A_802 : memref<1x64x128xf32, #tpu.memory_space<vmem>> -> memref<64x128xf32, #tpu.memory_space<vmem>>
    tpu.wait_dma2 semaphore(%arg26 : memref<!tpu.dma_semaphore, #tpu.memory_space<semaphore_mem>>) src(%dma_wait3A_803 : memref<64x128xf32, #tpu.memory_space<vmem>>) dst(%dma_wait3A_799 : memref<64x128xf32, #tpu.memory_space<hbm>>)
    %dma_start3A_804 = arith.constant 49 : i32
    %dma_start3A_805 = arith.constant 9 : i32
    %dma_start3A_806 = arith.constant 0 : i32
    %dma_start3A_807 = arith.constant 0 : i32
    %dma_start3A_808 = tpu.memref_slice %arg6[%dma_start3A_805, %dma_start3A_806, %dma_start3A_807] : memref<10x64x128xf32, #tpu.memory_space<vmem>> -> memref<1x64x128xf32, #tpu.memory_space<vmem>>
    %dma_start3A_809 = tpu.memref_squeeze %dma_start3A_808 : memref<1x64x128xf32, #tpu.memory_space<vmem>> -> memref<64x128xf32, #tpu.memory_space<vmem>>
    %dma_start3A_810 = arith.constant 64 : i32
    %dma_start3A_811 = tpu.memref_slice %arg5[%dma_start3A_804, %dma_start3A_810] : memref<50x128xi32, #tpu.memory_space<vmem>> -> memref<1x64xi32, #tpu.memory_space<vmem>>
    %dma_start3A_812 = tpu.memref_squeeze %dma_start3A_811 : memref<1x64xi32, #tpu.memory_space<vmem>> -> memref<64xi32, #tpu.memory_space<vmem>>
    %dma_start3A_813 = arith.constant 0 : i32
    %dma_start3A_814 = arith.constant 0 : i32
    %dma_start3A_815 = tpu.memref_slice %arg3[%dma_start3A_813, %dma_start3A_814] : memref<100000x128xf32, #tpu.memory_space<hbm>> -> memref<100000x128xf32, #tpu.memory_space<hbm>>
    tpu.enqueue_indirect_dma source(%dma_start3A_815 : memref<100000x128xf32, #tpu.memory_space<hbm>>) target(%dma_start3A_809 : memref<64x128xf32, #tpu.memory_space<vmem>>) offsets(%dma_start3A_812 : memref<64xi32, #tpu.memory_space<vmem>>) semaphore(%arg16 : memref<!tpu.dma_semaphore, #tpu.memory_space<semaphore_mem>>)
    %dma_wait3A_816 = arith.constant 46 : i32
    %dma_wait3A_817 = arith.constant 3 : i32
    %dma_wait3A_818 = arith.constant 0 : i32
    %dma_wait3A_819 = arith.constant 0 : i32
    %dma_wait3A_820 = tpu.memref_slice %arg6[%dma_wait3A_817, %dma_wait3A_818, %dma_wait3A_819] : memref<10x64x128xf32, #tpu.memory_space<vmem>> -> memref<1x64x128xf32, #tpu.memory_space<vmem>>
    %dma_wait3A_821 = tpu.memref_squeeze %dma_wait3A_820 : memref<1x64x128xf32, #tpu.memory_space<vmem>> -> memref<64x128xf32, #tpu.memory_space<vmem>>
    %dma_wait3A_822 = arith.constant 64 : i32
    %dma_wait3A_823 = tpu.memref_slice %arg5[%dma_wait3A_816, %dma_wait3A_822] : memref<50x128xi32, #tpu.memory_space<vmem>> -> memref<1x64xi32, #tpu.memory_space<vmem>>
    %dma_wait3A_824 = tpu.memref_squeeze %dma_wait3A_823 : memref<1x64xi32, #tpu.memory_space<vmem>> -> memref<64xi32, #tpu.memory_space<vmem>>
    %dma_wait3A_825 = arith.constant 0 : i32
    %dma_wait3A_826 = arith.constant 0 : i32
    %dma_wait3A_827 = tpu.memref_slice %arg3[%dma_wait3A_825, %dma_wait3A_826] : memref<100000x128xf32, #tpu.memory_space<hbm>> -> memref<100000x128xf32, #tpu.memory_space<hbm>>
    tpu.wait_indirect_dma semaphore(%arg10 : memref<!tpu.dma_semaphore, #tpu.memory_space<semaphore_mem>>) src(%dma_wait3A_827 : memref<100000x128xf32, #tpu.memory_space<hbm>>) dst(%dma_wait3A_821 : memref<64x128xf32, #tpu.memory_space<vmem>>)
    %add3A_828 = arith.constant 64 : i32
    %add3A_829 = arith.addi %add3A_828, %multiple_of3A : i32
    %dma_start3A_830 = arith.constant 3 : i32
    %dma_start3A_831 = arith.constant 46 : i32
    %dma_start3A_832 = arith.constant 0 : i32
    %dma_start3A_833 = arith.constant 0 : i32
    %dma_start3A_834 = tpu.memref_slice %arg6[%dma_start3A_830, %dma_start3A_832, %dma_start3A_833] : memref<10x64x128xf32, #tpu.memory_space<vmem>> -> memref<1x64x128xf32, #tpu.memory_space<vmem>>
    %dma_start3A_835 = tpu.memref_squeeze %dma_start3A_834 : memref<1x64x128xf32, #tpu.memory_space<vmem>> -> memref<64x128xf32, #tpu.memory_space<vmem>>
    %dma_start3A_836 = arith.constant 0 : i32
    %dma_start3A_837 = tpu.memref_slice %arg4[%dma_start3A_831, %add3A_829, %dma_start3A_836] : memref<50x4096x128xf32, #tpu.memory_space<hbm>> -> memref<1x64x128xf32, #tpu.memory_space<hbm>>
    %dma_start3A_838 = tpu.memref_squeeze %dma_start3A_837 : memref<1x64x128xf32, #tpu.memory_space<hbm>> -> memref<64x128xf32, #tpu.memory_space<hbm>>
    %dma_start3A_839 = arith.constant 0 : i32
    %dma_start3A_840 = tpu.memref_slice %arg4[%dma_start3A_831, %add3A_829, %dma_start3A_839] : memref<50x4096x128xf32, #tpu.memory_space<hbm>> -> memref<1x64x128xf32, #tpu.memory_space<hbm>>
    %dma_start3A_841 = tpu.memref_squeeze %dma_start3A_840 : memref<1x64x128xf32, #tpu.memory_space<hbm>> -> memref<64x128xf32, #tpu.memory_space<hbm>>
    %dma_start3A_842 = arith.constant 0 : i32
    %dma_start3A_843 = arith.constant 0 : i32
    %dma_start3A_844 = tpu.memref_slice %arg6[%dma_start3A_830, %dma_start3A_842, %dma_start3A_843] : memref<10x64x128xf32, #tpu.memory_space<vmem>> -> memref<1x64x128xf32, #tpu.memory_space<vmem>>
    %dma_start3A_845 = tpu.memref_squeeze %dma_start3A_844 : memref<1x64x128xf32, #tpu.memory_space<vmem>> -> memref<64x128xf32, #tpu.memory_space<vmem>>
    tpu.enqueue_dma source(%dma_start3A_845 : memref<64x128xf32, #tpu.memory_space<vmem>>) target(%dma_start3A_841 : memref<64x128xf32, #tpu.memory_space<hbm>>) target_semaphore(%arg20 : memref<!tpu.dma_semaphore, #tpu.memory_space<semaphore_mem>>)
    %dma_wait3A_846 = arith.constant 47 : i32
    %dma_wait3A_847 = arith.constant 4 : i32
    %dma_wait3A_848 = arith.constant 0 : i32
    %dma_wait3A_849 = arith.constant 0 : i32
    %dma_wait3A_850 = tpu.memref_slice %arg6[%dma_wait3A_847, %dma_wait3A_848, %dma_wait3A_849] : memref<10x64x128xf32, #tpu.memory_space<vmem>> -> memref<1x64x128xf32, #tpu.memory_space<vmem>>
    %dma_wait3A_851 = tpu.memref_squeeze %dma_wait3A_850 : memref<1x64x128xf32, #tpu.memory_space<vmem>> -> memref<64x128xf32, #tpu.memory_space<vmem>>
    %dma_wait3A_852 = arith.constant 0 : i32
    %dma_wait3A_853 = tpu.memref_slice %arg5[%dma_wait3A_846, %dma_wait3A_852] : memref<50x128xi32, #tpu.memory_space<vmem>> -> memref<1x64xi32, #tpu.memory_space<vmem>>
    %dma_wait3A_854 = tpu.memref_squeeze %dma_wait3A_853 : memref<1x64xi32, #tpu.memory_space<vmem>> -> memref<64xi32, #tpu.memory_space<vmem>>
    %dma_wait3A_855 = arith.constant 0 : i32
    %dma_wait3A_856 = arith.constant 0 : i32
    %dma_wait3A_857 = tpu.memref_slice %arg3[%dma_wait3A_855, %dma_wait3A_856] : memref<100000x128xf32, #tpu.memory_space<hbm>> -> memref<100000x128xf32, #tpu.memory_space<hbm>>
    tpu.wait_indirect_dma semaphore(%arg11 : memref<!tpu.dma_semaphore, #tpu.memory_space<semaphore_mem>>) src(%dma_wait3A_857 : memref<100000x128xf32, #tpu.memory_space<hbm>>) dst(%dma_wait3A_851 : memref<64x128xf32, #tpu.memory_space<vmem>>)
    %add3A_858 = arith.constant 0 : i32
    %add3A_859 = arith.addi %add3A_858, %multiple_of3A : i32
    %dma_start3A_860 = arith.constant 4 : i32
    %dma_start3A_861 = arith.constant 47 : i32
    %dma_start3A_862 = arith.constant 0 : i32
    %dma_start3A_863 = arith.constant 0 : i32
    %dma_start3A_864 = tpu.memref_slice %arg6[%dma_start3A_860, %dma_start3A_862, %dma_start3A_863] : memref<10x64x128xf32, #tpu.memory_space<vmem>> -> memref<1x64x128xf32, #tpu.memory_space<vmem>>
    %dma_start3A_865 = tpu.memref_squeeze %dma_start3A_864 : memref<1x64x128xf32, #tpu.memory_space<vmem>> -> memref<64x128xf32, #tpu.memory_space<vmem>>
    %dma_start3A_866 = arith.constant 0 : i32
    %dma_start3A_867 = tpu.memref_slice %arg4[%dma_start3A_861, %add3A_859, %dma_start3A_866] : memref<50x4096x128xf32, #tpu.memory_space<hbm>> -> memref<1x64x128xf32, #tpu.memory_space<hbm>>
    %dma_start3A_868 = tpu.memref_squeeze %dma_start3A_867 : memref<1x64x128xf32, #tpu.memory_space<hbm>> -> memref<64x128xf32, #tpu.memory_space<hbm>>
    %dma_start3A_869 = arith.constant 0 : i32
    %dma_start3A_870 = tpu.memref_slice %arg4[%dma_start3A_861, %add3A_859, %dma_start3A_869] : memref<50x4096x128xf32, #tpu.memory_space<hbm>> -> memref<1x64x128xf32, #tpu.memory_space<hbm>>
    %dma_start3A_871 = tpu.memref_squeeze %dma_start3A_870 : memref<1x64x128xf32, #tpu.memory_space<hbm>> -> memref<64x128xf32, #tpu.memory_space<hbm>>
    %dma_start3A_872 = arith.constant 0 : i32
    %dma_start3A_873 = arith.constant 0 : i32
    %dma_start3A_874 = tpu.memref_slice %arg6[%dma_start3A_860, %dma_start3A_872, %dma_start3A_873] : memref<10x64x128xf32, #tpu.memory_space<vmem>> -> memref<1x64x128xf32, #tpu.memory_space<vmem>>
    %dma_start3A_875 = tpu.memref_squeeze %dma_start3A_874 : memref<1x64x128xf32, #tpu.memory_space<vmem>> -> memref<64x128xf32, #tpu.memory_space<vmem>>
    tpu.enqueue_dma source(%dma_start3A_875 : memref<64x128xf32, #tpu.memory_space<vmem>>) target(%dma_start3A_871 : memref<64x128xf32, #tpu.memory_space<hbm>>) target_semaphore(%arg21 : memref<!tpu.dma_semaphore, #tpu.memory_space<semaphore_mem>>)
    %dma_wait3A_876 = arith.constant 47 : i32
    %dma_wait3A_877 = arith.constant 5 : i32
    %dma_wait3A_878 = arith.constant 0 : i32
    %dma_wait3A_879 = arith.constant 0 : i32
    %dma_wait3A_880 = tpu.memref_slice %arg6[%dma_wait3A_877, %dma_wait3A_878, %dma_wait3A_879] : memref<10x64x128xf32, #tpu.memory_space<vmem>> -> memref<1x64x128xf32, #tpu.memory_space<vmem>>
    %dma_wait3A_881 = tpu.memref_squeeze %dma_wait3A_880 : memref<1x64x128xf32, #tpu.memory_space<vmem>> -> memref<64x128xf32, #tpu.memory_space<vmem>>
    %dma_wait3A_882 = arith.constant 64 : i32
    %dma_wait3A_883 = tpu.memref_slice %arg5[%dma_wait3A_876, %dma_wait3A_882] : memref<50x128xi32, #tpu.memory_space<vmem>> -> memref<1x64xi32, #tpu.memory_space<vmem>>
    %dma_wait3A_884 = tpu.memref_squeeze %dma_wait3A_883 : memref<1x64xi32, #tpu.memory_space<vmem>> -> memref<64xi32, #tpu.memory_space<vmem>>
    %dma_wait3A_885 = arith.constant 0 : i32
    %dma_wait3A_886 = arith.constant 0 : i32
    %dma_wait3A_887 = tpu.memref_slice %arg3[%dma_wait3A_885, %dma_wait3A_886] : memref<100000x128xf32, #tpu.memory_space<hbm>> -> memref<100000x128xf32, #tpu.memory_space<hbm>>
    tpu.wait_indirect_dma semaphore(%arg12 : memref<!tpu.dma_semaphore, #tpu.memory_space<semaphore_mem>>) src(%dma_wait3A_887 : memref<100000x128xf32, #tpu.memory_space<hbm>>) dst(%dma_wait3A_881 : memref<64x128xf32, #tpu.memory_space<vmem>>)
    %add3A_888 = arith.constant 64 : i32
    %add3A_889 = arith.addi %add3A_888, %multiple_of3A : i32
    %dma_start3A_890 = arith.constant 5 : i32
    %dma_start3A_891 = arith.constant 47 : i32
    %dma_start3A_892 = arith.constant 0 : i32
    %dma_start3A_893 = arith.constant 0 : i32
    %dma_start3A_894 = tpu.memref_slice %arg6[%dma_start3A_890, %dma_start3A_892, %dma_start3A_893] : memref<10x64x128xf32, #tpu.memory_space<vmem>> -> memref<1x64x128xf32, #tpu.memory_space<vmem>>
    %dma_start3A_895 = tpu.memref_squeeze %dma_start3A_894 : memref<1x64x128xf32, #tpu.memory_space<vmem>> -> memref<64x128xf32, #tpu.memory_space<vmem>>
    %dma_start3A_896 = arith.constant 0 : i32
    %dma_start3A_897 = tpu.memref_slice %arg4[%dma_start3A_891, %add3A_889, %dma_start3A_896] : memref<50x4096x128xf32, #tpu.memory_space<hbm>> -> memref<1x64x128xf32, #tpu.memory_space<hbm>>
    %dma_start3A_898 = tpu.memref_squeeze %dma_start3A_897 : memref<1x64x128xf32, #tpu.memory_space<hbm>> -> memref<64x128xf32, #tpu.memory_space<hbm>>
    %dma_start3A_899 = arith.constant 0 : i32
    %dma_start3A_900 = tpu.memref_slice %arg4[%dma_start3A_891, %add3A_889, %dma_start3A_899] : memref<50x4096x128xf32, #tpu.memory_space<hbm>> -> memref<1x64x128xf32, #tpu.memory_space<hbm>>
    %dma_start3A_901 = tpu.memref_squeeze %dma_start3A_900 : memref<1x64x128xf32, #tpu.memory_space<hbm>> -> memref<64x128xf32, #tpu.memory_space<hbm>>
    %dma_start3A_902 = arith.constant 0 : i32
    %dma_start3A_903 = arith.constant 0 : i32
    %dma_start3A_904 = tpu.memref_slice %arg6[%dma_start3A_890, %dma_start3A_902, %dma_start3A_903] : memref<10x64x128xf32, #tpu.memory_space<vmem>> -> memref<1x64x128xf32, #tpu.memory_space<vmem>>
    %dma_start3A_905 = tpu.memref_squeeze %dma_start3A_904 : memref<1x64x128xf32, #tpu.memory_space<vmem>> -> memref<64x128xf32, #tpu.memory_space<vmem>>
    tpu.enqueue_dma source(%dma_start3A_905 : memref<64x128xf32, #tpu.memory_space<vmem>>) target(%dma_start3A_901 : memref<64x128xf32, #tpu.memory_space<hbm>>) target_semaphore(%arg22 : memref<!tpu.dma_semaphore, #tpu.memory_space<semaphore_mem>>)
    %dma_wait3A_906 = arith.constant 48 : i32
    %dma_wait3A_907 = arith.constant 6 : i32
    %dma_wait3A_908 = arith.constant 0 : i32
    %dma_wait3A_909 = arith.constant 0 : i32
    %dma_wait3A_910 = tpu.memref_slice %arg6[%dma_wait3A_907, %dma_wait3A_908, %dma_wait3A_909] : memref<10x64x128xf32, #tpu.memory_space<vmem>> -> memref<1x64x128xf32, #tpu.memory_space<vmem>>
    %dma_wait3A_911 = tpu.memref_squeeze %dma_wait3A_910 : memref<1x64x128xf32, #tpu.memory_space<vmem>> -> memref<64x128xf32, #tpu.memory_space<vmem>>
    %dma_wait3A_912 = arith.constant 0 : i32
    %dma_wait3A_913 = tpu.memref_slice %arg5[%dma_wait3A_906, %dma_wait3A_912] : memref<50x128xi32, #tpu.memory_space<vmem>> -> memref<1x64xi32, #tpu.memory_space<vmem>>
    %dma_wait3A_914 = tpu.memref_squeeze %dma_wait3A_913 : memref<1x64xi32, #tpu.memory_space<vmem>> -> memref<64xi32, #tpu.memory_space<vmem>>
    %dma_wait3A_915 = arith.constant 0 : i32
    %dma_wait3A_916 = arith.constant 0 : i32
    %dma_wait3A_917 = tpu.memref_slice %arg3[%dma_wait3A_915, %dma_wait3A_916] : memref<100000x128xf32, #tpu.memory_space<hbm>> -> memref<100000x128xf32, #tpu.memory_space<hbm>>
    tpu.wait_indirect_dma semaphore(%arg13 : memref<!tpu.dma_semaphore, #tpu.memory_space<semaphore_mem>>) src(%dma_wait3A_917 : memref<100000x128xf32, #tpu.memory_space<hbm>>) dst(%dma_wait3A_911 : memref<64x128xf32, #tpu.memory_space<vmem>>)
    %add3A_918 = arith.constant 0 : i32
    %add3A_919 = arith.addi %add3A_918, %multiple_of3A : i32
    %dma_start3A_920 = arith.constant 6 : i32
    %dma_start3A_921 = arith.constant 48 : i32
    %dma_start3A_922 = arith.constant 0 : i32
    %dma_start3A_923 = arith.constant 0 : i32
    %dma_start3A_924 = tpu.memref_slice %arg6[%dma_start3A_920, %dma_start3A_922, %dma_start3A_923] : memref<10x64x128xf32, #tpu.memory_space<vmem>> -> memref<1x64x128xf32, #tpu.memory_space<vmem>>
    %dma_start3A_925 = tpu.memref_squeeze %dma_start3A_924 : memref<1x64x128xf32, #tpu.memory_space<vmem>> -> memref<64x128xf32, #tpu.memory_space<vmem>>
    %dma_start3A_926 = arith.constant 0 : i32
    %dma_start3A_927 = tpu.memref_slice %arg4[%dma_start3A_921, %add3A_919, %dma_start3A_926] : memref<50x4096x128xf32, #tpu.memory_space<hbm>> -> memref<1x64x128xf32, #tpu.memory_space<hbm>>
    %dma_start3A_928 = tpu.memref_squeeze %dma_start3A_927 : memref<1x64x128xf32, #tpu.memory_space<hbm>> -> memref<64x128xf32, #tpu.memory_space<hbm>>
    %dma_start3A_929 = arith.constant 0 : i32
    %dma_start3A_930 = tpu.memref_slice %arg4[%dma_start3A_921, %add3A_919, %dma_start3A_929] : memref<50x4096x128xf32, #tpu.memory_space<hbm>> -> memref<1x64x128xf32, #tpu.memory_space<hbm>>
    %dma_start3A_931 = tpu.memref_squeeze %dma_start3A_930 : memref<1x64x128xf32, #tpu.memory_space<hbm>> -> memref<64x128xf32, #tpu.memory_space<hbm>>
    %dma_start3A_932 = arith.constant 0 : i32
    %dma_start3A_933 = arith.constant 0 : i32
    %dma_start3A_934 = tpu.memref_slice %arg6[%dma_start3A_920, %dma_start3A_932, %dma_start3A_933] : memref<10x64x128xf32, #tpu.memory_space<vmem>> -> memref<1x64x128xf32, #tpu.memory_space<vmem>>
    %dma_start3A_935 = tpu.memref_squeeze %dma_start3A_934 : memref<1x64x128xf32, #tpu.memory_space<vmem>> -> memref<64x128xf32, #tpu.memory_space<vmem>>
    tpu.enqueue_dma source(%dma_start3A_935 : memref<64x128xf32, #tpu.memory_space<vmem>>) target(%dma_start3A_931 : memref<64x128xf32, #tpu.memory_space<hbm>>) target_semaphore(%arg23 : memref<!tpu.dma_semaphore, #tpu.memory_space<semaphore_mem>>)
    %dma_wait3A_936 = arith.constant 48 : i32
    %dma_wait3A_937 = arith.constant 7 : i32
    %dma_wait3A_938 = arith.constant 0 : i32
    %dma_wait3A_939 = arith.constant 0 : i32
    %dma_wait3A_940 = tpu.memref_slice %arg6[%dma_wait3A_937, %dma_wait3A_938, %dma_wait3A_939] : memref<10x64x128xf32, #tpu.memory_space<vmem>> -> memref<1x64x128xf32, #tpu.memory_space<vmem>>
    %dma_wait3A_941 = tpu.memref_squeeze %dma_wait3A_940 : memref<1x64x128xf32, #tpu.memory_space<vmem>> -> memref<64x128xf32, #tpu.memory_space<vmem>>
    %dma_wait3A_942 = arith.constant 64 : i32
    %dma_wait3A_943 = tpu.memref_slice %arg5[%dma_wait3A_936, %dma_wait3A_942] : memref<50x128xi32, #tpu.memory_space<vmem>> -> memref<1x64xi32, #tpu.memory_space<vmem>>
    %dma_wait3A_944 = tpu.memref_squeeze %dma_wait3A_943 : memref<1x64xi32, #tpu.memory_space<vmem>> -> memref<64xi32, #tpu.memory_space<vmem>>
    %dma_wait3A_945 = arith.constant 0 : i32
    %dma_wait3A_946 = arith.constant 0 : i32
    %dma_wait3A_947 = tpu.memref_slice %arg3[%dma_wait3A_945, %dma_wait3A_946] : memref<100000x128xf32, #tpu.memory_space<hbm>> -> memref<100000x128xf32, #tpu.memory_space<hbm>>
    tpu.wait_indirect_dma semaphore(%arg14 : memref<!tpu.dma_semaphore, #tpu.memory_space<semaphore_mem>>) src(%dma_wait3A_947 : memref<100000x128xf32, #tpu.memory_space<hbm>>) dst(%dma_wait3A_941 : memref<64x128xf32, #tpu.memory_space<vmem>>)
    %add3A_948 = arith.constant 64 : i32
    %add3A_949 = arith.addi %add3A_948, %multiple_of3A : i32
    %dma_start3A_950 = arith.constant 7 : i32
    %dma_start3A_951 = arith.constant 48 : i32
    %dma_start3A_952 = arith.constant 0 : i32
    %dma_start3A_953 = arith.constant 0 : i32
    %dma_start3A_954 = tpu.memref_slice %arg6[%dma_start3A_950, %dma_start3A_952, %dma_start3A_953] : memref<10x64x128xf32, #tpu.memory_space<vmem>> -> memref<1x64x128xf32, #tpu.memory_space<vmem>>
    %dma_start3A_955 = tpu.memref_squeeze %dma_start3A_954 : memref<1x64x128xf32, #tpu.memory_space<vmem>> -> memref<64x128xf32, #tpu.memory_space<vmem>>
    %dma_start3A_956 = arith.constant 0 : i32
    %dma_start3A_957 = tpu.memref_slice %arg4[%dma_start3A_951, %add3A_949, %dma_start3A_956] : memref<50x4096x128xf32, #tpu.memory_space<hbm>> -> memref<1x64x128xf32, #tpu.memory_space<hbm>>
    %dma_start3A_958 = tpu.memref_squeeze %dma_start3A_957 : memref<1x64x128xf32, #tpu.memory_space<hbm>> -> memref<64x128xf32, #tpu.memory_space<hbm>>
    %dma_start3A_959 = arith.constant 0 : i32
    %dma_start3A_960 = tpu.memref_slice %arg4[%dma_start3A_951, %add3A_949, %dma_start3A_959] : memref<50x4096x128xf32, #tpu.memory_space<hbm>> -> memref<1x64x128xf32, #tpu.memory_space<hbm>>
    %dma_start3A_961 = tpu.memref_squeeze %dma_start3A_960 : memref<1x64x128xf32, #tpu.memory_space<hbm>> -> memref<64x128xf32, #tpu.memory_space<hbm>>
    %dma_start3A_962 = arith.constant 0 : i32
    %dma_start3A_963 = arith.constant 0 : i32
    %dma_start3A_964 = tpu.memref_slice %arg6[%dma_start3A_950, %dma_start3A_962, %dma_start3A_963] : memref<10x64x128xf32, #tpu.memory_space<vmem>> -> memref<1x64x128xf32, #tpu.memory_space<vmem>>
    %dma_start3A_965 = tpu.memref_squeeze %dma_start3A_964 : memref<1x64x128xf32, #tpu.memory_space<vmem>> -> memref<64x128xf32, #tpu.memory_space<vmem>>
    tpu.enqueue_dma source(%dma_start3A_965 : memref<64x128xf32, #tpu.memory_space<vmem>>) target(%dma_start3A_961 : memref<64x128xf32, #tpu.memory_space<hbm>>) target_semaphore(%arg24 : memref<!tpu.dma_semaphore, #tpu.memory_space<semaphore_mem>>)
    %dma_wait3A_966 = arith.constant 49 : i32
    %dma_wait3A_967 = arith.constant 8 : i32
    %dma_wait3A_968 = arith.constant 0 : i32
    %dma_wait3A_969 = arith.constant 0 : i32
    %dma_wait3A_970 = tpu.memref_slice %arg6[%dma_wait3A_967, %dma_wait3A_968, %dma_wait3A_969] : memref<10x64x128xf32, #tpu.memory_space<vmem>> -> memref<1x64x128xf32, #tpu.memory_space<vmem>>
    %dma_wait3A_971 = tpu.memref_squeeze %dma_wait3A_970 : memref<1x64x128xf32, #tpu.memory_space<vmem>> -> memref<64x128xf32, #tpu.memory_space<vmem>>
    %dma_wait3A_972 = arith.constant 0 : i32
    %dma_wait3A_973 = tpu.memref_slice %arg5[%dma_wait3A_966, %dma_wait3A_972] : memref<50x128xi32, #tpu.memory_space<vmem>> -> memref<1x64xi32, #tpu.memory_space<vmem>>
    %dma_wait3A_974 = tpu.memref_squeeze %dma_wait3A_973 : memref<1x64xi32, #tpu.memory_space<vmem>> -> memref<64xi32, #tpu.memory_space<vmem>>
    %dma_wait3A_975 = arith.constant 0 : i32
    %dma_wait3A_976 = arith.constant 0 : i32
    %dma_wait3A_977 = tpu.memref_slice %arg3[%dma_wait3A_975, %dma_wait3A_976] : memref<100000x128xf32, #tpu.memory_space<hbm>> -> memref<100000x128xf32, #tpu.memory_space<hbm>>
    tpu.wait_indirect_dma semaphore(%arg15 : memref<!tpu.dma_semaphore, #tpu.memory_space<semaphore_mem>>) src(%dma_wait3A_977 : memref<100000x128xf32, #tpu.memory_space<hbm>>) dst(%dma_wait3A_971 : memref<64x128xf32, #tpu.memory_space<vmem>>)
    %add3A_978 = arith.constant 0 : i32
    %add3A_979 = arith.addi %add3A_978, %multiple_of3A : i32
    %dma_start3A_980 = arith.constant 8 : i32
    %dma_start3A_981 = arith.constant 49 : i32
    %dma_start3A_982 = arith.constant 0 : i32
    %dma_start3A_983 = arith.constant 0 : i32
    %dma_start3A_984 = tpu.memref_slice %arg6[%dma_start3A_980, %dma_start3A_982, %dma_start3A_983] : memref<10x64x128xf32, #tpu.memory_space<vmem>> -> memref<1x64x128xf32, #tpu.memory_space<vmem>>
    %dma_start3A_985 = tpu.memref_squeeze %dma_start3A_984 : memref<1x64x128xf32, #tpu.memory_space<vmem>> -> memref<64x128xf32, #tpu.memory_space<vmem>>
    %dma_start3A_986 = arith.constant 0 : i32
    %dma_start3A_987 = tpu.memref_slice %arg4[%dma_start3A_981, %add3A_979, %dma_start3A_986] : memref<50x4096x128xf32, #tpu.memory_space<hbm>> -> memref<1x64x128xf32, #tpu.memory_space<hbm>>
    %dma_start3A_988 = tpu.memref_squeeze %dma_start3A_987 : memref<1x64x128xf32, #tpu.memory_space<hbm>> -> memref<64x128xf32, #tpu.memory_space<hbm>>
    %dma_start3A_989 = arith.constant 0 : i32
    %dma_start3A_990 = tpu.memref_slice %arg4[%dma_start3A_981, %add3A_979, %dma_start3A_989] : memref<50x4096x128xf32, #tpu.memory_space<hbm>> -> memref<1x64x128xf32, #tpu.memory_space<hbm>>
    %dma_start3A_991 = tpu.memref_squeeze %dma_start3A_990 : memref<1x64x128xf32, #tpu.memory_space<hbm>> -> memref<64x128xf32, #tpu.memory_space<hbm>>
    %dma_start3A_992 = arith.constant 0 : i32
    %dma_start3A_993 = arith.constant 0 : i32
    %dma_start3A_994 = tpu.memref_slice %arg6[%dma_start3A_980, %dma_start3A_992, %dma_start3A_993] : memref<10x64x128xf32, #tpu.memory_space<vmem>> -> memref<1x64x128xf32, #tpu.memory_space<vmem>>
    %dma_start3A_995 = tpu.memref_squeeze %dma_start3A_994 : memref<1x64x128xf32, #tpu.memory_space<vmem>> -> memref<64x128xf32, #tpu.memory_space<vmem>>
    tpu.enqueue_dma source(%dma_start3A_995 : memref<64x128xf32, #tpu.memory_space<vmem>>) target(%dma_start3A_991 : memref<64x128xf32, #tpu.memory_space<hbm>>) target_semaphore(%arg25 : memref<!tpu.dma_semaphore, #tpu.memory_space<semaphore_mem>>)
    %dma_wait3A_996 = arith.constant 49 : i32
    %dma_wait3A_997 = arith.constant 9 : i32
    %dma_wait3A_998 = arith.constant 0 : i32
    %dma_wait3A_999 = arith.constant 0 : i32
    %dma_wait3A_1000 = tpu.memref_slice %arg6[%dma_wait3A_997, %dma_wait3A_998, %dma_wait3A_999] : memref<10x64x128xf32, #tpu.memory_space<vmem>> -> memref<1x64x128xf32, #tpu.memory_space<vmem>>
    %dma_wait3A_1001 = tpu.memref_squeeze %dma_wait3A_1000 : memref<1x64x128xf32, #tpu.memory_space<vmem>> -> memref<64x128xf32, #tpu.memory_space<vmem>>
    %dma_wait3A_1002 = arith.constant 64 : i32
    %dma_wait3A_1003 = tpu.memref_slice %arg5[%dma_wait3A_996, %dma_wait3A_1002] : memref<50x128xi32, #tpu.memory_space<vmem>> -> memref<1x64xi32, #tpu.memory_space<vmem>>
    %dma_wait3A_1004 = tpu.memref_squeeze %dma_wait3A_1003 : memref<1x64xi32, #tpu.memory_space<vmem>> -> memref<64xi32, #tpu.memory_space<vmem>>
    %dma_wait3A_1005 = arith.constant 0 : i32
    %dma_wait3A_1006 = arith.constant 0 : i32
    %dma_wait3A_1007 = tpu.memref_slice %arg3[%dma_wait3A_1005, %dma_wait3A_1006] : memref<100000x128xf32, #tpu.memory_space<hbm>> -> memref<100000x128xf32, #tpu.memory_space<hbm>>
    tpu.wait_indirect_dma semaphore(%arg16 : memref<!tpu.dma_semaphore, #tpu.memory_space<semaphore_mem>>) src(%dma_wait3A_1007 : memref<100000x128xf32, #tpu.memory_space<hbm>>) dst(%dma_wait3A_1001 : memref<64x128xf32, #tpu.memory_space<vmem>>)
    %add3A_1008 = arith.constant 64 : i32
    %add3A_1009 = arith.addi %add3A_1008, %multiple_of3A : i32
    %dma_start3A_1010 = arith.constant 9 : i32
    %dma_start3A_1011 = arith.constant 49 : i32
    %dma_start3A_1012 = arith.constant 0 : i32
    %dma_start3A_1013 = arith.constant 0 : i32
    %dma_start3A_1014 = tpu.memref_slice %arg6[%dma_start3A_1010, %dma_start3A_1012, %dma_start3A_1013] : memref<10x64x128xf32, #tpu.memory_space<vmem>> -> memref<1x64x128xf32, #tpu.memory_space<vmem>>
    %dma_start3A_1015 = tpu.memref_squeeze %dma_start3A_1014 : memref<1x64x128xf32, #tpu.memory_space<vmem>> -> memref<64x128xf32, #tpu.memory_space<vmem>>
    %dma_start3A_1016 = arith.constant 0 : i32
    %dma_start3A_1017 = tpu.memref_slice %arg4[%dma_start3A_1011, %add3A_1009, %dma_start3A_1016] : memref<50x4096x128xf32, #tpu.memory_space<hbm>> -> memref<1x64x128xf32, #tpu.memory_space<hbm>>
    %dma_start3A_1018 = tpu.memref_squeeze %dma_start3A_1017 : memref<1x64x128xf32, #tpu.memory_space<hbm>> -> memref<64x128xf32, #tpu.memory_space<hbm>>
    %dma_start3A_1019 = arith.constant 0 : i32
    %dma_start3A_1020 = tpu.memref_slice %arg4[%dma_start3A_1011, %add3A_1009, %dma_start3A_1019] : memref<50x4096x128xf32, #tpu.memory_space<hbm>> -> memref<1x64x128xf32, #tpu.memory_space<hbm>>
    %dma_start3A_1021 = tpu.memref_squeeze %dma_start3A_1020 : memref<1x64x128xf32, #tpu.memory_space<hbm>> -> memref<64x128xf32, #tpu.memory_space<hbm>>
    %dma_start3A_1022 = arith.constant 0 : i32
    %dma_start3A_1023 = arith.constant 0 : i32
    %dma_start3A_1024 = tpu.memref_slice %arg6[%dma_start3A_1010, %dma_start3A_1022, %dma_start3A_1023] : memref<10x64x128xf32, #tpu.memory_space<vmem>> -> memref<1x64x128xf32, #tpu.memory_space<vmem>>
    %dma_start3A_1025 = tpu.memref_squeeze %dma_start3A_1024 : memref<1x64x128xf32, #tpu.memory_space<vmem>> -> memref<64x128xf32, #tpu.memory_space<vmem>>
    tpu.enqueue_dma source(%dma_start3A_1025 : memref<64x128xf32, #tpu.memory_space<vmem>>) target(%dma_start3A_1021 : memref<64x128xf32, #tpu.memory_space<hbm>>) target_semaphore(%arg26 : memref<!tpu.dma_semaphore, #tpu.memory_space<semaphore_mem>>)
    %add3A_1026 = arith.constant 0 : i32
    %add3A_1027 = arith.addi %add3A_1026, %multiple_of3A : i32
    %dma_wait3A_1028 = arith.constant 0 : i32
    %dma_wait3A_1029 = arith.constant 45 : i32
    %dma_wait3A_1030 = arith.constant 0 : i32
    %dma_wait3A_1031 = arith.constant 0 : i32
    %dma_wait3A_1032 = tpu.memref_slice %arg6[%dma_wait3A_1028, %dma_wait3A_1030, %dma_wait3A_1031] : memref<10x64x128xf32, #tpu.memory_space<vmem>> -> memref<1x64x128xf32, #tpu.memory_space<vmem>>
    %dma_wait3A_1033 = tpu.memref_squeeze %dma_wait3A_1032 : memref<1x64x128xf32, #tpu.memory_space<vmem>> -> memref<64x128xf32, #tpu.memory_space<vmem>>
    %dma_wait3A_1034 = arith.constant 0 : i32
    %dma_wait3A_1035 = tpu.memref_slice %arg4[%dma_wait3A_1029, %add3A_1027, %dma_wait3A_1034] : memref<50x4096x128xf32, #tpu.memory_space<hbm>> -> memref<1x64x128xf32, #tpu.memory_space<hbm>>
    %dma_wait3A_1036 = tpu.memref_squeeze %dma_wait3A_1035 : memref<1x64x128xf32, #tpu.memory_space<hbm>> -> memref<64x128xf32, #tpu.memory_space<hbm>>
    %dma_wait3A_1037 = arith.constant 0 : i32
    %dma_wait3A_1038 = tpu.memref_slice %arg4[%dma_wait3A_1029, %add3A_1027, %dma_wait3A_1037] : memref<50x4096x128xf32, #tpu.memory_space<hbm>> -> memref<1x64x128xf32, #tpu.memory_space<hbm>>
    %dma_wait3A_1039 = tpu.memref_squeeze %dma_wait3A_1038 : memref<1x64x128xf32, #tpu.memory_space<hbm>> -> memref<64x128xf32, #tpu.memory_space<hbm>>
    %dma_wait3A_1040 = arith.constant 0 : i32
    %dma_wait3A_1041 = arith.constant 0 : i32
    %dma_wait3A_1042 = tpu.memref_slice %arg6[%dma_wait3A_1028, %dma_wait3A_1040, %dma_wait3A_1041] : memref<10x64x128xf32, #tpu.memory_space<vmem>> -> memref<1x64x128xf32, #tpu.memory_space<vmem>>
    %dma_wait3A_1043 = tpu.memref_squeeze %dma_wait3A_1042 : memref<1x64x128xf32, #tpu.memory_space<vmem>> -> memref<64x128xf32, #tpu.memory_space<vmem>>
    tpu.wait_dma2 semaphore(%arg17 : memref<!tpu.dma_semaphore, #tpu.memory_space<semaphore_mem>>) src(%dma_wait3A_1043 : memref<64x128xf32, #tpu.memory_space<vmem>>) dst(%dma_wait3A_1039 : memref<64x128xf32, #tpu.memory_space<hbm>>)
    %add3A_1044 = arith.constant 64 : i32
    %add3A_1045 = arith.addi %add3A_1044, %multiple_of3A : i32
    %dma_wait3A_1046 = arith.constant 1 : i32
    %dma_wait3A_1047 = arith.constant 45 : i32
    %dma_wait3A_1048 = arith.constant 0 : i32
    %dma_wait3A_1049 = arith.constant 0 : i32
    %dma_wait3A_1050 = tpu.memref_slice %arg6[%dma_wait3A_1046, %dma_wait3A_1048, %dma_wait3A_1049] : memref<10x64x128xf32, #tpu.memory_space<vmem>> -> memref<1x64x128xf32, #tpu.memory_space<vmem>>
    %dma_wait3A_1051 = tpu.memref_squeeze %dma_wait3A_1050 : memref<1x64x128xf32, #tpu.memory_space<vmem>> -> memref<64x128xf32, #tpu.memory_space<vmem>>
    %dma_wait3A_1052 = arith.constant 0 : i32
    %dma_wait3A_1053 = tpu.memref_slice %arg4[%dma_wait3A_1047, %add3A_1045, %dma_wait3A_1052] : memref<50x4096x128xf32, #tpu.memory_space<hbm>> -> memref<1x64x128xf32, #tpu.memory_space<hbm>>
    %dma_wait3A_1054 = tpu.memref_squeeze %dma_wait3A_1053 : memref<1x64x128xf32, #tpu.memory_space<hbm>> -> memref<64x128xf32, #tpu.memory_space<hbm>>
    %dma_wait3A_1055 = arith.constant 0 : i32
    %dma_wait3A_1056 = tpu.memref_slice %arg4[%dma_wait3A_1047, %add3A_1045, %dma_wait3A_1055] : memref<50x4096x128xf32, #tpu.memory_space<hbm>> -> memref<1x64x128xf32, #tpu.memory_space<hbm>>
    %dma_wait3A_1057 = tpu.memref_squeeze %dma_wait3A_1056 : memref<1x64x128xf32, #tpu.memory_space<hbm>> -> memref<64x128xf32, #tpu.memory_space<hbm>>
    %dma_wait3A_1058 = arith.constant 0 : i32
    %dma_wait3A_1059 = arith.constant 0 : i32
    %dma_wait3A_1060 = tpu.memref_slice %arg6[%dma_wait3A_1046, %dma_wait3A_1058, %dma_wait3A_1059] : memref<10x64x128xf32, #tpu.memory_space<vmem>> -> memref<1x64x128xf32, #tpu.memory_space<vmem>>
    %dma_wait3A_1061 = tpu.memref_squeeze %dma_wait3A_1060 : memref<1x64x128xf32, #tpu.memory_space<vmem>> -> memref<64x128xf32, #tpu.memory_space<vmem>>
    tpu.wait_dma2 semaphore(%arg18 : memref<!tpu.dma_semaphore, #tpu.memory_space<semaphore_mem>>) src(%dma_wait3A_1061 : memref<64x128xf32, #tpu.memory_space<vmem>>) dst(%dma_wait3A_1057 : memref<64x128xf32, #tpu.memory_space<hbm>>)
    %add3A_1062 = arith.constant 0 : i32
    %add3A_1063 = arith.addi %add3A_1062, %multiple_of3A : i32
    %dma_wait3A_1064 = arith.constant 2 : i32
    %dma_wait3A_1065 = arith.constant 46 : i32
    %dma_wait3A_1066 = arith.constant 0 : i32
    %dma_wait3A_1067 = arith.constant 0 : i32
    %dma_wait3A_1068 = tpu.memref_slice %arg6[%dma_wait3A_1064, %dma_wait3A_1066, %dma_wait3A_1067] : memref<10x64x128xf32, #tpu.memory_space<vmem>> -> memref<1x64x128xf32, #tpu.memory_space<vmem>>
    %dma_wait3A_1069 = tpu.memref_squeeze %dma_wait3A_1068 : memref<1x64x128xf32, #tpu.memory_space<vmem>> -> memref<64x128xf32, #tpu.memory_space<vmem>>
    %dma_wait3A_1070 = arith.constant 0 : i32
    %dma_wait3A_1071 = tpu.memref_slice %arg4[%dma_wait3A_1065, %add3A_1063, %dma_wait3A_1070] : memref<50x4096x128xf32, #tpu.memory_space<hbm>> -> memref<1x64x128xf32, #tpu.memory_space<hbm>>
    %dma_wait3A_1072 = tpu.memref_squeeze %dma_wait3A_1071 : memref<1x64x128xf32, #tpu.memory_space<hbm>> -> memref<64x128xf32, #tpu.memory_space<hbm>>
    %dma_wait3A_1073 = arith.constant 0 : i32
    %dma_wait3A_1074 = tpu.memref_slice %arg4[%dma_wait3A_1065, %add3A_1063, %dma_wait3A_1073] : memref<50x4096x128xf32, #tpu.memory_space<hbm>> -> memref<1x64x128xf32, #tpu.memory_space<hbm>>
    %dma_wait3A_1075 = tpu.memref_squeeze %dma_wait3A_1074 : memref<1x64x128xf32, #tpu.memory_space<hbm>> -> memref<64x128xf32, #tpu.memory_space<hbm>>
    %dma_wait3A_1076 = arith.constant 0 : i32
    %dma_wait3A_1077 = arith.constant 0 : i32
    %dma_wait3A_1078 = tpu.memref_slice %arg6[%dma_wait3A_1064, %dma_wait3A_1076, %dma_wait3A_1077] : memref<10x64x128xf32, #tpu.memory_space<vmem>> -> memref<1x64x128xf32, #tpu.memory_space<vmem>>
    %dma_wait3A_1079 = tpu.memref_squeeze %dma_wait3A_1078 : memref<1x64x128xf32, #tpu.memory_space<vmem>> -> memref<64x128xf32, #tpu.memory_space<vmem>>
    tpu.wait_dma2 semaphore(%arg19 : memref<!tpu.dma_semaphore, #tpu.memory_space<semaphore_mem>>) src(%dma_wait3A_1079 : memref<64x128xf32, #tpu.memory_space<vmem>>) dst(%dma_wait3A_1075 : memref<64x128xf32, #tpu.memory_space<hbm>>)
    %add3A_1080 = arith.constant 64 : i32
    %add3A_1081 = arith.addi %add3A_1080, %multiple_of3A : i32
    %dma_wait3A_1082 = arith.constant 3 : i32
    %dma_wait3A_1083 = arith.constant 46 : i32
    %dma_wait3A_1084 = arith.constant 0 : i32
    %dma_wait3A_1085 = arith.constant 0 : i32
    %dma_wait3A_1086 = tpu.memref_slice %arg6[%dma_wait3A_1082, %dma_wait3A_1084, %dma_wait3A_1085] : memref<10x64x128xf32, #tpu.memory_space<vmem>> -> memref<1x64x128xf32, #tpu.memory_space<vmem>>
    %dma_wait3A_1087 = tpu.memref_squeeze %dma_wait3A_1086 : memref<1x64x128xf32, #tpu.memory_space<vmem>> -> memref<64x128xf32, #tpu.memory_space<vmem>>
    %dma_wait3A_1088 = arith.constant 0 : i32
    %dma_wait3A_1089 = tpu.memref_slice %arg4[%dma_wait3A_1083, %add3A_1081, %dma_wait3A_1088] : memref<50x4096x128xf32, #tpu.memory_space<hbm>> -> memref<1x64x128xf32, #tpu.memory_space<hbm>>
    %dma_wait3A_1090 = tpu.memref_squeeze %dma_wait3A_1089 : memref<1x64x128xf32, #tpu.memory_space<hbm>> -> memref<64x128xf32, #tpu.memory_space<hbm>>
    %dma_wait3A_1091 = arith.constant 0 : i32
    %dma_wait3A_1092 = tpu.memref_slice %arg4[%dma_wait3A_1083, %add3A_1081, %dma_wait3A_1091] : memref<50x4096x128xf32, #tpu.memory_space<hbm>> -> memref<1x64x128xf32, #tpu.memory_space<hbm>>
    %dma_wait3A_1093 = tpu.memref_squeeze %dma_wait3A_1092 : memref<1x64x128xf32, #tpu.memory_space<hbm>> -> memref<64x128xf32, #tpu.memory_space<hbm>>
    %dma_wait3A_1094 = arith.constant 0 : i32
    %dma_wait3A_1095 = arith.constant 0 : i32
    %dma_wait3A_1096 = tpu.memref_slice %arg6[%dma_wait3A_1082, %dma_wait3A_1094, %dma_wait3A_1095] : memref<10x64x128xf32, #tpu.memory_space<vmem>> -> memref<1x64x128xf32, #tpu.memory_space<vmem>>
    %dma_wait3A_1097 = tpu.memref_squeeze %dma_wait3A_1096 : memref<1x64x128xf32, #tpu.memory_space<vmem>> -> memref<64x128xf32, #tpu.memory_space<vmem>>
    tpu.wait_dma2 semaphore(%arg20 : memref<!tpu.dma_semaphore, #tpu.memory_space<semaphore_mem>>) src(%dma_wait3A_1097 : memref<64x128xf32, #tpu.memory_space<vmem>>) dst(%dma_wait3A_1093 : memref<64x128xf32, #tpu.memory_space<hbm>>)
    %add3A_1098 = arith.constant 0 : i32
    %add3A_1099 = arith.addi %add3A_1098, %multiple_of3A : i32
    %dma_wait3A_1100 = arith.constant 4 : i32
    %dma_wait3A_1101 = arith.constant 47 : i32
    %dma_wait3A_1102 = arith.constant 0 : i32
    %dma_wait3A_1103 = arith.constant 0 : i32
    %dma_wait3A_1104 = tpu.memref_slice %arg6[%dma_wait3A_1100, %dma_wait3A_1102, %dma_wait3A_1103] : memref<10x64x128xf32, #tpu.memory_space<vmem>> -> memref<1x64x128xf32, #tpu.memory_space<vmem>>
    %dma_wait3A_1105 = tpu.memref_squeeze %dma_wait3A_1104 : memref<1x64x128xf32, #tpu.memory_space<vmem>> -> memref<64x128xf32, #tpu.memory_space<vmem>>
    %dma_wait3A_1106 = arith.constant 0 : i32
    %dma_wait3A_1107 = tpu.memref_slice %arg4[%dma_wait3A_1101, %add3A_1099, %dma_wait3A_1106] : memref<50x4096x128xf32, #tpu.memory_space<hbm>> -> memref<1x64x128xf32, #tpu.memory_space<hbm>>
    %dma_wait3A_1108 = tpu.memref_squeeze %dma_wait3A_1107 : memref<1x64x128xf32, #tpu.memory_space<hbm>> -> memref<64x128xf32, #tpu.memory_space<hbm>>
    %dma_wait3A_1109 = arith.constant 0 : i32
    %dma_wait3A_1110 = tpu.memref_slice %arg4[%dma_wait3A_1101, %add3A_1099, %dma_wait3A_1109] : memref<50x4096x128xf32, #tpu.memory_space<hbm>> -> memref<1x64x128xf32, #tpu.memory_space<hbm>>
    %dma_wait3A_1111 = tpu.memref_squeeze %dma_wait3A_1110 : memref<1x64x128xf32, #tpu.memory_space<hbm>> -> memref<64x128xf32, #tpu.memory_space<hbm>>
    %dma_wait3A_1112 = arith.constant 0 : i32
    %dma_wait3A_1113 = arith.constant 0 : i32
    %dma_wait3A_1114 = tpu.memref_slice %arg6[%dma_wait3A_1100, %dma_wait3A_1112, %dma_wait3A_1113] : memref<10x64x128xf32, #tpu.memory_space<vmem>> -> memref<1x64x128xf32, #tpu.memory_space<vmem>>
    %dma_wait3A_1115 = tpu.memref_squeeze %dma_wait3A_1114 : memref<1x64x128xf32, #tpu.memory_space<vmem>> -> memref<64x128xf32, #tpu.memory_space<vmem>>
    tpu.wait_dma2 semaphore(%arg21 : memref<!tpu.dma_semaphore, #tpu.memory_space<semaphore_mem>>) src(%dma_wait3A_1115 : memref<64x128xf32, #tpu.memory_space<vmem>>) dst(%dma_wait3A_1111 : memref<64x128xf32, #tpu.memory_space<hbm>>)
    %add3A_1116 = arith.constant 64 : i32
    %add3A_1117 = arith.addi %add3A_1116, %multiple_of3A : i32
    %dma_wait3A_1118 = arith.constant 5 : i32
    %dma_wait3A_1119 = arith.constant 47 : i32
    %dma_wait3A_1120 = arith.constant 0 : i32
    %dma_wait3A_1121 = arith.constant 0 : i32
    %dma_wait3A_1122 = tpu.memref_slice %arg6[%dma_wait3A_1118, %dma_wait3A_1120, %dma_wait3A_1121] : memref<10x64x128xf32, #tpu.memory_space<vmem>> -> memref<1x64x128xf32, #tpu.memory_space<vmem>>
    %dma_wait3A_1123 = tpu.memref_squeeze %dma_wait3A_1122 : memref<1x64x128xf32, #tpu.memory_space<vmem>> -> memref<64x128xf32, #tpu.memory_space<vmem>>
    %dma_wait3A_1124 = arith.constant 0 : i32
    %dma_wait3A_1125 = tpu.memref_slice %arg4[%dma_wait3A_1119, %add3A_1117, %dma_wait3A_1124] : memref<50x4096x128xf32, #tpu.memory_space<hbm>> -> memref<1x64x128xf32, #tpu.memory_space<hbm>>
    %dma_wait3A_1126 = tpu.memref_squeeze %dma_wait3A_1125 : memref<1x64x128xf32, #tpu.memory_space<hbm>> -> memref<64x128xf32, #tpu.memory_space<hbm>>
    %dma_wait3A_1127 = arith.constant 0 : i32
    %dma_wait3A_1128 = tpu.memref_slice %arg4[%dma_wait3A_1119, %add3A_1117, %dma_wait3A_1127] : memref<50x4096x128xf32, #tpu.memory_space<hbm>> -> memref<1x64x128xf32, #tpu.memory_space<hbm>>
    %dma_wait3A_1129 = tpu.memref_squeeze %dma_wait3A_1128 : memref<1x64x128xf32, #tpu.memory_space<hbm>> -> memref<64x128xf32, #tpu.memory_space<hbm>>
    %dma_wait3A_1130 = arith.constant 0 : i32
    %dma_wait3A_1131 = arith.constant 0 : i32
    %dma_wait3A_1132 = tpu.memref_slice %arg6[%dma_wait3A_1118, %dma_wait3A_1130, %dma_wait3A_1131] : memref<10x64x128xf32, #tpu.memory_space<vmem>> -> memref<1x64x128xf32, #tpu.memory_space<vmem>>
    %dma_wait3A_1133 = tpu.memref_squeeze %dma_wait3A_1132 : memref<1x64x128xf32, #tpu.memory_space<vmem>> -> memref<64x128xf32, #tpu.memory_space<vmem>>
    tpu.wait_dma2 semaphore(%arg22 : memref<!tpu.dma_semaphore, #tpu.memory_space<semaphore_mem>>) src(%dma_wait3A_1133 : memref<64x128xf32, #tpu.memory_space<vmem>>) dst(%dma_wait3A_1129 : memref<64x128xf32, #tpu.memory_space<hbm>>)
    %add3A_1134 = arith.constant 0 : i32
    %add3A_1135 = arith.addi %add3A_1134, %multiple_of3A : i32
    %dma_wait3A_1136 = arith.constant 6 : i32
    %dma_wait3A_1137 = arith.constant 48 : i32
    %dma_wait3A_1138 = arith.constant 0 : i32
    %dma_wait3A_1139 = arith.constant 0 : i32
    %dma_wait3A_1140 = tpu.memref_slice %arg6[%dma_wait3A_1136, %dma_wait3A_1138, %dma_wait3A_1139] : memref<10x64x128xf32, #tpu.memory_space<vmem>> -> memref<1x64x128xf32, #tpu.memory_space<vmem>>
    %dma_wait3A_1141 = tpu.memref_squeeze %dma_wait3A_1140 : memref<1x64x128xf32, #tpu.memory_space<vmem>> -> memref<64x128xf32, #tpu.memory_space<vmem>>
    %dma_wait3A_1142 = arith.constant 0 : i32
    %dma_wait3A_1143 = tpu.memref_slice %arg4[%dma_wait3A_1137, %add3A_1135, %dma_wait3A_1142] : memref<50x4096x128xf32, #tpu.memory_space<hbm>> -> memref<1x64x128xf32, #tpu.memory_space<hbm>>
    %dma_wait3A_1144 = tpu.memref_squeeze %dma_wait3A_1143 : memref<1x64x128xf32, #tpu.memory_space<hbm>> -> memref<64x128xf32, #tpu.memory_space<hbm>>
    %dma_wait3A_1145 = arith.constant 0 : i32
    %dma_wait3A_1146 = tpu.memref_slice %arg4[%dma_wait3A_1137, %add3A_1135, %dma_wait3A_1145] : memref<50x4096x128xf32, #tpu.memory_space<hbm>> -> memref<1x64x128xf32, #tpu.memory_space<hbm>>
    %dma_wait3A_1147 = tpu.memref_squeeze %dma_wait3A_1146 : memref<1x64x128xf32, #tpu.memory_space<hbm>> -> memref<64x128xf32, #tpu.memory_space<hbm>>
    %dma_wait3A_1148 = arith.constant 0 : i32
    %dma_wait3A_1149 = arith.constant 0 : i32
    %dma_wait3A_1150 = tpu.memref_slice %arg6[%dma_wait3A_1136, %dma_wait3A_1148, %dma_wait3A_1149] : memref<10x64x128xf32, #tpu.memory_space<vmem>> -> memref<1x64x128xf32, #tpu.memory_space<vmem>>
    %dma_wait3A_1151 = tpu.memref_squeeze %dma_wait3A_1150 : memref<1x64x128xf32, #tpu.memory_space<vmem>> -> memref<64x128xf32, #tpu.memory_space<vmem>>
    tpu.wait_dma2 semaphore(%arg23 : memref<!tpu.dma_semaphore, #tpu.memory_space<semaphore_mem>>) src(%dma_wait3A_1151 : memref<64x128xf32, #tpu.memory_space<vmem>>) dst(%dma_wait3A_1147 : memref<64x128xf32, #tpu.memory_space<hbm>>)
    %add3A_1152 = arith.constant 64 : i32
    %add3A_1153 = arith.addi %add3A_1152, %multiple_of3A : i32
    %dma_wait3A_1154 = arith.constant 7 : i32
    %dma_wait3A_1155 = arith.constant 48 : i32
    %dma_wait3A_1156 = arith.constant 0 : i32
    %dma_wait3A_1157 = arith.constant 0 : i32
    %dma_wait3A_1158 = tpu.memref_slice %arg6[%dma_wait3A_1154, %dma_wait3A_1156, %dma_wait3A_1157] : memref<10x64x128xf32, #tpu.memory_space<vmem>> -> memref<1x64x128xf32, #tpu.memory_space<vmem>>
    %dma_wait3A_1159 = tpu.memref_squeeze %dma_wait3A_1158 : memref<1x64x128xf32, #tpu.memory_space<vmem>> -> memref<64x128xf32, #tpu.memory_space<vmem>>
    %dma_wait3A_1160 = arith.constant 0 : i32
    %dma_wait3A_1161 = tpu.memref_slice %arg4[%dma_wait3A_1155, %add3A_1153, %dma_wait3A_1160] : memref<50x4096x128xf32, #tpu.memory_space<hbm>> -> memref<1x64x128xf32, #tpu.memory_space<hbm>>
    %dma_wait3A_1162 = tpu.memref_squeeze %dma_wait3A_1161 : memref<1x64x128xf32, #tpu.memory_space<hbm>> -> memref<64x128xf32, #tpu.memory_space<hbm>>
    %dma_wait3A_1163 = arith.constant 0 : i32
    %dma_wait3A_1164 = tpu.memref_slice %arg4[%dma_wait3A_1155, %add3A_1153, %dma_wait3A_1163] : memref<50x4096x128xf32, #tpu.memory_space<hbm>> -> memref<1x64x128xf32, #tpu.memory_space<hbm>>
    %dma_wait3A_1165 = tpu.memref_squeeze %dma_wait3A_1164 : memref<1x64x128xf32, #tpu.memory_space<hbm>> -> memref<64x128xf32, #tpu.memory_space<hbm>>
    %dma_wait3A_1166 = arith.constant 0 : i32
    %dma_wait3A_1167 = arith.constant 0 : i32
    %dma_wait3A_1168 = tpu.memref_slice %arg6[%dma_wait3A_1154, %dma_wait3A_1166, %dma_wait3A_1167] : memref<10x64x128xf32, #tpu.memory_space<vmem>> -> memref<1x64x128xf32, #tpu.memory_space<vmem>>
    %dma_wait3A_1169 = tpu.memref_squeeze %dma_wait3A_1168 : memref<1x64x128xf32, #tpu.memory_space<vmem>> -> memref<64x128xf32, #tpu.memory_space<vmem>>
    tpu.wait_dma2 semaphore(%arg24 : memref<!tpu.dma_semaphore, #tpu.memory_space<semaphore_mem>>) src(%dma_wait3A_1169 : memref<64x128xf32, #tpu.memory_space<vmem>>) dst(%dma_wait3A_1165 : memref<64x128xf32, #tpu.memory_space<hbm>>)
    %add3A_1170 = arith.constant 0 : i32
    %add3A_1171 = arith.addi %add3A_1170, %multiple_of3A : i32
    %dma_wait3A_1172 = arith.constant 8 : i32
    %dma_wait3A_1173 = arith.constant 49 : i32
    %dma_wait3A_1174 = arith.constant 0 : i32
    %dma_wait3A_1175 = arith.constant 0 : i32
    %dma_wait3A_1176 = tpu.memref_slice %arg6[%dma_wait3A_1172, %dma_wait3A_1174, %dma_wait3A_1175] : memref<10x64x128xf32, #tpu.memory_space<vmem>> -> memref<1x64x128xf32, #tpu.memory_space<vmem>>
    %dma_wait3A_1177 = tpu.memref_squeeze %dma_wait3A_1176 : memref<1x64x128xf32, #tpu.memory_space<vmem>> -> memref<64x128xf32, #tpu.memory_space<vmem>>
    %dma_wait3A_1178 = arith.constant 0 : i32
    %dma_wait3A_1179 = tpu.memref_slice %arg4[%dma_wait3A_1173, %add3A_1171, %dma_wait3A_1178] : memref<50x4096x128xf32, #tpu.memory_space<hbm>> -> memref<1x64x128xf32, #tpu.memory_space<hbm>>
    %dma_wait3A_1180 = tpu.memref_squeeze %dma_wait3A_1179 : memref<1x64x128xf32, #tpu.memory_space<hbm>> -> memref<64x128xf32, #tpu.memory_space<hbm>>
    %dma_wait3A_1181 = arith.constant 0 : i32
    %dma_wait3A_1182 = tpu.memref_slice %arg4[%dma_wait3A_1173, %add3A_1171, %dma_wait3A_1181] : memref<50x4096x128xf32, #tpu.memory_space<hbm>> -> memref<1x64x128xf32, #tpu.memory_space<hbm>>
    %dma_wait3A_1183 = tpu.memref_squeeze %dma_wait3A_1182 : memref<1x64x128xf32, #tpu.memory_space<hbm>> -> memref<64x128xf32, #tpu.memory_space<hbm>>
    %dma_wait3A_1184 = arith.constant 0 : i32
    %dma_wait3A_1185 = arith.constant 0 : i32
    %dma_wait3A_1186 = tpu.memref_slice %arg6[%dma_wait3A_1172, %dma_wait3A_1184, %dma_wait3A_1185] : memref<10x64x128xf32, #tpu.memory_space<vmem>> -> memref<1x64x128xf32, #tpu.memory_space<vmem>>
    %dma_wait3A_1187 = tpu.memref_squeeze %dma_wait3A_1186 : memref<1x64x128xf32, #tpu.memory_space<vmem>> -> memref<64x128xf32, #tpu.memory_space<vmem>>
    tpu.wait_dma2 semaphore(%arg25 : memref<!tpu.dma_semaphore, #tpu.memory_space<semaphore_mem>>) src(%dma_wait3A_1187 : memref<64x128xf32, #tpu.memory_space<vmem>>) dst(%dma_wait3A_1183 : memref<64x128xf32, #tpu.memory_space<hbm>>)
    %add3A_1188 = arith.constant 64 : i32
    %add3A_1189 = arith.addi %add3A_1188, %multiple_of3A : i32
    %dma_wait3A_1190 = arith.constant 9 : i32
    %dma_wait3A_1191 = arith.constant 49 : i32
    %dma_wait3A_1192 = arith.constant 0 : i32
    %dma_wait3A_1193 = arith.constant 0 : i32
    %dma_wait3A_1194 = tpu.memref_slice %arg6[%dma_wait3A_1190, %dma_wait3A_1192, %dma_wait3A_1193] : memref<10x64x128xf32, #tpu.memory_space<vmem>> -> memref<1x64x128xf32, #tpu.memory_space<vmem>>
    %dma_wait3A_1195 = tpu.memref_squeeze %dma_wait3A_1194 : memref<1x64x128xf32, #tpu.memory_space<vmem>> -> memref<64x128xf32, #tpu.memory_space<vmem>>
    %dma_wait3A_1196 = arith.constant 0 : i32
    %dma_wait3A_1197 = tpu.memref_slice %arg4[%dma_wait3A_1191, %add3A_1189, %dma_wait3A_1196] : memref<50x4096x128xf32, #tpu.memory_space<hbm>> -> memref<1x64x128xf32, #tpu.memory_space<hbm>>
    %dma_wait3A_1198 = tpu.memref_squeeze %dma_wait3A_1197 : memref<1x64x128xf32, #tpu.memory_space<hbm>> -> memref<64x128xf32, #tpu.memory_space<hbm>>
    %dma_wait3A_1199 = arith.constant 0 : i32
    %dma_wait3A_1200 = tpu.memref_slice %arg4[%dma_wait3A_1191, %add3A_1189, %dma_wait3A_1199] : memref<50x4096x128xf32, #tpu.memory_space<hbm>> -> memref<1x64x128xf32, #tpu.memory_space<hbm>>
    %dma_wait3A_1201 = tpu.memref_squeeze %dma_wait3A_1200 : memref<1x64x128xf32, #tpu.memory_space<hbm>> -> memref<64x128xf32, #tpu.memory_space<hbm>>
    %dma_wait3A_1202 = arith.constant 0 : i32
    %dma_wait3A_1203 = arith.constant 0 : i32
    %dma_wait3A_1204 = tpu.memref_slice %arg6[%dma_wait3A_1190, %dma_wait3A_1202, %dma_wait3A_1203] : memref<10x64x128xf32, #tpu.memory_space<vmem>> -> memref<1x64x128xf32, #tpu.memory_space<vmem>>
    %dma_wait3A_1205 = tpu.memref_squeeze %dma_wait3A_1204 : memref<1x64x128xf32, #tpu.memory_space<vmem>> -> memref<64x128xf32, #tpu.memory_space<vmem>>
    tpu.wait_dma2 semaphore(%arg26 : memref<!tpu.dma_semaphore, #tpu.memory_space<semaphore_mem>>) src(%dma_wait3A_1205 : memref<64x128xf32, #tpu.memory_space<vmem>>) dst(%dma_wait3A_1201 : memref<64x128xf32, #tpu.memory_space<hbm>>)
    return
  }
}

</mosaic_0001>

<sc_bundles>
// kernel: kernel.3.cloned.1.call-start
scs
__scs_entry_jumppad:
0x0: {  	(pc) =	sbr.rel $0x88, $3  }
0x1: {  	(tag) =	ssettag $0x0;
	lr =	simm.s32 $0x1  }
0x2: {  	[smem:$0x3F9F] =	sst lr;
	_ =	strace $0xD0000000  }
0x3: {  	_ = 	snop  }
0x4: {  	_ = 	snop  }
0x5: {  	_ = 	snop  }
0x6: {  	_ = 	snop  }
0x7: {  	_ = 	snop  }
__scs_overlays_trampoline_lowered:
0x8: {  	[smem:$0x3FAE] =	sst s0  }
0x9: {  	[smem:$0x3FAF] =	sst s1  }
0xa: {  	[smem:$0x3FB0] =	sst s2  }
0xb: {  	[smem:$0x3FB1] =	sst s3  }
0xc: {  	[smem:$0x3FB2] =	sst s4  }
0xd: {  	[smem:$0x3FB3] =	sst s5  }
0xe: {  	[smem:$0x3FB4] =	sst s6  }
0xf: {  	[smem:$0x3FB5] =	sst s7  }
0x10: {  	[smem:$0x3FB6] =	sst s8  }
0x11: {  	[smem:$0x3FB7] =	sst s9;
	s0 =	simm.s32 @!p0 $0x0  }
0x12: {  	s1 =	sld [smem:$0x3F9D];
	s0 =	simm.s32 @p0 $0x1  }
0x13: {  	[smem:$0x3FB8] =	sst s0;
	s0 =	simm.s32 @!p1 $0x0  }
0x14: {  	s2 =	sld [smem:$0x3F9C];
	s0 =	simm.s32 @p1 $0x1  }
0x15: {  	[smem:$0x3FB9] =	sst s0;
	s0 =	simm.s32 @!p2 $0x0  }
0x16: {  	s3 =	sld [smem:$0x3FDB];
	s0 =	simm.s32 @p2 $0x1  }
0x17: {  	s4 =	simm.s32 $0x1BF5;
	[smem:$0x3FBB] =	sst s0  }
0x18: {  	s0 =	sld [smem:$0x3F9E];
	_ =	swait.ge [sflag:s4], $0x0  }
0x19: {  	s7 =	sld [smem:$0x3F9F]  }
0x1a: {  	s8 =	sadd.s32 $0xFFFFE003, lr  }
0x1b: {  	s9 =	sadd.s32 $0xFFFFFEF7, lr;
	s5 =	simm.s32 $0xFFFFFFFF;
	p2 =	slt.u32 s8, $0xFFFFF086  }
0x1c: {  	p1 =	slt.u32 s9, $0xF7A;
	s5 =	simm.s32 @!p2 $0x0  }
0x1d: {  	s5 =	simm.s32 @p1 $0x1;
	p0 =	seq.s32 s7, s2  }
0x1e: {  	s7 =	smul.u32 @!p0 $0xF7A, s2;
	p2 =	seq.s32 @!p0 s5, $0x0  }
0x1f: {  	s9 =	smul.u32 $0xF7A, s1;
	s8 =	simm.s32 @!p0 $0x1BF5;
	p2 =	por !p2, p0  }
0x20: {  	[sflag:s8] =	ssyncset.s32 @!p0 $0xFFFFF086;
	s6 =	sadd.s32 @!p0 s3, s7;
	s7 =	simm.s32 @!p0 $0x108  }
0x21: {  	s3 =	sadd.s32 s3, s9;
	s6 =	sadd.s32 @!p0 $0x88, s6;
	s7 =	simm.s32 @p2 $0x1082  }
0x22: {  	[simem:s7], [sflag:s8] =	dma.local @!p0 [hbm:s6], $0xF7A  }
0x23: {  	s9 =	sor.u32 $0xD0000000, s2;
	s6 =	simm.s32 $0x108;
	_ =	swait.ge @!p0 [sflag:s8], $0x0  }
0x24: {  	s3 =	sadd.s32 $0x88, s3;
	s6 =	simm.s32 @!p1 $0x1082;
	[sflag:s4] =	ssyncset.s32 $0xFFFFF086  }
0x25: {  	[simem:s6], [sflag:s4] =	dma.local [hbm:s3], $0xF7A  }
0x26: {  	[smem:$0x3F9F] =	sst s1;
	(tag) =	ssettag s2;
	_ =	strace s9  }
0x27: {  	s1 =	sld [smem:$0x3FAF]  }
0x28: {  	s2 =	sld [smem:$0x3FB0]  }
0x29: {  	s4 =	sld [smem:$0x3FB2]  }
0x2a: {  	p0 =	seq.s32 s5, $0x0;
	s5 =	sld [smem:$0x3FB3]  }
0x2b: {  	s6 =	sld [smem:$0x3FB4]  }
0x2c: {  	s7 =	sld [smem:$0x3FB5]  }
0x2d: {  	s3 =	simm.s32 $0x108;
	s8 =	sld [smem:$0x3FB6]  }
0x2e: {  	s3 =	simm.s32 @!p0 $0x1082;
	s9 =	sld [smem:$0x3FB7]  }
0x2f: {  	lr =	sadd.s32 s0, s3;
	s0 =	sld [smem:$0x3FAE]  }
0x30: {  	s3 =	sld [smem:$0x3FB1]  }
0x31: {  	[smem:$0x3FBA] =	sst s10  }
0x32: {  	s10 =	sld [smem:$0x3FB8];
	_ =	sdelay $0x3  }
0x33: {  	p0 =	seq.s32 s10, $0x1;
	s10 =	sld [smem:$0x3FBA];
	_ =	sdelay $0x3  }
0x34: {  	[smem:$0x3FBA] =	sst s10  }
0x35: {  	s10 =	sld [smem:$0x3FB9];
	_ =	sdelay $0x3  }
0x36: {  	p1 =	seq.s32 s10, $0x1;
	s10 =	sld [smem:$0x3FBA];
	_ =	sdelay $0x3  }
0x37: {  	[smem:$0x3FBA] =	sst s10  }
0x38: {  	s10 =	sld [smem:$0x3FBB]  }
0x39: {  	_ = 	snop;
	(pc) =	sbr.ind lr, $3  }
0x3a: {  	_ = 	snop  }
0x3b: {  	_ = 	snop  }
0x3c: {  	p2 =	seq.s32 s10, $0x1;
	s10 =	sld [smem:$0x3FBA]  }
0x3d: {  	_ =	shalt  }
0x3e: {  	_ =	shalt  }
0x3f: {  	_ =	shalt  }
0x40: {  	_ =	shalt  }
0x41: {  	_ =	shalt  }
0x42: {  	_ =	shalt  }
0x43: {  	_ =	shalt  }
0x44: {  	_ =	shalt  }
0x45: {  	_ =	shalt  }
0x46: {  	_ =	shalt  }
0x47: {  	_ =	shalt  }
0x48: {  	_ =	shalt  }
0x49: {  	_ =	shalt  }
0x4a: {  	_ =	shalt  }
0x4b: {  	_ =	shalt  }
0x4c: {  	_ =	shalt  }
0x4d: {  	_ =	shalt  }
0x4e: {  	_ =	shalt  }
0x4f: {  	_ =	shalt  }
0x50: {  	_ =	shalt  }
0x51: {  	_ =	shalt  }
0x52: {  	_ =	shalt  }
0x53: {  	_ =	shalt  }
0x54: {  	_ =	shalt  }
0x55: {  	_ =	shalt  }
0x56: {  	_ =	shalt  }
0x57: {  	_ =	shalt  }
0x58: {  	_ =	shalt  }
0x59: {  	_ =	shalt  }
0x5a: {  	_ =	shalt  }
0x5b: {  	_ =	shalt  }
0x5c: {  	_ =	shalt  }
0x5d: {  	_ =	shalt  }
0x5e: {  	_ =	shalt  }
0x5f: {  	_ =	shalt  }
0x60: {  	_ =	shalt  }
0x61: {  	_ =	shalt  }
0x62: {  	_ =	shalt  }
0x63: {  	_ =	shalt  }
0x64: {  	_ =	shalt  }
0x65: {  	_ =	shalt  }
0x66: {  	_ =	shalt  }
0x67: {  	_ =	shalt  }
0x68: {  	_ =	shalt  }
0x69: {  	_ =	shalt  }
0x6a: {  	_ =	shalt  }
0x6b: {  	_ =	shalt  }
0x6c: {  	_ =	shalt  }
0x6d: {  	_ =	shalt  }
0x6e: {  	_ =	shalt  }
0x6f: {  	_ =	shalt  }
0x70: {  	_ =	shalt  }
0x71: {  	_ =	shalt  }
0x72: {  	_ =	shalt  }
0x73: {  	_ =	shalt  }
0x74: {  	_ =	shalt  }
0x75: {  	_ =	shalt  }
0x76: {  	_ =	shalt  }
0x77: {  	_ =	shalt  }
0x78: {  	_ =	shalt  }
0x79: {  	_ =	shalt  }
0x7a: {  	_ =	shalt  }
0x7b: {  	_ =	shalt  }
0x7c: {  	_ =	shalt  }
0x7d: {  	_ =	shalt  }
0x7e: {  	_ =	shalt  }
0x7f: {  	_ =	shalt  }
0x80: {  	_ =	shalt  }
0x81: {  	_ =	shalt  }
0x82: {  	_ =	shalt  }
0x83: {  	_ =	shalt  }
0x84: {  	_ =	shalt  }
0x85: {  	_ =	shalt  }
0x86: {  	_ =	shalt  }
0x87: {  	_ =	shalt  }
.Lfunc_end0:
.L_simem_size_0:
called_computation_lowered:
.L_overlay_start_0:
0x88: {  	s2 =	sld [smem:$0x3FD9]  }
0x89: {  	s3 =	sld [smem:$0x3FFE];
	_ =	sdelay $0x1  }
0x8a: {  	s1 =	srdreg.scid  }
0x8b: {  	s0 =	sand.u32 $0x1, s1  }
0x8c: {  	s17 =	sshll.u32 s0, $0xA;
	s2 =	sadd.s32 s3, s2  }
0x8d: {  	s2 =	sadd.s32 s2, s17  }
0x8e: {  	[smem:$0x3FC6] =	sst s2  }
0x8f: {  	_ = 	snop  }
0x90: {  	s2 =	sld [smem:$0x3FC8]  }
0x91: {  	s18 =	sld [smem:$0x3FD0];
	(tm) =	ssettm $0x1  }
0x92: {  	s4 =	sld [smem:$0x3FFB];
	_ =	sdelay $0x3  }
0x93: {  	_ =	strace s4  }
0x94: {  	s4 =	sld [smem:$0x3FFC];
	_ =	sdelay $0x3  }
0x95: {  	_ =	strace s4  }
0x96: {  	s4 =	sld [smem:$0x3FFD];
	_ =	sdelay $0x3  }
0x97: {  	_ =	strace s4  }
0x98: {  	_ =	strace $0x8FFFFFFF  }
0x99: {  	s19 =	sld [smem:$0x3FDB];
	_ =	sdelay $0x1  }
0x9a: {  	s5 =	simm.s32 $_scs_section_size  }
0x9b: {  	s6 =	simm.s32 $_size__tile_overlayer_lowered;
	s7 =	simm.s32 $_tile_overlayer_lowered  }
0x9c: {  	s22 =	simm.s32 $0x1BFF;
	s21 =	sshll.u32 s7, $0x1;
	s4 =	sadd.s32 s5, s19  }
0x9d: {  	s8 =	simm.s32 $0x0;
	s20 =	sshll.u32 s6, $0x1;
	s6 =	sadd.s32 s21, s4  }
0x9e: {  	[timem:s8], [sflag:s22] =	dma.local [hbm:s6], s20  }
0x9f: {  	_ =	swait.ge [sflag:s22], s20  }
0xa0: {  	s5 =	ssub.s32 $0x0, s20;
	[sflag:s22] =	ssyncset.done $0x0  }
0xa1: {  	[sflag:s22] =	ssyncadd.s32 s5;
	_ =	sdelay $0x1  }
0xa2: {  	s23 =	simm.s32 $0x1B8B  }
0xa3: {  	_ =	swait.ge [sflag:s23], $0x1  }
0xa4: {  	[sflag:s23] =	ssyncset.done $0x0  }
0xa5: {  	s25 =	simm.s32 $0x1B8E;
	s24 =	sld [smem:$0x3FFE];
	[sflag:s23] =	ssyncadd.s32 $0xFFFFFFFF  }
0xa6: {  	s26 =	simm.s32 $execute0_lowered;
	[smem:$0x3FD2] =	sst s25  }
0xa7: {  	s6 =	sshll.u32 s26, $0x1;
	_ =	strace $0x80000046;
	[dreg:$0x1] =	wrdreg $0xFFFFFFFF  }
0xa8: {  	s28 =	simm.s32 $_size_execute0_lowered;
	s4 =	sadd.s32 s4, s6;
	[dreg:$0x0] =	wrdreg $0x0  }
0xa9: {  	s6 =	sshll.u32 s28, $0x1;
	[dreg:$0x2] =	wrdreg s4  }
0xaa: {  	[dreg:$0x3] =	wrdreg s6  }
0xab: {  	[dreg:$0x4] =	wrdreg $0xC0  }
0xac: {  	_ =	task [dreg:s8], $0x5FFFF  }
0xad: {  	[dreg:$0x1] =	wrdreg $0xFFFFFFFF  }
0xae: {  	[dreg:$0x0] =	wrdreg $0x60  }
0xaf: {  	[dreg:$0x2] =	wrdreg s24  }
0xb0: {  	[dreg:$0x3] =	wrdreg s2  }
0xb1: {  	[dreg:$0x4] =	wrdreg s18  }
0xb2: {  	[dreg:$0x5] =	wrdreg $0x9  }
0xb3: {  	_ =	task.clear_ibuf [dreg:s8], $0x6FFFF;
	_ =	strace $0x90000046  }
0xb4: {  	s29 =	simm.s32 $0x9;
	_ =	strace $0x80000048  }
0xb5: {  	_ =	swait.ge [sflag:s29], $0x1  }
0xb6: {  	[sflag:s29] =	ssyncadd.s32 $0xFFFFFFFF  }
0xb7: {  	_ =	strace $0x90000048  }
0xb8: {  	_ =	sfence  }
0xb9: {  	s30 =	sld [smem:$0x0];
	_ =	sdelay $0x2  }
0xba: {  	s31 =	sshll.u32 s1, $0xD;
	s1 =	sshrl.u32 s1, $0x2  }
0xbb: {  	s3 =	sand.u32 $0x4000, s31;
	s1 =	sadd.s32 s1, s30  }
0xbc: {  	s0 =	sor.u32 s3, s0;
	s1 =	sshll.u32 s1, $0x11  }
0xbd: {  	s0 =	sor.u32 s1, s0  }
0xbe: {  	s0 =	sadd.s32 $0x8F2B, s0  }
0xbf: {  	[sflag:s0] =	ssyncadd.remote.s32 $0x1  }
0xc0: {  	_ =	sfence.sel $0xFFFF  }
0xc1: {  	[dreg:$0x0] =	wrdreg $0xFFFFFFFF;
	(pc) =	sbr.abs _section_cstart, $3  }
0xc2: {  	[dreg:$0x1] =	wrdreg $0xFFFFFFFF  }
0xc3: {  	_ =	task.clear_ibuf [dreg:s8], $0x2FFFF;
	_ =	strace $0x9FFFFFFF  }
0xc4: {  	(tm) =	ssettm $0x7FFFFFFF  }
0xc5: {  	_ =	shalt  }
tec
execute0_lowered:
.L_overlay_start_1:
0x0: {  	(tag) =	ssettag $0x1  }
0x1: {  	s0 =	rddreg [dreg:$0x0]  }
0x2: {  	s1 =	srdreg.scid;
	s7 =	stileid.u32  }
0x3: {  	s2 =	rddreg [dreg:$0x1];
	s1 =	sand.u32 $0x1, s1;
	s3 =	sshll.u32 s7, $0x1  }
0x4: {  	s11 =	rddreg [dreg:$0x2];
	s3 =	sor.u32 s1, s3  }
0x5: {  	s4 =	simm.s32 $0x0;
	s5 =	smul.u32 $0x380, s3;
	s3 =	sshll.u32 s3, $0xB  }
0x6: {  	[smem:$0x7FF] =	sst s4;
	s8 =	sadd.s32 s11, s3  }
0x7: {  	_ =	strace $0x80000047;
	s10 =	sadd.s32 $0x400, s8;
	[dreg:$0xb] =	wrdreg s8  }
0x8: {  	s12 =	sadd.s32 $0x10000, s8;
	[dreg:$0xd] =	wrdreg s10  }
0x9: {  	s13 =	sadd.s32 $0x10400, s8;
	[dreg:$0xe] =	wrdreg s12  }
0xa: {  	s14 =	sadd.s32 $0x20000, s8;
	[dreg:$0xf] =	wrdreg s13  }
0xb: {  	s15 =	sadd.s32 $0x20400, s8;
	[dreg:$0x10] =	wrdreg s14  }
0xc: {  	s16 =	sadd.s32 $0x30000, s8;
	[dreg:$0x11] =	wrdreg s15  }
0xd: {  	s17 =	sadd.s32 $0x30400, s8;
	[dreg:$0x12] =	wrdreg s16  }
0xe: {  	s18 =	sadd.s32 $0x40000, s8;
	[dreg:$0x13] =	wrdreg s17  }
0xf: {  	s21 =	sadd.s32 $0x40400, s8;
	[dreg:$0x14] =	wrdreg s18  }
0x10: {  	s22 =	sadd.s32 $0x2D0000, s8;
	[dreg:$0x15] =	wrdreg s21  }
0x11: {  	s30 =	simm.s32 $0x40;
	s23 =	sadd.s32 $0x2D0400, s8;
	[dreg:$0x16] =	wrdreg s22  }
0x12: {  	s28 =	simm.s32 $0x9;
	s24 =	sadd.s32 $0x2E0000, s8;
	[dreg:$0x17] =	wrdreg s23  }
0x13: {  	s0 =	sadd.s32 s5, s0;
	s26 =	sadd.s32 $0x2E0400, s8;
	[dreg:$0x18] =	wrdreg s24  }
0x14: {  	s19 =	sshll.u32 s7, $0xF;
	s0 =	sadd.s32 $0x400, s0;
	[dreg:$0x19] =	wrdreg s26  }
0x15: {  	s6 =	ssub.s32 $0x2, s1;
	s21 =	sadd.s32 $0x2F0400, s8;
	[dreg:$0xc] =	wrdreg s0  }
0x16: {  	s9 =	sshrl.u32 s6, $0x1;
	s22 =	sadd.s32 $0x300000, s8;
	[dreg:$0x1b] =	wrdreg s21  }
0x17: {  	s3 =	ssub.s32 s6, s9;
	s23 =	sadd.s32 $0x300400, s8;
	[dreg:$0x1c] =	wrdreg s22  }
0x18: {  	s20 =	sshll.u32 s1, $0xE;
	s24 =	smax.u32 s3, $0x1;
	[dreg:$0x1d] =	wrdreg s23  }
0x19: {  	s1 =	sshll.u32 s1, $0xB;
	s26 =	sadd.s32 $0x310400, s8;
	[dreg:$0x1e] =	wrdreg s24  }
0x1a: {  	s0 =	sor.u32 s20, s19;
	s20 =	sshll.u32 s7, $0xC;
	[smem:$0x7FD] =	sst s26  }
0x1b: {  	s25 =	sor.u32 $0x400000, s0;
	s9 =	sor.u32 $0x382000, s0;
	s12 =	sor.u32 $0x380000, s0  }
0x1c: {  	s14 =	sor.u32 $0x302000, s0;
	s16 =	sor.u32 $0x300000, s0;
	s1 =	sor.u32 s1, s20  }
0x1d: {  	s18 =	sor.u32 $0x282000, s0;
	s0 =	sor.u32 $0x280000, s0;
	[dreg:$0xa] =	wrdreg s1  }
0x1e: {  	s29 =	simm.s32 $0xA;
	s5 =	sshrl.u32 s25, $0x3;
	[dreg:$0x1f] =	wrdreg s0  }
0x1f: {  	s31 =	simm.s32 $0x13;
	s10 =	sshrl.u32 s9, $0x3;
	[dreg:$0x4] =	wrdreg s5  }
0x20: {  	s6 =	simm.s32 $0x0;
	s13 =	sshrl.u32 s12, $0x3;
	[dreg:$0x5] =	wrdreg s10  }
0x21: {  	s3 =	simm.s32 $0x12;
	s15 =	sshrl.u32 s14, $0x3;
	[dreg:$0x6] =	wrdreg s13  }
0x22: {  	s23 =	simm.s32 $0xE;
	s9 =	sadd.s32 $0x2F0000, s8;
	[dreg:$0x7] =	wrdreg s15  }
0x23: {  	s24 =	simm.s32 $0x8;
	s17 =	sshrl.u32 s16, $0x3;
	[dreg:$0x1a] =	wrdreg s9  }
0x24: {  	s26 =	simm.s32 $0xF;
	s19 =	sshrl.u32 s18, $0x3;
	[dreg:$0x8] =	wrdreg s17  }
0x25: {  	s25 =	sadd.s32 $0x310000, s8;
	s1 =	simm.s32 $0x14;
	[dreg:$0x9] =	wrdreg s19  }
0x26: {  	[smem:$0x7FC] =	sst s25;
	s5 =	simm.s32 $0x10;
	s25 =	simm.s32 $0x11  }
.LBB2_1:
0x27: {  	[smem:$0x7FB] =	sst s6  }
0x28: {  	s0 =	rddreg [dreg:$0xc];
	s22 =	simm.s32 $0x15  }
0x29: {  	[tilespmem:s4], [sflag:$0x15] =	stream.linear.gather [hbm4b:s0+s4], $0x1900, $0x38;
	[tilespmem:$0x15C00] =	vst v63  }
0x2a: {  	_ =	swait.ge [sflag:s22], $0x1900  }
0x2b: {  	[sflag:s22] =	ssyncset.done $0x0  }
0x2c: {  	s14 =	simm.s32 $0x1C00;
	[sflag:s22] =	ssyncadd.s32 $0xFFFFE700  }
0x2d: {  	[tilespmem:s14], [sflag:$0x1] =	stream.indirect.gather [hbm4b:s2+s30], $0x80, s4, s30, $0xb8;
	[tilespmem:$0x15C00] =	vst v63  }
0x2e: {  	s16 =	simm.s32 $0x3C00  }
0x2f: {  	[tilespmem:s16], [sflag:$0x2] =	stream.indirect.gather [hbm4b:s2+s30], $0x80, s30, s30, $0xb8;
	[tilespmem:$0x15C00] =	vst v63  }
0x30: {  	s6 =	simm.s32 $0x80;
	s7 =	simm.s32 $0x5C00  }
0x31: {  	[tilespmem:s7], [sflag:$0x3] =	stream.indirect.gather [hbm4b:s2+s30], $0x80, s6, s30, $0xb8;
	[tilespmem:$0x15C00] =	vst v63  }
0x32: {  	s8 =	simm.s32 $0xC0;
	s9 =	simm.s32 $0x7C00  }
0x33: {  	[tilespmem:s9], [sflag:$0x4] =	stream.indirect.gather [hbm4b:s2+s30], $0x80, s8, s30, $0xb8;
	[tilespmem:$0x15C00] =	vst v63  }
0x34: {  	s12 =	simm.s32 $0x100;
	s13 =	simm.s32 $0x9C00  }
0x35: {  	[tilespmem:s13], [sflag:$0x5] =	stream.indirect.gather [hbm4b:s2+s30], $0x80, s12, s30, $0xb8;
	[tilespmem:$0x15C00] =	vst v63  }
0x36: {  	s15 =	simm.s32 $0x140;
	s17 =	simm.s32 $0xBC00  }
0x37: {  	[tilespmem:s17], [sflag:$0x6] =	stream.indirect.gather [hbm4b:s2+s30], $0x80, s15, s30, $0xb8;
	[tilespmem:$0x15C00] =	vst v63  }
0x38: {  	s18 =	simm.s32 $0x180;
	s19 =	simm.s32 $0xDC00;
	s15 =	simm.s32 $0x1  }
0x39: {  	[tilespmem:s19], [sflag:$0x7] =	stream.indirect.gather [hbm4b:s2+s30], $0x80, s18, s30, $0xb8;
	[tilespmem:$0x15C00] =	vst v63  }
0x3a: {  	_ =	swait.ge [sflag:s15], $0x2000  }
0x3b: {  	[sflag:s15] =	ssyncset.done $0x0  }
0x3c: {  	s20 =	rddreg [dreg:$0xb];
	[sflag:s15] =	ssyncadd.s32 $0xFFFFE000  }
0x3d: {  	[hbm4b:s20+s4] =	stream.linear.scatter [tilespmem:s14], [sflag:$0xB], $0x2000, $0x38;
	[tilespmem:$0x15C00] =	vst v63  }
0x3e: {  	s21 =	simm.s32 $0x1C0;
	s22 =	simm.s32 $0xFC00;
	s17 =	simm.s32 $0x2  }
0x3f: {  	[tilespmem:s22], [sflag:$0x8] =	stream.indirect.gather [hbm4b:s2+s30], $0x80, s21, s30, $0xb8;
	[tilespmem:$0x15C00] =	vst v63  }
0x40: {  	_ =	swait.ge [sflag:s17], $0x2000  }
0x41: {  	[sflag:s17] =	ssyncset.done $0x0  }
0x42: {  	s6 =	rddreg [dreg:$0xd];
	[sflag:s17] =	ssyncadd.s32 $0xFFFFE000  }
0x43: {  	[hbm4b:s6+s4] =	stream.linear.scatter [tilespmem:s16], [sflag:$0xC], $0x2000, $0x38;
	[tilespmem:$0x15C00] =	vst v63  }
0x44: {  	s12 =	simm.s32 $0x200;
	s13 =	simm.s32 $0x11C00;
	s19 =	simm.s32 $0x3  }
0x45: {  	[tilespmem:s13], [sflag:$0x9] =	stream.indirect.gather [hbm4b:s2+s30], $0x80, s12, s30, $0xb8;
	[tilespmem:$0x15C00] =	vst v63  }
0x46: {  	_ =	swait.ge [sflag:s19], $0x2000  }
0x47: {  	[sflag:s19] =	ssyncset.done $0x0  }
0x48: {  	s10 =	simm.s32 $0x5C00;
	s18 =	rddreg [dreg:$0xe];
	[sflag:s19] =	ssyncadd.s32 $0xFFFFE000  }
0x49: {  	[hbm4b:s18+s4] =	stream.linear.scatter [tilespmem:s10], [sflag:$0xD], $0x2000, $0x38;
	[tilespmem:$0x15C00] =	vst v63  }
0x4a: {  	s20 =	simm.s32 $0x240;
	s21 =	simm.s32 $0x13C00  }
0x4b: {  	[tilespmem:s21], [sflag:$0xA] =	stream.indirect.gather [hbm4b:s2+s30], $0x80, s20, s30, $0xb8;
	[tilespmem:$0x15C00] =	vst v63  }
0x4c: {  	s21 =	simm.s32 $0x4  }
0x4d: {  	_ =	swait.ge [sflag:s21], $0x2000  }
0x4e: {  	[sflag:s21] =	ssyncset.done $0x0  }
0x4f: {  	s8 =	simm.s32 $0x7C00;
	s22 =	rddreg [dreg:$0xf];
	[sflag:s21] =	ssyncadd.s32 $0xFFFFE000  }
0x50: {  	[hbm4b:s22+s4] =	stream.linear.scatter [tilespmem:s8], [sflag:$0xE], $0x2000, $0x38;
	[tilespmem:$0x15C00] =	vst v63  }
0x51: {  	s22 =	simm.s32 $0xB  }
0x52: {  	_ =	swait.ge [sflag:s22], $0x2000  }
0x53: {  	[sflag:s22] =	ssyncset.done $0x0  }
0x54: {  	s6 =	simm.s32 $0x280;
	[sflag:s22] =	ssyncadd.s32 $0xFFFFE000  }
0x55: {  	[tilespmem:s14], [sflag:$0x1] =	stream.indirect.gather [hbm4b:s2+s30], $0x80, s6, s30, $0xb8;
	[tilespmem:$0x15C00] =	vst v63  }
0x56: {  	s6 =	simm.s32 $0x5  }
0x57: {  	_ =	swait.ge [sflag:s6], $0x2000  }
0x58: {  	[sflag:s6] =	ssyncset.done $0x0  }
0x59: {  	s7 =	simm.s32 $0x9C00;
	s8 =	rddreg [dreg:$0x10];
	[sflag:s6] =	ssyncadd.s32 $0xFFFFE000  }
0x5a: {  	[hbm4b:s8+s4] =	stream.linear.scatter [tilespmem:s7], [sflag:$0xF], $0x2000, $0x38;
	[tilespmem:$0x15C00] =	vst v63  }
0x5b: {  	s7 =	simm.s32 $0xC  }
0x5c: {  	_ =	swait.ge [sflag:s7], $0x2000  }
0x5d: {  	[sflag:s7] =	ssyncset.done $0x0  }
0x5e: {  	s10 =	simm.s32 $0x2C0;
	s8 =	simm.s32 $0x6;
	[sflag:s7] =	ssyncadd.s32 $0xFFFFE000  }
0x5f: {  	[tilespmem:s16], [sflag:$0x2] =	stream.indirect.gather [hbm4b:s2+s30], $0x80, s10, s30, $0xb8;
	[tilespmem:$0x15C00] =	vst v63  }
0x60: {  	_ =	swait.ge [sflag:s8], $0x2000  }
0x61: {  	s9 =	simm.s32 $0xBC00;
	[sflag:s8] =	ssyncset.done $0x0  }
0x62: {  	s10 =	simm.s32 $0xD;
	s18 =	rddreg [dreg:$0x11];
	[sflag:s8] =	ssyncadd.s32 $0xFFFFE000  }
0x63: {  	[hbm4b:s18+s4] =	stream.linear.scatter [tilespmem:s9], [sflag:$0x10], $0x2000, $0x38;
	[tilespmem:$0x15C00] =	vst v63  }
0x64: {  	_ =	swait.ge [sflag:s10], $0x2000  }
0x65: {  	[sflag:s10] =	ssyncset.done $0x0  }
0x66: {  	s12 =	simm.s32 $0x5C00;
	s9 =	simm.s32 $0x300;
	[sflag:s10] =	ssyncadd.s32 $0xFFFFE000  }
0x67: {  	[tilespmem:s12], [sflag:$0x3] =	stream.indirect.gather [hbm4b:s2+s30], $0x80, s9, s30, $0xb8;
	[tilespmem:$0x15C00] =	vst v63  }
0x68: {  	s12 =	simm.s32 $0x7  }
0x69: {  	_ =	swait.ge [sflag:s12], $0x2000  }
0x6a: {  	[sflag:s12] =	ssyncset.done $0x0  }
0x6b: {  	s9 =	simm.s32 $0xDC00;
	s0 =	rddreg [dreg:$0x12];
	[sflag:s12] =	ssyncadd.s32 $0xFFFFE000  }
0x6c: {  	[hbm4b:s0+s4] =	stream.linear.scatter [tilespmem:s9], [sflag:$0x11], $0x2000, $0x38;
	[tilespmem:$0x15C00] =	vst v63  }
0x6d: {  	_ =	swait.ge [sflag:s23], $0x2000  }
0x6e: {  	[sflag:s23] =	ssyncset.done $0x0  }
0x6f: {  	s13 =	simm.s32 $0x7C00;
	s0 =	simm.s32 $0x340;
	[sflag:s23] =	ssyncadd.s32 $0xFFFFE000  }
0x70: {  	[tilespmem:s13], [sflag:$0x4] =	stream.indirect.gather [hbm4b:s2+s30], $0x80, s0, s30, $0xb8;
	[tilespmem:$0x15C00] =	vst v63  }
0x71: {  	_ =	swait.ge [sflag:s24], $0x2000  }
0x72: {  	[sflag:s24] =	ssyncset.done $0x0  }
0x73: {  	s13 =	simm.s32 $0xFC00;
	s0 =	rddreg [dreg:$0x13];
	[sflag:s24] =	ssyncadd.s32 $0xFFFFE000  }
0x74: {  	[hbm4b:s0+s4] =	stream.linear.scatter [tilespmem:s13], [sflag:$0x12], $0x2000, $0x38;
	[tilespmem:$0x15C00] =	vst v63  }
0x75: {  	_ =	swait.ge [sflag:s26], $0x2000  }
0x76: {  	[sflag:s26] =	ssyncset.done $0x0  }
0x77: {  	s20 =	simm.s32 $0x9C00;
	s13 =	simm.s32 $0x380;
	[sflag:s26] =	ssyncadd.s32 $0xFFFFE000  }
0x78: {  	[tilespmem:s20], [sflag:$0x5] =	stream.indirect.gather [hbm4b:s2+s30], $0x80, s13, s30, $0xb8;
	[tilespmem:$0x15C00] =	vst v63  }
0x79: {  	_ =	swait.ge [sflag:s28], $0x2000  }
0x7a: {  	[sflag:s28] =	ssyncset.done $0x0  }
0x7b: {  	s13 =	simm.s32 $0x11C00;
	s20 =	rddreg [dreg:$0x14];
	[sflag:s28] =	ssyncadd.s32 $0xFFFFE000  }
0x7c: {  	[hbm4b:s20+s4] =	stream.linear.scatter [tilespmem:s13], [sflag:$0x13], $0x2000, $0x38;
	[tilespmem:$0x15C00] =	vst v63  }
0x7d: {  	_ =	swait.ge [sflag:s5], $0x2000  }
0x7e: {  	[sflag:s5] =	ssyncset.done $0x0  }
0x7f: {  	s18 =	simm.s32 $0xBC00;
	s20 =	simm.s32 $0x3C0;
	[sflag:s5] =	ssyncadd.s32 $0xFFFFE000  }
0x80: {  	[tilespmem:s18], [sflag:$0x6] =	stream.indirect.gather [hbm4b:s2+s30], $0x80, s20, s30, $0xb8;
	[tilespmem:$0x15C00] =	vst v63  }
0x81: {  	_ =	swait.ge [sflag:s29], $0x2000  }
0x82: {  	[sflag:s29] =	ssyncset.done $0x0  }
0x83: {  	s20 =	simm.s32 $0x13C00;
	s18 =	rddreg [dreg:$0x15];
	[sflag:s29] =	ssyncadd.s32 $0xFFFFE000  }
0x84: {  	[hbm4b:s18+s4] =	stream.linear.scatter [tilespmem:s20], [sflag:$0x14], $0x2000, $0x38;
	[tilespmem:$0x15C00] =	vst v63  }
0x85: {  	_ =	swait.ge [sflag:s25], $0x2000  }
0x86: {  	[sflag:s25] =	ssyncset.done $0x0  }
0x87: {  	s20 =	simm.s32 $0x400;
	[sflag:s25] =	ssyncadd.s32 $0xFFFFE000  }
0x88: {  	[tilespmem:s9], [sflag:$0x7] =	stream.indirect.gather [hbm4b:s2+s30], $0x80, s20, s30, $0xb8;
	[tilespmem:$0x15C00] =	vst v63  }
0x89: {  	_ =	swait.ge [sflag:s15], $0x2000  }
0x8a: {  	s9 =	rddreg [dreg:$0x1f]  }
0x8b: {  	[sflag:s15] =	ssyncset.done $0x0;
	s20 =	sshrl.u32 s9, $0x3  }
0x8c: {  	[sflag:s15] =	ssyncadd.s32 $0xFFFFE000;
	s0 =	sadd.s32 s11, s20  }
0x8d: {  	[hbm4b:s0+s4] =	stream.linear.scatter [tilespmem:s14], [sflag:$0xB], $0x2000, $0x38;
	[tilespmem:$0x15C00] =	vst v63  }
0x8e: {  	_ =	swait.ge [sflag:s3], $0x2000  }
0x8f: {  	[sflag:s3] =	ssyncset.done $0x0  }
0x90: {  	s15 =	simm.s32 $0x440;
	s20 =	simm.s32 $0xFC00;
	[sflag:s3] =	ssyncadd.s32 $0xFFFFE000  }
0x91: {  	[tilespmem:s20], [sflag:$0x8] =	stream.indirect.gather [hbm4b:s2+s30], $0x80, s15, s30, $0xb8;
	[tilespmem:$0x15C00] =	vst v63  }
0x92: {  	_ =	swait.ge [sflag:s17], $0x2000  }
0x93: {  	s15 =	rddreg [dreg:$0x9];
	[sflag:s17] =	ssyncset.done $0x0  }
0x94: {  	[sflag:s17] =	ssyncadd.s32 $0xFFFFE000;
	s0 =	sadd.s32 s11, s15  }
0x95: {  	[hbm4b:s0+s4] =	stream.linear.scatter [tilespmem:s16], [sflag:$0xC], $0x2000, $0x38;
	[tilespmem:$0x15C00] =	vst v63  }
0x96: {  	_ =	swait.ge [sflag:s31], $0x2000  }
0x97: {  	[sflag:s31] =	ssyncset.done $0x0  }
0x98: {  	s15 =	simm.s32 $0x480;
	[sflag:s31] =	ssyncadd.s32 $0xFFFFE000  }
0x99: {  	[tilespmem:s13], [sflag:$0x9] =	stream.indirect.gather [hbm4b:s2+s30], $0x80, s15, s30, $0xb8;
	[tilespmem:$0x15C00] =	vst v63  }
0x9a: {  	_ =	swait.ge [sflag:s19], $0x2000  }
0x9b: {  	s17 =	rddreg [dreg:$0x8];
	[sflag:s19] =	ssyncset.done $0x0  }
0x9c: {  	[sflag:s19] =	ssyncadd.s32 $0xFFFFE000;
	s0 =	sadd.s32 s11, s17;
	s19 =	simm.s32 $0x5C00  }
0x9d: {  	[hbm4b:s0+s4] =	stream.linear.scatter [tilespmem:s19], [sflag:$0xD], $0x2000, $0x38;
	[tilespmem:$0x15C00] =	vst v63  }
0x9e: {  	_ =	swait.ge [sflag:s1], $0x2000  }
0x9f: {  	[sflag:s1] =	ssyncset.done $0x0  }
0xa0: {  	s18 =	simm.s32 $0x13C00;
	s13 =	simm.s32 $0x4C0;
	[sflag:s1] =	ssyncadd.s32 $0xFFFFE000  }
0xa1: {  	[tilespmem:s18], [sflag:$0xA] =	stream.indirect.gather [hbm4b:s2+s30], $0x80, s13, s30, $0xb8;
	[tilespmem:$0x15C00] =	vst v63  }
0xa2: {  	_ =	swait.ge [sflag:s21], $0x2000  }
0xa3: {  	s17 =	rddreg [dreg:$0x7];
	[sflag:s21] =	ssyncset.done $0x0  }
0xa4: {  	[sflag:s21] =	ssyncadd.s32 $0xFFFFE000;
	s0 =	sadd.s32 s11, s17;
	s17 =	simm.s32 $0x7C00  }
0xa5: {  	[hbm4b:s0+s4] =	stream.linear.scatter [tilespmem:s17], [sflag:$0xE], $0x2000, $0x38;
	[tilespmem:$0x15C00] =	vst v63  }
0xa6: {  	_ =	swait.ge [sflag:s22], $0x2000  }
0xa7: {  	[sflag:s22] =	ssyncset.done $0x0  }
0xa8: {  	s13 =	simm.s32 $0x500;
	[sflag:s22] =	ssyncadd.s32 $0xFFFFE000  }
0xa9: {  	[tilespmem:s14], [sflag:$0x1] =	stream.indirect.gather [hbm4b:s2+s30], $0x80, s13, s30, $0xb8;
	[tilespmem:$0x15C00] =	vst v63  }
0xaa: {  	_ =	swait.ge [sflag:s6], $0x2000  }
0xab: {  	s21 =	rddreg [dreg:$0x6];
	[sflag:s6] =	ssyncset.done $0x0  }
0xac: {  	s22 =	simm.s32 $0x9C00;
	[sflag:s6] =	ssyncadd.s32 $0xFFFFE000;
	s0 =	sadd.s32 s11, s21  }
0xad: {  	[hbm4b:s0+s4] =	stream.linear.scatter [tilespmem:s22], [sflag:$0xF], $0x2000, $0x38;
	[tilespmem:$0x15C00] =	vst v63  }
0xae: {  	_ =	swait.ge [sflag:s7], $0x2000  }
0xaf: {  	[sflag:s7] =	ssyncset.done $0x0  }
0xb0: {  	s6 =	simm.s32 $0x540;
	[sflag:s7] =	ssyncadd.s32 $0xFFFFE000  }
0xb1: {  	[tilespmem:s16], [sflag:$0x2] =	stream.indirect.gather [hbm4b:s2+s30], $0x80, s6, s30, $0xb8;
	[tilespmem:$0x15C00] =	vst v63  }
0xb2: {  	_ =	swait.ge [sflag:s8], $0x2000  }
0xb3: {  	s7 =	rddreg [dreg:$0x5];
	[sflag:s8] =	ssyncset.done $0x0  }
0xb4: {  	[sflag:s8] =	ssyncadd.s32 $0xFFFFE000;
	s0 =	sadd.s32 s11, s7;
	s7 =	simm.s32 $0xBC00  }
0xb5: {  	[hbm4b:s0+s4] =	stream.linear.scatter [tilespmem:s7], [sflag:$0x10], $0x2000, $0x38;
	[tilespmem:$0x15C00] =	vst v63  }
0xb6: {  	_ =	swait.ge [sflag:s10], $0x2000  }
0xb7: {  	[sflag:s10] =	ssyncset.done $0x0  }
0xb8: {  	s8 =	simm.s32 $0x580;
	[sflag:s10] =	ssyncadd.s32 $0xFFFFE000  }
0xb9: {  	[tilespmem:s19], [sflag:$0x3] =	stream.indirect.gather [hbm4b:s2+s30], $0x80, s8, s30, $0xb8;
	[tilespmem:$0x15C00] =	vst v63  }
0xba: {  	_ =	swait.ge [sflag:s12], $0x2000  }
0xbb: {  	s10 =	rddreg [dreg:$0x4];
	[sflag:s12] =	ssyncset.done $0x0  }
0xbc: {  	s14 =	simm.s32 $0xDC00;
	[sflag:s12] =	ssyncadd.s32 $0xFFFFE000;
	s0 =	sadd.s32 s11, s10  }
0xbd: {  	[hbm4b:s0+s4] =	stream.linear.scatter [tilespmem:s14], [sflag:$0x11], $0x2000, $0x38;
	[tilespmem:$0x15C00] =	vst v63  }
0xbe: {  	_ =	swait.ge [sflag:s23], $0x2000  }
0xbf: {  	[sflag:s23] =	ssyncset.done $0x0  }
0xc0: {  	s16 =	simm.s32 $0x5C0;
	[sflag:s23] =	ssyncadd.s32 $0xFFFFE000  }
0xc1: {  	[tilespmem:s17], [sflag:$0x4] =	stream.indirect.gather [hbm4b:s2+s30], $0x80, s16, s30, $0xb8;
	[tilespmem:$0x15C00] =	vst v63  }
0xc2: {  	_ =	swait.ge [sflag:s24], $0x2000  }
0xc3: {  	s17 =	rddreg [dreg:$0xa]  }
0xc4: {  	[sflag:s24] =	ssyncset.done $0x0;
	s0 =	sadd.s32 s11, s17  }
0xc5: {  	s20 =	simm.s32 $0xFC00;
	[sflag:s24] =	ssyncadd.s32 $0xFFFFE000;
	s19 =	sadd.s32 $0x80400, s0  }
0xc6: {  	[hbm4b:s19+s4] =	stream.linear.scatter [tilespmem:s20], [sflag:$0x12], $0x2000, $0x38;
	[tilespmem:$0x15C00] =	vst v63  }
0xc7: {  	_ =	swait.ge [sflag:s26], $0x2000  }
0xc8: {  	[sflag:s26] =	ssyncset.done $0x0  }
0xc9: {  	s20 =	simm.s32 $0x600;
	[sflag:s26] =	ssyncadd.s32 $0xFFFFE000  }
0xca: {  	[tilespmem:s22], [sflag:$0x5] =	stream.indirect.gather [hbm4b:s2+s30], $0x80, s20, s30, $0xb8;
	[tilespmem:$0x15C00] =	vst v63  }
0xcb: {  	_ =	swait.ge [sflag:s28], $0x2000  }
0xcc: {  	[sflag:s28] =	ssyncset.done $0x0  }
0xcd: {  	s15 =	simm.s32 $0x11C00;
	s21 =	sadd.s32 $0x90000, s0;
	[sflag:s28] =	ssyncadd.s32 $0xFFFFE000  }
0xce: {  	[hbm4b:s21+s4] =	stream.linear.scatter [tilespmem:s15], [sflag:$0x13], $0x2000, $0x38;
	[tilespmem:$0x15C00] =	vst v63  }
0xcf: {  	_ =	swait.ge [sflag:s5], $0x2000  }
0xd0: {  	[sflag:s5] =	ssyncset.done $0x0  }
0xd1: {  	s22 =	simm.s32 $0x640;
	[sflag:s5] =	ssyncadd.s32 $0xFFFFE000  }
0xd2: {  	[tilespmem:s7], [sflag:$0x6] =	stream.indirect.gather [hbm4b:s2+s30], $0x80, s22, s30, $0xb8;
	[tilespmem:$0x15C00] =	vst v63  }
0xd3: {  	_ =	swait.ge [sflag:s29], $0x2000  }
0xd4: {  	[sflag:s29] =	ssyncset.done $0x0  }
0xd5: {  	s0 =	sadd.s32 $0x90400, s0;
	[sflag:s29] =	ssyncadd.s32 $0xFFFFE000  }
0xd6: {  	[hbm4b:s0+s4] =	stream.linear.scatter [tilespmem:s18], [sflag:$0x14], $0x2000, $0x38;
	[tilespmem:$0x15C00] =	vst v63  }
0xd7: {  	_ =	swait.ge [sflag:s25], $0x2000  }
0xd8: {  	s6 =	sadd.s32 $0x280000, s9;
	s8 =	simm.s32 $0x680;
	[sflag:s25] =	ssyncset.done $0x0  }
0xd9: {  	s7 =	sadd.s32 $0x50000, s11;
	s0 =	simm.s32 $0xA00;
	[sflag:s25] =	ssyncadd.s32 $0xFFFFE000  }
.LBB2_2:
0xda: {  	s19 =	simm.s32 $0xDC00;
	s10 =	simm.s32 $0x1  }
0xdb: {  	[tilespmem:s19], [sflag:$0x7] =	stream.indirect.gather [hbm4b:s2+s30], $0x80, s8, s30, $0xb8;
	[tilespmem:$0x15C00] =	vst v63  }
0xdc: {  	_ =	swait.ge [sflag:s10], $0x2000  }
0xdd: {  	s9 =	sshrl.u32 s6, $0x3;
	[sflag:s10] =	ssyncset.done $0x0  }
0xde: {  	s13 =	simm.s32 $0x1C00;
	s9 =	sadd.s32 s11, s9;
	[sflag:s10] =	ssyncadd.s32 $0xFFFFE000  }
0xdf: {  	[hbm4b:s9+s4] =	stream.linear.scatter [tilespmem:s13], [sflag:$0xB], $0x2000, $0x38;
	[tilespmem:$0x15C00] =	vst v63  }
0xe0: {  	s16 =	smov.u32 s0;
	_ =	swait.ge [sflag:s3], $0x2000  }
0xe1: {  	s20 =	simm.s32 $0xFC00;
	s8 =	sshra.s32 s16, $0x2;
	[sflag:s3] =	ssyncset.done $0x0  }
0xe2: {  	s18 =	simm.s32 $0x2;
	s17 =	sadd.s32 $0x440, s8;
	[sflag:s3] =	ssyncadd.s32 $0xFFFFE000  }
0xe3: {  	[tilespmem:s20], [sflag:$0x8] =	stream.indirect.gather [hbm4b:s2+s30], $0x80, s17, s30, $0xb8;
	[tilespmem:$0x15C00] =	vst v63  }
0xe4: {  	_ =	swait.ge [sflag:s18], $0x2000  }
0xe5: {  	s21 =	rddreg [dreg:$0x9];
	[sflag:s18] =	ssyncset.done $0x0  }
0xe6: {  	s12 =	simm.s32 $0x3C00;
	[sflag:s18] =	ssyncadd.s32 $0xFFFFE000;
	s9 =	sadd.s32 s7, s21  }
0xe7: {  	[hbm4b:s9+s4] =	stream.linear.scatter [tilespmem:s12], [sflag:$0xC], $0x2000, $0x38;
	[tilespmem:$0x15C00] =	vst v63  }
0xe8: {  	_ =	swait.ge [sflag:s31], $0x2000  }
0xe9: {  	s22 =	sadd.s32 $0x480, s8;
	[sflag:s31] =	ssyncset.done $0x0  }
0xea: {  	s21 =	simm.s32 $0x11C00;
	s9 =	simm.s32 $0x3;
	[sflag:s31] =	ssyncadd.s32 $0xFFFFE000  }
0xeb: {  	[tilespmem:s21], [sflag:$0x9] =	stream.indirect.gather [hbm4b:s2+s30], $0x80, s22, s30, $0xb8;
	[tilespmem:$0x15C00] =	vst v63  }
0xec: {  	_ =	swait.ge [sflag:s9], $0x2000  }
0xed: {  	s14 =	rddreg [dreg:$0x8];
	[sflag:s9] =	ssyncset.done $0x0  }
0xee: {  	[sflag:s9] =	ssyncadd.s32 $0xFFFFE000;
	s9 =	sadd.s32 s7, s14;
	s14 =	simm.s32 $0x5C00  }
0xef: {  	[hbm4b:s9+s4] =	stream.linear.scatter [tilespmem:s14], [sflag:$0xD], $0x2000, $0x38;
	[tilespmem:$0x15C00] =	vst v63  }
0xf0: {  	_ =	swait.ge [sflag:s1], $0x2000  }
0xf1: {  	s16 =	simm.s32 $0x4;
	[sflag:s1] =	ssyncset.done $0x0  }
0xf2: {  	s15 =	sadd.s32 $0x4C0, s8;
	s22 =	simm.s32 $0x13C00;
	[sflag:s1] =	ssyncadd.s32 $0xFFFFE000  }
0xf3: {  	[tilespmem:s22], [sflag:$0xA] =	stream.indirect.gather [hbm4b:s2+s30], $0x80, s15, s30, $0xb8;
	[tilespmem:$0x15C00] =	vst v63  }
0xf4: {  	_ =	swait.ge [sflag:s16], $0x2000  }
0xf5: {  	s18 =	simm.s32 $0xB;
	s17 =	rddreg [dreg:$0x7];
	[sflag:s16] =	ssyncset.done $0x0  }
0xf6: {  	[sflag:s16] =	ssyncadd.s32 $0xFFFFE000;
	s9 =	sadd.s32 s7, s17;
	s16 =	simm.s32 $0x7C00  }
0xf7: {  	[hbm4b:s9+s4] =	stream.linear.scatter [tilespmem:s16], [sflag:$0xE], $0x2000, $0x38;
	[tilespmem:$0x15C00] =	vst v63  }
0xf8: {  	_ =	swait.ge [sflag:s18], $0x2000  }
0xf9: {  	[sflag:s18] =	ssyncset.done $0x0  }
0xfa: {  	s10 =	sadd.s32 $0x500, s8;
	s17 =	simm.s32 $0x5;
	[sflag:s18] =	ssyncadd.s32 $0xFFFFE000  }
0xfb: {  	[tilespmem:s13], [sflag:$0x1] =	stream.indirect.gather [hbm4b:s2+s30], $0x80, s10, s30, $0xb8;
	[tilespmem:$0x15C00] =	vst v63  }
0xfc: {  	_ =	swait.ge [sflag:s17], $0x2000  }
0xfd: {  	s13 =	simm.s32 $0xC;
	s18 =	rddreg [dreg:$0x6];
	[sflag:s17] =	ssyncset.done $0x0  }
0xfe: {  	[sflag:s17] =	ssyncadd.s32 $0xFFFFE000;
	s9 =	sadd.s32 s7, s18;
	s17 =	simm.s32 $0x9C00  }
0xff: {  	[hbm4b:s9+s4] =	stream.linear.scatter [tilespmem:s17], [sflag:$0xF], $0x2000, $0x38;
	[tilespmem:$0x15C00] =	vst v63  }
0x100: {  	_ =	swait.ge [sflag:s13], $0x2000  }
0x101: {  	[sflag:s13] =	ssyncset.done $0x0  }
0x102: {  	s18 =	sadd.s32 $0x540, s8;
	[sflag:s13] =	ssyncadd.s32 $0xFFFFE000;
	s13 =	simm.s32 $0x6  }
0x103: {  	[tilespmem:s12], [sflag:$0x2] =	stream.indirect.gather [hbm4b:s2+s30], $0x80, s18, s30, $0xb8;
	[tilespmem:$0x15C00] =	vst v63  }
0x104: {  	_ =	swait.ge [sflag:s13], $0x2000  }
0x105: {  	s12 =	simm.s32 $0xD;
	s18 =	rddreg [dreg:$0x5];
	[sflag:s13] =	ssyncset.done $0x0  }
0x106: {  	[sflag:s13] =	ssyncadd.s32 $0xFFFFE000;
	s9 =	sadd.s32 s7, s18;
	s18 =	simm.s32 $0xBC00  }
0x107: {  	[hbm4b:s9+s4] =	stream.linear.scatter [tilespmem:s18], [sflag:$0x10], $0x2000, $0x38;
	[tilespmem:$0x15C00] =	vst v63  }
0x108: {  	_ =	swait.ge [sflag:s12], $0x2000  }
0x109: {  	[sflag:s12] =	ssyncset.done $0x0  }
0x10a: {  	s13 =	sadd.s32 $0x580, s8;
	s9 =	simm.s32 $0x7;
	[sflag:s12] =	ssyncadd.s32 $0xFFFFE000  }
0x10b: {  	[tilespmem:s14], [sflag:$0x3] =	stream.indirect.gather [hbm4b:s2+s30], $0x80, s13, s30, $0xb8;
	[tilespmem:$0x15C00] =	vst v63  }
0x10c: {  	_ =	swait.ge [sflag:s9], $0x2000  }
0x10d: {  	s14 =	rddreg [dreg:$0x4];
	[sflag:s9] =	ssyncset.done $0x0  }
0x10e: {  	[sflag:s9] =	ssyncadd.s32 $0xFFFFE000;
	s9 =	sadd.s32 s7, s14  }
0x10f: {  	[hbm4b:s9+s4] =	stream.linear.scatter [tilespmem:s19], [sflag:$0x11], $0x2000, $0x38;
	[tilespmem:$0x15C00] =	vst v63  }
0x110: {  	_ =	swait.ge [sflag:s23], $0x2000  }
0x111: {  	[sflag:s23] =	ssyncset.done $0x0  }
0x112: {  	s19 =	sadd.s32 $0x5C0, s8;
	[sflag:s23] =	ssyncadd.s32 $0xFFFFE000  }
0x113: {  	[tilespmem:s16], [sflag:$0x4] =	stream.indirect.gather [hbm4b:s2+s30], $0x80, s19, s30, $0xb8;
	[tilespmem:$0x15C00] =	vst v63  }
0x114: {  	_ =	swait.ge [sflag:s24], $0x2000  }
0x115: {  	s13 =	rddreg [dreg:$0xa]  }
0x116: {  	[sflag:s24] =	ssyncset.done $0x0;
	s9 =	sadd.s32 s7, s13  }
0x117: {  	[sflag:s24] =	ssyncadd.s32 $0xFFFFE000;
	s16 =	sadd.s32 $0x80400, s9  }
0x118: {  	[hbm4b:s16+s4] =	stream.linear.scatter [tilespmem:s20], [sflag:$0x12], $0x2000, $0x38;
	[tilespmem:$0x15C00] =	vst v63  }
0x119: {  	_ =	swait.ge [sflag:s26], $0x2000  }
0x11a: {  	[sflag:s26] =	ssyncset.done $0x0  }
0x11b: {  	s19 =	sadd.s32 $0x600, s8;
	[sflag:s26] =	ssyncadd.s32 $0xFFFFE000  }
0x11c: {  	[tilespmem:s17], [sflag:$0x5] =	stream.indirect.gather [hbm4b:s2+s30], $0x80, s19, s30, $0xb8;
	[tilespmem:$0x15C00] =	vst v63  }
0x11d: {  	_ =	swait.ge [sflag:s28], $0x2000  }
0x11e: {  	[sflag:s28] =	ssyncset.done $0x0  }
0x11f: {  	s20 =	sadd.s32 $0x90000, s9;
	[sflag:s28] =	ssyncadd.s32 $0xFFFFE000  }
0x120: {  	[hbm4b:s20+s4] =	stream.linear.scatter [tilespmem:s21], [sflag:$0x13], $0x2000, $0x38;
	[tilespmem:$0x15C00] =	vst v63  }
0x121: {  	_ =	swait.ge [sflag:s5], $0x2000  }
0x122: {  	p0 =	sne.s32 s0, $0x4600;
	s0 =	sadd.s32 $0xA00, s0;
	[sflag:s5] =	ssyncset.done $0x0  }
0x123: {  	s6 =	sadd.s32 $0x280000, s6;
	s21 =	sadd.s32 $0x640, s8;
	[sflag:s5] =	ssyncadd.s32 $0xFFFFE000  }
0x124: {  	[tilespmem:s18], [sflag:$0x6] =	stream.indirect.gather [hbm4b:s2+s30], $0x80, s21, s30, $0xb8;
	[tilespmem:$0x15C00] =	vst v63  }
0x125: {  	s15 =	simm.s32 $0x1C00;
	s10 =	simm.s32 $0x3C00;
	_ =	swait.ge [sflag:s29], $0x2000  }
0x126: {  	s12 =	simm.s32 $0x5C00;
	s14 =	simm.s32 $0x7C00;
	[sflag:s29] =	ssyncset.done $0x0  }
.Ltmp0:
0x127: {  	s9 =	sadd.s32 $0x90400, s9;
	[sflag:s29] =	ssyncadd.s32 $0xFFFFE000;
	(pc) =	sbr.rel @p0 .LBB2_2-.Ltmp0, $4  }
0x128: {  	[hbm4b:s9+s4] =	stream.linear.scatter [tilespmem:s22], [sflag:$0x14], $0x2000, $0x38;
	[tilespmem:$0x15C00] =	vst v63  }
0x129: {  	s13 =	smov.u32 s11;
	s7 =	sadd.s32 $0x50000, s7;
	_ =	swait.ge [sflag:s25], $0x2000  }
0x12a: {  	s11 =	smov.u32 s13;
	s16 =	simm.s32 $0x9C00;
	[sflag:s25] =	ssyncset.done $0x0  }
0x12b: {  	s17 =	simm.s32 $0xBC00;
	s8 =	sadd.s32 $0x680, s8;
	[sflag:s25] =	ssyncadd.s32 $0xFFFFE000  }
0x12c: {  	s6 =	simm.s32 $0xDC00;
	s0 =	simm.s32 $0x1  }
0x12d: {  	[tilespmem:s6], [sflag:$0x7] =	stream.indirect.gather [hbm4b:s2+s30], $0x80, s8, s30, $0xb8;
	[tilespmem:$0x15C00] =	vst v63  }
0x12e: {  	_ =	swait.ge [sflag:s0], $0x2000  }
0x12f: {  	[sflag:s0] =	ssyncset.done $0x0  }
0x130: {  	s21 =	rddreg [dreg:$0x16];
	[sflag:s0] =	ssyncadd.s32 $0xFFFFE000  }
0x131: {  	[hbm4b:s21+s4] =	stream.linear.scatter [tilespmem:s15], [sflag:$0xB], $0x2000, $0x38;
	[tilespmem:$0x15C00] =	vst v63  }
0x132: {  	_ =	swait.ge [sflag:s3], $0x2000  }
0x133: {  	s7 =	simm.s32 $0xFC00;
	[sflag:s3] =	ssyncset.done $0x0  }
0x134: {  	s22 =	simm.s32 $0x1840;
	s8 =	simm.s32 $0x2;
	[sflag:s3] =	ssyncadd.s32 $0xFFFFE000  }
0x135: {  	[tilespmem:s7], [sflag:$0x8] =	stream.indirect.gather [hbm4b:s2+s30], $0x80, s22, s30, $0xb8;
	[tilespmem:$0x15C00] =	vst v63  }
0x136: {  	_ =	swait.ge [sflag:s8], $0x2000  }
0x137: {  	[sflag:s8] =	ssyncset.done $0x0  }
0x138: {  	s9 =	rddreg [dreg:$0x17];
	[sflag:s8] =	ssyncadd.s32 $0xFFFFE000  }
0x139: {  	[hbm4b:s9+s4] =	stream.linear.scatter [tilespmem:s10], [sflag:$0xC], $0x2000, $0x38;
	[tilespmem:$0x15C00] =	vst v63  }
0x13a: {  	_ =	swait.ge [sflag:s31], $0x2000  }
0x13b: {  	s13 =	simm.s32 $0x3;
	[sflag:s31] =	ssyncset.done $0x0  }
0x13c: {  	s8 =	simm.s32 $0x11C00;
	s10 =	simm.s32 $0x1880;
	[sflag:s31] =	ssyncadd.s32 $0xFFFFE000  }
0x13d: {  	[tilespmem:s8], [sflag:$0x9] =	stream.indirect.gather [hbm4b:s2+s30], $0x80, s10, s30, $0xb8;
	[tilespmem:$0x15C00] =	vst v63  }
0x13e: {  	_ =	swait.ge [sflag:s13], $0x2000  }
0x13f: {  	[sflag:s13] =	ssyncset.done $0x0  }
0x140: {  	s15 =	rddreg [dreg:$0x18];
	[sflag:s13] =	ssyncadd.s32 $0xFFFFE000  }
0x141: {  	[hbm4b:s15+s4] =	stream.linear.scatter [tilespmem:s12], [sflag:$0xD], $0x2000, $0x38;
	[tilespmem:$0x15C00] =	vst v63  }
0x142: {  	_ =	swait.ge [sflag:s1], $0x2000  }
0x143: {  	s18 =	simm.s32 $0x18C0;
	[sflag:s1] =	ssyncset.done $0x0  }
0x144: {  	s19 =	simm.s32 $0x4;
	s9 =	simm.s32 $0x13C00;
	[sflag:s1] =	ssyncadd.s32 $0xFFFFE000  }
0x145: {  	[tilespmem:s9], [sflag:$0xA] =	stream.indirect.gather [hbm4b:s2+s30], $0x80, s18, s30, $0xb8;
	[tilespmem:$0x15C00] =	vst v63  }
0x146: {  	_ =	swait.ge [sflag:s19], $0x2000  }
0x147: {  	[sflag:s19] =	ssyncset.done $0x0  }
0x148: {  	s21 =	simm.s32 $0x5;
	s20 =	rddreg [dreg:$0x19];
	[sflag:s19] =	ssyncadd.s32 $0xFFFFE000  }
0x149: {  	[hbm4b:s20+s4] =	stream.linear.scatter [tilespmem:s14], [sflag:$0xE], $0x2000, $0x38;
	[tilespmem:$0x15C00] =	vst v63  }
0x14a: {  	_ =	swait.ge [sflag:s21], $0x2000  }
0x14b: {  	[sflag:s21] =	ssyncset.done $0x0  }
0x14c: {  	s10 =	simm.s32 $0x6;
	s22 =	rddreg [dreg:$0x1a];
	[sflag:s21] =	ssyncadd.s32 $0xFFFFE000  }
0x14d: {  	[hbm4b:s22+s4] =	stream.linear.scatter [tilespmem:s16], [sflag:$0xF], $0x2000, $0x38;
	[tilespmem:$0x15C00] =	vst v63  }
0x14e: {  	_ =	swait.ge [sflag:s10], $0x2000  }
0x14f: {  	[sflag:s10] =	ssyncset.done $0x0  }
0x150: {  	s13 =	simm.s32 $0x7;
	s12 =	rddreg [dreg:$0x1b];
	[sflag:s10] =	ssyncadd.s32 $0xFFFFE000  }
0x151: {  	[hbm4b:s12+s4] =	stream.linear.scatter [tilespmem:s17], [sflag:$0x10], $0x2000, $0x38;
	[tilespmem:$0x15C00] =	vst v63  }
0x152: {  	_ =	swait.ge [sflag:s13], $0x2000  }
0x153: {  	[sflag:s13] =	ssyncset.done $0x0  }
0x154: {  	s14 =	rddreg [dreg:$0x1c];
	[sflag:s13] =	ssyncadd.s32 $0xFFFFE000  }
0x155: {  	[hbm4b:s14+s4] =	stream.linear.scatter [tilespmem:s6], [sflag:$0x11], $0x2000, $0x38;
	[tilespmem:$0x15C00] =	vst v63  }
0x156: {  	_ =	swait.ge [sflag:s24], $0x2000  }
0x157: {  	[sflag:s24] =	ssyncset.done $0x0  }
0x158: {  	s15 =	rddreg [dreg:$0x1d];
	[sflag:s24] =	ssyncadd.s32 $0xFFFFE000  }
0x159: {  	[hbm4b:s15+s4] =	stream.linear.scatter [tilespmem:s7], [sflag:$0x12], $0x2000, $0x38;
	[tilespmem:$0x15C00] =	vst v63  }
0x15a: {  	_ =	swait.ge [sflag:s28], $0x2000  }
0x15b: {  	s16 =	sld [smem:$0x7FC]  }
0x15c: {  	[sflag:s28] =	ssyncset.done $0x0  }
0x15d: {  	[sflag:s28] =	ssyncadd.s32 $0xFFFFE000  }
0x15e: {  	[hbm4b:s16+s4] =	stream.linear.scatter [tilespmem:s8], [sflag:$0x13], $0x2000, $0x38;
	[tilespmem:$0x15C00] =	vst v63  }
0x15f: {  	_ =	swait.ge [sflag:s29], $0x2000  }
0x160: {  	s17 =	sld [smem:$0x7FD]  }
0x161: {  	[sflag:s29] =	ssyncset.done $0x0  }
0x162: {  	s18 =	simm.s32 $0xB;
	[sflag:s29] =	ssyncadd.s32 $0xFFFFE000  }
0x163: {  	[hbm4b:s17+s4] =	stream.linear.scatter [tilespmem:s9], [sflag:$0x14], $0x2000, $0x38;
	[tilespmem:$0x15C00] =	vst v63  }
0x164: {  	_ =	swait.ge [sflag:s18], $0x2000  }
0x165: {  	[sflag:s18] =	ssyncset.done $0x0  }
0x166: {  	s19 =	simm.s32 $0xC;
	[sflag:s18] =	ssyncadd.s32 $0xFFFFE000  }
0x167: {  	_ =	swait.ge [sflag:s19], $0x2000  }
0x168: {  	[sflag:s19] =	ssyncset.done $0x0  }
0x169: {  	s20 =	simm.s32 $0xD;
	[sflag:s19] =	ssyncadd.s32 $0xFFFFE000  }
0x16a: {  	_ =	swait.ge [sflag:s20], $0x2000  }
0x16b: {  	[sflag:s20] =	ssyncset.done $0x0  }
0x16c: {  	[sflag:s20] =	ssyncadd.s32 $0xFFFFE000  }
0x16d: {  	_ =	swait.ge [sflag:s23], $0x2000  }
0x16e: {  	[sflag:s23] =	ssyncset.done $0x0  }
0x16f: {  	[sflag:s23] =	ssyncadd.s32 $0xFFFFE000  }
0x170: {  	_ =	swait.ge [sflag:s26], $0x2000  }
0x171: {  	[sflag:s26] =	ssyncset.done $0x0  }
0x172: {  	[sflag:s26] =	ssyncadd.s32 $0xFFFFE000  }
0x173: {  	_ =	swait.ge [sflag:s5], $0x2000  }
0x174: {  	[sflag:s5] =	ssyncset.done $0x0  }
0x175: {  	[sflag:s5] =	ssyncadd.s32 $0xFFFFE000  }
0x176: {  	_ =	swait.ge [sflag:s25], $0x2000  }
0x177: {  	[sflag:s25] =	ssyncset.done $0x0  }
0x178: {  	[sflag:s25] =	ssyncadd.s32 $0xFFFFE000  }
0x179: {  	_ =	swait.ge [sflag:s3], $0x2000  }
0x17a: {  	[sflag:s3] =	ssyncset.done $0x0  }
0x17b: {  	[sflag:s3] =	ssyncadd.s32 $0xFFFFE000  }
0x17c: {  	_ =	swait.ge [sflag:s31], $0x2000  }
0x17d: {  	[sflag:s31] =	ssyncset.done $0x0  }
0x17e: {  	[sflag:s31] =	ssyncadd.s32 $0xFFFFE000  }
0x17f: {  	_ =	swait.ge [sflag:s1], $0x2000  }
0x180: {  	s21 =	sld [smem:$0x7FB];
	_ =	sdelay $0x2  }
0x181: {  	s22 =	rddreg [dreg:$0x1e];
	s6 =	sadd.s32 $0x1, s21  }
0x182: {  	p0 =	sne.s32 s6, s22  }
.Ltmp1:
0x183: {  	_ = 	snop;
	(pc) =	sbr.rel @p0 .LBB2_1-.Ltmp1, $3  }
0x184: {  	_ =	sdelay $0x1  }
0x185: {  	[sflag:s1] =	ssyncset.done $0x0  }
0x186: {  	[sflag:s1] =	ssyncadd.s32 $0xFFFFE000  }
0x187: {  	_ =	sfence.sel $0x180000  }
0x188: {  	[bflag:$0x0] =	sbarrier.arrive $0xFFFF  }
0x189: {  	_ =	strace $0x90000047  }
0x18a: {  	s0 =	stileid.u32;
	[bflag:$0x2] =	sbarrier.arrive $0xFFFF  }
0x18b: {  	p0 =	sne.s32 s0, $0x0;
	s0 =	rddreg [dreg:$0x3]  }
0x18c: {  	s0 =	sadd.s32 @!p0 $0x100000, s0  }
0x18d: {  	[sflag:s0] =	ssyncadd.tile.s32 @!p0 $0x1;
	_ =	shalt  }
.Lfunc_end2:
_tile_overlayer_lowered:
.L_overlay_start_2:
0x18e: {  	(tag) =	ssettag $0x2  }
0x18f: {  	s0 =	rddreg [dreg:$0x0];
	s2 =	stileid.u32  }
0x190: {  	s1 =	rddreg [dreg:$0x1];
	p0 =	sne.s32 s2, $0x0  }
0x191: {  	s3 =	rddreg [dreg:$0x2];
	[bflag:$0x3] =	sbarrier.arrive $0xFFFF;
	s2 =	simm.s32 @!p0 $0x1C15  }
0x192: {  	[timem:s3], [sflag:s2] =	dma.local @!p0 [hbm:s0], s1  }
0x193: {  	s0 =	simm.s32 @!p0 $0x15  }
0x194: {  	_ =	swait.ge @!p0 [sflag:s0], s1  }
0x195: {  	s1 =	ssub.s32 @!p0 $0x0, s1;
	[sflag:s0] =	ssyncset.done @!p0 $0x0  }
0x196: {  	[sflag:s0] =	ssyncadd.s32 @!p0 s1  }
0x197: {  	[bflag:$0x3] =	sbarrier.arrive $0xFFFF  }
0x198: {  	_ =	shalt  }

</sc_bundles>
